<compile_context>
chip_gen: v7x
topology: tpu7x:2x2x1
jax: 0.10.2.dev20260603
libtpu: 0.0.44.dev20260713+nightly
codegen_flags: <defaults>
</compile_context>

<pallas_src>
import functools

import jax
import jax.numpy as jnp
from jax import lax
from jax.experimental import pallas as pl
from jax.experimental.pallas import tpu as pltpu
from jax.experimental.pallas import tpu_sc as plsc

VOCAB = 1000000
DIM = 64
BATCH = 4096
HIST = 200

NC = 2
NS = 16
NW = NC * NS
L = 16

V2 = VOCAB // 2
PANEL = 256
PROWS = PANEL // 2
NPANEL = 3906
NPW = 123
V0_LAST = PANEL * (NPANEL - 1)
VTAIL = NPANEL * PANEL
TAILROWS = (VOCAB - VTAIL) // 2

BC = BATCH // NW

_mesh = plsc.VectorSubcoreMesh(core_axis_name="c", subcore_axis_name="s")
_params = pltpu.CompilerParams(
    use_tc_tiling_on_sc=True, needs_layout_passes=False
)


@functools.partial(
    pl.kernel,
    out_type=jax.ShapeDtypeStruct((V2, 2 * DIM), jnp.float32),
    mesh=_mesh,
    scratch_types=[
        pltpu.VMEM((DIM, PANEL), jnp.float32),
        pltpu.VMEM((DIM, PANEL), jnp.float32),
        pltpu.VMEM((PROWS, 2 * DIM), jnp.float32),
        pltpu.VMEM((PROWS, 2 * DIM), jnp.float32),
        pltpu.VMEM((TAILROWS, 2 * DIM), jnp.float32),
        pltpu.SemaphoreType.DMA,
        pltpu.SemaphoreType.DMA,
        pltpu.SemaphoreType.DMA,
        pltpu.SemaphoreType.DMA,
    ],
    compiler_params=_params,
)
def _sc_repack(tT_hbm, tail_hbm, t2_hbm, pin0, pin1, pout0, pout1, tailbuf,
               gsem0, gsem1, wsem0, wsem1):
    wid = lax.axis_index("s") * NC + lax.axis_index("c")

    @pl.when(wid == 0)
    def _():
        pltpu.sync_copy(tail_hbm, tailbuf)
        pltpu.sync_copy(tailbuf, t2_hbm.at[pl.ds(V2 - TAILROWS, TAILROWS)])

    pins = (pin0, pin1)
    pouts = (pout0, pout1)
    gsems = (gsem0, gsem1)
    wsems = (wsem0, wsem1)

    def v_of(j):
        return pl.multiple_of(lax.min(PANEL * (wid * NPW + j), V0_LAST), 128)

    def in_copy(j, slot):
        return pltpu.make_async_copy(
            tT_hbm.at[:, pl.ds(v_of(j), PANEL)], pins[slot], gsems[slot]
        )

    def out_copy(j, slot):
        r0 = lax.div(v_of(j), 2)
        return pltpu.make_async_copy(
            pouts[slot], t2_hbm.at[pl.ds(r0, PROWS)], wsems[slot]
        )

    def transpose(slot):
        pin = pins[slot]
        pout = pouts[slot]
        iv = jax.lax.iota(jnp.int32, L)

        for m in range(PROWS // L):
            kvec = iv + (L * m)
            kvec2 = kvec + kvec

            @plsc.parallel_loop(0, 8 * L, unroll=8)
            def _(j):
                q = lax.shift_right_logical(j, 5)
                p = lax.bitwise_and(lax.shift_right_logical(j, 4), 1)
                t = lax.bitwise_and(j, L - 1)
                dvec = lax.bitwise_and(iv + t, L - 1) + lax.shift_left(q, 4)
                val = plsc.load_gather(pin, [dvec, kvec2 + p])
                plsc.store_scatter(
                    pout, [kvec, dvec + lax.shift_left(p, 6)], val
                )

    in_copy(0, 0).start()

    def step(j, slot):
        @pl.when(j >= 2)
        def _():
            out_copy(j - 2, slot).wait()

        @pl.when(j + 1 < NPW)
        def _():
            in_copy(j + 1, 1 - slot).start()

        in_copy(j, slot).wait()
        transpose(slot)
        out_copy(j, slot).start()

    def body(j, _):
        @pl.when(lax.rem(j, 2) == 0)
        def _():
            step(j, 0)

        @pl.when(lax.rem(j, 2) == 1)
        def _():
            step(j, 1)

        return 0

    lax.fori_loop(0, NPW, body, 0, unroll=False)
    out_copy(NPW - 2, (NPW - 2) % 2).wait()
    out_copy(NPW - 1, (NPW - 1) % 2).wait()


@functools.partial(
    pl.kernel,
    out_type=jax.ShapeDtypeStruct((HIST, DIM, BATCH), jnp.float32),
    mesh=_mesh,
    scratch_types=[
        pltpu.VMEM((HIST, BC), jnp.int32),
        pltpu.VMEM((HIST, BC), jnp.int32),
        pltpu.VMEM((BC, 2 * DIM), jnp.float32),
        pltpu.VMEM((BC, 2 * DIM), jnp.float32),
        pltpu.VMEM((DIM, BC), jnp.float32),
        pltpu.VMEM((DIM, BC), jnp.float32),
        pltpu.SemaphoreType.DMA,
        pltpu.SemaphoreType.DMA,
        pltpu.SemaphoreType.DMA,
        pltpu.SemaphoreType.DMA,
    ],
    compiler_params=_params,
)
def _sc_gather(xT_hbm, t2_hbm, out_hbm, idx_v, par_v, rows0, rows1,
               tr0, tr1, gsem0, gsem1, wsem0, wsem1):
    wid = lax.axis_index("s") * NC + lax.axis_index("c")
    b0 = pl.multiple_of(wid * BC, 128)
    rows = (rows0, rows1)
    trs = (tr0, tr1)
    gsems = (gsem0, gsem1)
    wsems = (wsem0, wsem1)

    pltpu.sync_copy(xT_hbm.at[:, pl.ds(b0, BC)], idx_v)

    def prep(h, _):
        for g in range(BC // L):
            v = idx_v[h, pl.ds(16 * g, L)]
            idx_v[h, pl.ds(16 * g, L)] = lax.shift_right_logical(v, 1)
            par_v[h, pl.ds(16 * g, L)] = lax.shift_left(
                lax.bitwise_and(v, 1), 6
            )
        return 0

    lax.fori_loop(0, HIST, prep, 0, unroll=False)

    def g_copy(h, slot):
        return pltpu.make_async_copy(
            t2_hbm.at[idx_v.at[h]], rows[slot], gsems[slot]
        )

    def w_copy(h, slot):
        return pltpu.make_async_copy(
            trs[slot], out_hbm.at[h, :, pl.ds(b0, BC)], wsems[slot]
        )

    def select_t(h, slot):
        src = rows[slot]
        dst = trs[slot]
        iv = jax.lax.iota(jnp.int32, L)

        for g in range(BC // L):
            bvec = iv + (L * g)
            cbase = par_v[h, pl.ds(L * g, L)]

            @plsc.parallel_loop(0, DIM, unroll=8)
            def _(j):
                q = lax.shift_right_logical(j, 4)
                t = lax.bitwise_and(j, L - 1)
                dvec = lax.bitwise_and(iv + t, L - 1) + lax.shift_left(q, 4)
                val = plsc.load_gather(src, [bvec, cbase + dvec])
                plsc.store_scatter(dst, [dvec, bvec], val)

    g_copy(0, 0).start()

    def step(h, slot):
        @pl.when(h >= 2)
        def _():
            w_copy(h - 2, slot).wait()

        @pl.when(h + 1 < HIST)
        def _():
            g_copy(h + 1, 1 - slot).start()

        g_copy(h, slot).wait()
        select_t(h, slot)
        w_copy(h, slot).start()

    def body(h, _):
        @pl.when(lax.rem(h, 2) == 0)
        def _():
            step(h, 0)

        @pl.when(lax.rem(h, 2) == 1)
        def _():
            step(h, 1)

        return 0

    lax.fori_loop(0, HIST, body, 0, unroll=False)
    w_copy(HIST - 2, (HIST - 2) % 2).wait()
    w_copy(HIST - 1, (HIST - 1) % 2).wait()


def kernel(x, table):
    xT = x.astype(jnp.int32).T
    tT = table.T
    tail = table[VTAIL:].reshape(TAILROWS, 2 * DIM)
    t2 = _sc_repack(tT, tail)
    out_p = _sc_gather(xT, t2)
    return jnp.transpose(out_p, (2, 0, 1))

# --- scband reference (transcript-rebuilt; emitter-appended) ---
"""Pipeline reference for scband-anamee-embedding-1279900254929 (READ-ONLY COPY).

The authoritative reference and input builder live on the scoring server;
editing this copy changes nothing except your own understanding.
"""

import jax, jax.numpy as jnp
import numpy as np

VOCAB = 1000000
DIM = 64
BATCH = 4096
HIST = 200

def setup_inputs(seed: int = 0) -> dict:
    key = jax.random.key(seed)
    k_idx, k_tab = jax.random.split(key)
    x = jax.random.randint(k_idx, (BATCH, HIST), 0, VOCAB, dtype=jnp.int64 if jax.config.jax_enable_x64 else jnp.int32)
    table = jax.random.normal(k_tab, (VOCAB, DIM), dtype=jnp.float32)
    return {"x": x, "table": table}

def reference(x, table):
    # token_embedding(x): gather rows of the table
    out = jnp.take(table, x, axis=0)
    # dropout(p=0.05) is identity at inference time
    return out

if __name__ == "__main__":
    import jax
    _d = setup_inputs()
    print(jax.jit(kernel)(*tuple(_d.values())))

</pallas_src>

<mosaic_0001>
#map = affine_map<(d0, d1) -> (0, 0)>
module attributes {stable_mosaic.version = 14 : i64} {
  func.func @_sc_repack(%arg0: i32, %arg1: i32, %arg2: memref<64x1000000xf32, #tpu.memory_space<hbm>>, %arg3: memref<32x128xf32, #tpu.memory_space<hbm>>, %arg4: memref<500000x128xf32, #tpu.memory_space<hbm>>, %arg5: memref<64x256xf32, #tpu.memory_space<vmem>>, %arg6: memref<64x256xf32, #tpu.memory_space<vmem>>, %arg7: memref<128x128xf32, #tpu.memory_space<vmem>>, %arg8: memref<128x128xf32, #tpu.memory_space<vmem>>, %arg9: memref<32x128xf32, #tpu.memory_space<vmem>>, %arg10: memref<!tpu.dma_semaphore, #tpu.memory_space<semaphore_mem>>, %arg11: memref<!tpu.dma_semaphore, #tpu.memory_space<semaphore_mem>>, %arg12: memref<!tpu.dma_semaphore, #tpu.memory_space<semaphore_mem>>, %arg13: memref<!tpu.dma_semaphore, #tpu.memory_space<semaphore_mem>>) attributes {dimension_semantics = [#tpu.dimension_semantics<core_parallel>, #tpu.dimension_semantics<subcore_parallel>], iteration_bounds = array<i64: 2, 16>, scalar_prefetch = 0 : i64, scratch_operands = 9 : i64, tpu.core_type = #tpu.core_type<sc_vector_subcore>, window_params = [{transform_indices = #map}, {transform_indices = #map}, {transform_indices = #map}]} {
    %mul3A = arith.constant 2 : i32
    %mul3A_0 = arith.muli %arg1, %mul3A : i32
    %add3A = arith.addi %mul3A_0, %arg0 : i32
    %eq3A = arith.constant 0 : i32
    %eq3A_1 = arith.cmpi eq, %add3A, %eq3A : i32
    %convert_element_type3A = arith.extui %eq3A_1 : i1 to i32
    %cond3A = arith.constant 0 : i32
    %cond3A_2 = arith.cmpi ne, %convert_element_type3A, %cond3A : i32
    scf.if %cond3A_2 {
      "tpu.region"() ({
        %run_scoped3A = tpu.sem_alloc : memref<!tpu.dma_semaphore, #tpu.memory_space<semaphore_mem>>
        tpu.enqueue_dma source(%arg3 : memref<32x128xf32, #tpu.memory_space<hbm>>) target(%arg9 : memref<32x128xf32, #tpu.memory_space<vmem>>) target_semaphore(%run_scoped3A : memref<!tpu.dma_semaphore, #tpu.memory_space<semaphore_mem>>)
        tpu.wait_dma2 semaphore(%run_scoped3A : memref<!tpu.dma_semaphore, #tpu.memory_space<semaphore_mem>>) src(%arg3 : memref<32x128xf32, #tpu.memory_space<hbm>>) dst(%arg9 : memref<32x128xf32, #tpu.memory_space<vmem>>)
        tpu.yield
      }) : () -> ()
      "tpu.region"() ({
        %run_scoped3A = tpu.sem_alloc : memref<!tpu.dma_semaphore, #tpu.memory_space<semaphore_mem>>
        %dma_start3A_47 = arith.constant 499968 : i32
        %dma_start3A_48 = arith.constant 0 : i32
        %dma_start3A_49 = tpu.memref_slice %arg4[%dma_start3A_47, %dma_start3A_48] : memref<500000x128xf32, #tpu.memory_space<hbm>> -> memref<32x128xf32, #tpu.memory_space<hbm>>
        %dma_start3A_50 = arith.constant 499968 : i32
        %dma_start3A_51 = arith.constant 0 : i32
        %dma_start3A_52 = tpu.memref_slice %arg4[%dma_start3A_50, %dma_start3A_51] : memref<500000x128xf32, #tpu.memory_space<hbm>> -> memref<32x128xf32, #tpu.memory_space<hbm>>
        tpu.enqueue_dma source(%arg9 : memref<32x128xf32, #tpu.memory_space<vmem>>) target(%dma_start3A_52 : memref<32x128xf32, #tpu.memory_space<hbm>>) target_semaphore(%run_scoped3A : memref<!tpu.dma_semaphore, #tpu.memory_space<semaphore_mem>>)
        %dma_wait3A_53 = arith.constant 499968 : i32
        %dma_wait3A_54 = arith.constant 0 : i32
        %dma_wait3A_55 = tpu.memref_slice %arg4[%dma_wait3A_53, %dma_wait3A_54] : memref<500000x128xf32, #tpu.memory_space<hbm>> -> memref<32x128xf32, #tpu.memory_space<hbm>>
        %dma_wait3A_56 = arith.constant 499968 : i32
        %dma_wait3A_57 = arith.constant 0 : i32
        %dma_wait3A_58 = tpu.memref_slice %arg4[%dma_wait3A_56, %dma_wait3A_57] : memref<500000x128xf32, #tpu.memory_space<hbm>> -> memref<32x128xf32, #tpu.memory_space<hbm>>
        tpu.wait_dma2 semaphore(%run_scoped3A : memref<!tpu.dma_semaphore, #tpu.memory_space<semaphore_mem>>) src(%arg9 : memref<32x128xf32, #tpu.memory_space<vmem>>) dst(%dma_wait3A_58 : memref<32x128xf32, #tpu.memory_space<hbm>>)
        tpu.yield
      }) : () -> ()
    } else {
    }
    %mul3A_3 = arith.constant 123 : i32
    %mul3A_4 = arith.muli %add3A, %mul3A_3 : i32
    %add3A_5 = arith.constant 0 : i32
    %add3A_6 = arith.addi %mul3A_4, %add3A_5 : i32
    %mul3A_7 = arith.constant 256 : i32
    %mul3A_8 = arith.muli %mul3A_7, %add3A_6 : i32
    %min3A = arith.constant 999680 : i32
    %min3A_9 = arith.minsi %mul3A_8, %min3A : i32
    %multiple_of3A = tpu.assume_multiple %min3A_9, 128 : i32
    %dma_start3A = arith.constant 0 : i32
    %dma_start3A_10 = tpu.memref_slice %arg2[%dma_start3A, %multiple_of3A] : memref<64x1000000xf32, #tpu.memory_space<hbm>> -> memref<64x256xf32, #tpu.memory_space<hbm>>
    %dma_start3A_11 = arith.constant 0 : i32
    %dma_start3A_12 = tpu.memref_slice %arg2[%dma_start3A_11, %multiple_of3A] : memref<64x1000000xf32, #tpu.memory_space<hbm>> -> memref<64x256xf32, #tpu.memory_space<hbm>>
    tpu.enqueue_dma source(%dma_start3A_12 : memref<64x256xf32, #tpu.memory_space<hbm>>) target(%arg5 : memref<64x256xf32, #tpu.memory_space<vmem>>) target_semaphore(%arg10 : memref<!tpu.dma_semaphore, #tpu.memory_space<semaphore_mem>>)
    %scan3A = arith.constant 0 : i32
    %scan3A_13 = arith.constant 0 : i32
    %scan3A_14 = arith.constant 123 : i32
    %scan3A_15 = arith.addi %scan3A_13, %scan3A_14 : i32
    %scan3A_16 = arith.constant 1 : i32
    %scan3A_17 = scf.for %scan3A_47 = %scan3A_13 to %scan3A_15 step %scan3A_16 iter_args(%scan3A_48 = %scan3A) -> (i32)  : i32 {
      %rem3A = arith.constant 2 : i32
      %rem3A_49 = arith.remsi %scan3A_47, %rem3A : i32
      %eq3A_50 = arith.constant 0 : i32
      %eq3A_51 = arith.cmpi eq, %rem3A_49, %eq3A_50 : i32
      %convert_element_type3A_52 = arith.extui %eq3A_51 : i1 to i32
      %cond3A_53 = arith.constant 0 : i32
      %cond3A_54 = arith.cmpi ne, %convert_element_type3A_52, %cond3A_53 : i32
      scf.if %cond3A_54 {
        %ge3A = arith.constant 2 : i32
        %ge3A_63 = arith.cmpi sge, %scan3A_47, %ge3A : i32
        %convert_element_type3A_64 = arith.extui %ge3A_63 : i1 to i32
        %cond3A_65 = arith.constant 0 : i32
        %cond3A_66 = arith.cmpi ne, %convert_element_type3A_64, %cond3A_65 : i32
        scf.if %cond3A_66 {
          %sub3A = arith.constant 2 : i32
          %sub3A_154 = arith.subi %scan3A_47, %sub3A : i32
          %mul3A_155 = arith.constant 123 : i32
          %mul3A_156 = arith.muli %add3A, %mul3A_155 : i32
          %add3A_157 = arith.addi %mul3A_156, %sub3A_154 : i32
          %mul3A_158 = arith.constant 256 : i32
          %mul3A_159 = arith.muli %mul3A_158, %add3A_157 : i32
          %min3A_160 = arith.constant 999680 : i32
          %min3A_161 = arith.minsi %mul3A_159, %min3A_160 : i32
          %multiple_of3A_162 = tpu.assume_multiple %min3A_161, 128 : i32
          %div3A_163 = arith.constant 2 : i32
          %div3A_164 = arith.divsi %multiple_of3A_162, %div3A_163 : i32
          %dma_wait3A_165 = arith.constant 0 : i32
          %dma_wait3A_166 = tpu.memref_slice %arg4[%div3A_164, %dma_wait3A_165] : memref<500000x128xf32, #tpu.memory_space<hbm>> -> memref<128x128xf32, #tpu.memory_space<hbm>>
          %dma_wait3A_167 = arith.constant 0 : i32
          %dma_wait3A_168 = tpu.memref_slice %arg4[%div3A_164, %dma_wait3A_167] : memref<500000x128xf32, #tpu.memory_space<hbm>> -> memref<128x128xf32, #tpu.memory_space<hbm>>
          tpu.wait_dma2 semaphore(%arg12 : memref<!tpu.dma_semaphore, #tpu.memory_space<semaphore_mem>>) src(%arg7 : memref<128x128xf32, #tpu.memory_space<vmem>>) dst(%dma_wait3A_168 : memref<128x128xf32, #tpu.memory_space<hbm>>)
        } else {
        }
        %add3A_67 = arith.constant 1 : i32
        %add3A_68 = arith.addi %scan3A_47, %add3A_67 : i32
        %lt3A = arith.constant 123 : i32
        %lt3A_69 = arith.cmpi slt, %add3A_68, %lt3A : i32
        %convert_element_type3A_70 = arith.extui %lt3A_69 : i1 to i32
        %cond3A_71 = arith.constant 0 : i32
        %cond3A_72 = arith.cmpi ne, %convert_element_type3A_70, %cond3A_71 : i32
        scf.if %cond3A_72 {
          %add3A_154 = arith.constant 1 : i32
          %add3A_155 = arith.addi %scan3A_47, %add3A_154 : i32
          %mul3A_156 = arith.constant 123 : i32
          %mul3A_157 = arith.muli %add3A, %mul3A_156 : i32
          %add3A_158 = arith.addi %mul3A_157, %add3A_155 : i32
          %mul3A_159 = arith.constant 256 : i32
          %mul3A_160 = arith.muli %mul3A_159, %add3A_158 : i32
          %min3A_161 = arith.constant 999680 : i32
          %min3A_162 = arith.minsi %mul3A_160, %min3A_161 : i32
          %multiple_of3A_163 = tpu.assume_multiple %min3A_162, 128 : i32
          %dma_start3A_164 = arith.constant 0 : i32
          %dma_start3A_165 = tpu.memref_slice %arg2[%dma_start3A_164, %multiple_of3A_163] : memref<64x1000000xf32, #tpu.memory_space<hbm>> -> memref<64x256xf32, #tpu.memory_space<hbm>>
          %dma_start3A_166 = arith.constant 0 : i32
          %dma_start3A_167 = tpu.memref_slice %arg2[%dma_start3A_166, %multiple_of3A_163] : memref<64x1000000xf32, #tpu.memory_space<hbm>> -> memref<64x256xf32, #tpu.memory_space<hbm>>
          tpu.enqueue_dma source(%dma_start3A_167 : memref<64x256xf32, #tpu.memory_space<hbm>>) target(%arg6 : memref<64x256xf32, #tpu.memory_space<vmem>>) target_semaphore(%arg11 : memref<!tpu.dma_semaphore, #tpu.memory_space<semaphore_mem>>)
        } else {
        }
        %mul3A_73 = arith.constant 123 : i32
        %mul3A_74 = arith.muli %add3A, %mul3A_73 : i32
        %add3A_75 = arith.addi %mul3A_74, %scan3A_47 : i32
        %mul3A_76 = arith.constant 256 : i32
        %mul3A_77 = arith.muli %mul3A_76, %add3A_75 : i32
        %min3A_78 = arith.constant 999680 : i32
        %min3A_79 = arith.minsi %mul3A_77, %min3A_78 : i32
        %multiple_of3A_80 = tpu.assume_multiple %min3A_79, 128 : i32
        %dma_wait3A_81 = arith.constant 0 : i32
        %dma_wait3A_82 = tpu.memref_slice %arg2[%dma_wait3A_81, %multiple_of3A_80] : memref<64x1000000xf32, #tpu.memory_space<hbm>> -> memref<64x256xf32, #tpu.memory_space<hbm>>
        %dma_wait3A_83 = arith.constant 0 : i32
        %dma_wait3A_84 = tpu.memref_slice %arg2[%dma_wait3A_83, %multiple_of3A_80] : memref<64x1000000xf32, #tpu.memory_space<hbm>> -> memref<64x256xf32, #tpu.memory_space<hbm>>
        tpu.wait_dma2 semaphore(%arg10 : memref<!tpu.dma_semaphore, #tpu.memory_space<semaphore_mem>>) src(%dma_wait3A_84 : memref<64x256xf32, #tpu.memory_space<hbm>>) dst(%arg5 : memref<64x256xf32, #tpu.memory_space<vmem>>)
        %iota3A = tpu.iota {dimensions = array<i32: 0>} : vector<16xi32>
        %add3A_85 = arith.constant 0 : i32
        %add3A_86 = vector.broadcast %add3A_85 : i32 to vector<16xi32>
        %add3A_87 = arith.addi %iota3A, %add3A_86 : vector<16xi32>
        %add3A_88 = arith.addi %add3A_87, %add3A_87 : vector<16xi32>
        %parallel_loop3A = arith.constant 0 : i32
        %parallel_loop3A_89 = arith.constant 128 : i32
        %parallel_loop3A_90 = arith.constant 1 : i32
        scf.for %parallel_loop3A_154 = %parallel_loop3A to %parallel_loop3A_89 step %parallel_loop3A_90  : i32 {
          %parallel_loop3A_155 = arith.constant 5 : i32
          %parallel_loop3A_156 = arith.shrui %parallel_loop3A_154, %parallel_loop3A_155 : i32
          %parallel_loop3A_157 = arith.constant 4 : i32
          %parallel_loop3A_158 = arith.shrui %parallel_loop3A_154, %parallel_loop3A_157 : i32
          %parallel_loop3A_159 = arith.constant 1 : i32
          %parallel_loop3A_160 = arith.andi %parallel_loop3A_158, %parallel_loop3A_159 : i32
          %parallel_loop3A_161 = arith.constant 15 : i32
          %parallel_loop3A_162 = arith.andi %parallel_loop3A_154, %parallel_loop3A_161 : i32
          %parallel_loop3A_163 = vector.broadcast %parallel_loop3A_162 : i32 to vector<16xi32>
          %parallel_loop3A_164 = arith.addi %iota3A, %parallel_loop3A_163 : vector<16xi32>
          %parallel_loop3A_165 = arith.constant 15 : i32
          %parallel_loop3A_166 = vector.broadcast %parallel_loop3A_165 : i32 to vector<16xi32>
          %parallel_loop3A_167 = arith.andi %parallel_loop3A_164, %parallel_loop3A_166 : vector<16xi32>
          %parallel_loop3A_168 = arith.constant 4 : i32
          %parallel_loop3A_169 = arith.shli %parallel_loop3A_156, %parallel_loop3A_168 : i32
          %parallel_loop3A_170 = vector.broadcast %parallel_loop3A_169 : i32 to vector<16xi32>
          %parallel_loop3A_171 = arith.addi %parallel_loop3A_167, %parallel_loop3A_170 : vector<16xi32>
          %parallel_loop3A_172 = vector.broadcast %parallel_loop3A_160 : i32 to vector<16xi32>
          %parallel_loop3A_173 = arith.addi %add3A_88, %parallel_loop3A_172 : vector<16xi32>
          %parallel_loop3A_174 = tpu.vector_load_idx %arg5[%parallel_loop3A_171, %parallel_loop3A_173] : memref<64x256xf32, #tpu.memory_space<vmem>>[vector<16xi32>, vector<16xi32>], vector<16xf32>,
          %parallel_loop3A_175 = arith.constant 6 : i32
          %parallel_loop3A_176 = arith.shli %parallel_loop3A_160, %parallel_loop3A_175 : i32
          %parallel_loop3A_177 = vector.broadcast %parallel_loop3A_176 : i32 to vector<16xi32>
          %parallel_loop3A_178 = arith.addi %parallel_loop3A_171, %parallel_loop3A_177 : vector<16xi32>
          tpu.vector_store_idx %arg7[%add3A_87, %parallel_loop3A_178], %parallel_loop3A_174 : memref<128x128xf32, #tpu.memory_space<vmem>>[vector<16xi32>, vector<16xi32>], vector<16xf32>,
        } {sc.loop_unroll_factor = 8 : i64, sc.parallel_access}
        %add3A_91 = arith.constant 16 : i32
        %add3A_92 = vector.broadcast %add3A_91 : i32 to vector<16xi32>
        %add3A_93 = arith.addi %iota3A, %add3A_92 : vector<16xi32>
        %add3A_94 = arith.addi %add3A_93, %add3A_93 : vector<16xi32>
        %parallel_loop3A_95 = arith.constant 0 : i32
        %parallel_loop3A_96 = arith.constant 128 : i32
        %parallel_loop3A_97 = arith.constant 1 : i32
        scf.for %parallel_loop3A_154 = %parallel_loop3A_95 to %parallel_loop3A_96 step %parallel_loop3A_97  : i32 {
          %parallel_loop3A_155 = arith.constant 5 : i32
          %parallel_loop3A_156 = arith.shrui %parallel_loop3A_154, %parallel_loop3A_155 : i32
          %parallel_loop3A_157 = arith.constant 4 : i32
          %parallel_loop3A_158 = arith.shrui %parallel_loop3A_154, %parallel_loop3A_157 : i32
          %parallel_loop3A_159 = arith.constant 1 : i32
          %parallel_loop3A_160 = arith.andi %parallel_loop3A_158, %parallel_loop3A_159 : i32
          %parallel_loop3A_161 = arith.constant 15 : i32
          %parallel_loop3A_162 = arith.andi %parallel_loop3A_154, %parallel_loop3A_161 : i32
          %parallel_loop3A_163 = vector.broadcast %parallel_loop3A_162 : i32 to vector<16xi32>
          %parallel_loop3A_164 = arith.addi %iota3A, %parallel_loop3A_163 : vector<16xi32>
          %parallel_loop3A_165 = arith.constant 15 : i32
          %parallel_loop3A_166 = vector.broadcast %parallel_loop3A_165 : i32 to vector<16xi32>
          %parallel_loop3A_167 = arith.andi %parallel_loop3A_164, %parallel_loop3A_166 : vector<16xi32>
          %parallel_loop3A_168 = arith.constant 4 : i32
          %parallel_loop3A_169 = arith.shli %parallel_loop3A_156, %parallel_loop3A_168 : i32
          %parallel_loop3A_170 = vector.broadcast %parallel_loop3A_169 : i32 to vector<16xi32>
          %parallel_loop3A_171 = arith.addi %parallel_loop3A_167, %parallel_loop3A_170 : vector<16xi32>
          %parallel_loop3A_172 = vector.broadcast %parallel_loop3A_160 : i32 to vector<16xi32>
          %parallel_loop3A_173 = arith.addi %add3A_94, %parallel_loop3A_172 : vector<16xi32>
          %parallel_loop3A_174 = tpu.vector_load_idx %arg5[%parallel_loop3A_171, %parallel_loop3A_173] : memref<64x256xf32, #tpu.memory_space<vmem>>[vector<16xi32>, vector<16xi32>], vector<16xf32>,
          %parallel_loop3A_175 = arith.constant 6 : i32
          %parallel_loop3A_176 = arith.shli %parallel_loop3A_160, %parallel_loop3A_175 : i32
          %parallel_loop3A_177 = vector.broadcast %parallel_loop3A_176 : i32 to vector<16xi32>
          %parallel_loop3A_178 = arith.addi %parallel_loop3A_171, %parallel_loop3A_177 : vector<16xi32>
          tpu.vector_store_idx %arg7[%add3A_93, %parallel_loop3A_178], %parallel_loop3A_174 : memref<128x128xf32, #tpu.memory_space<vmem>>[vector<16xi32>, vector<16xi32>], vector<16xf32>,
        } {sc.loop_unroll_factor = 8 : i64, sc.parallel_access}
        %add3A_98 = arith.constant 32 : i32
        %add3A_99 = vector.broadcast %add3A_98 : i32 to vector<16xi32>
        %add3A_100 = arith.addi %iota3A, %add3A_99 : vector<16xi32>
        %add3A_101 = arith.addi %add3A_100, %add3A_100 : vector<16xi32>
        %parallel_loop3A_102 = arith.constant 0 : i32
        %parallel_loop3A_103 = arith.constant 128 : i32
        %parallel_loop3A_104 = arith.constant 1 : i32
        scf.for %parallel_loop3A_154 = %parallel_loop3A_102 to %parallel_loop3A_103 step %parallel_loop3A_104  : i32 {
          %parallel_loop3A_155 = arith.constant 5 : i32
          %parallel_loop3A_156 = arith.shrui %parallel_loop3A_154, %parallel_loop3A_155 : i32
          %parallel_loop3A_157 = arith.constant 4 : i32
          %parallel_loop3A_158 = arith.shrui %parallel_loop3A_154, %parallel_loop3A_157 : i32
          %parallel_loop3A_159 = arith.constant 1 : i32
          %parallel_loop3A_160 = arith.andi %parallel_loop3A_158, %parallel_loop3A_159 : i32
          %parallel_loop3A_161 = arith.constant 15 : i32
          %parallel_loop3A_162 = arith.andi %parallel_loop3A_154, %parallel_loop3A_161 : i32
          %parallel_loop3A_163 = vector.broadcast %parallel_loop3A_162 : i32 to vector<16xi32>
          %parallel_loop3A_164 = arith.addi %iota3A, %parallel_loop3A_163 : vector<16xi32>
          %parallel_loop3A_165 = arith.constant 15 : i32
          %parallel_loop3A_166 = vector.broadcast %parallel_loop3A_165 : i32 to vector<16xi32>
          %parallel_loop3A_167 = arith.andi %parallel_loop3A_164, %parallel_loop3A_166 : vector<16xi32>
          %parallel_loop3A_168 = arith.constant 4 : i32
          %parallel_loop3A_169 = arith.shli %parallel_loop3A_156, %parallel_loop3A_168 : i32
          %parallel_loop3A_170 = vector.broadcast %parallel_loop3A_169 : i32 to vector<16xi32>
          %parallel_loop3A_171 = arith.addi %parallel_loop3A_167, %parallel_loop3A_170 : vector<16xi32>
          %parallel_loop3A_172 = vector.broadcast %parallel_loop3A_160 : i32 to vector<16xi32>
          %parallel_loop3A_173 = arith.addi %add3A_101, %parallel_loop3A_172 : vector<16xi32>
          %parallel_loop3A_174 = tpu.vector_load_idx %arg5[%parallel_loop3A_171, %parallel_loop3A_173] : memref<64x256xf32, #tpu.memory_space<vmem>>[vector<16xi32>, vector<16xi32>], vector<16xf32>,
          %parallel_loop3A_175 = arith.constant 6 : i32
          %parallel_loop3A_176 = arith.shli %parallel_loop3A_160, %parallel_loop3A_175 : i32
          %parallel_loop3A_177 = vector.broadcast %parallel_loop3A_176 : i32 to vector<16xi32>
          %parallel_loop3A_178 = arith.addi %parallel_loop3A_171, %parallel_loop3A_177 : vector<16xi32>
          tpu.vector_store_idx %arg7[%add3A_100, %parallel_loop3A_178], %parallel_loop3A_174 : memref<128x128xf32, #tpu.memory_space<vmem>>[vector<16xi32>, vector<16xi32>], vector<16xf32>,
        } {sc.loop_unroll_factor = 8 : i64, sc.parallel_access}
        %add3A_105 = arith.constant 48 : i32
        %add3A_106 = vector.broadcast %add3A_105 : i32 to vector<16xi32>
        %add3A_107 = arith.addi %iota3A, %add3A_106 : vector<16xi32>
        %add3A_108 = arith.addi %add3A_107, %add3A_107 : vector<16xi32>
        %parallel_loop3A_109 = arith.constant 0 : i32
        %parallel_loop3A_110 = arith.constant 128 : i32
        %parallel_loop3A_111 = arith.constant 1 : i32
        scf.for %parallel_loop3A_154 = %parallel_loop3A_109 to %parallel_loop3A_110 step %parallel_loop3A_111  : i32 {
          %parallel_loop3A_155 = arith.constant 5 : i32
          %parallel_loop3A_156 = arith.shrui %parallel_loop3A_154, %parallel_loop3A_155 : i32
          %parallel_loop3A_157 = arith.constant 4 : i32
          %parallel_loop3A_158 = arith.shrui %parallel_loop3A_154, %parallel_loop3A_157 : i32
          %parallel_loop3A_159 = arith.constant 1 : i32
          %parallel_loop3A_160 = arith.andi %parallel_loop3A_158, %parallel_loop3A_159 : i32
          %parallel_loop3A_161 = arith.constant 15 : i32
          %parallel_loop3A_162 = arith.andi %parallel_loop3A_154, %parallel_loop3A_161 : i32
          %parallel_loop3A_163 = vector.broadcast %parallel_loop3A_162 : i32 to vector<16xi32>
          %parallel_loop3A_164 = arith.addi %iota3A, %parallel_loop3A_163 : vector<16xi32>
          %parallel_loop3A_165 = arith.constant 15 : i32
          %parallel_loop3A_166 = vector.broadcast %parallel_loop3A_165 : i32 to vector<16xi32>
          %parallel_loop3A_167 = arith.andi %parallel_loop3A_164, %parallel_loop3A_166 : vector<16xi32>
          %parallel_loop3A_168 = arith.constant 4 : i32
          %parallel_loop3A_169 = arith.shli %parallel_loop3A_156, %parallel_loop3A_168 : i32
          %parallel_loop3A_170 = vector.broadcast %parallel_loop3A_169 : i32 to vector<16xi32>
          %parallel_loop3A_171 = arith.addi %parallel_loop3A_167, %parallel_loop3A_170 : vector<16xi32>
          %parallel_loop3A_172 = vector.broadcast %parallel_loop3A_160 : i32 to vector<16xi32>
          %parallel_loop3A_173 = arith.addi %add3A_108, %parallel_loop3A_172 : vector<16xi32>
          %parallel_loop3A_174 = tpu.vector_load_idx %arg5[%parallel_loop3A_171, %parallel_loop3A_173] : memref<64x256xf32, #tpu.memory_space<vmem>>[vector<16xi32>, vector<16xi32>], vector<16xf32>,
          %parallel_loop3A_175 = arith.constant 6 : i32
          %parallel_loop3A_176 = arith.shli %parallel_loop3A_160, %parallel_loop3A_175 : i32
          %parallel_loop3A_177 = vector.broadcast %parallel_loop3A_176 : i32 to vector<16xi32>
          %parallel_loop3A_178 = arith.addi %parallel_loop3A_171, %parallel_loop3A_177 : vector<16xi32>
          tpu.vector_store_idx %arg7[%add3A_107, %parallel_loop3A_178], %parallel_loop3A_174 : memref<128x128xf32, #tpu.memory_space<vmem>>[vector<16xi32>, vector<16xi32>], vector<16xf32>,
        } {sc.loop_unroll_factor = 8 : i64, sc.parallel_access}
        %add3A_112 = arith.constant 64 : i32
        %add3A_113 = vector.broadcast %add3A_112 : i32 to vector<16xi32>
        %add3A_114 = arith.addi %iota3A, %add3A_113 : vector<16xi32>
        %add3A_115 = arith.addi %add3A_114, %add3A_114 : vector<16xi32>
        %parallel_loop3A_116 = arith.constant 0 : i32
        %parallel_loop3A_117 = arith.constant 128 : i32
        %parallel_loop3A_118 = arith.constant 1 : i32
        scf.for %parallel_loop3A_154 = %parallel_loop3A_116 to %parallel_loop3A_117 step %parallel_loop3A_118  : i32 {
          %parallel_loop3A_155 = arith.constant 5 : i32
          %parallel_loop3A_156 = arith.shrui %parallel_loop3A_154, %parallel_loop3A_155 : i32
          %parallel_loop3A_157 = arith.constant 4 : i32
          %parallel_loop3A_158 = arith.shrui %parallel_loop3A_154, %parallel_loop3A_157 : i32
          %parallel_loop3A_159 = arith.constant 1 : i32
          %parallel_loop3A_160 = arith.andi %parallel_loop3A_158, %parallel_loop3A_159 : i32
          %parallel_loop3A_161 = arith.constant 15 : i32
          %parallel_loop3A_162 = arith.andi %parallel_loop3A_154, %parallel_loop3A_161 : i32
          %parallel_loop3A_163 = vector.broadcast %parallel_loop3A_162 : i32 to vector<16xi32>
          %parallel_loop3A_164 = arith.addi %iota3A, %parallel_loop3A_163 : vector<16xi32>
          %parallel_loop3A_165 = arith.constant 15 : i32
          %parallel_loop3A_166 = vector.broadcast %parallel_loop3A_165 : i32 to vector<16xi32>
          %parallel_loop3A_167 = arith.andi %parallel_loop3A_164, %parallel_loop3A_166 : vector<16xi32>
          %parallel_loop3A_168 = arith.constant 4 : i32
          %parallel_loop3A_169 = arith.shli %parallel_loop3A_156, %parallel_loop3A_168 : i32
          %parallel_loop3A_170 = vector.broadcast %parallel_loop3A_169 : i32 to vector<16xi32>
          %parallel_loop3A_171 = arith.addi %parallel_loop3A_167, %parallel_loop3A_170 : vector<16xi32>
          %parallel_loop3A_172 = vector.broadcast %parallel_loop3A_160 : i32 to vector<16xi32>
          %parallel_loop3A_173 = arith.addi %add3A_115, %parallel_loop3A_172 : vector<16xi32>
          %parallel_loop3A_174 = tpu.vector_load_idx %arg5[%parallel_loop3A_171, %parallel_loop3A_173] : memref<64x256xf32, #tpu.memory_space<vmem>>[vector<16xi32>, vector<16xi32>], vector<16xf32>,
          %parallel_loop3A_175 = arith.constant 6 : i32
          %parallel_loop3A_176 = arith.shli %parallel_loop3A_160, %parallel_loop3A_175 : i32
          %parallel_loop3A_177 = vector.broadcast %parallel_loop3A_176 : i32 to vector<16xi32>
          %parallel_loop3A_178 = arith.addi %parallel_loop3A_171, %parallel_loop3A_177 : vector<16xi32>
          tpu.vector_store_idx %arg7[%add3A_114, %parallel_loop3A_178], %parallel_loop3A_174 : memref<128x128xf32, #tpu.memory_space<vmem>>[vector<16xi32>, vector<16xi32>], vector<16xf32>,
        } {sc.loop_unroll_factor = 8 : i64, sc.parallel_access}
        %add3A_119 = arith.constant 80 : i32
        %add3A_120 = vector.broadcast %add3A_119 : i32 to vector<16xi32>
        %add3A_121 = arith.addi %iota3A, %add3A_120 : vector<16xi32>
        %add3A_122 = arith.addi %add3A_121, %add3A_121 : vector<16xi32>
        %parallel_loop3A_123 = arith.constant 0 : i32
        %parallel_loop3A_124 = arith.constant 128 : i32
        %parallel_loop3A_125 = arith.constant 1 : i32
        scf.for %parallel_loop3A_154 = %parallel_loop3A_123 to %parallel_loop3A_124 step %parallel_loop3A_125  : i32 {
          %parallel_loop3A_155 = arith.constant 5 : i32
          %parallel_loop3A_156 = arith.shrui %parallel_loop3A_154, %parallel_loop3A_155 : i32
          %parallel_loop3A_157 = arith.constant 4 : i32
          %parallel_loop3A_158 = arith.shrui %parallel_loop3A_154, %parallel_loop3A_157 : i32
          %parallel_loop3A_159 = arith.constant 1 : i32
          %parallel_loop3A_160 = arith.andi %parallel_loop3A_158, %parallel_loop3A_159 : i32
          %parallel_loop3A_161 = arith.constant 15 : i32
          %parallel_loop3A_162 = arith.andi %parallel_loop3A_154, %parallel_loop3A_161 : i32
          %parallel_loop3A_163 = vector.broadcast %parallel_loop3A_162 : i32 to vector<16xi32>
          %parallel_loop3A_164 = arith.addi %iota3A, %parallel_loop3A_163 : vector<16xi32>
          %parallel_loop3A_165 = arith.constant 15 : i32
          %parallel_loop3A_166 = vector.broadcast %parallel_loop3A_165 : i32 to vector<16xi32>
          %parallel_loop3A_167 = arith.andi %parallel_loop3A_164, %parallel_loop3A_166 : vector<16xi32>
          %parallel_loop3A_168 = arith.constant 4 : i32
          %parallel_loop3A_169 = arith.shli %parallel_loop3A_156, %parallel_loop3A_168 : i32
          %parallel_loop3A_170 = vector.broadcast %parallel_loop3A_169 : i32 to vector<16xi32>
          %parallel_loop3A_171 = arith.addi %parallel_loop3A_167, %parallel_loop3A_170 : vector<16xi32>
          %parallel_loop3A_172 = vector.broadcast %parallel_loop3A_160 : i32 to vector<16xi32>
          %parallel_loop3A_173 = arith.addi %add3A_122, %parallel_loop3A_172 : vector<16xi32>
          %parallel_loop3A_174 = tpu.vector_load_idx %arg5[%parallel_loop3A_171, %parallel_loop3A_173] : memref<64x256xf32, #tpu.memory_space<vmem>>[vector<16xi32>, vector<16xi32>], vector<16xf32>,
          %parallel_loop3A_175 = arith.constant 6 : i32
          %parallel_loop3A_176 = arith.shli %parallel_loop3A_160, %parallel_loop3A_175 : i32
          %parallel_loop3A_177 = vector.broadcast %parallel_loop3A_176 : i32 to vector<16xi32>
          %parallel_loop3A_178 = arith.addi %parallel_loop3A_171, %parallel_loop3A_177 : vector<16xi32>
          tpu.vector_store_idx %arg7[%add3A_121, %parallel_loop3A_178], %parallel_loop3A_174 : memref<128x128xf32, #tpu.memory_space<vmem>>[vector<16xi32>, vector<16xi32>], vector<16xf32>,
        } {sc.loop_unroll_factor = 8 : i64, sc.parallel_access}
        %add3A_126 = arith.constant 96 : i32
        %add3A_127 = vector.broadcast %add3A_126 : i32 to vector<16xi32>
        %add3A_128 = arith.addi %iota3A, %add3A_127 : vector<16xi32>
        %add3A_129 = arith.addi %add3A_128, %add3A_128 : vector<16xi32>
        %parallel_loop3A_130 = arith.constant 0 : i32
        %parallel_loop3A_131 = arith.constant 128 : i32
        %parallel_loop3A_132 = arith.constant 1 : i32
        scf.for %parallel_loop3A_154 = %parallel_loop3A_130 to %parallel_loop3A_131 step %parallel_loop3A_132  : i32 {
          %parallel_loop3A_155 = arith.constant 5 : i32
          %parallel_loop3A_156 = arith.shrui %parallel_loop3A_154, %parallel_loop3A_155 : i32
          %parallel_loop3A_157 = arith.constant 4 : i32
          %parallel_loop3A_158 = arith.shrui %parallel_loop3A_154, %parallel_loop3A_157 : i32
          %parallel_loop3A_159 = arith.constant 1 : i32
          %parallel_loop3A_160 = arith.andi %parallel_loop3A_158, %parallel_loop3A_159 : i32
          %parallel_loop3A_161 = arith.constant 15 : i32
          %parallel_loop3A_162 = arith.andi %parallel_loop3A_154, %parallel_loop3A_161 : i32
          %parallel_loop3A_163 = vector.broadcast %parallel_loop3A_162 : i32 to vector<16xi32>
          %parallel_loop3A_164 = arith.addi %iota3A, %parallel_loop3A_163 : vector<16xi32>
          %parallel_loop3A_165 = arith.constant 15 : i32
          %parallel_loop3A_166 = vector.broadcast %parallel_loop3A_165 : i32 to vector<16xi32>
          %parallel_loop3A_167 = arith.andi %parallel_loop3A_164, %parallel_loop3A_166 : vector<16xi32>
          %parallel_loop3A_168 = arith.constant 4 : i32
          %parallel_loop3A_169 = arith.shli %parallel_loop3A_156, %parallel_loop3A_168 : i32
          %parallel_loop3A_170 = vector.broadcast %parallel_loop3A_169 : i32 to vector<16xi32>
          %parallel_loop3A_171 = arith.addi %parallel_loop3A_167, %parallel_loop3A_170 : vector<16xi32>
          %parallel_loop3A_172 = vector.broadcast %parallel_loop3A_160 : i32 to vector<16xi32>
          %parallel_loop3A_173 = arith.addi %add3A_129, %parallel_loop3A_172 : vector<16xi32>
          %parallel_loop3A_174 = tpu.vector_load_idx %arg5[%parallel_loop3A_171, %parallel_loop3A_173] : memref<64x256xf32, #tpu.memory_space<vmem>>[vector<16xi32>, vector<16xi32>], vector<16xf32>,
          %parallel_loop3A_175 = arith.constant 6 : i32
          %parallel_loop3A_176 = arith.shli %parallel_loop3A_160, %parallel_loop3A_175 : i32
          %parallel_loop3A_177 = vector.broadcast %parallel_loop3A_176 : i32 to vector<16xi32>
          %parallel_loop3A_178 = arith.addi %parallel_loop3A_171, %parallel_loop3A_177 : vector<16xi32>
          tpu.vector_store_idx %arg7[%add3A_128, %parallel_loop3A_178], %parallel_loop3A_174 : memref<128x128xf32, #tpu.memory_space<vmem>>[vector<16xi32>, vector<16xi32>], vector<16xf32>,
        } {sc.loop_unroll_factor = 8 : i64, sc.parallel_access}
        %add3A_133 = arith.constant 112 : i32
        %add3A_134 = vector.broadcast %add3A_133 : i32 to vector<16xi32>
        %add3A_135 = arith.addi %iota3A, %add3A_134 : vector<16xi32>
        %add3A_136 = arith.addi %add3A_135, %add3A_135 : vector<16xi32>
        %parallel_loop3A_137 = arith.constant 0 : i32
        %parallel_loop3A_138 = arith.constant 128 : i32
        %parallel_loop3A_139 = arith.constant 1 : i32
        scf.for %parallel_loop3A_154 = %parallel_loop3A_137 to %parallel_loop3A_138 step %parallel_loop3A_139  : i32 {
          %parallel_loop3A_155 = arith.constant 5 : i32
          %parallel_loop3A_156 = arith.shrui %parallel_loop3A_154, %parallel_loop3A_155 : i32
          %parallel_loop3A_157 = arith.constant 4 : i32
          %parallel_loop3A_158 = arith.shrui %parallel_loop3A_154, %parallel_loop3A_157 : i32
          %parallel_loop3A_159 = arith.constant 1 : i32
          %parallel_loop3A_160 = arith.andi %parallel_loop3A_158, %parallel_loop3A_159 : i32
          %parallel_loop3A_161 = arith.constant 15 : i32
          %parallel_loop3A_162 = arith.andi %parallel_loop3A_154, %parallel_loop3A_161 : i32
          %parallel_loop3A_163 = vector.broadcast %parallel_loop3A_162 : i32 to vector<16xi32>
          %parallel_loop3A_164 = arith.addi %iota3A, %parallel_loop3A_163 : vector<16xi32>
          %parallel_loop3A_165 = arith.constant 15 : i32
          %parallel_loop3A_166 = vector.broadcast %parallel_loop3A_165 : i32 to vector<16xi32>
          %parallel_loop3A_167 = arith.andi %parallel_loop3A_164, %parallel_loop3A_166 : vector<16xi32>
          %parallel_loop3A_168 = arith.constant 4 : i32
          %parallel_loop3A_169 = arith.shli %parallel_loop3A_156, %parallel_loop3A_168 : i32
          %parallel_loop3A_170 = vector.broadcast %parallel_loop3A_169 : i32 to vector<16xi32>
          %parallel_loop3A_171 = arith.addi %parallel_loop3A_167, %parallel_loop3A_170 : vector<16xi32>
          %parallel_loop3A_172 = vector.broadcast %parallel_loop3A_160 : i32 to vector<16xi32>
          %parallel_loop3A_173 = arith.addi %add3A_136, %parallel_loop3A_172 : vector<16xi32>
          %parallel_loop3A_174 = tpu.vector_load_idx %arg5[%parallel_loop3A_171, %parallel_loop3A_173] : memref<64x256xf32, #tpu.memory_space<vmem>>[vector<16xi32>, vector<16xi32>], vector<16xf32>,
          %parallel_loop3A_175 = arith.constant 6 : i32
          %parallel_loop3A_176 = arith.shli %parallel_loop3A_160, %parallel_loop3A_175 : i32
          %parallel_loop3A_177 = vector.broadcast %parallel_loop3A_176 : i32 to vector<16xi32>
          %parallel_loop3A_178 = arith.addi %parallel_loop3A_171, %parallel_loop3A_177 : vector<16xi32>
          tpu.vector_store_idx %arg7[%add3A_135, %parallel_loop3A_178], %parallel_loop3A_174 : memref<128x128xf32, #tpu.memory_space<vmem>>[vector<16xi32>, vector<16xi32>], vector<16xf32>,
        } {sc.loop_unroll_factor = 8 : i64, sc.parallel_access}
        %mul3A_140 = arith.constant 123 : i32
        %mul3A_141 = arith.muli %add3A, %mul3A_140 : i32
        %add3A_142 = arith.addi %mul3A_141, %scan3A_47 : i32
        %mul3A_143 = arith.constant 256 : i32
        %mul3A_144 = arith.muli %mul3A_143, %add3A_142 : i32
        %min3A_145 = arith.constant 999680 : i32
        %min3A_146 = arith.minsi %mul3A_144, %min3A_145 : i32
        %multiple_of3A_147 = tpu.assume_multiple %min3A_146, 128 : i32
        %div3A_148 = arith.constant 2 : i32
        %div3A_149 = arith.divsi %multiple_of3A_147, %div3A_148 : i32
        %dma_start3A_150 = arith.constant 0 : i32
        %dma_start3A_151 = tpu.memref_slice %arg4[%div3A_149, %dma_start3A_150] : memref<500000x128xf32, #tpu.memory_space<hbm>> -> memref<128x128xf32, #tpu.memory_space<hbm>>
        %dma_start3A_152 = arith.constant 0 : i32
        %dma_start3A_153 = tpu.memref_slice %arg4[%div3A_149, %dma_start3A_152] : memref<500000x128xf32, #tpu.memory_space<hbm>> -> memref<128x128xf32, #tpu.memory_space<hbm>>
        tpu.enqueue_dma source(%arg7 : memref<128x128xf32, #tpu.memory_space<vmem>>) target(%dma_start3A_153 : memref<128x128xf32, #tpu.memory_space<hbm>>) target_semaphore(%arg12 : memref<!tpu.dma_semaphore, #tpu.memory_space<semaphore_mem>>)
      } else {
      }
      %rem3A_55 = arith.constant 2 : i32
      %rem3A_56 = arith.remsi %scan3A_47, %rem3A_55 : i32
      %eq3A_57 = arith.constant 1 : i32
      %eq3A_58 = arith.cmpi eq, %rem3A_56, %eq3A_57 : i32
      %convert_element_type3A_59 = arith.extui %eq3A_58 : i1 to i32
      %cond3A_60 = arith.constant 0 : i32
      %cond3A_61 = arith.cmpi ne, %convert_element_type3A_59, %cond3A_60 : i32
      scf.if %cond3A_61 {
        %ge3A = arith.constant 2 : i32
        %ge3A_63 = arith.cmpi sge, %scan3A_47, %ge3A : i32
        %convert_element_type3A_64 = arith.extui %ge3A_63 : i1 to i32
        %cond3A_65 = arith.constant 0 : i32
        %cond3A_66 = arith.cmpi ne, %convert_element_type3A_64, %cond3A_65 : i32
        scf.if %cond3A_66 {
          %sub3A = arith.constant 2 : i32
          %sub3A_154 = arith.subi %scan3A_47, %sub3A : i32
          %mul3A_155 = arith.constant 123 : i32
          %mul3A_156 = arith.muli %add3A, %mul3A_155 : i32
          %add3A_157 = arith.addi %mul3A_156, %sub3A_154 : i32
          %mul3A_158 = arith.constant 256 : i32
          %mul3A_159 = arith.muli %mul3A_158, %add3A_157 : i32
          %min3A_160 = arith.constant 999680 : i32
          %min3A_161 = arith.minsi %mul3A_159, %min3A_160 : i32
          %multiple_of3A_162 = tpu.assume_multiple %min3A_161, 128 : i32
          %div3A_163 = arith.constant 2 : i32
          %div3A_164 = arith.divsi %multiple_of3A_162, %div3A_163 : i32
          %dma_wait3A_165 = arith.constant 0 : i32
          %dma_wait3A_166 = tpu.memref_slice %arg4[%div3A_164, %dma_wait3A_165] : memref<500000x128xf32, #tpu.memory_space<hbm>> -> memref<128x128xf32, #tpu.memory_space<hbm>>
          %dma_wait3A_167 = arith.constant 0 : i32
          %dma_wait3A_168 = tpu.memref_slice %arg4[%div3A_164, %dma_wait3A_167] : memref<500000x128xf32, #tpu.memory_space<hbm>> -> memref<128x128xf32, #tpu.memory_space<hbm>>
          tpu.wait_dma2 semaphore(%arg13 : memref<!tpu.dma_semaphore, #tpu.memory_space<semaphore_mem>>) src(%arg8 : memref<128x128xf32, #tpu.memory_space<vmem>>) dst(%dma_wait3A_168 : memref<128x128xf32, #tpu.memory_space<hbm>>)
        } else {
        }
        %add3A_67 = arith.constant 1 : i32
        %add3A_68 = arith.addi %scan3A_47, %add3A_67 : i32
        %lt3A = arith.constant 123 : i32
        %lt3A_69 = arith.cmpi slt, %add3A_68, %lt3A : i32
        %convert_element_type3A_70 = arith.extui %lt3A_69 : i1 to i32
        %cond3A_71 = arith.constant 0 : i32
        %cond3A_72 = arith.cmpi ne, %convert_element_type3A_70, %cond3A_71 : i32
        scf.if %cond3A_72 {
          %add3A_154 = arith.constant 1 : i32
          %add3A_155 = arith.addi %scan3A_47, %add3A_154 : i32
          %mul3A_156 = arith.constant 123 : i32
          %mul3A_157 = arith.muli %add3A, %mul3A_156 : i32
          %add3A_158 = arith.addi %mul3A_157, %add3A_155 : i32
          %mul3A_159 = arith.constant 256 : i32
          %mul3A_160 = arith.muli %mul3A_159, %add3A_158 : i32
          %min3A_161 = arith.constant 999680 : i32
          %min3A_162 = arith.minsi %mul3A_160, %min3A_161 : i32
          %multiple_of3A_163 = tpu.assume_multiple %min3A_162, 128 : i32
          %dma_start3A_164 = arith.constant 0 : i32
          %dma_start3A_165 = tpu.memref_slice %arg2[%dma_start3A_164, %multiple_of3A_163] : memref<64x1000000xf32, #tpu.memory_space<hbm>> -> memref<64x256xf32, #tpu.memory_space<hbm>>
          %dma_start3A_166 = arith.constant 0 : i32
          %dma_start3A_167 = tpu.memref_slice %arg2[%dma_start3A_166, %multiple_of3A_163] : memref<64x1000000xf32, #tpu.memory_space<hbm>> -> memref<64x256xf32, #tpu.memory_space<hbm>>
          tpu.enqueue_dma source(%dma_start3A_167 : memref<64x256xf32, #tpu.memory_space<hbm>>) target(%arg5 : memref<64x256xf32, #tpu.memory_space<vmem>>) target_semaphore(%arg10 : memref<!tpu.dma_semaphore, #tpu.memory_space<semaphore_mem>>)
        } else {
        }
        %mul3A_73 = arith.constant 123 : i32
        %mul3A_74 = arith.muli %add3A, %mul3A_73 : i32
        %add3A_75 = arith.addi %mul3A_74, %scan3A_47 : i32
        %mul3A_76 = arith.constant 256 : i32
        %mul3A_77 = arith.muli %mul3A_76, %add3A_75 : i32
        %min3A_78 = arith.constant 999680 : i32
        %min3A_79 = arith.minsi %mul3A_77, %min3A_78 : i32
        %multiple_of3A_80 = tpu.assume_multiple %min3A_79, 128 : i32
        %dma_wait3A_81 = arith.constant 0 : i32
        %dma_wait3A_82 = tpu.memref_slice %arg2[%dma_wait3A_81, %multiple_of3A_80] : memref<64x1000000xf32, #tpu.memory_space<hbm>> -> memref<64x256xf32, #tpu.memory_space<hbm>>
        %dma_wait3A_83 = arith.constant 0 : i32
        %dma_wait3A_84 = tpu.memref_slice %arg2[%dma_wait3A_83, %multiple_of3A_80] : memref<64x1000000xf32, #tpu.memory_space<hbm>> -> memref<64x256xf32, #tpu.memory_space<hbm>>
        tpu.wait_dma2 semaphore(%arg11 : memref<!tpu.dma_semaphore, #tpu.memory_space<semaphore_mem>>) src(%dma_wait3A_84 : memref<64x256xf32, #tpu.memory_space<hbm>>) dst(%arg6 : memref<64x256xf32, #tpu.memory_space<vmem>>)
        %iota3A = tpu.iota {dimensions = array<i32: 0>} : vector<16xi32>
        %add3A_85 = arith.constant 0 : i32
        %add3A_86 = vector.broadcast %add3A_85 : i32 to vector<16xi32>
        %add3A_87 = arith.addi %iota3A, %add3A_86 : vector<16xi32>
        %add3A_88 = arith.addi %add3A_87, %add3A_87 : vector<16xi32>
        %parallel_loop3A = arith.constant 0 : i32
        %parallel_loop3A_89 = arith.constant 128 : i32
        %parallel_loop3A_90 = arith.constant 1 : i32
        scf.for %parallel_loop3A_154 = %parallel_loop3A to %parallel_loop3A_89 step %parallel_loop3A_90  : i32 {
          %parallel_loop3A_155 = arith.constant 5 : i32
          %parallel_loop3A_156 = arith.shrui %parallel_loop3A_154, %parallel_loop3A_155 : i32
          %parallel_loop3A_157 = arith.constant 4 : i32
          %parallel_loop3A_158 = arith.shrui %parallel_loop3A_154, %parallel_loop3A_157 : i32
          %parallel_loop3A_159 = arith.constant 1 : i32
          %parallel_loop3A_160 = arith.andi %parallel_loop3A_158, %parallel_loop3A_159 : i32
          %parallel_loop3A_161 = arith.constant 15 : i32
          %parallel_loop3A_162 = arith.andi %parallel_loop3A_154, %parallel_loop3A_161 : i32
          %parallel_loop3A_163 = vector.broadcast %parallel_loop3A_162 : i32 to vector<16xi32>
          %parallel_loop3A_164 = arith.addi %iota3A, %parallel_loop3A_163 : vector<16xi32>
          %parallel_loop3A_165 = arith.constant 15 : i32
          %parallel_loop3A_166 = vector.broadcast %parallel_loop3A_165 : i32 to vector<16xi32>
          %parallel_loop3A_167 = arith.andi %parallel_loop3A_164, %parallel_loop3A_166 : vector<16xi32>
          %parallel_loop3A_168 = arith.constant 4 : i32
          %parallel_loop3A_169 = arith.shli %parallel_loop3A_156, %parallel_loop3A_168 : i32
          %parallel_loop3A_170 = vector.broadcast %parallel_loop3A_169 : i32 to vector<16xi32>
          %parallel_loop3A_171 = arith.addi %parallel_loop3A_167, %parallel_loop3A_170 : vector<16xi32>
          %parallel_loop3A_172 = vector.broadcast %parallel_loop3A_160 : i32 to vector<16xi32>
          %parallel_loop3A_173 = arith.addi %add3A_88, %parallel_loop3A_172 : vector<16xi32>
          %parallel_loop3A_174 = tpu.vector_load_idx %arg6[%parallel_loop3A_171, %parallel_loop3A_173] : memref<64x256xf32, #tpu.memory_space<vmem>>[vector<16xi32>, vector<16xi32>], vector<16xf32>,
          %parallel_loop3A_175 = arith.constant 6 : i32
          %parallel_loop3A_176 = arith.shli %parallel_loop3A_160, %parallel_loop3A_175 : i32
          %parallel_loop3A_177 = vector.broadcast %parallel_loop3A_176 : i32 to vector<16xi32>
          %parallel_loop3A_178 = arith.addi %parallel_loop3A_171, %parallel_loop3A_177 : vector<16xi32>
          tpu.vector_store_idx %arg8[%add3A_87, %parallel_loop3A_178], %parallel_loop3A_174 : memref<128x128xf32, #tpu.memory_space<vmem>>[vector<16xi32>, vector<16xi32>], vector<16xf32>,
        } {sc.loop_unroll_factor = 8 : i64, sc.parallel_access}
        %add3A_91 = arith.constant 16 : i32
        %add3A_92 = vector.broadcast %add3A_91 : i32 to vector<16xi32>
        %add3A_93 = arith.addi %iota3A, %add3A_92 : vector<16xi32>
        %add3A_94 = arith.addi %add3A_93, %add3A_93 : vector<16xi32>
        %parallel_loop3A_95 = arith.constant 0 : i32
        %parallel_loop3A_96 = arith.constant 128 : i32
        %parallel_loop3A_97 = arith.constant 1 : i32
        scf.for %parallel_loop3A_154 = %parallel_loop3A_95 to %parallel_loop3A_96 step %parallel_loop3A_97  : i32 {
          %parallel_loop3A_155 = arith.constant 5 : i32
          %parallel_loop3A_156 = arith.shrui %parallel_loop3A_154, %parallel_loop3A_155 : i32
          %parallel_loop3A_157 = arith.constant 4 : i32
          %parallel_loop3A_158 = arith.shrui %parallel_loop3A_154, %parallel_loop3A_157 : i32
          %parallel_loop3A_159 = arith.constant 1 : i32
          %parallel_loop3A_160 = arith.andi %parallel_loop3A_158, %parallel_loop3A_159 : i32
          %parallel_loop3A_161 = arith.constant 15 : i32
          %parallel_loop3A_162 = arith.andi %parallel_loop3A_154, %parallel_loop3A_161 : i32
          %parallel_loop3A_163 = vector.broadcast %parallel_loop3A_162 : i32 to vector<16xi32>
          %parallel_loop3A_164 = arith.addi %iota3A, %parallel_loop3A_163 : vector<16xi32>
          %parallel_loop3A_165 = arith.constant 15 : i32
          %parallel_loop3A_166 = vector.broadcast %parallel_loop3A_165 : i32 to vector<16xi32>
          %parallel_loop3A_167 = arith.andi %parallel_loop3A_164, %parallel_loop3A_166 : vector<16xi32>
          %parallel_loop3A_168 = arith.constant 4 : i32
          %parallel_loop3A_169 = arith.shli %parallel_loop3A_156, %parallel_loop3A_168 : i32
          %parallel_loop3A_170 = vector.broadcast %parallel_loop3A_169 : i32 to vector<16xi32>
          %parallel_loop3A_171 = arith.addi %parallel_loop3A_167, %parallel_loop3A_170 : vector<16xi32>
          %parallel_loop3A_172 = vector.broadcast %parallel_loop3A_160 : i32 to vector<16xi32>
          %parallel_loop3A_173 = arith.addi %add3A_94, %parallel_loop3A_172 : vector<16xi32>
          %parallel_loop3A_174 = tpu.vector_load_idx %arg6[%parallel_loop3A_171, %parallel_loop3A_173] : memref<64x256xf32, #tpu.memory_space<vmem>>[vector<16xi32>, vector<16xi32>], vector<16xf32>,
          %parallel_loop3A_175 = arith.constant 6 : i32
          %parallel_loop3A_176 = arith.shli %parallel_loop3A_160, %parallel_loop3A_175 : i32
          %parallel_loop3A_177 = vector.broadcast %parallel_loop3A_176 : i32 to vector<16xi32>
          %parallel_loop3A_178 = arith.addi %parallel_loop3A_171, %parallel_loop3A_177 : vector<16xi32>
          tpu.vector_store_idx %arg8[%add3A_93, %parallel_loop3A_178], %parallel_loop3A_174 : memref<128x128xf32, #tpu.memory_space<vmem>>[vector<16xi32>, vector<16xi32>], vector<16xf32>,
        } {sc.loop_unroll_factor = 8 : i64, sc.parallel_access}
        %add3A_98 = arith.constant 32 : i32
        %add3A_99 = vector.broadcast %add3A_98 : i32 to vector<16xi32>
        %add3A_100 = arith.addi %iota3A, %add3A_99 : vector<16xi32>
        %add3A_101 = arith.addi %add3A_100, %add3A_100 : vector<16xi32>
        %parallel_loop3A_102 = arith.constant 0 : i32
        %parallel_loop3A_103 = arith.constant 128 : i32
        %parallel_loop3A_104 = arith.constant 1 : i32
        scf.for %parallel_loop3A_154 = %parallel_loop3A_102 to %parallel_loop3A_103 step %parallel_loop3A_104  : i32 {
          %parallel_loop3A_155 = arith.constant 5 : i32
          %parallel_loop3A_156 = arith.shrui %parallel_loop3A_154, %parallel_loop3A_155 : i32
          %parallel_loop3A_157 = arith.constant 4 : i32
          %parallel_loop3A_158 = arith.shrui %parallel_loop3A_154, %parallel_loop3A_157 : i32
          %parallel_loop3A_159 = arith.constant 1 : i32
          %parallel_loop3A_160 = arith.andi %parallel_loop3A_158, %parallel_loop3A_159 : i32
          %parallel_loop3A_161 = arith.constant 15 : i32
          %parallel_loop3A_162 = arith.andi %parallel_loop3A_154, %parallel_loop3A_161 : i32
          %parallel_loop3A_163 = vector.broadcast %parallel_loop3A_162 : i32 to vector<16xi32>
          %parallel_loop3A_164 = arith.addi %iota3A, %parallel_loop3A_163 : vector<16xi32>
          %parallel_loop3A_165 = arith.constant 15 : i32
          %parallel_loop3A_166 = vector.broadcast %parallel_loop3A_165 : i32 to vector<16xi32>
          %parallel_loop3A_167 = arith.andi %parallel_loop3A_164, %parallel_loop3A_166 : vector<16xi32>
          %parallel_loop3A_168 = arith.constant 4 : i32
          %parallel_loop3A_169 = arith.shli %parallel_loop3A_156, %parallel_loop3A_168 : i32
          %parallel_loop3A_170 = vector.broadcast %parallel_loop3A_169 : i32 to vector<16xi32>
          %parallel_loop3A_171 = arith.addi %parallel_loop3A_167, %parallel_loop3A_170 : vector<16xi32>
          %parallel_loop3A_172 = vector.broadcast %parallel_loop3A_160 : i32 to vector<16xi32>
          %parallel_loop3A_173 = arith.addi %add3A_101, %parallel_loop3A_172 : vector<16xi32>
          %parallel_loop3A_174 = tpu.vector_load_idx %arg6[%parallel_loop3A_171, %parallel_loop3A_173] : memref<64x256xf32, #tpu.memory_space<vmem>>[vector<16xi32>, vector<16xi32>], vector<16xf32>,
          %parallel_loop3A_175 = arith.constant 6 : i32
          %parallel_loop3A_176 = arith.shli %parallel_loop3A_160, %parallel_loop3A_175 : i32
          %parallel_loop3A_177 = vector.broadcast %parallel_loop3A_176 : i32 to vector<16xi32>
          %parallel_loop3A_178 = arith.addi %parallel_loop3A_171, %parallel_loop3A_177 : vector<16xi32>
          tpu.vector_store_idx %arg8[%add3A_100, %parallel_loop3A_178], %parallel_loop3A_174 : memref<128x128xf32, #tpu.memory_space<vmem>>[vector<16xi32>, vector<16xi32>], vector<16xf32>,
        } {sc.loop_unroll_factor = 8 : i64, sc.parallel_access}
        %add3A_105 = arith.constant 48 : i32
        %add3A_106 = vector.broadcast %add3A_105 : i32 to vector<16xi32>
        %add3A_107 = arith.addi %iota3A, %add3A_106 : vector<16xi32>
        %add3A_108 = arith.addi %add3A_107, %add3A_107 : vector<16xi32>
        %parallel_loop3A_109 = arith.constant 0 : i32
        %parallel_loop3A_110 = arith.constant 128 : i32
        %parallel_loop3A_111 = arith.constant 1 : i32
        scf.for %parallel_loop3A_154 = %parallel_loop3A_109 to %parallel_loop3A_110 step %parallel_loop3A_111  : i32 {
          %parallel_loop3A_155 = arith.constant 5 : i32
          %parallel_loop3A_156 = arith.shrui %parallel_loop3A_154, %parallel_loop3A_155 : i32
          %parallel_loop3A_157 = arith.constant 4 : i32
          %parallel_loop3A_158 = arith.shrui %parallel_loop3A_154, %parallel_loop3A_157 : i32
          %parallel_loop3A_159 = arith.constant 1 : i32
          %parallel_loop3A_160 = arith.andi %parallel_loop3A_158, %parallel_loop3A_159 : i32
          %parallel_loop3A_161 = arith.constant 15 : i32
          %parallel_loop3A_162 = arith.andi %parallel_loop3A_154, %parallel_loop3A_161 : i32
          %parallel_loop3A_163 = vector.broadcast %parallel_loop3A_162 : i32 to vector<16xi32>
          %parallel_loop3A_164 = arith.addi %iota3A, %parallel_loop3A_163 : vector<16xi32>
          %parallel_loop3A_165 = arith.constant 15 : i32
          %parallel_loop3A_166 = vector.broadcast %parallel_loop3A_165 : i32 to vector<16xi32>
          %parallel_loop3A_167 = arith.andi %parallel_loop3A_164, %parallel_loop3A_166 : vector<16xi32>
          %parallel_loop3A_168 = arith.constant 4 : i32
          %parallel_loop3A_169 = arith.shli %parallel_loop3A_156, %parallel_loop3A_168 : i32
          %parallel_loop3A_170 = vector.broadcast %parallel_loop3A_169 : i32 to vector<16xi32>
          %parallel_loop3A_171 = arith.addi %parallel_loop3A_167, %parallel_loop3A_170 : vector<16xi32>
          %parallel_loop3A_172 = vector.broadcast %parallel_loop3A_160 : i32 to vector<16xi32>
          %parallel_loop3A_173 = arith.addi %add3A_108, %parallel_loop3A_172 : vector<16xi32>
          %parallel_loop3A_174 = tpu.vector_load_idx %arg6[%parallel_loop3A_171, %parallel_loop3A_173] : memref<64x256xf32, #tpu.memory_space<vmem>>[vector<16xi32>, vector<16xi32>], vector<16xf32>,
          %parallel_loop3A_175 = arith.constant 6 : i32
          %parallel_loop3A_176 = arith.shli %parallel_loop3A_160, %parallel_loop3A_175 : i32
          %parallel_loop3A_177 = vector.broadcast %parallel_loop3A_176 : i32 to vector<16xi32>
          %parallel_loop3A_178 = arith.addi %parallel_loop3A_171, %parallel_loop3A_177 : vector<16xi32>
          tpu.vector_store_idx %arg8[%add3A_107, %parallel_loop3A_178], %parallel_loop3A_174 : memref<128x128xf32, #tpu.memory_space<vmem>>[vector<16xi32>, vector<16xi32>], vector<16xf32>,
        } {sc.loop_unroll_factor = 8 : i64, sc.parallel_access}
        %add3A_112 = arith.constant 64 : i32
        %add3A_113 = vector.broadcast %add3A_112 : i32 to vector<16xi32>
        %add3A_114 = arith.addi %iota3A, %add3A_113 : vector<16xi32>
        %add3A_115 = arith.addi %add3A_114, %add3A_114 : vector<16xi32>
        %parallel_loop3A_116 = arith.constant 0 : i32
        %parallel_loop3A_117 = arith.constant 128 : i32
        %parallel_loop3A_118 = arith.constant 1 : i32
        scf.for %parallel_loop3A_154 = %parallel_loop3A_116 to %parallel_loop3A_117 step %parallel_loop3A_118  : i32 {
          %parallel_loop3A_155 = arith.constant 5 : i32
          %parallel_loop3A_156 = arith.shrui %parallel_loop3A_154, %parallel_loop3A_155 : i32
          %parallel_loop3A_157 = arith.constant 4 : i32
          %parallel_loop3A_158 = arith.shrui %parallel_loop3A_154, %parallel_loop3A_157 : i32
          %parallel_loop3A_159 = arith.constant 1 : i32
          %parallel_loop3A_160 = arith.andi %parallel_loop3A_158, %parallel_loop3A_159 : i32
          %parallel_loop3A_161 = arith.constant 15 : i32
          %parallel_loop3A_162 = arith.andi %parallel_loop3A_154, %parallel_loop3A_161 : i32
          %parallel_loop3A_163 = vector.broadcast %parallel_loop3A_162 : i32 to vector<16xi32>
          %parallel_loop3A_164 = arith.addi %iota3A, %parallel_loop3A_163 : vector<16xi32>
          %parallel_loop3A_165 = arith.constant 15 : i32
          %parallel_loop3A_166 = vector.broadcast %parallel_loop3A_165 : i32 to vector<16xi32>
          %parallel_loop3A_167 = arith.andi %parallel_loop3A_164, %parallel_loop3A_166 : vector<16xi32>
          %parallel_loop3A_168 = arith.constant 4 : i32
          %parallel_loop3A_169 = arith.shli %parallel_loop3A_156, %parallel_loop3A_168 : i32
          %parallel_loop3A_170 = vector.broadcast %parallel_loop3A_169 : i32 to vector<16xi32>
          %parallel_loop3A_171 = arith.addi %parallel_loop3A_167, %parallel_loop3A_170 : vector<16xi32>
          %parallel_loop3A_172 = vector.broadcast %parallel_loop3A_160 : i32 to vector<16xi32>
          %parallel_loop3A_173 = arith.addi %add3A_115, %parallel_loop3A_172 : vector<16xi32>
          %parallel_loop3A_174 = tpu.vector_load_idx %arg6[%parallel_loop3A_171, %parallel_loop3A_173] : memref<64x256xf32, #tpu.memory_space<vmem>>[vector<16xi32>, vector<16xi32>], vector<16xf32>,
          %parallel_loop3A_175 = arith.constant 6 : i32
          %parallel_loop3A_176 = arith.shli %parallel_loop3A_160, %parallel_loop3A_175 : i32
          %parallel_loop3A_177 = vector.broadcast %parallel_loop3A_176 : i32 to vector<16xi32>
          %parallel_loop3A_178 = arith.addi %parallel_loop3A_171, %parallel_loop3A_177 : vector<16xi32>
          tpu.vector_store_idx %arg8[%add3A_114, %parallel_loop3A_178], %parallel_loop3A_174 : memref<128x128xf32, #tpu.memory_space<vmem>>[vector<16xi32>, vector<16xi32>], vector<16xf32>,
        } {sc.loop_unroll_factor = 8 : i64, sc.parallel_access}
        %add3A_119 = arith.constant 80 : i32
        %add3A_120 = vector.broadcast %add3A_119 : i32 to vector<16xi32>
        %add3A_121 = arith.addi %iota3A, %add3A_120 : vector<16xi32>
        %add3A_122 = arith.addi %add3A_121, %add3A_121 : vector<16xi32>
        %parallel_loop3A_123 = arith.constant 0 : i32
        %parallel_loop3A_124 = arith.constant 128 : i32
        %parallel_loop3A_125 = arith.constant 1 : i32
        scf.for %parallel_loop3A_154 = %parallel_loop3A_123 to %parallel_loop3A_124 step %parallel_loop3A_125  : i32 {
          %parallel_loop3A_155 = arith.constant 5 : i32
          %parallel_loop3A_156 = arith.shrui %parallel_loop3A_154, %parallel_loop3A_155 : i32
          %parallel_loop3A_157 = arith.constant 4 : i32
          %parallel_loop3A_158 = arith.shrui %parallel_loop3A_154, %parallel_loop3A_157 : i32
          %parallel_loop3A_159 = arith.constant 1 : i32
          %parallel_loop3A_160 = arith.andi %parallel_loop3A_158, %parallel_loop3A_159 : i32
          %parallel_loop3A_161 = arith.constant 15 : i32
          %parallel_loop3A_162 = arith.andi %parallel_loop3A_154, %parallel_loop3A_161 : i32
          %parallel_loop3A_163 = vector.broadcast %parallel_loop3A_162 : i32 to vector<16xi32>
          %parallel_loop3A_164 = arith.addi %iota3A, %parallel_loop3A_163 : vector<16xi32>
          %parallel_loop3A_165 = arith.constant 15 : i32
          %parallel_loop3A_166 = vector.broadcast %parallel_loop3A_165 : i32 to vector<16xi32>
          %parallel_loop3A_167 = arith.andi %parallel_loop3A_164, %parallel_loop3A_166 : vector<16xi32>
          %parallel_loop3A_168 = arith.constant 4 : i32
          %parallel_loop3A_169 = arith.shli %parallel_loop3A_156, %parallel_loop3A_168 : i32
          %parallel_loop3A_170 = vector.broadcast %parallel_loop3A_169 : i32 to vector<16xi32>
          %parallel_loop3A_171 = arith.addi %parallel_loop3A_167, %parallel_loop3A_170 : vector<16xi32>
          %parallel_loop3A_172 = vector.broadcast %parallel_loop3A_160 : i32 to vector<16xi32>
          %parallel_loop3A_173 = arith.addi %add3A_122, %parallel_loop3A_172 : vector<16xi32>
          %parallel_loop3A_174 = tpu.vector_load_idx %arg6[%parallel_loop3A_171, %parallel_loop3A_173] : memref<64x256xf32, #tpu.memory_space<vmem>>[vector<16xi32>, vector<16xi32>], vector<16xf32>,
          %parallel_loop3A_175 = arith.constant 6 : i32
          %parallel_loop3A_176 = arith.shli %parallel_loop3A_160, %parallel_loop3A_175 : i32
          %parallel_loop3A_177 = vector.broadcast %parallel_loop3A_176 : i32 to vector<16xi32>
          %parallel_loop3A_178 = arith.addi %parallel_loop3A_171, %parallel_loop3A_177 : vector<16xi32>
          tpu.vector_store_idx %arg8[%add3A_121, %parallel_loop3A_178], %parallel_loop3A_174 : memref<128x128xf32, #tpu.memory_space<vmem>>[vector<16xi32>, vector<16xi32>], vector<16xf32>,
        } {sc.loop_unroll_factor = 8 : i64, sc.parallel_access}
        %add3A_126 = arith.constant 96 : i32
        %add3A_127 = vector.broadcast %add3A_126 : i32 to vector<16xi32>
        %add3A_128 = arith.addi %iota3A, %add3A_127 : vector<16xi32>
        %add3A_129 = arith.addi %add3A_128, %add3A_128 : vector<16xi32>
        %parallel_loop3A_130 = arith.constant 0 : i32
        %parallel_loop3A_131 = arith.constant 128 : i32
        %parallel_loop3A_132 = arith.constant 1 : i32
        scf.for %parallel_loop3A_154 = %parallel_loop3A_130 to %parallel_loop3A_131 step %parallel_loop3A_132  : i32 {
          %parallel_loop3A_155 = arith.constant 5 : i32
          %parallel_loop3A_156 = arith.shrui %parallel_loop3A_154, %parallel_loop3A_155 : i32
          %parallel_loop3A_157 = arith.constant 4 : i32
          %parallel_loop3A_158 = arith.shrui %parallel_loop3A_154, %parallel_loop3A_157 : i32
          %parallel_loop3A_159 = arith.constant 1 : i32
          %parallel_loop3A_160 = arith.andi %parallel_loop3A_158, %parallel_loop3A_159 : i32
          %parallel_loop3A_161 = arith.constant 15 : i32
          %parallel_loop3A_162 = arith.andi %parallel_loop3A_154, %parallel_loop3A_161 : i32
          %parallel_loop3A_163 = vector.broadcast %parallel_loop3A_162 : i32 to vector<16xi32>
          %parallel_loop3A_164 = arith.addi %iota3A, %parallel_loop3A_163 : vector<16xi32>
          %parallel_loop3A_165 = arith.constant 15 : i32
          %parallel_loop3A_166 = vector.broadcast %parallel_loop3A_165 : i32 to vector<16xi32>
          %parallel_loop3A_167 = arith.andi %parallel_loop3A_164, %parallel_loop3A_166 : vector<16xi32>
          %parallel_loop3A_168 = arith.constant 4 : i32
          %parallel_loop3A_169 = arith.shli %parallel_loop3A_156, %parallel_loop3A_168 : i32
          %parallel_loop3A_170 = vector.broadcast %parallel_loop3A_169 : i32 to vector<16xi32>
          %parallel_loop3A_171 = arith.addi %parallel_loop3A_167, %parallel_loop3A_170 : vector<16xi32>
          %parallel_loop3A_172 = vector.broadcast %parallel_loop3A_160 : i32 to vector<16xi32>
          %parallel_loop3A_173 = arith.addi %add3A_129, %parallel_loop3A_172 : vector<16xi32>
          %parallel_loop3A_174 = tpu.vector_load_idx %arg6[%parallel_loop3A_171, %parallel_loop3A_173] : memref<64x256xf32, #tpu.memory_space<vmem>>[vector<16xi32>, vector<16xi32>], vector<16xf32>,
          %parallel_loop3A_175 = arith.constant 6 : i32
          %parallel_loop3A_176 = arith.shli %parallel_loop3A_160, %parallel_loop3A_175 : i32
          %parallel_loop3A_177 = vector.broadcast %parallel_loop3A_176 : i32 to vector<16xi32>
          %parallel_loop3A_178 = arith.addi %parallel_loop3A_171, %parallel_loop3A_177 : vector<16xi32>
          tpu.vector_store_idx %arg8[%add3A_128, %parallel_loop3A_178], %parallel_loop3A_174 : memref<128x128xf32, #tpu.memory_space<vmem>>[vector<16xi32>, vector<16xi32>], vector<16xf32>,
        } {sc.loop_unroll_factor = 8 : i64, sc.parallel_access}
        %add3A_133 = arith.constant 112 : i32
        %add3A_134 = vector.broadcast %add3A_133 : i32 to vector<16xi32>
        %add3A_135 = arith.addi %iota3A, %add3A_134 : vector<16xi32>
        %add3A_136 = arith.addi %add3A_135, %add3A_135 : vector<16xi32>
        %parallel_loop3A_137 = arith.constant 0 : i32
        %parallel_loop3A_138 = arith.constant 128 : i32
        %parallel_loop3A_139 = arith.constant 1 : i32
        scf.for %parallel_loop3A_154 = %parallel_loop3A_137 to %parallel_loop3A_138 step %parallel_loop3A_139  : i32 {
          %parallel_loop3A_155 = arith.constant 5 : i32
          %parallel_loop3A_156 = arith.shrui %parallel_loop3A_154, %parallel_loop3A_155 : i32
          %parallel_loop3A_157 = arith.constant 4 : i32
          %parallel_loop3A_158 = arith.shrui %parallel_loop3A_154, %parallel_loop3A_157 : i32
          %parallel_loop3A_159 = arith.constant 1 : i32
          %parallel_loop3A_160 = arith.andi %parallel_loop3A_158, %parallel_loop3A_159 : i32
          %parallel_loop3A_161 = arith.constant 15 : i32
          %parallel_loop3A_162 = arith.andi %parallel_loop3A_154, %parallel_loop3A_161 : i32
          %parallel_loop3A_163 = vector.broadcast %parallel_loop3A_162 : i32 to vector<16xi32>
          %parallel_loop3A_164 = arith.addi %iota3A, %parallel_loop3A_163 : vector<16xi32>
          %parallel_loop3A_165 = arith.constant 15 : i32
          %parallel_loop3A_166 = vector.broadcast %parallel_loop3A_165 : i32 to vector<16xi32>
          %parallel_loop3A_167 = arith.andi %parallel_loop3A_164, %parallel_loop3A_166 : vector<16xi32>
          %parallel_loop3A_168 = arith.constant 4 : i32
          %parallel_loop3A_169 = arith.shli %parallel_loop3A_156, %parallel_loop3A_168 : i32
          %parallel_loop3A_170 = vector.broadcast %parallel_loop3A_169 : i32 to vector<16xi32>
          %parallel_loop3A_171 = arith.addi %parallel_loop3A_167, %parallel_loop3A_170 : vector<16xi32>
          %parallel_loop3A_172 = vector.broadcast %parallel_loop3A_160 : i32 to vector<16xi32>
          %parallel_loop3A_173 = arith.addi %add3A_136, %parallel_loop3A_172 : vector<16xi32>
          %parallel_loop3A_174 = tpu.vector_load_idx %arg6[%parallel_loop3A_171, %parallel_loop3A_173] : memref<64x256xf32, #tpu.memory_space<vmem>>[vector<16xi32>, vector<16xi32>], vector<16xf32>,
          %parallel_loop3A_175 = arith.constant 6 : i32
          %parallel_loop3A_176 = arith.shli %parallel_loop3A_160, %parallel_loop3A_175 : i32
          %parallel_loop3A_177 = vector.broadcast %parallel_loop3A_176 : i32 to vector<16xi32>
          %parallel_loop3A_178 = arith.addi %parallel_loop3A_171, %parallel_loop3A_177 : vector<16xi32>
          tpu.vector_store_idx %arg8[%add3A_135, %parallel_loop3A_178], %parallel_loop3A_174 : memref<128x128xf32, #tpu.memory_space<vmem>>[vector<16xi32>, vector<16xi32>], vector<16xf32>,
        } {sc.loop_unroll_factor = 8 : i64, sc.parallel_access}
        %mul3A_140 = arith.constant 123 : i32
        %mul3A_141 = arith.muli %add3A, %mul3A_140 : i32
        %add3A_142 = arith.addi %mul3A_141, %scan3A_47 : i32
        %mul3A_143 = arith.constant 256 : i32
        %mul3A_144 = arith.muli %mul3A_143, %add3A_142 : i32
        %min3A_145 = arith.constant 999680 : i32
        %min3A_146 = arith.minsi %mul3A_144, %min3A_145 : i32
        %multiple_of3A_147 = tpu.assume_multiple %min3A_146, 128 : i32
        %div3A_148 = arith.constant 2 : i32
        %div3A_149 = arith.divsi %multiple_of3A_147, %div3A_148 : i32
        %dma_start3A_150 = arith.constant 0 : i32
        %dma_start3A_151 = tpu.memref_slice %arg4[%div3A_149, %dma_start3A_150] : memref<500000x128xf32, #tpu.memory_space<hbm>> -> memref<128x128xf32, #tpu.memory_space<hbm>>
        %dma_start3A_152 = arith.constant 0 : i32
        %dma_start3A_153 = tpu.memref_slice %arg4[%div3A_149, %dma_start3A_152] : memref<500000x128xf32, #tpu.memory_space<hbm>> -> memref<128x128xf32, #tpu.memory_space<hbm>>
        tpu.enqueue_dma source(%arg8 : memref<128x128xf32, #tpu.memory_space<vmem>>) target(%dma_start3A_153 : memref<128x128xf32, #tpu.memory_space<hbm>>) target_semaphore(%arg13 : memref<!tpu.dma_semaphore, #tpu.memory_space<semaphore_mem>>)
      } else {
      }
      %scan3A_62 = arith.constant 0 : i32
      scf.yield %scan3A_62 : i32
    }
    %scan3A_18 = arith.constant 123 : i32
    %mul3A_19 = arith.constant 123 : i32
    %mul3A_20 = arith.muli %add3A, %mul3A_19 : i32
    %add3A_21 = arith.constant 121 : i32
    %add3A_22 = arith.addi %mul3A_20, %add3A_21 : i32
    %mul3A_23 = arith.constant 256 : i32
    %mul3A_24 = arith.muli %mul3A_23, %add3A_22 : i32
    %min3A_25 = arith.constant 999680 : i32
    %min3A_26 = arith.minsi %mul3A_24, %min3A_25 : i32
    %multiple_of3A_27 = tpu.assume_multiple %min3A_26, 128 : i32
    %div3A = arith.constant 2 : i32
    %div3A_28 = arith.divsi %multiple_of3A_27, %div3A : i32
    %dma_wait3A = arith.constant 0 : i32
    %dma_wait3A_29 = tpu.memref_slice %arg4[%div3A_28, %dma_wait3A] : memref<500000x128xf32, #tpu.memory_space<hbm>> -> memref<128x128xf32, #tpu.memory_space<hbm>>
    %dma_wait3A_30 = arith.constant 0 : i32
    %dma_wait3A_31 = tpu.memref_slice %arg4[%div3A_28, %dma_wait3A_30] : memref<500000x128xf32, #tpu.memory_space<hbm>> -> memref<128x128xf32, #tpu.memory_space<hbm>>
    tpu.wait_dma2 semaphore(%arg13 : memref<!tpu.dma_semaphore, #tpu.memory_space<semaphore_mem>>) src(%arg8 : memref<128x128xf32, #tpu.memory_space<vmem>>) dst(%dma_wait3A_31 : memref<128x128xf32, #tpu.memory_space<hbm>>)
    %mul3A_32 = arith.constant 123 : i32
    %mul3A_33 = arith.muli %add3A, %mul3A_32 : i32
    %add3A_34 = arith.constant 122 : i32
    %add3A_35 = arith.addi %mul3A_33, %add3A_34 : i32
    %mul3A_36 = arith.constant 256 : i32
    %mul3A_37 = arith.muli %mul3A_36, %add3A_35 : i32
    %min3A_38 = arith.constant 999680 : i32
    %min3A_39 = arith.minsi %mul3A_37, %min3A_38 : i32
    %multiple_of3A_40 = tpu.assume_multiple %min3A_39, 128 : i32
    %div3A_41 = arith.constant 2 : i32
    %div3A_42 = arith.divsi %multiple_of3A_40, %div3A_41 : i32
    %dma_wait3A_43 = arith.constant 0 : i32
    %dma_wait3A_44 = tpu.memref_slice %arg4[%div3A_42, %dma_wait3A_43] : memref<500000x128xf32, #tpu.memory_space<hbm>> -> memref<128x128xf32, #tpu.memory_space<hbm>>
    %dma_wait3A_45 = arith.constant 0 : i32
    %dma_wait3A_46 = tpu.memref_slice %arg4[%div3A_42, %dma_wait3A_45] : memref<500000x128xf32, #tpu.memory_space<hbm>> -> memref<128x128xf32, #tpu.memory_space<hbm>>
    tpu.wait_dma2 semaphore(%arg12 : memref<!tpu.dma_semaphore, #tpu.memory_space<semaphore_mem>>) src(%arg7 : memref<128x128xf32, #tpu.memory_space<vmem>>) dst(%dma_wait3A_46 : memref<128x128xf32, #tpu.memory_space<hbm>>)
    return
  }
}

#map = affine_map<(d0, d1) -> (0, 0)>
#map1 = affine_map<(d0, d1) -> (0, 0, 0)>
module attributes {stable_mosaic.version = 14 : i64} {
  func.func @_sc_gather(%arg0: i32, %arg1: i32, %arg2: memref<200x4096xi32, #tpu.memory_space<hbm>>, %arg3: memref<500000x128xf32, #tpu.memory_space<hbm>>, %arg4: memref<200x64x4096xf32, #tpu.memory_space<hbm>>, %arg5: memref<200x128xi32, #tpu.memory_space<vmem>>, %arg6: memref<200x128xi32, #tpu.memory_space<vmem>>, %arg7: memref<128x128xf32, #tpu.memory_space<vmem>>, %arg8: memref<128x128xf32, #tpu.memory_space<vmem>>, %arg9: memref<64x128xf32, #tpu.memory_space<vmem>>, %arg10: memref<64x128xf32, #tpu.memory_space<vmem>>, %arg11: memref<!tpu.dma_semaphore, #tpu.memory_space<semaphore_mem>>, %arg12: memref<!tpu.dma_semaphore, #tpu.memory_space<semaphore_mem>>, %arg13: memref<!tpu.dma_semaphore, #tpu.memory_space<semaphore_mem>>, %arg14: memref<!tpu.dma_semaphore, #tpu.memory_space<semaphore_mem>>) attributes {dimension_semantics = [#tpu.dimension_semantics<core_parallel>, #tpu.dimension_semantics<subcore_parallel>], iteration_bounds = array<i64: 2, 16>, scalar_prefetch = 0 : i64, scratch_operands = 10 : i64, tpu.core_type = #tpu.core_type<sc_vector_subcore>, window_params = [{transform_indices = #map}, {transform_indices = #map}, {transform_indices = #map1}]} {
    %mul3A = arith.constant 2 : i32
    %mul3A_0 = arith.muli %arg1, %mul3A : i32
    %add3A = arith.addi %mul3A_0, %arg0 : i32
    %mul3A_1 = arith.constant 128 : i32
    %mul3A_2 = arith.muli %add3A, %mul3A_1 : i32
    %multiple_of3A = tpu.assume_multiple %mul3A_2, 128 : i32
    "tpu.region"() ({
      %run_scoped3A = tpu.sem_alloc : memref<!tpu.dma_semaphore, #tpu.memory_space<semaphore_mem>>
      %dma_start3A_35 = arith.constant 0 : i32
      %dma_start3A_36 = tpu.memref_slice %arg2[%dma_start3A_35, %multiple_of3A] : memref<200x4096xi32, #tpu.memory_space<hbm>> -> memref<200x128xi32, #tpu.memory_space<hbm>>
      %dma_start3A_37 = arith.constant 0 : i32
      %dma_start3A_38 = tpu.memref_slice %arg2[%dma_start3A_37, %multiple_of3A] : memref<200x4096xi32, #tpu.memory_space<hbm>> -> memref<200x128xi32, #tpu.memory_space<hbm>>
      tpu.enqueue_dma source(%dma_start3A_38 : memref<200x128xi32, #tpu.memory_space<hbm>>) target(%arg5 : memref<200x128xi32, #tpu.memory_space<vmem>>) target_semaphore(%run_scoped3A : memref<!tpu.dma_semaphore, #tpu.memory_space<semaphore_mem>>)
      %dma_wait3A_39 = arith.constant 0 : i32
      %dma_wait3A_40 = tpu.memref_slice %arg2[%dma_wait3A_39, %multiple_of3A] : memref<200x4096xi32, #tpu.memory_space<hbm>> -> memref<200x128xi32, #tpu.memory_space<hbm>>
      %dma_wait3A_41 = arith.constant 0 : i32
      %dma_wait3A_42 = tpu.memref_slice %arg2[%dma_wait3A_41, %multiple_of3A] : memref<200x4096xi32, #tpu.memory_space<hbm>> -> memref<200x128xi32, #tpu.memory_space<hbm>>
      tpu.wait_dma2 semaphore(%run_scoped3A : memref<!tpu.dma_semaphore, #tpu.memory_space<semaphore_mem>>) src(%dma_wait3A_42 : memref<200x128xi32, #tpu.memory_space<hbm>>) dst(%arg5 : memref<200x128xi32, #tpu.memory_space<vmem>>)
      tpu.yield
    }) : () -> ()
    %scan3A = arith.constant 0 : i32
    %scan3A_3 = arith.constant 0 : i32
    %scan3A_4 = arith.constant 200 : i32
    %scan3A_5 = arith.addi %scan3A_3, %scan3A_4 : i32
    %scan3A_6 = arith.constant 1 : i32
    %scan3A_7 = scf.for %scan3A_35 = %scan3A_3 to %scan3A_5 step %scan3A_6 iter_args(%scan3A_36 = %scan3A) -> (i32)  : i32 {
      %get3A = arith.index_cast %scan3A_35 : i32 to index
      %get3A_37 = arith.constant 0 : index
      %get3A_38 = tpu.vector_load %arg5[%get3A, %get3A_37] {strides = array<i32>} : memref<200x128xi32, #tpu.memory_space<vmem>>, vector<16xi32>,
      %shift_right_logical3A = arith.constant 1 : i32
      %shift_right_logical3A_39 = vector.broadcast %shift_right_logical3A : i32 to vector<16xi32>
      %shift_right_logical3A_40 = arith.shrui %get3A_38, %shift_right_logical3A_39 : vector<16xi32>
      %swap3A = arith.index_cast %scan3A_35 : i32 to index
      %swap3A_41 = arith.constant 0 : index
      %swap3A_42 = tpu.vector_load %arg5[%swap3A, %swap3A_41] {strides = array<i32>} : memref<200x128xi32, #tpu.memory_space<vmem>>, vector<16xi32>,
      tpu.vector_store %arg5[%swap3A, %swap3A_41], %shift_right_logical3A_40 {strides = array<i32>} : memref<200x128xi32, #tpu.memory_space<vmem>>, vector<16xi32>,
      %and3A = arith.constant 1 : i32
      %and3A_43 = vector.broadcast %and3A : i32 to vector<16xi32>
      %and3A_44 = arith.andi %get3A_38, %and3A_43 : vector<16xi32>
      %shift_left3A = arith.constant 6 : i32
      %shift_left3A_45 = vector.broadcast %shift_left3A : i32 to vector<16xi32>
      %shift_left3A_46 = arith.shli %and3A_44, %shift_left3A_45 : vector<16xi32>
      %swap3A_47 = arith.index_cast %scan3A_35 : i32 to index
      %swap3A_48 = arith.constant 0 : index
      %swap3A_49 = tpu.vector_load %arg6[%swap3A_47, %swap3A_48] {strides = array<i32>} : memref<200x128xi32, #tpu.memory_space<vmem>>, vector<16xi32>,
      tpu.vector_store %arg6[%swap3A_47, %swap3A_48], %shift_left3A_46 {strides = array<i32>} : memref<200x128xi32, #tpu.memory_space<vmem>>, vector<16xi32>,
      %get3A_50 = arith.index_cast %scan3A_35 : i32 to index
      %get3A_51 = arith.constant 16 : index
      %get3A_52 = tpu.vector_load %arg5[%get3A_50, %get3A_51] {strides = array<i32>} : memref<200x128xi32, #tpu.memory_space<vmem>>, vector<16xi32>,
      %shift_right_logical3A_53 = arith.constant 1 : i32
      %shift_right_logical3A_54 = vector.broadcast %shift_right_logical3A_53 : i32 to vector<16xi32>
      %shift_right_logical3A_55 = arith.shrui %get3A_52, %shift_right_logical3A_54 : vector<16xi32>
      %swap3A_56 = arith.index_cast %scan3A_35 : i32 to index
      %swap3A_57 = arith.constant 16 : index
      %swap3A_58 = tpu.vector_load %arg5[%swap3A_56, %swap3A_57] {strides = array<i32>} : memref<200x128xi32, #tpu.memory_space<vmem>>, vector<16xi32>,
      tpu.vector_store %arg5[%swap3A_56, %swap3A_57], %shift_right_logical3A_55 {strides = array<i32>} : memref<200x128xi32, #tpu.memory_space<vmem>>, vector<16xi32>,
      %and3A_59 = arith.constant 1 : i32
      %and3A_60 = vector.broadcast %and3A_59 : i32 to vector<16xi32>
      %and3A_61 = arith.andi %get3A_52, %and3A_60 : vector<16xi32>
      %shift_left3A_62 = arith.constant 6 : i32
      %shift_left3A_63 = vector.broadcast %shift_left3A_62 : i32 to vector<16xi32>
      %shift_left3A_64 = arith.shli %and3A_61, %shift_left3A_63 : vector<16xi32>
      %swap3A_65 = arith.index_cast %scan3A_35 : i32 to index
      %swap3A_66 = arith.constant 16 : index
      %swap3A_67 = tpu.vector_load %arg6[%swap3A_65, %swap3A_66] {strides = array<i32>} : memref<200x128xi32, #tpu.memory_space<vmem>>, vector<16xi32>,
      tpu.vector_store %arg6[%swap3A_65, %swap3A_66], %shift_left3A_64 {strides = array<i32>} : memref<200x128xi32, #tpu.memory_space<vmem>>, vector<16xi32>,
      %get3A_68 = arith.index_cast %scan3A_35 : i32 to index
      %get3A_69 = arith.constant 32 : index
      %get3A_70 = tpu.vector_load %arg5[%get3A_68, %get3A_69] {strides = array<i32>} : memref<200x128xi32, #tpu.memory_space<vmem>>, vector<16xi32>,
      %shift_right_logical3A_71 = arith.constant 1 : i32
      %shift_right_logical3A_72 = vector.broadcast %shift_right_logical3A_71 : i32 to vector<16xi32>
      %shift_right_logical3A_73 = arith.shrui %get3A_70, %shift_right_logical3A_72 : vector<16xi32>
      %swap3A_74 = arith.index_cast %scan3A_35 : i32 to index
      %swap3A_75 = arith.constant 32 : index
      %swap3A_76 = tpu.vector_load %arg5[%swap3A_74, %swap3A_75] {strides = array<i32>} : memref<200x128xi32, #tpu.memory_space<vmem>>, vector<16xi32>,
      tpu.vector_store %arg5[%swap3A_74, %swap3A_75], %shift_right_logical3A_73 {strides = array<i32>} : memref<200x128xi32, #tpu.memory_space<vmem>>, vector<16xi32>,
      %and3A_77 = arith.constant 1 : i32
      %and3A_78 = vector.broadcast %and3A_77 : i32 to vector<16xi32>
      %and3A_79 = arith.andi %get3A_70, %and3A_78 : vector<16xi32>
      %shift_left3A_80 = arith.constant 6 : i32
      %shift_left3A_81 = vector.broadcast %shift_left3A_80 : i32 to vector<16xi32>
      %shift_left3A_82 = arith.shli %and3A_79, %shift_left3A_81 : vector<16xi32>
      %swap3A_83 = arith.index_cast %scan3A_35 : i32 to index
      %swap3A_84 = arith.constant 32 : index
      %swap3A_85 = tpu.vector_load %arg6[%swap3A_83, %swap3A_84] {strides = array<i32>} : memref<200x128xi32, #tpu.memory_space<vmem>>, vector<16xi32>,
      tpu.vector_store %arg6[%swap3A_83, %swap3A_84], %shift_left3A_82 {strides = array<i32>} : memref<200x128xi32, #tpu.memory_space<vmem>>, vector<16xi32>,
      %get3A_86 = arith.index_cast %scan3A_35 : i32 to index
      %get3A_87 = arith.constant 48 : index
      %get3A_88 = tpu.vector_load %arg5[%get3A_86, %get3A_87] {strides = array<i32>} : memref<200x128xi32, #tpu.memory_space<vmem>>, vector<16xi32>,
      %shift_right_logical3A_89 = arith.constant 1 : i32
      %shift_right_logical3A_90 = vector.broadcast %shift_right_logical3A_89 : i32 to vector<16xi32>
      %shift_right_logical3A_91 = arith.shrui %get3A_88, %shift_right_logical3A_90 : vector<16xi32>
      %swap3A_92 = arith.index_cast %scan3A_35 : i32 to index
      %swap3A_93 = arith.constant 48 : index
      %swap3A_94 = tpu.vector_load %arg5[%swap3A_92, %swap3A_93] {strides = array<i32>} : memref<200x128xi32, #tpu.memory_space<vmem>>, vector<16xi32>,
      tpu.vector_store %arg5[%swap3A_92, %swap3A_93], %shift_right_logical3A_91 {strides = array<i32>} : memref<200x128xi32, #tpu.memory_space<vmem>>, vector<16xi32>,
      %and3A_95 = arith.constant 1 : i32
      %and3A_96 = vector.broadcast %and3A_95 : i32 to vector<16xi32>
      %and3A_97 = arith.andi %get3A_88, %and3A_96 : vector<16xi32>
      %shift_left3A_98 = arith.constant 6 : i32
      %shift_left3A_99 = vector.broadcast %shift_left3A_98 : i32 to vector<16xi32>
      %shift_left3A_100 = arith.shli %and3A_97, %shift_left3A_99 : vector<16xi32>
      %swap3A_101 = arith.index_cast %scan3A_35 : i32 to index
      %swap3A_102 = arith.constant 48 : index
      %swap3A_103 = tpu.vector_load %arg6[%swap3A_101, %swap3A_102] {strides = array<i32>} : memref<200x128xi32, #tpu.memory_space<vmem>>, vector<16xi32>,
      tpu.vector_store %arg6[%swap3A_101, %swap3A_102], %shift_left3A_100 {strides = array<i32>} : memref<200x128xi32, #tpu.memory_space<vmem>>, vector<16xi32>,
      %get3A_104 = arith.index_cast %scan3A_35 : i32 to index
      %get3A_105 = arith.constant 64 : index
      %get3A_106 = tpu.vector_load %arg5[%get3A_104, %get3A_105] {strides = array<i32>} : memref<200x128xi32, #tpu.memory_space<vmem>>, vector<16xi32>,
      %shift_right_logical3A_107 = arith.constant 1 : i32
      %shift_right_logical3A_108 = vector.broadcast %shift_right_logical3A_107 : i32 to vector<16xi32>
      %shift_right_logical3A_109 = arith.shrui %get3A_106, %shift_right_logical3A_108 : vector<16xi32>
      %swap3A_110 = arith.index_cast %scan3A_35 : i32 to index
      %swap3A_111 = arith.constant 64 : index
      %swap3A_112 = tpu.vector_load %arg5[%swap3A_110, %swap3A_111] {strides = array<i32>} : memref<200x128xi32, #tpu.memory_space<vmem>>, vector<16xi32>,
      tpu.vector_store %arg5[%swap3A_110, %swap3A_111], %shift_right_logical3A_109 {strides = array<i32>} : memref<200x128xi32, #tpu.memory_space<vmem>>, vector<16xi32>,
      %and3A_113 = arith.constant 1 : i32
      %and3A_114 = vector.broadcast %and3A_113 : i32 to vector<16xi32>
      %and3A_115 = arith.andi %get3A_106, %and3A_114 : vector<16xi32>
      %shift_left3A_116 = arith.constant 6 : i32
      %shift_left3A_117 = vector.broadcast %shift_left3A_116 : i32 to vector<16xi32>
      %shift_left3A_118 = arith.shli %and3A_115, %shift_left3A_117 : vector<16xi32>
      %swap3A_119 = arith.index_cast %scan3A_35 : i32 to index
      %swap3A_120 = arith.constant 64 : index
      %swap3A_121 = tpu.vector_load %arg6[%swap3A_119, %swap3A_120] {strides = array<i32>} : memref<200x128xi32, #tpu.memory_space<vmem>>, vector<16xi32>,
      tpu.vector_store %arg6[%swap3A_119, %swap3A_120], %shift_left3A_118 {strides = array<i32>} : memref<200x128xi32, #tpu.memory_space<vmem>>, vector<16xi32>,
      %get3A_122 = arith.index_cast %scan3A_35 : i32 to index
      %get3A_123 = arith.constant 80 : index
      %get3A_124 = tpu.vector_load %arg5[%get3A_122, %get3A_123] {strides = array<i32>} : memref<200x128xi32, #tpu.memory_space<vmem>>, vector<16xi32>,
      %shift_right_logical3A_125 = arith.constant 1 : i32
      %shift_right_logical3A_126 = vector.broadcast %shift_right_logical3A_125 : i32 to vector<16xi32>
      %shift_right_logical3A_127 = arith.shrui %get3A_124, %shift_right_logical3A_126 : vector<16xi32>
      %swap3A_128 = arith.index_cast %scan3A_35 : i32 to index
      %swap3A_129 = arith.constant 80 : index
      %swap3A_130 = tpu.vector_load %arg5[%swap3A_128, %swap3A_129] {strides = array<i32>} : memref<200x128xi32, #tpu.memory_space<vmem>>, vector<16xi32>,
      tpu.vector_store %arg5[%swap3A_128, %swap3A_129], %shift_right_logical3A_127 {strides = array<i32>} : memref<200x128xi32, #tpu.memory_space<vmem>>, vector<16xi32>,
      %and3A_131 = arith.constant 1 : i32
      %and3A_132 = vector.broadcast %and3A_131 : i32 to vector<16xi32>
      %and3A_133 = arith.andi %get3A_124, %and3A_132 : vector<16xi32>
      %shift_left3A_134 = arith.constant 6 : i32
      %shift_left3A_135 = vector.broadcast %shift_left3A_134 : i32 to vector<16xi32>
      %shift_left3A_136 = arith.shli %and3A_133, %shift_left3A_135 : vector<16xi32>
      %swap3A_137 = arith.index_cast %scan3A_35 : i32 to index
      %swap3A_138 = arith.constant 80 : index
      %swap3A_139 = tpu.vector_load %arg6[%swap3A_137, %swap3A_138] {strides = array<i32>} : memref<200x128xi32, #tpu.memory_space<vmem>>, vector<16xi32>,
      tpu.vector_store %arg6[%swap3A_137, %swap3A_138], %shift_left3A_136 {strides = array<i32>} : memref<200x128xi32, #tpu.memory_space<vmem>>, vector<16xi32>,
      %get3A_140 = arith.index_cast %scan3A_35 : i32 to index
      %get3A_141 = arith.constant 96 : index
      %get3A_142 = tpu.vector_load %arg5[%get3A_140, %get3A_141] {strides = array<i32>} : memref<200x128xi32, #tpu.memory_space<vmem>>, vector<16xi32>,
      %shift_right_logical3A_143 = arith.constant 1 : i32
      %shift_right_logical3A_144 = vector.broadcast %shift_right_logical3A_143 : i32 to vector<16xi32>
      %shift_right_logical3A_145 = arith.shrui %get3A_142, %shift_right_logical3A_144 : vector<16xi32>
      %swap3A_146 = arith.index_cast %scan3A_35 : i32 to index
      %swap3A_147 = arith.constant 96 : index
      %swap3A_148 = tpu.vector_load %arg5[%swap3A_146, %swap3A_147] {strides = array<i32>} : memref<200x128xi32, #tpu.memory_space<vmem>>, vector<16xi32>,
      tpu.vector_store %arg5[%swap3A_146, %swap3A_147], %shift_right_logical3A_145 {strides = array<i32>} : memref<200x128xi32, #tpu.memory_space<vmem>>, vector<16xi32>,
      %and3A_149 = arith.constant 1 : i32
      %and3A_150 = vector.broadcast %and3A_149 : i32 to vector<16xi32>
      %and3A_151 = arith.andi %get3A_142, %and3A_150 : vector<16xi32>
      %shift_left3A_152 = arith.constant 6 : i32
      %shift_left3A_153 = vector.broadcast %shift_left3A_152 : i32 to vector<16xi32>
      %shift_left3A_154 = arith.shli %and3A_151, %shift_left3A_153 : vector<16xi32>
      %swap3A_155 = arith.index_cast %scan3A_35 : i32 to index
      %swap3A_156 = arith.constant 96 : index
      %swap3A_157 = tpu.vector_load %arg6[%swap3A_155, %swap3A_156] {strides = array<i32>} : memref<200x128xi32, #tpu.memory_space<vmem>>, vector<16xi32>,
      tpu.vector_store %arg6[%swap3A_155, %swap3A_156], %shift_left3A_154 {strides = array<i32>} : memref<200x128xi32, #tpu.memory_space<vmem>>, vector<16xi32>,
      %get3A_158 = arith.index_cast %scan3A_35 : i32 to index
      %get3A_159 = arith.constant 112 : index
      %get3A_160 = tpu.vector_load %arg5[%get3A_158, %get3A_159] {strides = array<i32>} : memref<200x128xi32, #tpu.memory_space<vmem>>, vector<16xi32>,
      %shift_right_logical3A_161 = arith.constant 1 : i32
      %shift_right_logical3A_162 = vector.broadcast %shift_right_logical3A_161 : i32 to vector<16xi32>
      %shift_right_logical3A_163 = arith.shrui %get3A_160, %shift_right_logical3A_162 : vector<16xi32>
      %swap3A_164 = arith.index_cast %scan3A_35 : i32 to index
      %swap3A_165 = arith.constant 112 : index
      %swap3A_166 = tpu.vector_load %arg5[%swap3A_164, %swap3A_165] {strides = array<i32>} : memref<200x128xi32, #tpu.memory_space<vmem>>, vector<16xi32>,
      tpu.vector_store %arg5[%swap3A_164, %swap3A_165], %shift_right_logical3A_163 {strides = array<i32>} : memref<200x128xi32, #tpu.memory_space<vmem>>, vector<16xi32>,
      %and3A_167 = arith.constant 1 : i32
      %and3A_168 = vector.broadcast %and3A_167 : i32 to vector<16xi32>
      %and3A_169 = arith.andi %get3A_160, %and3A_168 : vector<16xi32>
      %shift_left3A_170 = arith.constant 6 : i32
      %shift_left3A_171 = vector.broadcast %shift_left3A_170 : i32 to vector<16xi32>
      %shift_left3A_172 = arith.shli %and3A_169, %shift_left3A_171 : vector<16xi32>
      %swap3A_173 = arith.index_cast %scan3A_35 : i32 to index
      %swap3A_174 = arith.constant 112 : index
      %swap3A_175 = tpu.vector_load %arg6[%swap3A_173, %swap3A_174] {strides = array<i32>} : memref<200x128xi32, #tpu.memory_space<vmem>>, vector<16xi32>,
      tpu.vector_store %arg6[%swap3A_173, %swap3A_174], %shift_left3A_172 {strides = array<i32>} : memref<200x128xi32, #tpu.memory_space<vmem>>, vector<16xi32>,
      %scan3A_176 = arith.constant 0 : i32
      scf.yield %scan3A_176 : i32
    }
    %scan3A_8 = arith.constant 200 : i32
    %dma_start3A = arith.constant 0 : i32
    %dma_start3A_9 = arith.constant 0 : i32
    %dma_start3A_10 = tpu.memref_slice %arg5[%dma_start3A, %dma_start3A_9] : memref<200x128xi32, #tpu.memory_space<vmem>> -> memref<1x128xi32, #tpu.memory_space<vmem>>
    %dma_start3A_11 = tpu.memref_squeeze %dma_start3A_10 : memref<1x128xi32, #tpu.memory_space<vmem>> -> memref<128xi32, #tpu.memory_space<vmem>>
    %dma_start3A_12 = arith.constant 0 : i32
    %dma_start3A_13 = arith.constant 0 : i32
    %dma_start3A_14 = tpu.memref_slice %arg3[%dma_start3A_12, %dma_start3A_13] : memref<500000x128xf32, #tpu.memory_space<hbm>> -> memref<500000x128xf32, #tpu.memory_space<hbm>>
    tpu.enqueue_indirect_dma source(%dma_start3A_14 : memref<500000x128xf32, #tpu.memory_space<hbm>>) target(%arg7 : memref<128x128xf32, #tpu.memory_space<vmem>>) offsets(%dma_start3A_11 : memref<128xi32, #tpu.memory_space<vmem>>) semaphore(%arg11 : memref<!tpu.dma_semaphore, #tpu.memory_space<semaphore_mem>>)
    %scan3A_15 = arith.constant 0 : i32
    %scan3A_16 = arith.constant 0 : i32
    %scan3A_17 = arith.constant 200 : i32
    %scan3A_18 = arith.addi %scan3A_16, %scan3A_17 : i32
    %scan3A_19 = arith.constant 1 : i32
    %scan3A_20 = scf.for %scan3A_35 = %scan3A_16 to %scan3A_18 step %scan3A_19 iter_args(%scan3A_36 = %scan3A_15) -> (i32)  : i32 {
      %rem3A = arith.constant 2 : i32
      %rem3A_37 = arith.remsi %scan3A_35, %rem3A : i32
      %eq3A = arith.constant 0 : i32
      %eq3A_38 = arith.cmpi eq, %rem3A_37, %eq3A : i32
      %convert_element_type3A = arith.extui %eq3A_38 : i1 to i32
      %cond3A = arith.constant 0 : i32
      %cond3A_39 = arith.cmpi ne, %convert_element_type3A, %cond3A : i32
      scf.if %cond3A_39 {
        %ge3A = arith.constant 2 : i32
        %ge3A_48 = arith.cmpi sge, %scan3A_35, %ge3A : i32
        %convert_element_type3A_49 = arith.extui %ge3A_48 : i1 to i32
        %cond3A_50 = arith.constant 0 : i32
        %cond3A_51 = arith.cmpi ne, %convert_element_type3A_49, %cond3A_50 : i32
        scf.if %cond3A_51 {
          %sub3A = arith.constant 2 : i32
          %sub3A_140 = arith.subi %scan3A_35, %sub3A : i32
          %dma_wait3A_141 = arith.constant 0 : i32
          %dma_wait3A_142 = tpu.memref_slice %arg4[%sub3A_140, %dma_wait3A_141, %multiple_of3A] : memref<200x64x4096xf32, #tpu.memory_space<hbm>> -> memref<1x64x128xf32, #tpu.memory_space<hbm>>
          %dma_wait3A_143 = tpu.memref_squeeze %dma_wait3A_142 : memref<1x64x128xf32, #tpu.memory_space<hbm>> -> memref<64x128xf32, #tpu.memory_space<hbm>>
          %dma_wait3A_144 = arith.constant 0 : i32
          %dma_wait3A_145 = tpu.memref_slice %arg4[%sub3A_140, %dma_wait3A_144, %multiple_of3A] : memref<200x64x4096xf32, #tpu.memory_space<hbm>> -> memref<1x64x128xf32, #tpu.memory_space<hbm>>
          %dma_wait3A_146 = tpu.memref_squeeze %dma_wait3A_145 : memref<1x64x128xf32, #tpu.memory_space<hbm>> -> memref<64x128xf32, #tpu.memory_space<hbm>>
          tpu.wait_dma2 semaphore(%arg13 : memref<!tpu.dma_semaphore, #tpu.memory_space<semaphore_mem>>) src(%arg9 : memref<64x128xf32, #tpu.memory_space<vmem>>) dst(%dma_wait3A_146 : memref<64x128xf32, #tpu.memory_space<hbm>>)
        } else {
        }
        %add3A_52 = arith.constant 1 : i32
        %add3A_53 = arith.addi %scan3A_35, %add3A_52 : i32
        %lt3A = arith.constant 200 : i32
        %lt3A_54 = arith.cmpi slt, %add3A_53, %lt3A : i32
        %convert_element_type3A_55 = arith.extui %lt3A_54 : i1 to i32
        %cond3A_56 = arith.constant 0 : i32
        %cond3A_57 = arith.cmpi ne, %convert_element_type3A_55, %cond3A_56 : i32
        scf.if %cond3A_57 {
          %add3A_140 = arith.constant 1 : i32
          %add3A_141 = arith.addi %scan3A_35, %add3A_140 : i32
          %dma_start3A_142 = arith.constant 0 : i32
          %dma_start3A_143 = tpu.memref_slice %arg5[%add3A_141, %dma_start3A_142] : memref<200x128xi32, #tpu.memory_space<vmem>> -> memref<1x128xi32, #tpu.memory_space<vmem>>
          %dma_start3A_144 = tpu.memref_squeeze %dma_start3A_143 : memref<1x128xi32, #tpu.memory_space<vmem>> -> memref<128xi32, #tpu.memory_space<vmem>>
          %dma_start3A_145 = arith.constant 0 : i32
          %dma_start3A_146 = arith.constant 0 : i32
          %dma_start3A_147 = tpu.memref_slice %arg3[%dma_start3A_145, %dma_start3A_146] : memref<500000x128xf32, #tpu.memory_space<hbm>> -> memref<500000x128xf32, #tpu.memory_space<hbm>>
          tpu.enqueue_indirect_dma source(%dma_start3A_147 : memref<500000x128xf32, #tpu.memory_space<hbm>>) target(%arg8 : memref<128x128xf32, #tpu.memory_space<vmem>>) offsets(%dma_start3A_144 : memref<128xi32, #tpu.memory_space<vmem>>) semaphore(%arg12 : memref<!tpu.dma_semaphore, #tpu.memory_space<semaphore_mem>>)
        } else {
        }
        %dma_wait3A_58 = arith.constant 0 : i32
        %dma_wait3A_59 = tpu.memref_slice %arg5[%scan3A_35, %dma_wait3A_58] : memref<200x128xi32, #tpu.memory_space<vmem>> -> memref<1x128xi32, #tpu.memory_space<vmem>>
        %dma_wait3A_60 = tpu.memref_squeeze %dma_wait3A_59 : memref<1x128xi32, #tpu.memory_space<vmem>> -> memref<128xi32, #tpu.memory_space<vmem>>
        %dma_wait3A_61 = arith.constant 0 : i32
        %dma_wait3A_62 = arith.constant 0 : i32
        %dma_wait3A_63 = tpu.memref_slice %arg3[%dma_wait3A_61, %dma_wait3A_62] : memref<500000x128xf32, #tpu.memory_space<hbm>> -> memref<500000x128xf32, #tpu.memory_space<hbm>>
        tpu.wait_indirect_dma semaphore(%arg11 : memref<!tpu.dma_semaphore, #tpu.memory_space<semaphore_mem>>) src(%dma_wait3A_63 : memref<500000x128xf32, #tpu.memory_space<hbm>>) dst(%arg7 : memref<128x128xf32, #tpu.memory_space<vmem>>)
        %iota3A = tpu.iota {dimensions = array<i32: 0>} : vector<16xi32>
        %add3A_64 = arith.constant 0 : i32
        %add3A_65 = vector.broadcast %add3A_64 : i32 to vector<16xi32>
        %add3A_66 = arith.addi %iota3A, %add3A_65 : vector<16xi32>
        %get3A = arith.index_cast %scan3A_35 : i32 to index
        %get3A_67 = arith.constant 0 : index
        %get3A_68 = tpu.vector_load %arg6[%get3A, %get3A_67] {strides = array<i32>} : memref<200x128xi32, #tpu.memory_space<vmem>>, vector<16xi32>,
        %parallel_loop3A = arith.constant 0 : i32
        %parallel_loop3A_69 = arith.constant 64 : i32
        %parallel_loop3A_70 = arith.constant 1 : i32
        scf.for %parallel_loop3A_140 = %parallel_loop3A to %parallel_loop3A_69 step %parallel_loop3A_70  : i32 {
          %parallel_loop3A_141 = arith.constant 4 : i32
          %parallel_loop3A_142 = arith.shrui %parallel_loop3A_140, %parallel_loop3A_141 : i32
          %parallel_loop3A_143 = arith.constant 15 : i32
          %parallel_loop3A_144 = arith.andi %parallel_loop3A_140, %parallel_loop3A_143 : i32
          %parallel_loop3A_145 = vector.broadcast %parallel_loop3A_144 : i32 to vector<16xi32>
          %parallel_loop3A_146 = arith.addi %iota3A, %parallel_loop3A_145 : vector<16xi32>
          %parallel_loop3A_147 = arith.constant 15 : i32
          %parallel_loop3A_148 = vector.broadcast %parallel_loop3A_147 : i32 to vector<16xi32>
          %parallel_loop3A_149 = arith.andi %parallel_loop3A_146, %parallel_loop3A_148 : vector<16xi32>
          %parallel_loop3A_150 = arith.constant 4 : i32
          %parallel_loop3A_151 = arith.shli %parallel_loop3A_142, %parallel_loop3A_150 : i32
          %parallel_loop3A_152 = vector.broadcast %parallel_loop3A_151 : i32 to vector<16xi32>
          %parallel_loop3A_153 = arith.addi %parallel_loop3A_149, %parallel_loop3A_152 : vector<16xi32>
          %parallel_loop3A_154 = arith.addi %get3A_68, %parallel_loop3A_153 : vector<16xi32>
          %parallel_loop3A_155 = tpu.vector_load_idx %arg7[%add3A_66, %parallel_loop3A_154] : memref<128x128xf32, #tpu.memory_space<vmem>>[vector<16xi32>, vector<16xi32>], vector<16xf32>,
          tpu.vector_store_idx %arg9[%parallel_loop3A_153, %add3A_66], %parallel_loop3A_155 : memref<64x128xf32, #tpu.memory_space<vmem>>[vector<16xi32>, vector<16xi32>], vector<16xf32>,
        } {sc.loop_unroll_factor = 8 : i64, sc.parallel_access}
        %add3A_71 = arith.constant 16 : i32
        %add3A_72 = vector.broadcast %add3A_71 : i32 to vector<16xi32>
        %add3A_73 = arith.addi %iota3A, %add3A_72 : vector<16xi32>
        %get3A_74 = arith.index_cast %scan3A_35 : i32 to index
        %get3A_75 = arith.constant 16 : index
        %get3A_76 = tpu.vector_load %arg6[%get3A_74, %get3A_75] {strides = array<i32>} : memref<200x128xi32, #tpu.memory_space<vmem>>, vector<16xi32>,
        %parallel_loop3A_77 = arith.constant 0 : i32
        %parallel_loop3A_78 = arith.constant 64 : i32
        %parallel_loop3A_79 = arith.constant 1 : i32
        scf.for %parallel_loop3A_140 = %parallel_loop3A_77 to %parallel_loop3A_78 step %parallel_loop3A_79  : i32 {
          %parallel_loop3A_141 = arith.constant 4 : i32
          %parallel_loop3A_142 = arith.shrui %parallel_loop3A_140, %parallel_loop3A_141 : i32
          %parallel_loop3A_143 = arith.constant 15 : i32
          %parallel_loop3A_144 = arith.andi %parallel_loop3A_140, %parallel_loop3A_143 : i32
          %parallel_loop3A_145 = vector.broadcast %parallel_loop3A_144 : i32 to vector<16xi32>
          %parallel_loop3A_146 = arith.addi %iota3A, %parallel_loop3A_145 : vector<16xi32>
          %parallel_loop3A_147 = arith.constant 15 : i32
          %parallel_loop3A_148 = vector.broadcast %parallel_loop3A_147 : i32 to vector<16xi32>
          %parallel_loop3A_149 = arith.andi %parallel_loop3A_146, %parallel_loop3A_148 : vector<16xi32>
          %parallel_loop3A_150 = arith.constant 4 : i32
          %parallel_loop3A_151 = arith.shli %parallel_loop3A_142, %parallel_loop3A_150 : i32
          %parallel_loop3A_152 = vector.broadcast %parallel_loop3A_151 : i32 to vector<16xi32>
          %parallel_loop3A_153 = arith.addi %parallel_loop3A_149, %parallel_loop3A_152 : vector<16xi32>
          %parallel_loop3A_154 = arith.addi %get3A_76, %parallel_loop3A_153 : vector<16xi32>
          %parallel_loop3A_155 = tpu.vector_load_idx %arg7[%add3A_73, %parallel_loop3A_154] : memref<128x128xf32, #tpu.memory_space<vmem>>[vector<16xi32>, vector<16xi32>], vector<16xf32>,
          tpu.vector_store_idx %arg9[%parallel_loop3A_153, %add3A_73], %parallel_loop3A_155 : memref<64x128xf32, #tpu.memory_space<vmem>>[vector<16xi32>, vector<16xi32>], vector<16xf32>,
        } {sc.loop_unroll_factor = 8 : i64, sc.parallel_access}
        %add3A_80 = arith.constant 32 : i32
        %add3A_81 = vector.broadcast %add3A_80 : i32 to vector<16xi32>
        %add3A_82 = arith.addi %iota3A, %add3A_81 : vector<16xi32>
        %get3A_83 = arith.index_cast %scan3A_35 : i32 to index
        %get3A_84 = arith.constant 32 : index
        %get3A_85 = tpu.vector_load %arg6[%get3A_83, %get3A_84] {strides = array<i32>} : memref<200x128xi32, #tpu.memory_space<vmem>>, vector<16xi32>,
        %parallel_loop3A_86 = arith.constant 0 : i32
        %parallel_loop3A_87 = arith.constant 64 : i32
        %parallel_loop3A_88 = arith.constant 1 : i32
        scf.for %parallel_loop3A_140 = %parallel_loop3A_86 to %parallel_loop3A_87 step %parallel_loop3A_88  : i32 {
          %parallel_loop3A_141 = arith.constant 4 : i32
          %parallel_loop3A_142 = arith.shrui %parallel_loop3A_140, %parallel_loop3A_141 : i32
          %parallel_loop3A_143 = arith.constant 15 : i32
          %parallel_loop3A_144 = arith.andi %parallel_loop3A_140, %parallel_loop3A_143 : i32
          %parallel_loop3A_145 = vector.broadcast %parallel_loop3A_144 : i32 to vector<16xi32>
          %parallel_loop3A_146 = arith.addi %iota3A, %parallel_loop3A_145 : vector<16xi32>
          %parallel_loop3A_147 = arith.constant 15 : i32
          %parallel_loop3A_148 = vector.broadcast %parallel_loop3A_147 : i32 to vector<16xi32>
          %parallel_loop3A_149 = arith.andi %parallel_loop3A_146, %parallel_loop3A_148 : vector<16xi32>
          %parallel_loop3A_150 = arith.constant 4 : i32
          %parallel_loop3A_151 = arith.shli %parallel_loop3A_142, %parallel_loop3A_150 : i32
          %parallel_loop3A_152 = vector.broadcast %parallel_loop3A_151 : i32 to vector<16xi32>
          %parallel_loop3A_153 = arith.addi %parallel_loop3A_149, %parallel_loop3A_152 : vector<16xi32>
          %parallel_loop3A_154 = arith.addi %get3A_85, %parallel_loop3A_153 : vector<16xi32>
          %parallel_loop3A_155 = tpu.vector_load_idx %arg7[%add3A_82, %parallel_loop3A_154] : memref<128x128xf32, #tpu.memory_space<vmem>>[vector<16xi32>, vector<16xi32>], vector<16xf32>,
          tpu.vector_store_idx %arg9[%parallel_loop3A_153, %add3A_82], %parallel_loop3A_155 : memref<64x128xf32, #tpu.memory_space<vmem>>[vector<16xi32>, vector<16xi32>], vector<16xf32>,
        } {sc.loop_unroll_factor = 8 : i64, sc.parallel_access}
        %add3A_89 = arith.constant 48 : i32
        %add3A_90 = vector.broadcast %add3A_89 : i32 to vector<16xi32>
        %add3A_91 = arith.addi %iota3A, %add3A_90 : vector<16xi32>
        %get3A_92 = arith.index_cast %scan3A_35 : i32 to index
        %get3A_93 = arith.constant 48 : index
        %get3A_94 = tpu.vector_load %arg6[%get3A_92, %get3A_93] {strides = array<i32>} : memref<200x128xi32, #tpu.memory_space<vmem>>, vector<16xi32>,
        %parallel_loop3A_95 = arith.constant 0 : i32
        %parallel_loop3A_96 = arith.constant 64 : i32
        %parallel_loop3A_97 = arith.constant 1 : i32
        scf.for %parallel_loop3A_140 = %parallel_loop3A_95 to %parallel_loop3A_96 step %parallel_loop3A_97  : i32 {
          %parallel_loop3A_141 = arith.constant 4 : i32
          %parallel_loop3A_142 = arith.shrui %parallel_loop3A_140, %parallel_loop3A_141 : i32
          %parallel_loop3A_143 = arith.constant 15 : i32
          %parallel_loop3A_144 = arith.andi %parallel_loop3A_140, %parallel_loop3A_143 : i32
          %parallel_loop3A_145 = vector.broadcast %parallel_loop3A_144 : i32 to vector<16xi32>
          %parallel_loop3A_146 = arith.addi %iota3A, %parallel_loop3A_145 : vector<16xi32>
          %parallel_loop3A_147 = arith.constant 15 : i32
          %parallel_loop3A_148 = vector.broadcast %parallel_loop3A_147 : i32 to vector<16xi32>
          %parallel_loop3A_149 = arith.andi %parallel_loop3A_146, %parallel_loop3A_148 : vector<16xi32>
          %parallel_loop3A_150 = arith.constant 4 : i32
          %parallel_loop3A_151 = arith.shli %parallel_loop3A_142, %parallel_loop3A_150 : i32
          %parallel_loop3A_152 = vector.broadcast %parallel_loop3A_151 : i32 to vector<16xi32>
          %parallel_loop3A_153 = arith.addi %parallel_loop3A_149, %parallel_loop3A_152 : vector<16xi32>
          %parallel_loop3A_154 = arith.addi %get3A_94, %parallel_loop3A_153 : vector<16xi32>
          %parallel_loop3A_155 = tpu.vector_load_idx %arg7[%add3A_91, %parallel_loop3A_154] : memref<128x128xf32, #tpu.memory_space<vmem>>[vector<16xi32>, vector<16xi32>], vector<16xf32>,
          tpu.vector_store_idx %arg9[%parallel_loop3A_153, %add3A_91], %parallel_loop3A_155 : memref<64x128xf32, #tpu.memory_space<vmem>>[vector<16xi32>, vector<16xi32>], vector<16xf32>,
        } {sc.loop_unroll_factor = 8 : i64, sc.parallel_access}
        %add3A_98 = arith.constant 64 : i32
        %add3A_99 = vector.broadcast %add3A_98 : i32 to vector<16xi32>
        %add3A_100 = arith.addi %iota3A, %add3A_99 : vector<16xi32>
        %get3A_101 = arith.index_cast %scan3A_35 : i32 to index
        %get3A_102 = arith.constant 64 : index
        %get3A_103 = tpu.vector_load %arg6[%get3A_101, %get3A_102] {strides = array<i32>} : memref<200x128xi32, #tpu.memory_space<vmem>>, vector<16xi32>,
        %parallel_loop3A_104 = arith.constant 0 : i32
        %parallel_loop3A_105 = arith.constant 64 : i32
        %parallel_loop3A_106 = arith.constant 1 : i32
        scf.for %parallel_loop3A_140 = %parallel_loop3A_104 to %parallel_loop3A_105 step %parallel_loop3A_106  : i32 {
          %parallel_loop3A_141 = arith.constant 4 : i32
          %parallel_loop3A_142 = arith.shrui %parallel_loop3A_140, %parallel_loop3A_141 : i32
          %parallel_loop3A_143 = arith.constant 15 : i32
          %parallel_loop3A_144 = arith.andi %parallel_loop3A_140, %parallel_loop3A_143 : i32
          %parallel_loop3A_145 = vector.broadcast %parallel_loop3A_144 : i32 to vector<16xi32>
          %parallel_loop3A_146 = arith.addi %iota3A, %parallel_loop3A_145 : vector<16xi32>
          %parallel_loop3A_147 = arith.constant 15 : i32
          %parallel_loop3A_148 = vector.broadcast %parallel_loop3A_147 : i32 to vector<16xi32>
          %parallel_loop3A_149 = arith.andi %parallel_loop3A_146, %parallel_loop3A_148 : vector<16xi32>
          %parallel_loop3A_150 = arith.constant 4 : i32
          %parallel_loop3A_151 = arith.shli %parallel_loop3A_142, %parallel_loop3A_150 : i32
          %parallel_loop3A_152 = vector.broadcast %parallel_loop3A_151 : i32 to vector<16xi32>
          %parallel_loop3A_153 = arith.addi %parallel_loop3A_149, %parallel_loop3A_152 : vector<16xi32>
          %parallel_loop3A_154 = arith.addi %get3A_103, %parallel_loop3A_153 : vector<16xi32>
          %parallel_loop3A_155 = tpu.vector_load_idx %arg7[%add3A_100, %parallel_loop3A_154] : memref<128x128xf32, #tpu.memory_space<vmem>>[vector<16xi32>, vector<16xi32>], vector<16xf32>,
          tpu.vector_store_idx %arg9[%parallel_loop3A_153, %add3A_100], %parallel_loop3A_155 : memref<64x128xf32, #tpu.memory_space<vmem>>[vector<16xi32>, vector<16xi32>], vector<16xf32>,
        } {sc.loop_unroll_factor = 8 : i64, sc.parallel_access}
        %add3A_107 = arith.constant 80 : i32
        %add3A_108 = vector.broadcast %add3A_107 : i32 to vector<16xi32>
        %add3A_109 = arith.addi %iota3A, %add3A_108 : vector<16xi32>
        %get3A_110 = arith.index_cast %scan3A_35 : i32 to index
        %get3A_111 = arith.constant 80 : index
        %get3A_112 = tpu.vector_load %arg6[%get3A_110, %get3A_111] {strides = array<i32>} : memref<200x128xi32, #tpu.memory_space<vmem>>, vector<16xi32>,
        %parallel_loop3A_113 = arith.constant 0 : i32
        %parallel_loop3A_114 = arith.constant 64 : i32
        %parallel_loop3A_115 = arith.constant 1 : i32
        scf.for %parallel_loop3A_140 = %parallel_loop3A_113 to %parallel_loop3A_114 step %parallel_loop3A_115  : i32 {
          %parallel_loop3A_141 = arith.constant 4 : i32
          %parallel_loop3A_142 = arith.shrui %parallel_loop3A_140, %parallel_loop3A_141 : i32
          %parallel_loop3A_143 = arith.constant 15 : i32
          %parallel_loop3A_144 = arith.andi %parallel_loop3A_140, %parallel_loop3A_143 : i32
          %parallel_loop3A_145 = vector.broadcast %parallel_loop3A_144 : i32 to vector<16xi32>
          %parallel_loop3A_146 = arith.addi %iota3A, %parallel_loop3A_145 : vector<16xi32>
          %parallel_loop3A_147 = arith.constant 15 : i32
          %parallel_loop3A_148 = vector.broadcast %parallel_loop3A_147 : i32 to vector<16xi32>
          %parallel_loop3A_149 = arith.andi %parallel_loop3A_146, %parallel_loop3A_148 : vector<16xi32>
          %parallel_loop3A_150 = arith.constant 4 : i32
          %parallel_loop3A_151 = arith.shli %parallel_loop3A_142, %parallel_loop3A_150 : i32
          %parallel_loop3A_152 = vector.broadcast %parallel_loop3A_151 : i32 to vector<16xi32>
          %parallel_loop3A_153 = arith.addi %parallel_loop3A_149, %parallel_loop3A_152 : vector<16xi32>
          %parallel_loop3A_154 = arith.addi %get3A_112, %parallel_loop3A_153 : vector<16xi32>
          %parallel_loop3A_155 = tpu.vector_load_idx %arg7[%add3A_109, %parallel_loop3A_154] : memref<128x128xf32, #tpu.memory_space<vmem>>[vector<16xi32>, vector<16xi32>], vector<16xf32>,
          tpu.vector_store_idx %arg9[%parallel_loop3A_153, %add3A_109], %parallel_loop3A_155 : memref<64x128xf32, #tpu.memory_space<vmem>>[vector<16xi32>, vector<16xi32>], vector<16xf32>,
        } {sc.loop_unroll_factor = 8 : i64, sc.parallel_access}
        %add3A_116 = arith.constant 96 : i32
        %add3A_117 = vector.broadcast %add3A_116 : i32 to vector<16xi32>
        %add3A_118 = arith.addi %iota3A, %add3A_117 : vector<16xi32>
        %get3A_119 = arith.index_cast %scan3A_35 : i32 to index
        %get3A_120 = arith.constant 96 : index
        %get3A_121 = tpu.vector_load %arg6[%get3A_119, %get3A_120] {strides = array<i32>} : memref<200x128xi32, #tpu.memory_space<vmem>>, vector<16xi32>,
        %parallel_loop3A_122 = arith.constant 0 : i32
        %parallel_loop3A_123 = arith.constant 64 : i32
        %parallel_loop3A_124 = arith.constant 1 : i32
        scf.for %parallel_loop3A_140 = %parallel_loop3A_122 to %parallel_loop3A_123 step %parallel_loop3A_124  : i32 {
          %parallel_loop3A_141 = arith.constant 4 : i32
          %parallel_loop3A_142 = arith.shrui %parallel_loop3A_140, %parallel_loop3A_141 : i32
          %parallel_loop3A_143 = arith.constant 15 : i32
          %parallel_loop3A_144 = arith.andi %parallel_loop3A_140, %parallel_loop3A_143 : i32
          %parallel_loop3A_145 = vector.broadcast %parallel_loop3A_144 : i32 to vector<16xi32>
          %parallel_loop3A_146 = arith.addi %iota3A, %parallel_loop3A_145 : vector<16xi32>
          %parallel_loop3A_147 = arith.constant 15 : i32
          %parallel_loop3A_148 = vector.broadcast %parallel_loop3A_147 : i32 to vector<16xi32>
          %parallel_loop3A_149 = arith.andi %parallel_loop3A_146, %parallel_loop3A_148 : vector<16xi32>
          %parallel_loop3A_150 = arith.constant 4 : i32
          %parallel_loop3A_151 = arith.shli %parallel_loop3A_142, %parallel_loop3A_150 : i32
          %parallel_loop3A_152 = vector.broadcast %parallel_loop3A_151 : i32 to vector<16xi32>
          %parallel_loop3A_153 = arith.addi %parallel_loop3A_149, %parallel_loop3A_152 : vector<16xi32>
          %parallel_loop3A_154 = arith.addi %get3A_121, %parallel_loop3A_153 : vector<16xi32>
          %parallel_loop3A_155 = tpu.vector_load_idx %arg7[%add3A_118, %parallel_loop3A_154] : memref<128x128xf32, #tpu.memory_space<vmem>>[vector<16xi32>, vector<16xi32>], vector<16xf32>,
          tpu.vector_store_idx %arg9[%parallel_loop3A_153, %add3A_118], %parallel_loop3A_155 : memref<64x128xf32, #tpu.memory_space<vmem>>[vector<16xi32>, vector<16xi32>], vector<16xf32>,
        } {sc.loop_unroll_factor = 8 : i64, sc.parallel_access}
        %add3A_125 = arith.constant 112 : i32
        %add3A_126 = vector.broadcast %add3A_125 : i32 to vector<16xi32>
        %add3A_127 = arith.addi %iota3A, %add3A_126 : vector<16xi32>
        %get3A_128 = arith.index_cast %scan3A_35 : i32 to index
        %get3A_129 = arith.constant 112 : index
        %get3A_130 = tpu.vector_load %arg6[%get3A_128, %get3A_129] {strides = array<i32>} : memref<200x128xi32, #tpu.memory_space<vmem>>, vector<16xi32>,
        %parallel_loop3A_131 = arith.constant 0 : i32
        %parallel_loop3A_132 = arith.constant 64 : i32
        %parallel_loop3A_133 = arith.constant 1 : i32
        scf.for %parallel_loop3A_140 = %parallel_loop3A_131 to %parallel_loop3A_132 step %parallel_loop3A_133  : i32 {
          %parallel_loop3A_141 = arith.constant 4 : i32
          %parallel_loop3A_142 = arith.shrui %parallel_loop3A_140, %parallel_loop3A_141 : i32
          %parallel_loop3A_143 = arith.constant 15 : i32
          %parallel_loop3A_144 = arith.andi %parallel_loop3A_140, %parallel_loop3A_143 : i32
          %parallel_loop3A_145 = vector.broadcast %parallel_loop3A_144 : i32 to vector<16xi32>
          %parallel_loop3A_146 = arith.addi %iota3A, %parallel_loop3A_145 : vector<16xi32>
          %parallel_loop3A_147 = arith.constant 15 : i32
          %parallel_loop3A_148 = vector.broadcast %parallel_loop3A_147 : i32 to vector<16xi32>
          %parallel_loop3A_149 = arith.andi %parallel_loop3A_146, %parallel_loop3A_148 : vector<16xi32>
          %parallel_loop3A_150 = arith.constant 4 : i32
          %parallel_loop3A_151 = arith.shli %parallel_loop3A_142, %parallel_loop3A_150 : i32
          %parallel_loop3A_152 = vector.broadcast %parallel_loop3A_151 : i32 to vector<16xi32>
          %parallel_loop3A_153 = arith.addi %parallel_loop3A_149, %parallel_loop3A_152 : vector<16xi32>
          %parallel_loop3A_154 = arith.addi %get3A_130, %parallel_loop3A_153 : vector<16xi32>
          %parallel_loop3A_155 = tpu.vector_load_idx %arg7[%add3A_127, %parallel_loop3A_154] : memref<128x128xf32, #tpu.memory_space<vmem>>[vector<16xi32>, vector<16xi32>], vector<16xf32>,
          tpu.vector_store_idx %arg9[%parallel_loop3A_153, %add3A_127], %parallel_loop3A_155 : memref<64x128xf32, #tpu.memory_space<vmem>>[vector<16xi32>, vector<16xi32>], vector<16xf32>,
        } {sc.loop_unroll_factor = 8 : i64, sc.parallel_access}
        %dma_start3A_134 = arith.constant 0 : i32
        %dma_start3A_135 = tpu.memref_slice %arg4[%scan3A_35, %dma_start3A_134, %multiple_of3A] : memref<200x64x4096xf32, #tpu.memory_space<hbm>> -> memref<1x64x128xf32, #tpu.memory_space<hbm>>
        %dma_start3A_136 = tpu.memref_squeeze %dma_start3A_135 : memref<1x64x128xf32, #tpu.memory_space<hbm>> -> memref<64x128xf32, #tpu.memory_space<hbm>>
        %dma_start3A_137 = arith.constant 0 : i32
        %dma_start3A_138 = tpu.memref_slice %arg4[%scan3A_35, %dma_start3A_137, %multiple_of3A] : memref<200x64x4096xf32, #tpu.memory_space<hbm>> -> memref<1x64x128xf32, #tpu.memory_space<hbm>>
        %dma_start3A_139 = tpu.memref_squeeze %dma_start3A_138 : memref<1x64x128xf32, #tpu.memory_space<hbm>> -> memref<64x128xf32, #tpu.memory_space<hbm>>
        tpu.enqueue_dma source(%arg9 : memref<64x128xf32, #tpu.memory_space<vmem>>) target(%dma_start3A_139 : memref<64x128xf32, #tpu.memory_space<hbm>>) target_semaphore(%arg13 : memref<!tpu.dma_semaphore, #tpu.memory_space<semaphore_mem>>)
      } else {
      }
      %rem3A_40 = arith.constant 2 : i32
      %rem3A_41 = arith.remsi %scan3A_35, %rem3A_40 : i32
      %eq3A_42 = arith.constant 1 : i32
      %eq3A_43 = arith.cmpi eq, %rem3A_41, %eq3A_42 : i32
      %convert_element_type3A_44 = arith.extui %eq3A_43 : i1 to i32
      %cond3A_45 = arith.constant 0 : i32
      %cond3A_46 = arith.cmpi ne, %convert_element_type3A_44, %cond3A_45 : i32
      scf.if %cond3A_46 {
        %ge3A = arith.constant 2 : i32
        %ge3A_48 = arith.cmpi sge, %scan3A_35, %ge3A : i32
        %convert_element_type3A_49 = arith.extui %ge3A_48 : i1 to i32
        %cond3A_50 = arith.constant 0 : i32
        %cond3A_51 = arith.cmpi ne, %convert_element_type3A_49, %cond3A_50 : i32
        scf.if %cond3A_51 {
          %sub3A = arith.constant 2 : i32
          %sub3A_140 = arith.subi %scan3A_35, %sub3A : i32
          %dma_wait3A_141 = arith.constant 0 : i32
          %dma_wait3A_142 = tpu.memref_slice %arg4[%sub3A_140, %dma_wait3A_141, %multiple_of3A] : memref<200x64x4096xf32, #tpu.memory_space<hbm>> -> memref<1x64x128xf32, #tpu.memory_space<hbm>>
          %dma_wait3A_143 = tpu.memref_squeeze %dma_wait3A_142 : memref<1x64x128xf32, #tpu.memory_space<hbm>> -> memref<64x128xf32, #tpu.memory_space<hbm>>
          %dma_wait3A_144 = arith.constant 0 : i32
          %dma_wait3A_145 = tpu.memref_slice %arg4[%sub3A_140, %dma_wait3A_144, %multiple_of3A] : memref<200x64x4096xf32, #tpu.memory_space<hbm>> -> memref<1x64x128xf32, #tpu.memory_space<hbm>>
          %dma_wait3A_146 = tpu.memref_squeeze %dma_wait3A_145 : memref<1x64x128xf32, #tpu.memory_space<hbm>> -> memref<64x128xf32, #tpu.memory_space<hbm>>
          tpu.wait_dma2 semaphore(%arg14 : memref<!tpu.dma_semaphore, #tpu.memory_space<semaphore_mem>>) src(%arg10 : memref<64x128xf32, #tpu.memory_space<vmem>>) dst(%dma_wait3A_146 : memref<64x128xf32, #tpu.memory_space<hbm>>)
        } else {
        }
        %add3A_52 = arith.constant 1 : i32
        %add3A_53 = arith.addi %scan3A_35, %add3A_52 : i32
        %lt3A = arith.constant 200 : i32
        %lt3A_54 = arith.cmpi slt, %add3A_53, %lt3A : i32
        %convert_element_type3A_55 = arith.extui %lt3A_54 : i1 to i32
        %cond3A_56 = arith.constant 0 : i32
        %cond3A_57 = arith.cmpi ne, %convert_element_type3A_55, %cond3A_56 : i32
        scf.if %cond3A_57 {
          %add3A_140 = arith.constant 1 : i32
          %add3A_141 = arith.addi %scan3A_35, %add3A_140 : i32
          %dma_start3A_142 = arith.constant 0 : i32
          %dma_start3A_143 = tpu.memref_slice %arg5[%add3A_141, %dma_start3A_142] : memref<200x128xi32, #tpu.memory_space<vmem>> -> memref<1x128xi32, #tpu.memory_space<vmem>>
          %dma_start3A_144 = tpu.memref_squeeze %dma_start3A_143 : memref<1x128xi32, #tpu.memory_space<vmem>> -> memref<128xi32, #tpu.memory_space<vmem>>
          %dma_start3A_145 = arith.constant 0 : i32
          %dma_start3A_146 = arith.constant 0 : i32
          %dma_start3A_147 = tpu.memref_slice %arg3[%dma_start3A_145, %dma_start3A_146] : memref<500000x128xf32, #tpu.memory_space<hbm>> -> memref<500000x128xf32, #tpu.memory_space<hbm>>
          tpu.enqueue_indirect_dma source(%dma_start3A_147 : memref<500000x128xf32, #tpu.memory_space<hbm>>) target(%arg7 : memref<128x128xf32, #tpu.memory_space<vmem>>) offsets(%dma_start3A_144 : memref<128xi32, #tpu.memory_space<vmem>>) semaphore(%arg11 : memref<!tpu.dma_semaphore, #tpu.memory_space<semaphore_mem>>)
        } else {
        }
        %dma_wait3A_58 = arith.constant 0 : i32
        %dma_wait3A_59 = tpu.memref_slice %arg5[%scan3A_35, %dma_wait3A_58] : memref<200x128xi32, #tpu.memory_space<vmem>> -> memref<1x128xi32, #tpu.memory_space<vmem>>
        %dma_wait3A_60 = tpu.memref_squeeze %dma_wait3A_59 : memref<1x128xi32, #tpu.memory_space<vmem>> -> memref<128xi32, #tpu.memory_space<vmem>>
        %dma_wait3A_61 = arith.constant 0 : i32
        %dma_wait3A_62 = arith.constant 0 : i32
        %dma_wait3A_63 = tpu.memref_slice %arg3[%dma_wait3A_61, %dma_wait3A_62] : memref<500000x128xf32, #tpu.memory_space<hbm>> -> memref<500000x128xf32, #tpu.memory_space<hbm>>
        tpu.wait_indirect_dma semaphore(%arg12 : memref<!tpu.dma_semaphore, #tpu.memory_space<semaphore_mem>>) src(%dma_wait3A_63 : memref<500000x128xf32, #tpu.memory_space<hbm>>) dst(%arg8 : memref<128x128xf32, #tpu.memory_space<vmem>>)
        %iota3A = tpu.iota {dimensions = array<i32: 0>} : vector<16xi32>
        %add3A_64 = arith.constant 0 : i32
        %add3A_65 = vector.broadcast %add3A_64 : i32 to vector<16xi32>
        %add3A_66 = arith.addi %iota3A, %add3A_65 : vector<16xi32>
        %get3A = arith.index_cast %scan3A_35 : i32 to index
        %get3A_67 = arith.constant 0 : index
        %get3A_68 = tpu.vector_load %arg6[%get3A, %get3A_67] {strides = array<i32>} : memref<200x128xi32, #tpu.memory_space<vmem>>, vector<16xi32>,
        %parallel_loop3A = arith.constant 0 : i32
        %parallel_loop3A_69 = arith.constant 64 : i32
        %parallel_loop3A_70 = arith.constant 1 : i32
        scf.for %parallel_loop3A_140 = %parallel_loop3A to %parallel_loop3A_69 step %parallel_loop3A_70  : i32 {
          %parallel_loop3A_141 = arith.constant 4 : i32
          %parallel_loop3A_142 = arith.shrui %parallel_loop3A_140, %parallel_loop3A_141 : i32
          %parallel_loop3A_143 = arith.constant 15 : i32
          %parallel_loop3A_144 = arith.andi %parallel_loop3A_140, %parallel_loop3A_143 : i32
          %parallel_loop3A_145 = vector.broadcast %parallel_loop3A_144 : i32 to vector<16xi32>
          %parallel_loop3A_146 = arith.addi %iota3A, %parallel_loop3A_145 : vector<16xi32>
          %parallel_loop3A_147 = arith.constant 15 : i32
          %parallel_loop3A_148 = vector.broadcast %parallel_loop3A_147 : i32 to vector<16xi32>
          %parallel_loop3A_149 = arith.andi %parallel_loop3A_146, %parallel_loop3A_148 : vector<16xi32>
          %parallel_loop3A_150 = arith.constant 4 : i32
          %parallel_loop3A_151 = arith.shli %parallel_loop3A_142, %parallel_loop3A_150 : i32
          %parallel_loop3A_152 = vector.broadcast %parallel_loop3A_151 : i32 to vector<16xi32>
          %parallel_loop3A_153 = arith.addi %parallel_loop3A_149, %parallel_loop3A_152 : vector<16xi32>
          %parallel_loop3A_154 = arith.addi %get3A_68, %parallel_loop3A_153 : vector<16xi32>
          %parallel_loop3A_155 = tpu.vector_load_idx %arg8[%add3A_66, %parallel_loop3A_154] : memref<128x128xf32, #tpu.memory_space<vmem>>[vector<16xi32>, vector<16xi32>], vector<16xf32>,
          tpu.vector_store_idx %arg10[%parallel_loop3A_153, %add3A_66], %parallel_loop3A_155 : memref<64x128xf32, #tpu.memory_space<vmem>>[vector<16xi32>, vector<16xi32>], vector<16xf32>,
        } {sc.loop_unroll_factor = 8 : i64, sc.parallel_access}
        %add3A_71 = arith.constant 16 : i32
        %add3A_72 = vector.broadcast %add3A_71 : i32 to vector<16xi32>
        %add3A_73 = arith.addi %iota3A, %add3A_72 : vector<16xi32>
        %get3A_74 = arith.index_cast %scan3A_35 : i32 to index
        %get3A_75 = arith.constant 16 : index
        %get3A_76 = tpu.vector_load %arg6[%get3A_74, %get3A_75] {strides = array<i32>} : memref<200x128xi32, #tpu.memory_space<vmem>>, vector<16xi32>,
        %parallel_loop3A_77 = arith.constant 0 : i32
        %parallel_loop3A_78 = arith.constant 64 : i32
        %parallel_loop3A_79 = arith.constant 1 : i32
        scf.for %parallel_loop3A_140 = %parallel_loop3A_77 to %parallel_loop3A_78 step %parallel_loop3A_79  : i32 {
          %parallel_loop3A_141 = arith.constant 4 : i32
          %parallel_loop3A_142 = arith.shrui %parallel_loop3A_140, %parallel_loop3A_141 : i32
          %parallel_loop3A_143 = arith.constant 15 : i32
          %parallel_loop3A_144 = arith.andi %parallel_loop3A_140, %parallel_loop3A_143 : i32
          %parallel_loop3A_145 = vector.broadcast %parallel_loop3A_144 : i32 to vector<16xi32>
          %parallel_loop3A_146 = arith.addi %iota3A, %parallel_loop3A_145 : vector<16xi32>
          %parallel_loop3A_147 = arith.constant 15 : i32
          %parallel_loop3A_148 = vector.broadcast %parallel_loop3A_147 : i32 to vector<16xi32>
          %parallel_loop3A_149 = arith.andi %parallel_loop3A_146, %parallel_loop3A_148 : vector<16xi32>
          %parallel_loop3A_150 = arith.constant 4 : i32
          %parallel_loop3A_151 = arith.shli %parallel_loop3A_142, %parallel_loop3A_150 : i32
          %parallel_loop3A_152 = vector.broadcast %parallel_loop3A_151 : i32 to vector<16xi32>
          %parallel_loop3A_153 = arith.addi %parallel_loop3A_149, %parallel_loop3A_152 : vector<16xi32>
          %parallel_loop3A_154 = arith.addi %get3A_76, %parallel_loop3A_153 : vector<16xi32>
          %parallel_loop3A_155 = tpu.vector_load_idx %arg8[%add3A_73, %parallel_loop3A_154] : memref<128x128xf32, #tpu.memory_space<vmem>>[vector<16xi32>, vector<16xi32>], vector<16xf32>,
          tpu.vector_store_idx %arg10[%parallel_loop3A_153, %add3A_73], %parallel_loop3A_155 : memref<64x128xf32, #tpu.memory_space<vmem>>[vector<16xi32>, vector<16xi32>], vector<16xf32>,
        } {sc.loop_unroll_factor = 8 : i64, sc.parallel_access}
        %add3A_80 = arith.constant 32 : i32
        %add3A_81 = vector.broadcast %add3A_80 : i32 to vector<16xi32>
        %add3A_82 = arith.addi %iota3A, %add3A_81 : vector<16xi32>
        %get3A_83 = arith.index_cast %scan3A_35 : i32 to index
        %get3A_84 = arith.constant 32 : index
        %get3A_85 = tpu.vector_load %arg6[%get3A_83, %get3A_84] {strides = array<i32>} : memref<200x128xi32, #tpu.memory_space<vmem>>, vector<16xi32>,
        %parallel_loop3A_86 = arith.constant 0 : i32
        %parallel_loop3A_87 = arith.constant 64 : i32
        %parallel_loop3A_88 = arith.constant 1 : i32
        scf.for %parallel_loop3A_140 = %parallel_loop3A_86 to %parallel_loop3A_87 step %parallel_loop3A_88  : i32 {
          %parallel_loop3A_141 = arith.constant 4 : i32
          %parallel_loop3A_142 = arith.shrui %parallel_loop3A_140, %parallel_loop3A_141 : i32
          %parallel_loop3A_143 = arith.constant 15 : i32
          %parallel_loop3A_144 = arith.andi %parallel_loop3A_140, %parallel_loop3A_143 : i32
          %parallel_loop3A_145 = vector.broadcast %parallel_loop3A_144 : i32 to vector<16xi32>
          %parallel_loop3A_146 = arith.addi %iota3A, %parallel_loop3A_145 : vector<16xi32>
          %parallel_loop3A_147 = arith.constant 15 : i32
          %parallel_loop3A_148 = vector.broadcast %parallel_loop3A_147 : i32 to vector<16xi32>
          %parallel_loop3A_149 = arith.andi %parallel_loop3A_146, %parallel_loop3A_148 : vector<16xi32>
          %parallel_loop3A_150 = arith.constant 4 : i32
          %parallel_loop3A_151 = arith.shli %parallel_loop3A_142, %parallel_loop3A_150 : i32
          %parallel_loop3A_152 = vector.broadcast %parallel_loop3A_151 : i32 to vector<16xi32>
          %parallel_loop3A_153 = arith.addi %parallel_loop3A_149, %parallel_loop3A_152 : vector<16xi32>
          %parallel_loop3A_154 = arith.addi %get3A_85, %parallel_loop3A_153 : vector<16xi32>
          %parallel_loop3A_155 = tpu.vector_load_idx %arg8[%add3A_82, %parallel_loop3A_154] : memref<128x128xf32, #tpu.memory_space<vmem>>[vector<16xi32>, vector<16xi32>], vector<16xf32>,
          tpu.vector_store_idx %arg10[%parallel_loop3A_153, %add3A_82], %parallel_loop3A_155 : memref<64x128xf32, #tpu.memory_space<vmem>>[vector<16xi32>, vector<16xi32>], vector<16xf32>,
        } {sc.loop_unroll_factor = 8 : i64, sc.parallel_access}
        %add3A_89 = arith.constant 48 : i32
        %add3A_90 = vector.broadcast %add3A_89 : i32 to vector<16xi32>
        %add3A_91 = arith.addi %iota3A, %add3A_90 : vector<16xi32>
        %get3A_92 = arith.index_cast %scan3A_35 : i32 to index
        %get3A_93 = arith.constant 48 : index
        %get3A_94 = tpu.vector_load %arg6[%get3A_92, %get3A_93] {strides = array<i32>} : memref<200x128xi32, #tpu.memory_space<vmem>>, vector<16xi32>,
        %parallel_loop3A_95 = arith.constant 0 : i32
        %parallel_loop3A_96 = arith.constant 64 : i32
        %parallel_loop3A_97 = arith.constant 1 : i32
        scf.for %parallel_loop3A_140 = %parallel_loop3A_95 to %parallel_loop3A_96 step %parallel_loop3A_97  : i32 {
          %parallel_loop3A_141 = arith.constant 4 : i32
          %parallel_loop3A_142 = arith.shrui %parallel_loop3A_140, %parallel_loop3A_141 : i32
          %parallel_loop3A_143 = arith.constant 15 : i32
          %parallel_loop3A_144 = arith.andi %parallel_loop3A_140, %parallel_loop3A_143 : i32
          %parallel_loop3A_145 = vector.broadcast %parallel_loop3A_144 : i32 to vector<16xi32>
          %parallel_loop3A_146 = arith.addi %iota3A, %parallel_loop3A_145 : vector<16xi32>
          %parallel_loop3A_147 = arith.constant 15 : i32
          %parallel_loop3A_148 = vector.broadcast %parallel_loop3A_147 : i32 to vector<16xi32>
          %parallel_loop3A_149 = arith.andi %parallel_loop3A_146, %parallel_loop3A_148 : vector<16xi32>
          %parallel_loop3A_150 = arith.constant 4 : i32
          %parallel_loop3A_151 = arith.shli %parallel_loop3A_142, %parallel_loop3A_150 : i32
          %parallel_loop3A_152 = vector.broadcast %parallel_loop3A_151 : i32 to vector<16xi32>
          %parallel_loop3A_153 = arith.addi %parallel_loop3A_149, %parallel_loop3A_152 : vector<16xi32>
          %parallel_loop3A_154 = arith.addi %get3A_94, %parallel_loop3A_153 : vector<16xi32>
          %parallel_loop3A_155 = tpu.vector_load_idx %arg8[%add3A_91, %parallel_loop3A_154] : memref<128x128xf32, #tpu.memory_space<vmem>>[vector<16xi32>, vector<16xi32>], vector<16xf32>,
          tpu.vector_store_idx %arg10[%parallel_loop3A_153, %add3A_91], %parallel_loop3A_155 : memref<64x128xf32, #tpu.memory_space<vmem>>[vector<16xi32>, vector<16xi32>], vector<16xf32>,
        } {sc.loop_unroll_factor = 8 : i64, sc.parallel_access}
        %add3A_98 = arith.constant 64 : i32
        %add3A_99 = vector.broadcast %add3A_98 : i32 to vector<16xi32>
        %add3A_100 = arith.addi %iota3A, %add3A_99 : vector<16xi32>
        %get3A_101 = arith.index_cast %scan3A_35 : i32 to index
        %get3A_102 = arith.constant 64 : index
        %get3A_103 = tpu.vector_load %arg6[%get3A_101, %get3A_102] {strides = array<i32>} : memref<200x128xi32, #tpu.memory_space<vmem>>, vector<16xi32>,
        %parallel_loop3A_104 = arith.constant 0 : i32
        %parallel_loop3A_105 = arith.constant 64 : i32
        %parallel_loop3A_106 = arith.constant 1 : i32
        scf.for %parallel_loop3A_140 = %parallel_loop3A_104 to %parallel_loop3A_105 step %parallel_loop3A_106  : i32 {
          %parallel_loop3A_141 = arith.constant 4 : i32
          %parallel_loop3A_142 = arith.shrui %parallel_loop3A_140, %parallel_loop3A_141 : i32
          %parallel_loop3A_143 = arith.constant 15 : i32
          %parallel_loop3A_144 = arith.andi %parallel_loop3A_140, %parallel_loop3A_143 : i32
          %parallel_loop3A_145 = vector.broadcast %parallel_loop3A_144 : i32 to vector<16xi32>
          %parallel_loop3A_146 = arith.addi %iota3A, %parallel_loop3A_145 : vector<16xi32>
          %parallel_loop3A_147 = arith.constant 15 : i32
          %parallel_loop3A_148 = vector.broadcast %parallel_loop3A_147 : i32 to vector<16xi32>
          %parallel_loop3A_149 = arith.andi %parallel_loop3A_146, %parallel_loop3A_148 : vector<16xi32>
          %parallel_loop3A_150 = arith.constant 4 : i32
          %parallel_loop3A_151 = arith.shli %parallel_loop3A_142, %parallel_loop3A_150 : i32
          %parallel_loop3A_152 = vector.broadcast %parallel_loop3A_151 : i32 to vector<16xi32>
          %parallel_loop3A_153 = arith.addi %parallel_loop3A_149, %parallel_loop3A_152 : vector<16xi32>
          %parallel_loop3A_154 = arith.addi %get3A_103, %parallel_loop3A_153 : vector<16xi32>
          %parallel_loop3A_155 = tpu.vector_load_idx %arg8[%add3A_100, %parallel_loop3A_154] : memref<128x128xf32, #tpu.memory_space<vmem>>[vector<16xi32>, vector<16xi32>], vector<16xf32>,
          tpu.vector_store_idx %arg10[%parallel_loop3A_153, %add3A_100], %parallel_loop3A_155 : memref<64x128xf32, #tpu.memory_space<vmem>>[vector<16xi32>, vector<16xi32>], vector<16xf32>,
        } {sc.loop_unroll_factor = 8 : i64, sc.parallel_access}
        %add3A_107 = arith.constant 80 : i32
        %add3A_108 = vector.broadcast %add3A_107 : i32 to vector<16xi32>
        %add3A_109 = arith.addi %iota3A, %add3A_108 : vector<16xi32>
        %get3A_110 = arith.index_cast %scan3A_35 : i32 to index
        %get3A_111 = arith.constant 80 : index
        %get3A_112 = tpu.vector_load %arg6[%get3A_110, %get3A_111] {strides = array<i32>} : memref<200x128xi32, #tpu.memory_space<vmem>>, vector<16xi32>,
        %parallel_loop3A_113 = arith.constant 0 : i32
        %parallel_loop3A_114 = arith.constant 64 : i32
        %parallel_loop3A_115 = arith.constant 1 : i32
        scf.for %parallel_loop3A_140 = %parallel_loop3A_113 to %parallel_loop3A_114 step %parallel_loop3A_115  : i32 {
          %parallel_loop3A_141 = arith.constant 4 : i32
          %parallel_loop3A_142 = arith.shrui %parallel_loop3A_140, %parallel_loop3A_141 : i32
          %parallel_loop3A_143 = arith.constant 15 : i32
          %parallel_loop3A_144 = arith.andi %parallel_loop3A_140, %parallel_loop3A_143 : i32
          %parallel_loop3A_145 = vector.broadcast %parallel_loop3A_144 : i32 to vector<16xi32>
          %parallel_loop3A_146 = arith.addi %iota3A, %parallel_loop3A_145 : vector<16xi32>
          %parallel_loop3A_147 = arith.constant 15 : i32
          %parallel_loop3A_148 = vector.broadcast %parallel_loop3A_147 : i32 to vector<16xi32>
          %parallel_loop3A_149 = arith.andi %parallel_loop3A_146, %parallel_loop3A_148 : vector<16xi32>
          %parallel_loop3A_150 = arith.constant 4 : i32
          %parallel_loop3A_151 = arith.shli %parallel_loop3A_142, %parallel_loop3A_150 : i32
          %parallel_loop3A_152 = vector.broadcast %parallel_loop3A_151 : i32 to vector<16xi32>
          %parallel_loop3A_153 = arith.addi %parallel_loop3A_149, %parallel_loop3A_152 : vector<16xi32>
          %parallel_loop3A_154 = arith.addi %get3A_112, %parallel_loop3A_153 : vector<16xi32>
          %parallel_loop3A_155 = tpu.vector_load_idx %arg8[%add3A_109, %parallel_loop3A_154] : memref<128x128xf32, #tpu.memory_space<vmem>>[vector<16xi32>, vector<16xi32>], vector<16xf32>,
          tpu.vector_store_idx %arg10[%parallel_loop3A_153, %add3A_109], %parallel_loop3A_155 : memref<64x128xf32, #tpu.memory_space<vmem>>[vector<16xi32>, vector<16xi32>], vector<16xf32>,
        } {sc.loop_unroll_factor = 8 : i64, sc.parallel_access}
        %add3A_116 = arith.constant 96 : i32
        %add3A_117 = vector.broadcast %add3A_116 : i32 to vector<16xi32>
        %add3A_118 = arith.addi %iota3A, %add3A_117 : vector<16xi32>
        %get3A_119 = arith.index_cast %scan3A_35 : i32 to index
        %get3A_120 = arith.constant 96 : index
        %get3A_121 = tpu.vector_load %arg6[%get3A_119, %get3A_120] {strides = array<i32>} : memref<200x128xi32, #tpu.memory_space<vmem>>, vector<16xi32>,
        %parallel_loop3A_122 = arith.constant 0 : i32
        %parallel_loop3A_123 = arith.constant 64 : i32
        %parallel_loop3A_124 = arith.constant 1 : i32
        scf.for %parallel_loop3A_140 = %parallel_loop3A_122 to %parallel_loop3A_123 step %parallel_loop3A_124  : i32 {
          %parallel_loop3A_141 = arith.constant 4 : i32
          %parallel_loop3A_142 = arith.shrui %parallel_loop3A_140, %parallel_loop3A_141 : i32
          %parallel_loop3A_143 = arith.constant 15 : i32
          %parallel_loop3A_144 = arith.andi %parallel_loop3A_140, %parallel_loop3A_143 : i32
          %parallel_loop3A_145 = vector.broadcast %parallel_loop3A_144 : i32 to vector<16xi32>
          %parallel_loop3A_146 = arith.addi %iota3A, %parallel_loop3A_145 : vector<16xi32>
          %parallel_loop3A_147 = arith.constant 15 : i32
          %parallel_loop3A_148 = vector.broadcast %parallel_loop3A_147 : i32 to vector<16xi32>
          %parallel_loop3A_149 = arith.andi %parallel_loop3A_146, %parallel_loop3A_148 : vector<16xi32>
          %parallel_loop3A_150 = arith.constant 4 : i32
          %parallel_loop3A_151 = arith.shli %parallel_loop3A_142, %parallel_loop3A_150 : i32
          %parallel_loop3A_152 = vector.broadcast %parallel_loop3A_151 : i32 to vector<16xi32>
          %parallel_loop3A_153 = arith.addi %parallel_loop3A_149, %parallel_loop3A_152 : vector<16xi32>
          %parallel_loop3A_154 = arith.addi %get3A_121, %parallel_loop3A_153 : vector<16xi32>
          %parallel_loop3A_155 = tpu.vector_load_idx %arg8[%add3A_118, %parallel_loop3A_154] : memref<128x128xf32, #tpu.memory_space<vmem>>[vector<16xi32>, vector<16xi32>], vector<16xf32>,
          tpu.vector_store_idx %arg10[%parallel_loop3A_153, %add3A_118], %parallel_loop3A_155 : memref<64x128xf32, #tpu.memory_space<vmem>>[vector<16xi32>, vector<16xi32>], vector<16xf32>,
        } {sc.loop_unroll_factor = 8 : i64, sc.parallel_access}
        %add3A_125 = arith.constant 112 : i32
        %add3A_126 = vector.broadcast %add3A_125 : i32 to vector<16xi32>
        %add3A_127 = arith.addi %iota3A, %add3A_126 : vector<16xi32>
        %get3A_128 = arith.index_cast %scan3A_35 : i32 to index
        %get3A_129 = arith.constant 112 : index
        %get3A_130 = tpu.vector_load %arg6[%get3A_128, %get3A_129] {strides = array<i32>} : memref<200x128xi32, #tpu.memory_space<vmem>>, vector<16xi32>,
        %parallel_loop3A_131 = arith.constant 0 : i32
        %parallel_loop3A_132 = arith.constant 64 : i32
        %parallel_loop3A_133 = arith.constant 1 : i32
        scf.for %parallel_loop3A_140 = %parallel_loop3A_131 to %parallel_loop3A_132 step %parallel_loop3A_133  : i32 {
          %parallel_loop3A_141 = arith.constant 4 : i32
          %parallel_loop3A_142 = arith.shrui %parallel_loop3A_140, %parallel_loop3A_141 : i32
          %parallel_loop3A_143 = arith.constant 15 : i32
          %parallel_loop3A_144 = arith.andi %parallel_loop3A_140, %parallel_loop3A_143 : i32
          %parallel_loop3A_145 = vector.broadcast %parallel_loop3A_144 : i32 to vector<16xi32>
          %parallel_loop3A_146 = arith.addi %iota3A, %parallel_loop3A_145 : vector<16xi32>
          %parallel_loop3A_147 = arith.constant 15 : i32
          %parallel_loop3A_148 = vector.broadcast %parallel_loop3A_147 : i32 to vector<16xi32>
          %parallel_loop3A_149 = arith.andi %parallel_loop3A_146, %parallel_loop3A_148 : vector<16xi32>
          %parallel_loop3A_150 = arith.constant 4 : i32
          %parallel_loop3A_151 = arith.shli %parallel_loop3A_142, %parallel_loop3A_150 : i32
          %parallel_loop3A_152 = vector.broadcast %parallel_loop3A_151 : i32 to vector<16xi32>
          %parallel_loop3A_153 = arith.addi %parallel_loop3A_149, %parallel_loop3A_152 : vector<16xi32>
          %parallel_loop3A_154 = arith.addi %get3A_130, %parallel_loop3A_153 : vector<16xi32>
          %parallel_loop3A_155 = tpu.vector_load_idx %arg8[%add3A_127, %parallel_loop3A_154] : memref<128x128xf32, #tpu.memory_space<vmem>>[vector<16xi32>, vector<16xi32>], vector<16xf32>,
          tpu.vector_store_idx %arg10[%parallel_loop3A_153, %add3A_127], %parallel_loop3A_155 : memref<64x128xf32, #tpu.memory_space<vmem>>[vector<16xi32>, vector<16xi32>], vector<16xf32>,
        } {sc.loop_unroll_factor = 8 : i64, sc.parallel_access}
        %dma_start3A_134 = arith.constant 0 : i32
        %dma_start3A_135 = tpu.memref_slice %arg4[%scan3A_35, %dma_start3A_134, %multiple_of3A] : memref<200x64x4096xf32, #tpu.memory_space<hbm>> -> memref<1x64x128xf32, #tpu.memory_space<hbm>>
        %dma_start3A_136 = tpu.memref_squeeze %dma_start3A_135 : memref<1x64x128xf32, #tpu.memory_space<hbm>> -> memref<64x128xf32, #tpu.memory_space<hbm>>
        %dma_start3A_137 = arith.constant 0 : i32
        %dma_start3A_138 = tpu.memref_slice %arg4[%scan3A_35, %dma_start3A_137, %multiple_of3A] : memref<200x64x4096xf32, #tpu.memory_space<hbm>> -> memref<1x64x128xf32, #tpu.memory_space<hbm>>
        %dma_start3A_139 = tpu.memref_squeeze %dma_start3A_138 : memref<1x64x128xf32, #tpu.memory_space<hbm>> -> memref<64x128xf32, #tpu.memory_space<hbm>>
        tpu.enqueue_dma source(%arg10 : memref<64x128xf32, #tpu.memory_space<vmem>>) target(%dma_start3A_139 : memref<64x128xf32, #tpu.memory_space<hbm>>) target_semaphore(%arg14 : memref<!tpu.dma_semaphore, #tpu.memory_space<semaphore_mem>>)
      } else {
      }
      %scan3A_47 = arith.constant 0 : i32
      scf.yield %scan3A_47 : i32
    }
    %scan3A_21 = arith.constant 200 : i32
    %dma_wait3A = arith.constant 198 : i32
    %dma_wait3A_22 = arith.constant 0 : i32
    %dma_wait3A_23 = tpu.memref_slice %arg4[%dma_wait3A, %dma_wait3A_22, %multiple_of3A] : memref<200x64x4096xf32, #tpu.memory_space<hbm>> -> memref<1x64x128xf32, #tpu.memory_space<hbm>>
    %dma_wait3A_24 = tpu.memref_squeeze %dma_wait3A_23 : memref<1x64x128xf32, #tpu.memory_space<hbm>> -> memref<64x128xf32, #tpu.memory_space<hbm>>
    %dma_wait3A_25 = arith.constant 0 : i32
    %dma_wait3A_26 = tpu.memref_slice %arg4[%dma_wait3A, %dma_wait3A_25, %multiple_of3A] : memref<200x64x4096xf32, #tpu.memory_space<hbm>> -> memref<1x64x128xf32, #tpu.memory_space<hbm>>
    %dma_wait3A_27 = tpu.memref_squeeze %dma_wait3A_26 : memref<1x64x128xf32, #tpu.memory_space<hbm>> -> memref<64x128xf32, #tpu.memory_space<hbm>>
    tpu.wait_dma2 semaphore(%arg13 : memref<!tpu.dma_semaphore, #tpu.memory_space<semaphore_mem>>) src(%arg9 : memref<64x128xf32, #tpu.memory_space<vmem>>) dst(%dma_wait3A_27 : memref<64x128xf32, #tpu.memory_space<hbm>>)
    %dma_wait3A_28 = arith.constant 199 : i32
    %dma_wait3A_29 = arith.constant 0 : i32
    %dma_wait3A_30 = tpu.memref_slice %arg4[%dma_wait3A_28, %dma_wait3A_29, %multiple_of3A] : memref<200x64x4096xf32, #tpu.memory_space<hbm>> -> memref<1x64x128xf32, #tpu.memory_space<hbm>>
    %dma_wait3A_31 = tpu.memref_squeeze %dma_wait3A_30 : memref<1x64x128xf32, #tpu.memory_space<hbm>> -> memref<64x128xf32, #tpu.memory_space<hbm>>
    %dma_wait3A_32 = arith.constant 0 : i32
    %dma_wait3A_33 = tpu.memref_slice %arg4[%dma_wait3A_28, %dma_wait3A_32, %multiple_of3A] : memref<200x64x4096xf32, #tpu.memory_space<hbm>> -> memref<1x64x128xf32, #tpu.memory_space<hbm>>
    %dma_wait3A_34 = tpu.memref_squeeze %dma_wait3A_33 : memref<1x64x128xf32, #tpu.memory_space<hbm>> -> memref<64x128xf32, #tpu.memory_space<hbm>>
    tpu.wait_dma2 semaphore(%arg14 : memref<!tpu.dma_semaphore, #tpu.memory_space<semaphore_mem>>) src(%arg10 : memref<64x128xf32, #tpu.memory_space<vmem>>) dst(%dma_wait3A_34 : memref<64x128xf32, #tpu.memory_space<hbm>>)
    return
  }
}

</mosaic_0001>

<sc_bundles>
// kernel: kernel.4.cloned.1.call-start
scs
__scs_entry_jumppad:
0x0: {  	(pc) =	sbr.rel $0x88, $3  }
0x1: {  	(tag) =	ssettag $0x0;
	lr =	simm.s32 $0x1  }
0x2: {  	[smem:$0x3F9F] =	sst lr;
	_ =	strace $0xD0000000  }
0x3: {  	_ = 	snop  }
0x4: {  	_ = 	snop  }
0x5: {  	_ = 	snop  }
0x6: {  	_ = 	snop  }
0x7: {  	_ = 	snop  }
__scs_overlays_trampoline_lowered:
0x8: {  	[smem:$0x3FAE] =	sst s0  }
0x9: {  	[smem:$0x3FAF] =	sst s1  }
0xa: {  	[smem:$0x3FB0] =	sst s2  }
0xb: {  	[smem:$0x3FB1] =	sst s3  }
0xc: {  	[smem:$0x3FB2] =	sst s4  }
0xd: {  	[smem:$0x3FB3] =	sst s5  }
0xe: {  	[smem:$0x3FB4] =	sst s6  }
0xf: {  	[smem:$0x3FB5] =	sst s7  }
0x10: {  	[smem:$0x3FB6] =	sst s8  }
0x11: {  	[smem:$0x3FB7] =	sst s9;
	s0 =	simm.s32 @!p0 $0x0  }
0x12: {  	s1 =	sld [smem:$0x3F9D];
	s0 =	simm.s32 @p0 $0x1  }
0x13: {  	[smem:$0x3FB8] =	sst s0;
	s0 =	simm.s32 @!p1 $0x0  }
0x14: {  	s2 =	sld [smem:$0x3F9C];
	s0 =	simm.s32 @p1 $0x1  }
0x15: {  	[smem:$0x3FB9] =	sst s0;
	s0 =	simm.s32 @!p2 $0x0  }
0x16: {  	s3 =	sld [smem:$0x3FDB];
	s0 =	simm.s32 @p2 $0x1  }
0x17: {  	s4 =	simm.s32 $0x1BF5;
	[smem:$0x3FBB] =	sst s0  }
0x18: {  	s0 =	sld [smem:$0x3F9E];
	_ =	swait.ge [sflag:s4], $0x0  }
0x19: {  	s7 =	sld [smem:$0x3F9F]  }
0x1a: {  	s8 =	sadd.s32 $0xFFFFE003, lr  }
0x1b: {  	s9 =	sadd.s32 $0xFFFFFEF7, lr;
	s5 =	simm.s32 $0xFFFFFFFF;
	p2 =	slt.u32 s8, $0xFFFFF086  }
0x1c: {  	p1 =	slt.u32 s9, $0xF7A;
	s5 =	simm.s32 @!p2 $0x0  }
0x1d: {  	s5 =	simm.s32 @p1 $0x1;
	p0 =	seq.s32 s7, s2  }
0x1e: {  	s7 =	smul.u32 @!p0 $0xF7A, s2;
	p2 =	seq.s32 @!p0 s5, $0x0  }
0x1f: {  	s9 =	smul.u32 $0xF7A, s1;
	s8 =	simm.s32 @!p0 $0x1BF5;
	p2 =	por !p2, p0  }
0x20: {  	[sflag:s8] =	ssyncset.s32 @!p0 $0xFFFFF086;
	s6 =	sadd.s32 @!p0 s3, s7;
	s7 =	simm.s32 @!p0 $0x108  }
0x21: {  	s3 =	sadd.s32 s3, s9;
	s6 =	sadd.s32 @!p0 $0x88, s6;
	s7 =	simm.s32 @p2 $0x1082  }
0x22: {  	[simem:s7], [sflag:s8] =	dma.local @!p0 [hbm:s6], $0xF7A  }
0x23: {  	s9 =	sor.u32 $0xD0000000, s2;
	s6 =	simm.s32 $0x108;
	_ =	swait.ge @!p0 [sflag:s8], $0x0  }
0x24: {  	s3 =	sadd.s32 $0x88, s3;
	s6 =	simm.s32 @!p1 $0x1082;
	[sflag:s4] =	ssyncset.s32 $0xFFFFF086  }
0x25: {  	[simem:s6], [sflag:s4] =	dma.local [hbm:s3], $0xF7A  }
0x26: {  	[smem:$0x3F9F] =	sst s1;
	(tag) =	ssettag s2;
	_ =	strace s9  }
0x27: {  	s1 =	sld [smem:$0x3FAF]  }
0x28: {  	s2 =	sld [smem:$0x3FB0]  }
0x29: {  	s4 =	sld [smem:$0x3FB2]  }
0x2a: {  	p0 =	seq.s32 s5, $0x0;
	s5 =	sld [smem:$0x3FB3]  }
0x2b: {  	s6 =	sld [smem:$0x3FB4]  }
0x2c: {  	s7 =	sld [smem:$0x3FB5]  }
0x2d: {  	s3 =	simm.s32 $0x108;
	s8 =	sld [smem:$0x3FB6]  }
0x2e: {  	s3 =	simm.s32 @!p0 $0x1082;
	s9 =	sld [smem:$0x3FB7]  }
0x2f: {  	lr =	sadd.s32 s0, s3;
	s0 =	sld [smem:$0x3FAE]  }
0x30: {  	s3 =	sld [smem:$0x3FB1]  }
0x31: {  	[smem:$0x3FBA] =	sst s10  }
0x32: {  	s10 =	sld [smem:$0x3FB8];
	_ =	sdelay $0x3  }
0x33: {  	p0 =	seq.s32 s10, $0x1;
	s10 =	sld [smem:$0x3FBA];
	_ =	sdelay $0x3  }
0x34: {  	[smem:$0x3FBA] =	sst s10  }
0x35: {  	s10 =	sld [smem:$0x3FB9];
	_ =	sdelay $0x3  }
0x36: {  	p1 =	seq.s32 s10, $0x1;
	s10 =	sld [smem:$0x3FBA];
	_ =	sdelay $0x3  }
0x37: {  	[smem:$0x3FBA] =	sst s10  }
0x38: {  	s10 =	sld [smem:$0x3FBB]  }
0x39: {  	_ = 	snop;
	(pc) =	sbr.ind lr, $3  }
0x3a: {  	_ = 	snop  }
0x3b: {  	_ = 	snop  }
0x3c: {  	p2 =	seq.s32 s10, $0x1;
	s10 =	sld [smem:$0x3FBA]  }
0x3d: {  	_ =	shalt  }
0x3e: {  	_ =	shalt  }
0x3f: {  	_ =	shalt  }
0x40: {  	_ =	shalt  }
0x41: {  	_ =	shalt  }
0x42: {  	_ =	shalt  }
0x43: {  	_ =	shalt  }
0x44: {  	_ =	shalt  }
0x45: {  	_ =	shalt  }
0x46: {  	_ =	shalt  }
0x47: {  	_ =	shalt  }
0x48: {  	_ =	shalt  }
0x49: {  	_ =	shalt  }
0x4a: {  	_ =	shalt  }
0x4b: {  	_ =	shalt  }
0x4c: {  	_ =	shalt  }
0x4d: {  	_ =	shalt  }
0x4e: {  	_ =	shalt  }
0x4f: {  	_ =	shalt  }
0x50: {  	_ =	shalt  }
0x51: {  	_ =	shalt  }
0x52: {  	_ =	shalt  }
0x53: {  	_ =	shalt  }
0x54: {  	_ =	shalt  }
0x55: {  	_ =	shalt  }
0x56: {  	_ =	shalt  }
0x57: {  	_ =	shalt  }
0x58: {  	_ =	shalt  }
0x59: {  	_ =	shalt  }
0x5a: {  	_ =	shalt  }
0x5b: {  	_ =	shalt  }
0x5c: {  	_ =	shalt  }
0x5d: {  	_ =	shalt  }
0x5e: {  	_ =	shalt  }
0x5f: {  	_ =	shalt  }
0x60: {  	_ =	shalt  }
0x61: {  	_ =	shalt  }
0x62: {  	_ =	shalt  }
0x63: {  	_ =	shalt  }
0x64: {  	_ =	shalt  }
0x65: {  	_ =	shalt  }
0x66: {  	_ =	shalt  }
0x67: {  	_ =	shalt  }
0x68: {  	_ =	shalt  }
0x69: {  	_ =	shalt  }
0x6a: {  	_ =	shalt  }
0x6b: {  	_ =	shalt  }
0x6c: {  	_ =	shalt  }
0x6d: {  	_ =	shalt  }
0x6e: {  	_ =	shalt  }
0x6f: {  	_ =	shalt  }
0x70: {  	_ =	shalt  }
0x71: {  	_ =	shalt  }
0x72: {  	_ =	shalt  }
0x73: {  	_ =	shalt  }
0x74: {  	_ =	shalt  }
0x75: {  	_ =	shalt  }
0x76: {  	_ =	shalt  }
0x77: {  	_ =	shalt  }
0x78: {  	_ =	shalt  }
0x79: {  	_ =	shalt  }
0x7a: {  	_ =	shalt  }
0x7b: {  	_ =	shalt  }
0x7c: {  	_ =	shalt  }
0x7d: {  	_ =	shalt  }
0x7e: {  	_ =	shalt  }
0x7f: {  	_ =	shalt  }
0x80: {  	_ =	shalt  }
0x81: {  	_ =	shalt  }
0x82: {  	_ =	shalt  }
0x83: {  	_ =	shalt  }
0x84: {  	_ =	shalt  }
0x85: {  	_ =	shalt  }
0x86: {  	_ =	shalt  }
0x87: {  	_ =	shalt  }
.Lfunc_end0:
.L_simem_size_0:
called_computation_lowered:
.L_overlay_start_0:
0x88: {  	s2 =	sld [smem:$0x3FD9]  }
0x89: {  	s3 =	sld [smem:$0x3FFE];
	_ =	sdelay $0x1  }
0x8a: {  	s1 =	srdreg.scid  }
0x8b: {  	s0 =	sand.u32 $0x1, s1  }
0x8c: {  	s17 =	sshll.u32 s0, $0xA;
	s2 =	sadd.s32 s3, s2  }
0x8d: {  	s2 =	sadd.s32 s2, s17  }
0x8e: {  	[smem:$0x3FC6] =	sst s2  }
0x8f: {  	_ = 	snop  }
0x90: {  	s2 =	sld [smem:$0x3FC8]  }
0x91: {  	s18 =	sld [smem:$0x3FD0];
	(tm) =	ssettm $0x1  }
0x92: {  	s4 =	sld [smem:$0x3FFB];
	_ =	sdelay $0x3  }
0x93: {  	_ =	strace s4  }
0x94: {  	s4 =	sld [smem:$0x3FFC];
	_ =	sdelay $0x3  }
0x95: {  	_ =	strace s4  }
0x96: {  	s4 =	sld [smem:$0x3FFD];
	_ =	sdelay $0x3  }
0x97: {  	_ =	strace s4  }
0x98: {  	_ =	strace $0x8FFFFFFF  }
0x99: {  	s19 =	sld [smem:$0x3FDB];
	_ =	sdelay $0x1  }
0x9a: {  	s5 =	simm.s32 $_scs_section_size  }
0x9b: {  	s6 =	simm.s32 $_size__tile_overlayer_lowered;
	s7 =	simm.s32 $_tile_overlayer_lowered  }
0x9c: {  	s22 =	simm.s32 $0x1BFF;
	s21 =	sshll.u32 s7, $0x1;
	s4 =	sadd.s32 s5, s19  }
0x9d: {  	s8 =	simm.s32 $0x0;
	s20 =	sshll.u32 s6, $0x1;
	s6 =	sadd.s32 s21, s4  }
0x9e: {  	[timem:s8], [sflag:s22] =	dma.local [hbm:s6], s20  }
0x9f: {  	_ =	swait.ge [sflag:s22], s20  }
0xa0: {  	s5 =	ssub.s32 $0x0, s20;
	[sflag:s22] =	ssyncset.done $0x0  }
0xa1: {  	[sflag:s22] =	ssyncadd.s32 s5;
	_ =	sdelay $0x1  }
0xa2: {  	s23 =	simm.s32 $0x1B8B  }
0xa3: {  	_ =	swait.ge [sflag:s23], $0x1  }
0xa4: {  	[sflag:s23] =	ssyncset.done $0x0  }
0xa5: {  	s25 =	simm.s32 $0x1B8E;
	s24 =	sld [smem:$0x3FFE];
	[sflag:s23] =	ssyncadd.s32 $0xFFFFFFFF  }
0xa6: {  	s26 =	simm.s32 $execute0_lowered;
	[smem:$0x3FD2] =	sst s25  }
0xa7: {  	s6 =	sshll.u32 s26, $0x1;
	_ =	strace $0x80000046;
	[dreg:$0x1] =	wrdreg $0xFFFFFFFF  }
0xa8: {  	s28 =	simm.s32 $_size_execute0_lowered;
	s4 =	sadd.s32 s4, s6;
	[dreg:$0x0] =	wrdreg $0x0  }
0xa9: {  	s6 =	sshll.u32 s28, $0x1;
	[dreg:$0x2] =	wrdreg s4  }
0xaa: {  	[dreg:$0x3] =	wrdreg s6  }
0xab: {  	[dreg:$0x4] =	wrdreg $0xC0  }
0xac: {  	_ =	task [dreg:s8], $0x5FFFF  }
0xad: {  	[dreg:$0x1] =	wrdreg $0xFFFFFFFF  }
0xae: {  	[dreg:$0x0] =	wrdreg $0x60  }
0xaf: {  	[dreg:$0x2] =	wrdreg s2  }
0xb0: {  	[dreg:$0x3] =	wrdreg s18  }
0xb1: {  	[dreg:$0x4] =	wrdreg s24  }
0xb2: {  	[dreg:$0x5] =	wrdreg $0x9  }
0xb3: {  	_ =	task.clear_ibuf [dreg:s8], $0x6FFFF;
	_ =	strace $0x90000046  }
0xb4: {  	s29 =	simm.s32 $0x9;
	_ =	strace $0x80000048  }
0xb5: {  	_ =	swait.ge [sflag:s29], $0x1  }
0xb6: {  	[sflag:s29] =	ssyncadd.s32 $0xFFFFFFFF  }
0xb7: {  	_ =	strace $0x90000048  }
0xb8: {  	_ =	sfence  }
0xb9: {  	s30 =	sld [smem:$0x0];
	_ =	sdelay $0x2  }
0xba: {  	s31 =	sshll.u32 s1, $0xD;
	s1 =	sshrl.u32 s1, $0x2  }
0xbb: {  	s3 =	sand.u32 $0x4000, s31;
	s1 =	sadd.s32 s1, s30  }
0xbc: {  	s0 =	sor.u32 s3, s0;
	s1 =	sshll.u32 s1, $0x11  }
0xbd: {  	s0 =	sor.u32 s1, s0  }
0xbe: {  	s0 =	sadd.s32 $0x8F2B, s0  }
0xbf: {  	[sflag:s0] =	ssyncadd.remote.s32 $0x1  }
0xc0: {  	_ =	sfence.sel $0xFFFF  }
0xc1: {  	[dreg:$0x0] =	wrdreg $0xFFFFFFFF;
	(pc) =	sbr.abs _section_cstart, $3  }
0xc2: {  	[dreg:$0x1] =	wrdreg $0xFFFFFFFF  }
0xc3: {  	_ =	task.clear_ibuf [dreg:s8], $0x2FFFF;
	_ =	strace $0x9FFFFFFF  }
0xc4: {  	(tm) =	ssettm $0x7FFFFFFF  }
0xc5: {  	_ =	shalt  }
tec
execute0_lowered:
.L_overlay_start_1:
0x0: {  	(tag) =	ssettag $0x1  }
0x1: {  	v1 =	vimm.s32 $0x39E;
	vm13 =	vcmask $0x300  }
0x2: {  	v0 =	vlaneseq.u32;
	vm14 =	vcmask $0x704;
	vm12 =	vcmask $0xB08  }
0x3: {  	v2 =	vimm.s32 $0x3BE;
	vm11 =	vcmask $0xF0C;
	vm10 =	vcmask $0x1310  }
0x4: {  	vm9 =	vcmask $0x1714;
	vm8 =	vcmask $0x1B18;
	vm7 =	vcmask $0x1F1C  }
0x5: {  	vm6 =	vcmask $0x2320;
	vm5 =	vcmask $0x2724;
	vm4 =	vcmask $0x2B28  }
0x6: {  	vm3 =	vcmask $0x2F2C;
	vm2 =	vcmask $0x3330;
	vm1 =	vcmask $0x3734  }
0x7: {  	vm0 =	vcmask $0x3B38;
	v6 =	vimm.s32 $0x3DE;
	v8 =	vimm.s32 $0x3FE  }
0x8: {  	v9 =	vimm.s32 $0x79E;
	v14 =	vimm.s32 $0x7BE;
	v15 =	vimm.s32 $0x7DE  }
0x9: {  	v16 =	vimm.s32 $0x7FE;
	v1 =	vsel vm13, $0x0, v1;
	v2 =	vsel vm13, $0x20, v2  }
0xa: {  	v7 =	vsel vm13, $0x40, v6;
	v8 =	vsel vm13, $0x60, v8;
	v9 =	vsel vm13, $0x400, v9  }
0xb: {  	v14 =	vsel vm13, $0x420, v14;
	v15 =	vsel vm13, $0x440, v15;
	v16 =	vsel vm13, $0x460, v16  }
0xc: {  	v1 =	vsel vm14, $0x82, v1;
	v2 =	vsel vm14, $0xA2, v2;
	v7 =	vsel vm14, $0xC2, v7  }
0xd: {  	v8 =	vsel vm14, $0xE2, v8;
	v9 =	vsel vm14, $0x482, v9;
	v14 =	vsel vm14, $0x4A2, v14  }
0xe: {  	v15 =	vsel vm14, $0x4C2, v15;
	v16 =	vsel vm14, $0x4E2, v16;
	v1 =	vsel vm12, $0x104, v1  }
0xf: {  	v2 =	vsel vm12, $0x124, v2;
	v7 =	vsel vm12, $0x144, v7;
	v8 =	vsel vm12, $0x164, v8  }
0x10: {  	v9 =	vsel vm12, $0x504, v9;
	v14 =	vsel vm12, $0x524, v14;
	v15 =	vsel vm12, $0x544, v15  }
0x11: {  	v16 =	vsel vm12, $0x564, v16;
	v1 =	vsel vm11, $0x186, v1;
	v2 =	vsel vm11, $0x1A6, v2  }
0x12: {  	v7 =	vsel vm11, $0x1C6, v7;
	v8 =	vsel vm11, $0x1E6, v8;
	v9 =	vsel vm11, $0x586, v9  }
0x13: {  	v14 =	vsel vm11, $0x5A6, v14;
	v15 =	vsel vm11, $0x5C6, v15;
	v16 =	vsel vm11, $0x5E6, v16  }
0x14: {  	v1 =	vsel vm10, $0x208, v1;
	v2 =	vsel vm10, $0x228, v2;
	v7 =	vsel vm10, $0x248, v7  }
0x15: {  	v8 =	vsel vm10, $0x268, v8;
	v9 =	vsel vm10, $0x608, v9;
	v14 =	vsel vm10, $0x628, v14  }
0x16: {  	v15 =	vsel vm10, $0x648, v15;
	v16 =	vsel vm10, $0x668, v16;
	v1 =	vsel vm9, $0x28A, v1  }
0x17: {  	v2 =	vsel vm9, $0x2AA, v2;
	v7 =	vsel vm9, $0x2CA, v7;
	v8 =	vsel vm9, $0x2EA, v8  }
0x18: {  	v9 =	vsel vm9, $0x68A, v9;
	v14 =	vsel vm9, $0x6AA, v14;
	v15 =	vsel vm9, $0x6CA, v15  }
0x19: {  	v16 =	vsel vm9, $0x6EA, v16;
	v1 =	vsel vm8, $0x30C, v1;
	v2 =	vsel vm8, $0x32C, v2  }
0x1a: {  	v7 =	vsel vm8, $0x34C, v7;
	v8 =	vsel vm8, $0x36C, v8;
	v9 =	vsel vm8, $0x70C, v9  }
0x1b: {  	v14 =	vsel vm8, $0x72C, v14;
	v15 =	vsel vm8, $0x74C, v15;
	v16 =	vsel vm8, $0x76C, v16  }
0x1c: {  	v1 =	vsel vm7, $0x38E, v1;
	v2 =	vsel vm7, $0x3AE, v2;
	v7 =	vsel vm7, $0x3CE, v7  }
0x1d: {  	v8 =	vsel vm7, $0x3EE, v8;
	v9 =	vsel vm7, $0x78E, v9;
	v14 =	vsel vm7, $0x7AE, v14  }
0x1e: {  	v15 =	vsel vm7, $0x7CE, v15;
	v16 =	vsel vm7, $0x7EE, v16;
	v1 =	vsel vm6, $0x10, v1  }
0x1f: {  	v2 =	vsel vm6, $0x30, v2;
	v7 =	vsel vm6, $0x50, v7;
	v8 =	vsel vm6, $0x70, v8  }
0x20: {  	v9 =	vsel vm6, $0x410, v9;
	v14 =	vsel vm6, $0x430, v14;
	v15 =	vsel vm6, $0x450, v15  }
0x21: {  	v16 =	vsel vm6, $0x470, v16;
	v1 =	vsel vm5, $0x92, v1;
	v2 =	vsel vm5, $0xB2, v2  }
0x22: {  	v7 =	vsel vm5, $0xD2, v7;
	v8 =	vsel vm5, $0xF2, v8;
	v9 =	vsel vm5, $0x492, v9  }
0x23: {  	v14 =	vsel vm5, $0x4B2, v14;
	v15 =	vsel vm5, $0x4D2, v15;
	v16 =	vsel vm5, $0x4F2, v16  }
0x24: {  	v1 =	vsel vm4, $0x114, v1;
	v2 =	vsel vm4, $0x134, v2;
	v7 =	vsel vm4, $0x154, v7  }
0x25: {  	v8 =	vsel vm4, $0x174, v8;
	v9 =	vsel vm4, $0x514, v9;
	v14 =	vsel vm4, $0x534, v14  }
0x26: {  	v15 =	vsel vm4, $0x554, v15;
	v16 =	vsel vm4, $0x574, v16;
	v1 =	vsel vm3, $0x196, v1  }
0x27: {  	s0 =	rddreg [dreg:$0x0];
	v3 =	vsel vm3, $0x1B6, v2;
	v2 =	vmul.u32 $0x80, v0;
	v7 =	vsel vm3, $0x1D6, v7  }
0x28: {  	s1 =	rddreg [dreg:$0x1];
	v8 =	vsel vm3, $0x1F6, v8;
	v9 =	vsel vm3, $0x596, v9;
	v14 =	vsel vm3, $0x5B6, v14  }
0x29: {  	s3 =	srdreg.scid;
	s2 =	stileid.u32;
	v15 =	vsel vm3, $0x5D6, v15;
	v16 =	vsel vm3, $0x5F6, v16;
	v1 =	vsel vm2, $0x218, v1  }
0x2a: {  	s7 =	rddreg [dreg:$0x2];
	s12 =	simm.s32 $0x7A1400;
	s13 =	simm.s32 $0x2;
	v4 =	vsel vm2, $0x238, v3;
	v3 =	vmul.u32 $0x2, v0;
	v7 =	vsel vm2, $0x258, v7  }
0x2b: {  	s14 =	simm.s32 $0x4000;
	s15 =	simm.s32 $0xC000;
	s16 =	simm.s32 $0x4;
	v10 =	vsel vm2, $0x278, v8;
	v11 =	vsel vm2, $0x618, v9;
	v14 =	vsel vm2, $0x638, v14  }
0x2c: {  	s17 =	simm.s32 $0x3;
	s18 =	simm.s32 $0x1;
	s19 =	simm.s32 $0x8000;
	v15 =	vsel vm2, $0x658, v15;
	v16 =	vsel vm2, $0x678, v16;
	v1 =	vsel vm1, $0x29A, v1  }
0x2d: {  	s20 =	simm.s32 $0x0;
	s5 =	sand.u32 $0x1, s3;
	s4 =	sshll.u32 s2, $0x1;
	v4 =	vsel vm1, $0x2BA, v4;
	v5 =	vor.u32 $0x800, v2;
	v7 =	vsel vm1, $0x2DA, v7  }
0x2e: {  	s3 =	rddreg [dreg:$0x3];
	s6 =	sadd.s32 $0x800, s7;
	s7 =	sadd.s32 $0x7A1800, s7;
	v8 =	vor.u32 $0x1000, v2;
	v10 =	vsel vm1, $0x2FA, v10;
	v13 =	vsel vm1, $0x69A, v11  }
.Ltmp0:
0x2f: {  	s11 =	sor.u32 s5, s4;
	s4 =	simm.s32 $0x0;
	v11 =	vor.u32 $0x1800, v2;
	v14 =	vsel vm1, $0x6BA, v14;
	v15 =	vsel vm1, $0x6DA, v15;
	(pc) =	sbr.rel .LBB2_1-.Ltmp0, $4  }
0x30: {  	s8 =	ssub.s32 $0x2, s5;
	s9 =	smul.u32 $0x7B00, s11;
	[smem:$0x7FF] =	sst s4;
	v16 =	vsel vm1, $0x6FA, v16;
	v1 =	vsel vm0, $0x31C, v1;
	v4 =	vsel vm0, $0x33C, v4  }
0x31: {  	s10 =	sshrl.u32 s8, $0x1;
	s5 =	smul.u32 $0x7B, s11;
	p0 =	sne.s32 s11, $0x0;
	v6 =	vor.u32 $0x20, v3;
	v7 =	vsel vm0, $0x35C, v7;
	v9 =	vor.u32 $0x40, v3  }
0x32: {  	s11 =	simm.s32 $0x800;
	_ =	strace $0x80000047;
	s10 =	ssub.s32 s8, s10;
	v10 =	vsel vm0, $0x37C, v10;
	v12 =	vor.u32 $0x60, v3;
	v13 =	vsel vm0, $0x71C, v13  }
0x33: {  	s8 =	sadd.s32 s0, s9;
	s9 =	sadd.s32 $0x1, s5;
	s10 =	smax.u32 s10, $0x1;
	v14 =	vsel vm0, $0x73C, v14;
	v15 =	vsel vm0, $0x75C, v15;
	v16 =	vsel vm0, $0x77C, v16  }
.LBB2_38:
0x34: {  	s20 =	sadd.s32 $0x1, s20  }
0x35: {  	_ =	swait.ge [sflag:s16], $0x4000;
	p1 =	sne.s32 s20, s10  }
.Ltmp1:
0x36: {  	[sflag:s16] =	ssyncset.done $0x0;
	(pc) =	sbr.rel @!p1 .LBB2_39-.Ltmp1, $4  }
0x37: {  	[sflag:s16] =	ssyncadd.s32 $0xFFFFC000  }
0x38: {  	_ =	swait.ge [sflag:s17], $0x4000  }
0x39: {  	[sflag:s17] =	ssyncset.done $0x0  }
0x3a: {  	[sflag:s17] =	ssyncadd.s32 $0xFFFFC000  }
.LBB2_1:
0x3b: {  	s21 =	simm.s32 @!p0 $0x0;
	s22 =	simm.s32 @!p0 $0x10000;
	s23 =	simm.s32 @!p0 $0x5  }
0x3c: {  	[tilespmem:s22], [sflag:$0x5] =	stream.linear.gather @!p0 [hbm4b:s1+s21], $0x1000, $0x38;
	[tilespmem:$0x11000] =	vst v63  }
0x3d: {  	_ =	swait.ge @!p0 [sflag:s23], $0x1000  }
0x3e: {  	[sflag:s23] =	ssyncset.done @!p0 $0x0  }
0x3f: {  	[sflag:s23] =	ssyncadd.s32 @!p0 $0xFFFFF000  }
0x40: {  	[hbm4b:s7+s21] =	stream.linear.scatter @!p0 [tilespmem:s22], [sflag:$0x5], $0x1000, $0x38;
	[tilespmem:$0x11000] =	vst v63  }
.Ltmp2:
0x41: {  	_ = 	snop;
	(pc) =	sbr.rel .LBB2_2-.Ltmp2, $4  }
0x42: {  	_ =	swait.ge @!p0 [sflag:s23], $0x1000  }
0x43: {  	[sflag:s23] =	ssyncset.done @!p0 $0x0  }
0x44: {  	s21 =	simm.s32 $0x0;
	[sflag:s23] =	ssyncadd.s32 @!p0 $0xFFFFF000  }
0x45: {  	[tilespmem:s4], [sflag:$0x1] =	stream.strided.gather [hbm4b:s8+s11], $0x4000, s12, s11, $0x38;
	[tilespmem:$0x11000] =	vst v63  }
.LBB2_19:
0x46: {  	_ =	sdelay $0x3  }
0x47: {  	v17 =	vld.idx.msk [tilespmem:v33+s4+$0x0], $0xffff  }
0x48: {  	v18 =	vor.u32 v22, v25;
	v62 =	vld.idx.msk [tilespmem:v32+s4+$0x0], $0xffff  }
0x49: {  	v21 =	vor.u32 v21, v25;
	v31 =	vld.idx.msk [tilespmem:v31+s4+$0x0], $0xffff  }
0x4a: {  	v24 =	vor.u32 v24, v25;
	v30 =	vld.idx.msk [tilespmem:v30+s4+$0x0], $0xffff  }
0x4b: {  	v20 =	vor.u32 v20, v25;
	v28 =	vld.idx.msk [tilespmem:v28+s4+$0x0], $0xffff  }
0x4c: {  	v19 =	vor.u32 v19, v25;
	v29 =	vld.idx.msk [tilespmem:v29+s4+$0x0], $0xffff;
	[tilespmem:v27+s19+$0x0] =	vst.idx.msk $0xffff, v17  }
0x4d: {  	v63 =	vld.idx.msk [tilespmem:v26+s4+$0x0], $0xffff;
	v17 =	vor.u32 v23, v25;
	[tilespmem:v18+s19+$0x0] =	vst.idx.msk $0xffff, v62  }
0x4e: {  	s22 =	sadd.s32 s5, s21;
	[tilespmem:v21+s19+$0x0] =	vst.idx.msk $0xffff, v31  }
0x4f: {  	s22 =	sshll.u32 s22, $0x8;
	[tilespmem:v24+s19+$0x0] =	vst.idx.msk $0xffff, v30  }
0x50: {  	s22 =	smin.u32 s22, $0xF4100;
	[tilespmem:v20+s19+$0x0] =	vst.idx.msk $0xffff, v28  }
0x51: {  	s22 =	sshll.u32 s22, $0x3;
	[tilespmem:v19+s19+$0x0] =	vst.idx.msk $0xffff, v29  }
0x52: {  	s22 =	sadd.s32 s6, s22;
	[tilespmem:v17+s19+$0x0] =	vst.idx.msk $0xffff, v63  }
0x53: {  	[hbm4b:s22+s4] =	stream.linear.scatter [tilespmem:s19], [sflag:$0x3], $0x4000, $0x38;
	[tilespmem:$0x11000] =	vst v63  }
.LBB2_37:
0x54: {  	s21 =	sadd.s32 $0x1, s21  }
0x55: {  	p1 =	sne.s32 s21, $0x7B  }
.Ltmp3:
0x56: {  	_ = 	snop;
	(pc) =	sbr.rel @!p1 .LBB2_38-.Ltmp3, $1  }
0x57: {  	_ =	sdelay $0x3  }
.LBB2_2:
0x58: {  	s22 =	sand.u32 $0x1, s21  }
0x59: {  	p2 =	seq.s32 s22, $0x1  }
.Ltmp4:
0x5a: {  	_ = 	snop;
	(pc) =	sbr.rel @!p2 .LBB2_3-.Ltmp4, $2  }
0x5b: {  	_ =	sdelay $0x2  }
0x5c: {  	p1 =	slt.u32 s21, $0x2  }
0x5d: {  	s24 =	simm.s32 $0x0  }
0x5e: {  	s25 =	sand.u32 $0x8, s24  }
0x5f: {  	v17 =	vadd.s32 s25, v0;
	s22 =	sor.u32 $0x1, s25;
	s26 =	sor.u32 $0x2, s25;
	s28 =	sor.u32 $0x7, s25  }
0x60: {  	s30 =	sor.u32 $0x3, s25;
	s29 =	sor.u32 $0x4, s25;
	s31 =	sor.u32 $0x5, s25;
	v25 =	vadd.s32 s22, v0;
	v26 =	vadd.s32 s26, v0;
	v18 =	vadd.s32 s28, v0  }
0x61: {  	s25 =	sor.u32 $0x6, s25;
	v27 =	vadd.s32 s30, v0;
	v28 =	vadd.s32 s29, v0;
	v29 =	vadd.s32 s31, v0  }
0x62: {  	v30 =	vadd.s32 s25, v0;
	v17 =	vand.u32 $0xF, v17;
	v19 =	vand.u32 $0xF, v18  }
0x63: {  	s23 =	simm.s32 $0x0;
	v18 =	vshll.u32 v18, $0x7;
	v21 =	vand.u32 $0xF, v26;
	v22 =	vand.u32 $0xF, v27  }
0x64: {  	s22 =	sand.u32 $0x30, s23;
	v23 =	vand.u32 $0xF, v28;
	v24 =	vand.u32 $0xF, v29;
	v34 =	vand.u32 $0xF, v30  }
0x65: {  	v17 =	vor.u32 s22, v17;
	v26 =	vshll.u32 v26, $0x7;
	v27 =	vshll.u32 v27, $0x7  }
0x66: {  	s28 =	simm.s32 $0x0;
	v28 =	vshll.u32 v28, $0x7;
	v29 =	vshll.u32 v29, $0x7;
	v30 =	vshll.u32 v30, $0x7  }
0x67: {  	s25 =	sand.u32 $0x1, s28;
	v31 =	vor.u32 s22, v19;
	v19 =	vand.u32 $0xF, v25;
	v18 =	vand.u32 $0x380, v18  }
0x68: {  	s26 =	simm.s32 @!p1 $0x4;
	s29 =	sadd.s32 s21, s9;
	v32 =	vor.u32 s25, v3;
	v21 =	vor.u32 s22, v21;
	v20 =	vshll.u32 v31, $0x8  }
0x69: {  	_ =	swait.ge @!p1 [sflag:s26], $0x4000;
	s28 =	sshll.u32 s29, $0x8;
	v39 =	vshll.u32 v17, $0x8;
	v25 =	vshll.u32 v25, $0x7;
	v20 =	vand.u32 $0x3800, v20  }
0x6a: {  	[sflag:s26] =	ssyncset.done @!p1 $0x0;
	s28 =	smin.u32 s28, $0xF4100;
	v26 =	vand.u32 $0x380, v26;
	v27 =	vand.u32 $0x380, v27;
	v18 =	vor.u32 v20, v18  }
0x6b: {  	v28 =	vand.u32 $0x380, v28;
	v29 =	vand.u32 $0x380, v29;
	[sflag:s26] =	ssyncadd.s32 @!p1 $0xFFFFC000;
	s31 =	sadd.s32 s0, s28;
	v33 =	vor.u32 v32, v18  }
0x6c: {  	v30 =	vand.u32 $0x380, v30;
	v35 =	vshll.u32 v21, $0x8;
	v39 =	vand.u32 $0x3800, v39;
	[tilespmem:s23], [sflag:$0x1] =	stream.strided.gather [hbm4b:s31+s11], $0x4000, s12, s11, $0x38;
	[tilespmem:$0x11000] =	vst v63  }
0x6d: {  	v25 =	vand.u32 $0x380, v25;
	v35 =	vand.u32 $0x3800, v35;
	v62 =	vor.u32 s25, v39;
	_ =	swait.ge [sflag:s13], $0x4000  }
0x6e: {  	s30 =	sshll.u32 s25, $0x6;
	v20 =	vor.u32 s22, v22;
	v22 =	vor.u32 s22, v34;
	v18 =	vor.u32 s22, v19;
	[sflag:s13] =	ssyncset.done $0x0  }
0x6f: {  	v19 =	vor.u32 s22, v23;
	v23 =	vor.u32 s22, v24;
	v24 =	vor.u32 s30, v2;
	[sflag:s13] =	ssyncadd.s32 $0xFFFFC000  }
0x70: {  	v26 =	vor.u32 v35, v26;
	v36 =	vshll.u32 v20, $0x8;
	v31 =	vor.u32 v31, v24;
	v33 =	vld.idx.msk [tilespmem:v33+s14+$0x0], $0xffff  }
0x71: {  	v40 =	vshll.u32 v22, $0x8;
	v60 =	vshll.u32 v18, $0x8;
	v37 =	vshll.u32 v19, $0x8  }
0x72: {  	v38 =	vshll.u32 v23, $0x8;
	v36 =	vand.u32 $0x3800, v36;
	v40 =	vand.u32 $0x3800, v40  }
0x73: {  	v34 =	vand.u32 $0x3800, v60;
	v37 =	vand.u32 $0x3800, v37;
	v27 =	vor.u32 v36, v27  }
0x74: {  	v63 =	vor.u32 v40, v30;
	v30 =	vor.u32 v32, v26;
	v25 =	vor.u32 v34, v25  }
0x75: {  	v38 =	vand.u32 $0x3800, v38;
	v28 =	vor.u32 v37, v28;
	[tilespmem:v31+s15+$0x0] =	vst.idx.msk $0xffff, v33;
	v31 =	vor.u32 v32, v25  }
0x76: {  	v61 =	vor.u32 v38, v29;
	v29 =	vor.u32 v32, v27;
	v26 =	vor.u32 v32, v63  }
0x77: {  	s25 =	simm.s32 $0x0;
	v28 =	vor.u32 v32, v28;
	v27 =	vor.u32 v32, v61;
	v25 =	vor.u32 v1, v62  }
.LBB2_21:
0x78: {  	s24 =	sadd.s32 $0x8, s24;
	v18 =	vor.u32 v18, v24;
	v21 =	vor.u32 v21, v24;
	v20 =	vor.u32 v20, v24  }
0x79: {  	v32 =	vor.u32 v19, v24;
	v33 =	vor.u32 v23, v24;
	v34 =	vor.u32 v22, v24;
	s26 =	sand.u32 $0x8, s24;
	p1 =	slt.u32 s24, $0x78  }
0x7a: {  	v35 =	vor.u32 v17, v24;
	v19 =	vadd.s32 s26, v0;
	s28 =	sor.u32 $0x1, s26;
	s29 =	sor.u32 $0x2, s26;
	s30 =	sor.u32 $0x7, s26;
	v17 =	vld.idx.msk [tilespmem:v31+s14+$0x0], $0xffff  }
0x7b: {  	s25 =	sadd.s32 $0x4, s25;
	v31 =	vadd.s32 s28, v0;
	v36 =	vadd.s32 s29, v0;
	s28 =	sor.u32 $0x3, s26;
	s29 =	sor.u32 $0x4, s26;
	v22 =	vadd.s32 s30, v0;
	v23 =	vld.idx.msk [tilespmem:v30+s14+$0x0], $0xffff  }
0x7c: {  	s30 =	sand.u32 $0x30, s25;
	v30 =	vadd.s32 s28, v0;
	v37 =	vadd.s32 s29, v0;
	s28 =	sor.u32 $0x5, s26;
	s26 =	sor.u32 $0x6, s26;
	v24 =	vand.u32 $0xF, v22;
	v29 =	vld.idx.msk [tilespmem:v29+s14+$0x0], $0xffff  }
0x7d: {  	v38 =	vadd.s32 s28, v0;
	v39 =	vadd.s32 s26, v0;
	v40 =	vor.u32 s30, v24;
	v24 =	vld.idx.msk [tilespmem:v28+s14+$0x0], $0xffff  }
0x7e: {  	v22 =	vshll.u32 v22, $0x7;
	s26 =	sshrl.u32 s24, $0x4;
	v28 =	vand.u32 $0xF, v31;
	v41 =	vshll.u32 v40, $0x8;
	v27 =	vld.idx.msk [tilespmem:v27+s14+$0x0], $0xffff  }
0x7f: {  	v42 =	vand.u32 $0xF, v36;
	v22 =	vand.u32 $0x380, v22;
	s26 =	sand.u32 $0x1, s26;
	v41 =	vand.u32 $0x3800, v41;
	v26 =	vld.idx.msk [tilespmem:v26+s14+$0x0], $0xffff  }
0x80: {  	v44 =	vand.u32 $0xF, v30;
	v43 =	vor.u32 s26, v3;
	v22 =	vor.u32 v41, v22;
	v25 =	vld.idx.msk [tilespmem:v25+s14+$0x0], $0xffff;
	[tilespmem:v18+s15+$0x0] =	vst.idx.msk $0xffff, v17  }
0x81: {  	v17 =	vand.u32 $0xF, v37;
	v41 =	vand.u32 $0xF, v38;
	v45 =	vor.u32 v43, v22;
	[tilespmem:v21+s15+$0x0] =	vst.idx.msk $0xffff, v23  }
0x82: {  	v18 =	vor.u32 s30, v28;
	v28 =	vand.u32 $0xF, v39;
	v22 =	vand.u32 $0xF, v19;
	[tilespmem:v20+s15+$0x0] =	vst.idx.msk $0xffff, v29  }
0x83: {  	v21 =	vor.u32 s30, v42;
	v19 =	vor.u32 s30, v17;
	v20 =	vor.u32 s30, v44;
	[tilespmem:v32+s15+$0x0] =	vst.idx.msk $0xffff, v24  }
0x84: {  	v23 =	vor.u32 s30, v41;
	v17 =	vor.u32 s30, v22;
	v22 =	vor.u32 s30, v28;
	[tilespmem:v33+s15+$0x0] =	vst.idx.msk $0xffff, v27  }
0x85: {  	s28 =	sshll.u32 s26, $0x6;
	v28 =	vshll.u32 v21, $0x8;
	v29 =	vshll.u32 v20, $0x8;
	v27 =	vshll.u32 v18, $0x8;
	[tilespmem:v34+s15+$0x0] =	vst.idx.msk $0xffff, v26  }
0x86: {  	v24 =	vor.u32 s28, v2;
	v32 =	vshll.u32 v23, $0x8;
	v26 =	vshll.u32 v19, $0x8;
	v33 =	vld.idx.msk [tilespmem:v45+s14+$0x0], $0xffff;
	[tilespmem:v35+s15+$0x0] =	vst.idx.msk $0xffff, v25  }
0x87: {  	v34 =	vshll.u32 v22, $0x8;
	v25 =	vshll.u32 v17, $0x8;
	v35 =	vor.u32 v40, v24  }
0x88: {  	v36 =	vshll.u32 v36, $0x7;
	v31 =	vshll.u32 v31, $0x7;
	v30 =	vshll.u32 v30, $0x7  }
0x89: {  	v37 =	vshll.u32 v37, $0x7;
	v38 =	vshll.u32 v38, $0x7;
	v39 =	vshll.u32 v39, $0x7  }
0x8a: {  	v28 =	vand.u32 $0x3800, v28;
	v29 =	vand.u32 $0x3800, v29;
	v27 =	vand.u32 $0x3800, v27  }
0x8b: {  	v32 =	vand.u32 $0x3800, v32;
	v26 =	vand.u32 $0x3800, v26;
	v34 =	vand.u32 $0x3800, v34  }
0x8c: {  	v36 =	vand.u32 $0x380, v36;
	v31 =	vand.u32 $0x380, v31;
	v25 =	vand.u32 $0x3800, v25;
	[tilespmem:v35+s15+$0x0] =	vst.idx.msk $0xffff, v33  }
0x8d: {  	v30 =	vand.u32 $0x380, v30;
	v33 =	vand.u32 $0x380, v37;
	v35 =	vand.u32 $0x380, v38  }
.Ltmp5:
0x8e: {  	v28 =	vor.u32 v28, v36;
	v36 =	vand.u32 $0x380, v39;
	v27 =	vor.u32 v27, v31;
	(pc) =	sbr.rel @p1 .LBB2_21-.Ltmp5, $4  }
0x8f: {  	v29 =	vor.u32 v29, v30;
	v26 =	vor.u32 v26, v33;
	v32 =	vor.u32 v32, v35  }
0x90: {  	v31 =	vor.u32 v43, v27;
	v25 =	vor.u32 s26, v25;
	v33 =	vor.u32 v34, v36  }
0x91: {  	v30 =	vor.u32 v43, v28;
	v29 =	vor.u32 v43, v29;
	v28 =	vor.u32 v43, v26  }
0x92: {  	v25 =	vor.u32 v1, v25;
	v27 =	vor.u32 v43, v32;
	v26 =	vor.u32 v43, v33  }
0x93: {  	s24 =	simm.s32 $0x0  }
0x94: {  	v32 =	vor.u32 v18, v24;
	v33 =	vor.u32 v21, v24;
	v34 =	vor.u32 v20, v24;
	s25 =	sand.u32 $0x8, s24  }
0x95: {  	v35 =	vor.u32 v19, v24;
	v36 =	vor.u32 v23, v24;
	v37 =	vor.u32 v22, v24;
	s26 =	sor.u32 $0x1, s25  }
0x96: {  	v38 =	vor.u32 v17, v24;
	v17 =	vadd.s32 s25, v0;
	s28 =	sor.u32 $0x2, s25;
	s29 =	sor.u32 $0x7, s25;
	s30 =	sor.u32 $0x3, s25;
	v39 =	vadd.s32 s26, v0  }
0x97: {  	v24 =	vld.idx.msk [tilespmem:v30+s14+$0x0], $0xffff;
	s31 =	sor.u32 $0x4, s25;
	v40 =	vadd.s32 s28, v0;
	v18 =	vadd.s32 s29, v0;
	v41 =	vadd.s32 s30, v0  }
0x98: {  	v28 =	vld.idx.msk [tilespmem:v28+s14+$0x0], $0xffff;
	v42 =	vadd.s32 s31, v0;
	s29 =	sor.u32 $0x5, s25;
	s25 =	sor.u32 $0x6, s25;
	v17 =	vand.u32 $0xF, v17;
	v19 =	vand.u32 $0xF, v18  }
0x99: {  	v27 =	vld.idx.msk [tilespmem:v27+s14+$0x0], $0xffff;
	v43 =	vadd.s32 s29, v0;
	v44 =	vadd.s32 s25, v0;
	v18 =	vshll.u32 v18, $0x7  }
0x9a: {  	v26 =	vld.idx.msk [tilespmem:v26+s14+$0x0], $0xffff;
	v21 =	vand.u32 $0xF, v40;
	v23 =	vand.u32 $0xF, v41;
	v30 =	vand.u32 $0xF, v42  }
0x9b: {  	v22 =	vld.idx.msk [tilespmem:v31+s14+$0x0], $0xffff;
	s30 =	simm.s32 $0x0;
	v17 =	vor.u32 s22, v17;
	v56 =	vshll.u32 v40, $0x7;
	v57 =	vshll.u32 v41, $0x7  }
0x9c: {  	s25 =	sand.u32 $0x1, s30;
	v45 =	vor.u32 s22, v19;
	v19 =	vand.u32 $0xF, v39;
	v18 =	vand.u32 $0x380, v18  }
0x9d: {  	v46 =	vor.u32 s25, v6;
	v31 =	vand.u32 $0xF, v43;
	v48 =	vand.u32 $0xF, v44;
	[tilespmem:v35+s15+$0x0] =	vst.idx.msk $0xffff, v28  }
0x9e: {  	v21 =	vor.u32 s22, v21;
	v28 =	vshll.u32 v17, $0x8;
	[tilespmem:v36+s15+$0x0] =	vst.idx.msk $0xffff, v27;
	v27 =	vshll.u32 v39, $0x7  }
0x9f: {  	[tilespmem:v37+s15+$0x0] =	vst.idx.msk $0xffff, v26;
	v26 =	vshll.u32 v42, $0x7;
	v58 =	vshll.u32 v43, $0x7;
	v59 =	vshll.u32 v44, $0x7  }
0xa0: {  	[tilespmem:v32+s15+$0x0] =	vst.idx.msk $0xffff, v22;
	s31 =	sshll.u32 s25, $0x6;
	v36 =	vand.u32 $0x380, v56;
	v61 =	vand.u32 $0x380, v57;
	v20 =	vshll.u32 v45, $0x8  }
0xa1: {  	v29 =	vld.idx.msk [tilespmem:v29+s14+$0x0], $0xffff;
	[tilespmem:v33+s15+$0x0] =	vst.idx.msk $0xffff, v24;
	v22 =	vor.u32 s22, v48;
	v24 =	vor.u32 s31, v5;
	v28 =	vand.u32 $0x3800, v28  }
0xa2: {  	v27 =	vand.u32 $0x380, v27;
	v26 =	vand.u32 $0x380, v26;
	v20 =	vand.u32 $0x3800, v20  }
0xa3: {  	v25 =	vld.idx.msk [tilespmem:v25+s14+$0x0], $0xffff;
	v37 =	vand.u32 $0x380, v58;
	v54 =	vshll.u32 v22, $0x8;
	v18 =	vor.u32 v20, v18  }
0xa4: {  	v55 =	vor.u32 v45, v24;
	v63 =	vor.u32 s25, v28;
	v47 =	vor.u32 v46, v18  }
0xa5: {  	v20 =	vor.u32 s22, v23;
	v23 =	vor.u32 s22, v31;
	v31 =	vshll.u32 v21, $0x8  }
0xa6: {  	[tilespmem:v34+s15+$0x0] =	vst.idx.msk $0xffff, v29;
	v34 =	vand.u32 $0x3800, v54;
	v18 =	vor.u32 s22, v19;
	v19 =	vor.u32 s22, v30  }
0xa7: {  	v52 =	vshll.u32 v20, $0x8;
	v53 =	vshll.u32 v23, $0x8;
	v30 =	vshll.u32 v18, $0x8  }
0xa8: {  	[tilespmem:v38+s15+$0x0] =	vst.idx.msk $0xffff, v25;
	v29 =	vshll.u32 v19, $0x8;
	v33 =	vand.u32 $0x3800, v53;
	v25 =	vand.u32 $0x3800, v30  }
0xa9: {  	v30 =	vand.u32 $0x3800, v31;
	v31 =	vand.u32 $0x3800, v52;
	v29 =	vand.u32 $0x3800, v29;
	v60 =	vld.idx.msk [tilespmem:v47+s14+$0x0], $0xffff  }
0xaa: {  	v33 =	vor.u32 v33, v37;
	v25 =	vor.u32 v25, v27;
	v27 =	vor.u32 v30, v36  }
0xab: {  	v30 =	vand.u32 $0x380, v59;
	v62 =	vor.u32 v31, v61;
	v26 =	vor.u32 v29, v26  }
0xac: {  	v31 =	vor.u32 v46, v25;
	v34 =	vor.u32 v34, v30;
	v30 =	vor.u32 v46, v27  }
0xad: {  	v29 =	vor.u32 v46, v62;
	v28 =	vor.u32 v46, v26;
	v25 =	vor.u32 v4, v63  }
0xae: {  	v27 =	vor.u32 v46, v33;
	v26 =	vor.u32 v46, v34;
	[tilespmem:v55+s15+$0x0] =	vst.idx.msk $0xffff, v60  }
.LBB2_23:
0xaf: {  	s24 =	sadd.s32 $0x8, s24;
	v18 =	vor.u32 v18, v24;
	v21 =	vor.u32 v21, v24;
	v20 =	vor.u32 v20, v24  }
0xb0: {  	v32 =	vor.u32 v19, v24;
	v33 =	vor.u32 v23, v24;
	v34 =	vor.u32 v22, v24;
	s22 =	sand.u32 $0x8, s24;
	p1 =	slt.u32 s24, $0x78  }
0xb1: {  	v35 =	vor.u32 v17, v24;
	v19 =	vadd.s32 s22, v0;
	s25 =	sor.u32 $0x1, s22;
	s26 =	sor.u32 $0x2, s22;
	s28 =	sor.u32 $0x7, s22;
	v17 =	vld.idx.msk [tilespmem:v31+s14+$0x0], $0xffff  }
0xb2: {  	s23 =	sadd.s32 $0x4, s23;
	v31 =	vadd.s32 s25, v0;
	v36 =	vadd.s32 s26, v0;
	s25 =	sor.u32 $0x3, s22;
	s26 =	sor.u32 $0x4, s22;
	v22 =	vadd.s32 s28, v0;
	v23 =	vld.idx.msk [tilespmem:v30+s14+$0x0], $0xffff  }
0xb3: {  	s28 =	sand.u32 $0x30, s23;
	v30 =	vadd.s32 s25, v0;
	v37 =	vadd.s32 s26, v0;
	s25 =	sor.u32 $0x5, s22;
	s22 =	sor.u32 $0x6, s22;
	v24 =	vand.u32 $0xF, v22;
	v29 =	vld.idx.msk [tilespmem:v29+s14+$0x0], $0xffff  }
0xb4: {  	v38 =	vadd.s32 s25, v0;
	v39 =	vadd.s32 s22, v0;
	v40 =	vor.u32 s28, v24;
	v24 =	vld.idx.msk [tilespmem:v28+s14+$0x0], $0xffff  }
0xb5: {  	v22 =	vshll.u32 v22, $0x7;
	s22 =	sshrl.u32 s24, $0x4;
	v28 =	vand.u32 $0xF, v31;
	v41 =	vshll.u32 v40, $0x8;
	v27 =	vld.idx.msk [tilespmem:v27+s14+$0x0], $0xffff  }
0xb6: {  	v42 =	vand.u32 $0xF, v36;
	v22 =	vand.u32 $0x380, v22;
	s25 =	sand.u32 $0x1, s22;
	v41 =	vand.u32 $0x3800, v41;
	v26 =	vld.idx.msk [tilespmem:v26+s14+$0x0], $0xffff  }
0xb7: {  	v44 =	vand.u32 $0xF, v30;
	v43 =	vor.u32 s25, v6;
	v22 =	vor.u32 v41, v22;
	v25 =	vld.idx.msk [tilespmem:v25+s14+$0x0], $0xffff;
	[tilespmem:v18+s15+$0x0] =	vst.idx.msk $0xffff, v17  }
0xb8: {  	v17 =	vand.u32 $0xF, v37;
	v41 =	vand.u32 $0xF, v38;
	v45 =	vor.u32 v43, v22;
	[tilespmem:v21+s15+$0x0] =	vst.idx.msk $0xffff, v23  }
0xb9: {  	v18 =	vor.u32 s28, v28;
	v28 =	vand.u32 $0xF, v39;
	v22 =	vand.u32 $0xF, v19;
	[tilespmem:v20+s15+$0x0] =	vst.idx.msk $0xffff, v29  }
0xba: {  	v21 =	vor.u32 s28, v42;
	v19 =	vor.u32 s28, v17;
	v20 =	vor.u32 s28, v44;
	[tilespmem:v32+s15+$0x0] =	vst.idx.msk $0xffff, v24  }
0xbb: {  	v23 =	vor.u32 s28, v41;
	v17 =	vor.u32 s28, v22;
	v22 =	vor.u32 s28, v28;
	[tilespmem:v33+s15+$0x0] =	vst.idx.msk $0xffff, v27  }
0xbc: {  	s22 =	sshll.u32 s25, $0x6;
	v28 =	vshll.u32 v21, $0x8;
	v29 =	vshll.u32 v20, $0x8;
	v27 =	vshll.u32 v18, $0x8;
	[tilespmem:v34+s15+$0x0] =	vst.idx.msk $0xffff, v26  }
0xbd: {  	v24 =	vor.u32 s22, v5;
	v32 =	vshll.u32 v23, $0x8;
	v26 =	vshll.u32 v19, $0x8;
	v33 =	vld.idx.msk [tilespmem:v45+s14+$0x0], $0xffff;
	[tilespmem:v35+s15+$0x0] =	vst.idx.msk $0xffff, v25  }
0xbe: {  	v34 =	vshll.u32 v22, $0x8;
	v25 =	vshll.u32 v17, $0x8;
	v35 =	vor.u32 v40, v24  }
0xbf: {  	v36 =	vshll.u32 v36, $0x7;
	v31 =	vshll.u32 v31, $0x7;
	v30 =	vshll.u32 v30, $0x7  }
0xc0: {  	v37 =	vshll.u32 v37, $0x7;
	v38 =	vshll.u32 v38, $0x7;
	v39 =	vshll.u32 v39, $0x7  }
0xc1: {  	v28 =	vand.u32 $0x3800, v28;
	v29 =	vand.u32 $0x3800, v29;
	v27 =	vand.u32 $0x3800, v27  }
0xc2: {  	v32 =	vand.u32 $0x3800, v32;
	v26 =	vand.u32 $0x3800, v26;
	v34 =	vand.u32 $0x3800, v34  }
0xc3: {  	v36 =	vand.u32 $0x380, v36;
	v31 =	vand.u32 $0x380, v31;
	s22 =	simm.s32 $0x0;
	v25 =	vand.u32 $0x3800, v25;
	[tilespmem:v35+s15+$0x0] =	vst.idx.msk $0xffff, v33  }
0xc4: {  	v30 =	vand.u32 $0x380, v30;
	v33 =	vand.u32 $0x380, v37;
	v35 =	vand.u32 $0x380, v38  }
.Ltmp6:
0xc5: {  	v28 =	vor.u32 v28, v36;
	v36 =	vand.u32 $0x380, v39;
	v27 =	vor.u32 v27, v31;
	(pc) =	sbr.rel @p1 .LBB2_23-.Ltmp6, $4  }
0xc6: {  	v29 =	vor.u32 v29, v30;
	v26 =	vor.u32 v26, v33;
	v32 =	vor.u32 v32, v35  }
0xc7: {  	v31 =	vor.u32 v43, v27;
	v25 =	vor.u32 s25, v25;
	v33 =	vor.u32 v34, v36  }
0xc8: {  	v30 =	vor.u32 v43, v28;
	v29 =	vor.u32 v43, v29;
	v28 =	vor.u32 v43, v26  }
0xc9: {  	v25 =	vor.u32 v4, v25;
	v27 =	vor.u32 v43, v32;
	v26 =	vor.u32 v43, v33  }
0xca: {  	s24 =	simm.s32 $0x0  }
0xcb: {  	v32 =	vor.u32 v18, v24;
	v33 =	vor.u32 v21, v24;
	v34 =	vor.u32 v20, v24;
	s25 =	sand.u32 $0x8, s24  }
0xcc: {  	v35 =	vor.u32 v19, v24;
	v36 =	vor.u32 v23, v24;
	v37 =	vor.u32 v22, v24;
	s23 =	sor.u32 $0x1, s25  }
0xcd: {  	v38 =	vor.u32 v17, v24;
	v17 =	vadd.s32 s25, v0;
	s26 =	sor.u32 $0x2, s25;
	s28 =	sor.u32 $0x7, s25;
	s31 =	sor.u32 $0x3, s25;
	v39 =	vadd.s32 s23, v0  }
0xce: {  	v24 =	vld.idx.msk [tilespmem:v30+s14+$0x0], $0xffff;
	s29 =	sor.u32 $0x4, s25;
	v40 =	vadd.s32 s26, v0;
	v18 =	vadd.s32 s28, v0;
	v41 =	vadd.s32 s31, v0  }
0xcf: {  	v28 =	vld.idx.msk [tilespmem:v28+s14+$0x0], $0xffff;
	v42 =	vadd.s32 s29, v0;
	s29 =	sor.u32 $0x5, s25;
	s25 =	sor.u32 $0x6, s25;
	v17 =	vand.u32 $0xF, v17;
	v19 =	vand.u32 $0xF, v18  }
0xd0: {  	v27 =	vld.idx.msk [tilespmem:v27+s14+$0x0], $0xffff;
	v43 =	vadd.s32 s29, v0;
	v44 =	vadd.s32 s25, v0;
	v18 =	vshll.u32 v18, $0x7  }
0xd1: {  	v26 =	vld.idx.msk [tilespmem:v26+s14+$0x0], $0xffff;
	s23 =	sand.u32 $0x30, s22;
	v21 =	vand.u32 $0xF, v40;
	v23 =	vand.u32 $0xF, v41;
	v30 =	vand.u32 $0xF, v42  }
0xd2: {  	s30 =	simm.s32 $0x0;
	v22 =	vld.idx.msk [tilespmem:v31+s14+$0x0], $0xffff;
	v17 =	vor.u32 s23, v17;
	v56 =	vshll.u32 v40, $0x7;
	v57 =	vshll.u32 v41, $0x7  }
0xd3: {  	s25 =	sand.u32 $0x1, s30;
	v45 =	vor.u32 s23, v19;
	v19 =	vand.u32 $0xF, v39;
	v18 =	vand.u32 $0x380, v18  }
0xd4: {  	v46 =	vor.u32 s25, v9;
	v31 =	vand.u32 $0xF, v43;
	v48 =	vand.u32 $0xF, v44;
	[tilespmem:v35+s15+$0x0] =	vst.idx.msk $0xffff, v28  }
0xd5: {  	v21 =	vor.u32 s23, v21;
	v28 =	vshll.u32 v17, $0x8;
	[tilespmem:v36+s15+$0x0] =	vst.idx.msk $0xffff, v27;
	v27 =	vshll.u32 v39, $0x7  }
0xd6: {  	[tilespmem:v37+s15+$0x0] =	vst.idx.msk $0xffff, v26;
	v26 =	vshll.u32 v42, $0x7;
	v58 =	vshll.u32 v43, $0x7;
	v59 =	vshll.u32 v44, $0x7  }
0xd7: {  	[tilespmem:v32+s15+$0x0] =	vst.idx.msk $0xffff, v22;
	s31 =	sshll.u32 s25, $0x6;
	v36 =	vand.u32 $0x380, v56;
	v61 =	vand.u32 $0x380, v57;
	v20 =	vshll.u32 v45, $0x8  }
0xd8: {  	v29 =	vld.idx.msk [tilespmem:v29+s14+$0x0], $0xffff;
	[tilespmem:v33+s15+$0x0] =	vst.idx.msk $0xffff, v24;
	v22 =	vor.u32 s23, v48;
	v24 =	vor.u32 s31, v8;
	v28 =	vand.u32 $0x3800, v28  }
0xd9: {  	v27 =	vand.u32 $0x380, v27;
	v26 =	vand.u32 $0x380, v26;
	v20 =	vand.u32 $0x3800, v20  }
0xda: {  	v25 =	vld.idx.msk [tilespmem:v25+s14+$0x0], $0xffff;
	v37 =	vand.u32 $0x380, v58;
	v54 =	vshll.u32 v22, $0x8;
	v18 =	vor.u32 v20, v18  }
0xdb: {  	v55 =	vor.u32 v45, v24;
	v63 =	vor.u32 s25, v28;
	v47 =	vor.u32 v46, v18  }
0xdc: {  	v20 =	vor.u32 s23, v23;
	v23 =	vor.u32 s23, v31;
	v31 =	vshll.u32 v21, $0x8  }
0xdd: {  	[tilespmem:v34+s15+$0x0] =	vst.idx.msk $0xffff, v29;
	v34 =	vand.u32 $0x3800, v54;
	v18 =	vor.u32 s23, v19;
	v19 =	vor.u32 s23, v30  }
0xde: {  	v52 =	vshll.u32 v20, $0x8;
	v53 =	vshll.u32 v23, $0x8;
	v30 =	vshll.u32 v18, $0x8  }
0xdf: {  	[tilespmem:v38+s15+$0x0] =	vst.idx.msk $0xffff, v25;
	v29 =	vshll.u32 v19, $0x8;
	v33 =	vand.u32 $0x3800, v53;
	v25 =	vand.u32 $0x3800, v30  }
0xe0: {  	v30 =	vand.u32 $0x3800, v31;
	v31 =	vand.u32 $0x3800, v52;
	v29 =	vand.u32 $0x3800, v29;
	v60 =	vld.idx.msk [tilespmem:v47+s14+$0x0], $0xffff  }
0xe1: {  	v33 =	vor.u32 v33, v37;
	v25 =	vor.u32 v25, v27;
	v27 =	vor.u32 v30, v36  }
0xe2: {  	v30 =	vand.u32 $0x380, v59;
	v62 =	vor.u32 v31, v61;
	v26 =	vor.u32 v29, v26  }
0xe3: {  	v31 =	vor.u32 v46, v25;
	v34 =	vor.u32 v34, v30;
	v30 =	vor.u32 v46, v27  }
0xe4: {  	v29 =	vor.u32 v46, v62;
	v28 =	vor.u32 v46, v26;
	v25 =	vor.u32 v7, v63  }
0xe5: {  	s25 =	simm.s32 $0x0;
	v27 =	vor.u32 v46, v33;
	v26 =	vor.u32 v46, v34;
	[tilespmem:v55+s15+$0x0] =	vst.idx.msk $0xffff, v60  }
.LBB2_25:
0xe6: {  	s24 =	sadd.s32 $0x8, s24;
	v18 =	vor.u32 v18, v24;
	v21 =	vor.u32 v21, v24;
	v20 =	vor.u32 v20, v24  }
0xe7: {  	v32 =	vor.u32 v19, v24;
	v33 =	vor.u32 v23, v24;
	v34 =	vor.u32 v22, v24;
	s26 =	sand.u32 $0x8, s24;
	p1 =	slt.u32 s24, $0x78  }
0xe8: {  	v35 =	vor.u32 v17, v24;
	v19 =	vadd.s32 s26, v0;
	s28 =	sor.u32 $0x1, s26;
	s29 =	sor.u32 $0x2, s26;
	s30 =	sor.u32 $0x7, s26;
	v17 =	vld.idx.msk [tilespmem:v31+s14+$0x0], $0xffff  }
0xe9: {  	s25 =	sadd.s32 $0x4, s25;
	v31 =	vadd.s32 s28, v0;
	v36 =	vadd.s32 s29, v0;
	s28 =	sor.u32 $0x3, s26;
	s29 =	sor.u32 $0x4, s26;
	v22 =	vadd.s32 s30, v0;
	v23 =	vld.idx.msk [tilespmem:v30+s14+$0x0], $0xffff  }
0xea: {  	s30 =	sand.u32 $0x30, s25;
	v30 =	vadd.s32 s28, v0;
	v37 =	vadd.s32 s29, v0;
	s28 =	sor.u32 $0x5, s26;
	s26 =	sor.u32 $0x6, s26;
	v24 =	vand.u32 $0xF, v22;
	v29 =	vld.idx.msk [tilespmem:v29+s14+$0x0], $0xffff  }
0xeb: {  	v38 =	vadd.s32 s28, v0;
	v39 =	vadd.s32 s26, v0;
	v40 =	vor.u32 s30, v24;
	v24 =	vld.idx.msk [tilespmem:v28+s14+$0x0], $0xffff  }
0xec: {  	v22 =	vshll.u32 v22, $0x7;
	s26 =	sshrl.u32 s24, $0x4;
	v28 =	vand.u32 $0xF, v31;
	v41 =	vshll.u32 v40, $0x8;
	v27 =	vld.idx.msk [tilespmem:v27+s14+$0x0], $0xffff  }
0xed: {  	v42 =	vand.u32 $0xF, v36;
	v22 =	vand.u32 $0x380, v22;
	s26 =	sand.u32 $0x1, s26;
	v41 =	vand.u32 $0x3800, v41;
	v26 =	vld.idx.msk [tilespmem:v26+s14+$0x0], $0xffff  }
0xee: {  	v44 =	vand.u32 $0xF, v30;
	v43 =	vor.u32 s26, v9;
	v22 =	vor.u32 v41, v22;
	v25 =	vld.idx.msk [tilespmem:v25+s14+$0x0], $0xffff;
	[tilespmem:v18+s15+$0x0] =	vst.idx.msk $0xffff, v17  }
0xef: {  	v17 =	vand.u32 $0xF, v37;
	v41 =	vand.u32 $0xF, v38;
	v45 =	vor.u32 v43, v22;
	[tilespmem:v21+s15+$0x0] =	vst.idx.msk $0xffff, v23  }
0xf0: {  	v18 =	vor.u32 s30, v28;
	v28 =	vand.u32 $0xF, v39;
	v22 =	vand.u32 $0xF, v19;
	[tilespmem:v20+s15+$0x0] =	vst.idx.msk $0xffff, v29  }
0xf1: {  	v21 =	vor.u32 s30, v42;
	v19 =	vor.u32 s30, v17;
	v20 =	vor.u32 s30, v44;
	[tilespmem:v32+s15+$0x0] =	vst.idx.msk $0xffff, v24  }
0xf2: {  	v23 =	vor.u32 s30, v41;
	v17 =	vor.u32 s30, v22;
	v22 =	vor.u32 s30, v28;
	[tilespmem:v33+s15+$0x0] =	vst.idx.msk $0xffff, v27  }
0xf3: {  	s28 =	sshll.u32 s26, $0x6;
	v28 =	vshll.u32 v21, $0x8;
	v29 =	vshll.u32 v20, $0x8;
	v27 =	vshll.u32 v18, $0x8;
	[tilespmem:v34+s15+$0x0] =	vst.idx.msk $0xffff, v26  }
0xf4: {  	v24 =	vor.u32 s28, v8;
	v32 =	vshll.u32 v23, $0x8;
	v26 =	vshll.u32 v19, $0x8;
	v33 =	vld.idx.msk [tilespmem:v45+s14+$0x0], $0xffff;
	[tilespmem:v35+s15+$0x0] =	vst.idx.msk $0xffff, v25  }
0xf5: {  	v34 =	vshll.u32 v22, $0x8;
	v25 =	vshll.u32 v17, $0x8;
	v35 =	vor.u32 v40, v24  }
0xf6: {  	v36 =	vshll.u32 v36, $0x7;
	v31 =	vshll.u32 v31, $0x7;
	v30 =	vshll.u32 v30, $0x7  }
0xf7: {  	v37 =	vshll.u32 v37, $0x7;
	v38 =	vshll.u32 v38, $0x7;
	v39 =	vshll.u32 v39, $0x7  }
0xf8: {  	v28 =	vand.u32 $0x3800, v28;
	v29 =	vand.u32 $0x3800, v29;
	v27 =	vand.u32 $0x3800, v27  }
0xf9: {  	v32 =	vand.u32 $0x3800, v32;
	v26 =	vand.u32 $0x3800, v26;
	v34 =	vand.u32 $0x3800, v34  }
0xfa: {  	v36 =	vand.u32 $0x380, v36;
	v31 =	vand.u32 $0x380, v31;
	v25 =	vand.u32 $0x3800, v25;
	[tilespmem:v35+s15+$0x0] =	vst.idx.msk $0xffff, v33  }
0xfb: {  	v30 =	vand.u32 $0x380, v30;
	v33 =	vand.u32 $0x380, v37;
	v35 =	vand.u32 $0x380, v38  }
.Ltmp7:
0xfc: {  	v28 =	vor.u32 v28, v36;
	v36 =	vand.u32 $0x380, v39;
	v27 =	vor.u32 v27, v31;
	(pc) =	sbr.rel @p1 .LBB2_25-.Ltmp7, $4  }
0xfd: {  	v29 =	vor.u32 v29, v30;
	v26 =	vor.u32 v26, v33;
	v32 =	vor.u32 v32, v35  }
0xfe: {  	v31 =	vor.u32 v43, v27;
	v25 =	vor.u32 s26, v25;
	v33 =	vor.u32 v34, v36  }
0xff: {  	v30 =	vor.u32 v43, v28;
	v29 =	vor.u32 v43, v29;
	v28 =	vor.u32 v43, v26  }
0x100: {  	v25 =	vor.u32 v7, v25;
	v27 =	vor.u32 v43, v32;
	v26 =	vor.u32 v43, v33  }
0x101: {  	s24 =	simm.s32 $0x0  }
0x102: {  	v32 =	vor.u32 v18, v24;
	v33 =	vor.u32 v21, v24;
	v34 =	vor.u32 v20, v24;
	s25 =	sand.u32 $0x8, s24  }
0x103: {  	v35 =	vor.u32 v19, v24;
	v36 =	vor.u32 v23, v24;
	v37 =	vor.u32 v22, v24;
	s26 =	sor.u32 $0x1, s25  }
0x104: {  	v38 =	vor.u32 v17, v24;
	v17 =	vadd.s32 s25, v0;
	s28 =	sor.u32 $0x2, s25;
	s29 =	sor.u32 $0x7, s25;
	s30 =	sor.u32 $0x3, s25;
	v39 =	vadd.s32 s26, v0  }
0x105: {  	v24 =	vld.idx.msk [tilespmem:v30+s14+$0x0], $0xffff;
	s31 =	sor.u32 $0x4, s25;
	v40 =	vadd.s32 s28, v0;
	v18 =	vadd.s32 s29, v0;
	v41 =	vadd.s32 s30, v0  }
0x106: {  	v28 =	vld.idx.msk [tilespmem:v28+s14+$0x0], $0xffff;
	v42 =	vadd.s32 s31, v0;
	s29 =	sor.u32 $0x5, s25;
	s25 =	sor.u32 $0x6, s25;
	v17 =	vand.u32 $0xF, v17;
	v19 =	vand.u32 $0xF, v18  }
0x107: {  	v27 =	vld.idx.msk [tilespmem:v27+s14+$0x0], $0xffff;
	v43 =	vadd.s32 s29, v0;
	v44 =	vadd.s32 s25, v0;
	v18 =	vshll.u32 v18, $0x7  }
0x108: {  	v26 =	vld.idx.msk [tilespmem:v26+s14+$0x0], $0xffff;
	v21 =	vand.u32 $0xF, v40;
	v23 =	vand.u32 $0xF, v41;
	v30 =	vand.u32 $0xF, v42  }
0x109: {  	v22 =	vld.idx.msk [tilespmem:v31+s14+$0x0], $0xffff;
	s30 =	simm.s32 $0x0;
	v17 =	vor.u32 s23, v17;
	v56 =	vshll.u32 v40, $0x7;
	v57 =	vshll.u32 v41, $0x7  }
0x10a: {  	s25 =	sand.u32 $0x1, s30;
	v45 =	vor.u32 s23, v19;
	v19 =	vand.u32 $0xF, v39;
	v18 =	vand.u32 $0x380, v18  }
0x10b: {  	v46 =	vor.u32 s25, v12;
	v31 =	vand.u32 $0xF, v43;
	v48 =	vand.u32 $0xF, v44;
	[tilespmem:v35+s15+$0x0] =	vst.idx.msk $0xffff, v28  }
0x10c: {  	v21 =	vor.u32 s23, v21;
	v28 =	vshll.u32 v17, $0x8;
	[tilespmem:v36+s15+$0x0] =	vst.idx.msk $0xffff, v27;
	v27 =	vshll.u32 v39, $0x7  }
0x10d: {  	[tilespmem:v37+s15+$0x0] =	vst.idx.msk $0xffff, v26;
	v26 =	vshll.u32 v42, $0x7;
	v58 =	vshll.u32 v43, $0x7;
	v59 =	vshll.u32 v44, $0x7  }
0x10e: {  	[tilespmem:v32+s15+$0x0] =	vst.idx.msk $0xffff, v22;
	s31 =	sshll.u32 s25, $0x6;
	v36 =	vand.u32 $0x380, v56;
	v61 =	vand.u32 $0x380, v57;
	v20 =	vshll.u32 v45, $0x8  }
0x10f: {  	v29 =	vld.idx.msk [tilespmem:v29+s14+$0x0], $0xffff;
	[tilespmem:v33+s15+$0x0] =	vst.idx.msk $0xffff, v24;
	v22 =	vor.u32 s23, v48;
	v24 =	vor.u32 s31, v11;
	v28 =	vand.u32 $0x3800, v28  }
0x110: {  	v27 =	vand.u32 $0x380, v27;
	v26 =	vand.u32 $0x380, v26;
	v20 =	vand.u32 $0x3800, v20  }
0x111: {  	v25 =	vld.idx.msk [tilespmem:v25+s14+$0x0], $0xffff;
	v37 =	vand.u32 $0x380, v58;
	v54 =	vshll.u32 v22, $0x8;
	v18 =	vor.u32 v20, v18  }
0x112: {  	v55 =	vor.u32 v45, v24;
	v63 =	vor.u32 s25, v28;
	v47 =	vor.u32 v46, v18  }
0x113: {  	v20 =	vor.u32 s23, v23;
	v23 =	vor.u32 s23, v31;
	v31 =	vshll.u32 v21, $0x8  }
0x114: {  	[tilespmem:v34+s15+$0x0] =	vst.idx.msk $0xffff, v29;
	v34 =	vand.u32 $0x3800, v54;
	v18 =	vor.u32 s23, v19;
	v19 =	vor.u32 s23, v30  }
0x115: {  	v52 =	vshll.u32 v20, $0x8;
	v53 =	vshll.u32 v23, $0x8;
	v30 =	vshll.u32 v18, $0x8  }
0x116: {  	[tilespmem:v38+s15+$0x0] =	vst.idx.msk $0xffff, v25;
	v29 =	vshll.u32 v19, $0x8;
	v33 =	vand.u32 $0x3800, v53;
	v25 =	vand.u32 $0x3800, v30  }
0x117: {  	v30 =	vand.u32 $0x3800, v31;
	v31 =	vand.u32 $0x3800, v52;
	v29 =	vand.u32 $0x3800, v29;
	v60 =	vld.idx.msk [tilespmem:v47+s14+$0x0], $0xffff  }
0x118: {  	v33 =	vor.u32 v33, v37;
	v25 =	vor.u32 v25, v27;
	v27 =	vor.u32 v30, v36  }
0x119: {  	v30 =	vand.u32 $0x380, v59;
	v62 =	vor.u32 v31, v61;
	v26 =	vor.u32 v29, v26  }
0x11a: {  	v31 =	vor.u32 v46, v25;
	v34 =	vor.u32 v34, v30;
	v30 =	vor.u32 v46, v27  }
0x11b: {  	v29 =	vor.u32 v46, v62;
	v28 =	vor.u32 v46, v26;
	v25 =	vor.u32 v10, v63  }
0x11c: {  	v27 =	vor.u32 v46, v33;
	v26 =	vor.u32 v46, v34;
	[tilespmem:v55+s15+$0x0] =	vst.idx.msk $0xffff, v60  }
.LBB2_27:
0x11d: {  	s24 =	sadd.s32 $0x8, s24;
	v18 =	vor.u32 v18, v24;
	v21 =	vor.u32 v21, v24;
	v20 =	vor.u32 v20, v24  }
0x11e: {  	v32 =	vor.u32 v19, v24;
	v33 =	vor.u32 v23, v24;
	v34 =	vor.u32 v22, v24;
	s23 =	sand.u32 $0x8, s24;
	p1 =	slt.u32 s24, $0x78  }
0x11f: {  	v35 =	vor.u32 v17, v24;
	v19 =	vadd.s32 s23, v0;
	s25 =	sor.u32 $0x1, s23;
	s26 =	sor.u32 $0x2, s23;
	s28 =	sor.u32 $0x7, s23;
	v17 =	vld.idx.msk [tilespmem:v31+s14+$0x0], $0xffff  }
0x120: {  	s22 =	sadd.s32 $0x4, s22;
	v31 =	vadd.s32 s25, v0;
	v36 =	vadd.s32 s26, v0;
	s25 =	sor.u32 $0x3, s23;
	s26 =	sor.u32 $0x4, s23;
	v22 =	vadd.s32 s28, v0;
	v23 =	vld.idx.msk [tilespmem:v30+s14+$0x0], $0xffff  }
0x121: {  	s28 =	sand.u32 $0x30, s22;
	v30 =	vadd.s32 s25, v0;
	v37 =	vadd.s32 s26, v0;
	s25 =	sor.u32 $0x5, s23;
	s23 =	sor.u32 $0x6, s23;
	v24 =	vand.u32 $0xF, v22;
	v29 =	vld.idx.msk [tilespmem:v29+s14+$0x0], $0xffff  }
0x122: {  	v38 =	vadd.s32 s25, v0;
	v39 =	vadd.s32 s23, v0;
	v40 =	vor.u32 s28, v24;
	v24 =	vld.idx.msk [tilespmem:v28+s14+$0x0], $0xffff  }
0x123: {  	v22 =	vshll.u32 v22, $0x7;
	s23 =	sshrl.u32 s24, $0x4;
	v28 =	vand.u32 $0xF, v31;
	v41 =	vshll.u32 v40, $0x8;
	v27 =	vld.idx.msk [tilespmem:v27+s14+$0x0], $0xffff  }
0x124: {  	v42 =	vand.u32 $0xF, v36;
	v22 =	vand.u32 $0x380, v22;
	s25 =	sand.u32 $0x1, s23;
	v41 =	vand.u32 $0x3800, v41;
	v26 =	vld.idx.msk [tilespmem:v26+s14+$0x0], $0xffff  }
0x125: {  	v44 =	vand.u32 $0xF, v30;
	v43 =	vor.u32 s25, v12;
	v22 =	vor.u32 v41, v22;
	v25 =	vld.idx.msk [tilespmem:v25+s14+$0x0], $0xffff;
	[tilespmem:v18+s15+$0x0] =	vst.idx.msk $0xffff, v17  }
0x126: {  	v17 =	vand.u32 $0xF, v37;
	v41 =	vand.u32 $0xF, v38;
	v45 =	vor.u32 v43, v22;
	[tilespmem:v21+s15+$0x0] =	vst.idx.msk $0xffff, v23  }
0x127: {  	v18 =	vor.u32 s28, v28;
	v28 =	vand.u32 $0xF, v39;
	v22 =	vand.u32 $0xF, v19;
	[tilespmem:v20+s15+$0x0] =	vst.idx.msk $0xffff, v29  }
0x128: {  	v21 =	vor.u32 s28, v42;
	v19 =	vor.u32 s28, v17;
	v20 =	vor.u32 s28, v44;
	[tilespmem:v32+s15+$0x0] =	vst.idx.msk $0xffff, v24  }
0x129: {  	v23 =	vor.u32 s28, v41;
	v17 =	vor.u32 s28, v22;
	v22 =	vor.u32 s28, v28;
	[tilespmem:v33+s15+$0x0] =	vst.idx.msk $0xffff, v27  }
0x12a: {  	s23 =	sshll.u32 s25, $0x6;
	v28 =	vshll.u32 v21, $0x8;
	v29 =	vshll.u32 v20, $0x8;
	v27 =	vshll.u32 v18, $0x8;
	[tilespmem:v34+s15+$0x0] =	vst.idx.msk $0xffff, v26  }
0x12b: {  	v24 =	vor.u32 s23, v11;
	v32 =	vshll.u32 v23, $0x8;
	v26 =	vshll.u32 v19, $0x8;
	v33 =	vld.idx.msk [tilespmem:v45+s14+$0x0], $0xffff;
	[tilespmem:v35+s15+$0x0] =	vst.idx.msk $0xffff, v25  }
0x12c: {  	v34 =	vshll.u32 v22, $0x8;
	v25 =	vshll.u32 v17, $0x8;
	v35 =	vor.u32 v40, v24  }
0x12d: {  	v36 =	vshll.u32 v36, $0x7;
	v31 =	vshll.u32 v31, $0x7;
	v30 =	vshll.u32 v30, $0x7  }
0x12e: {  	v37 =	vshll.u32 v37, $0x7;
	v38 =	vshll.u32 v38, $0x7;
	v39 =	vshll.u32 v39, $0x7  }
0x12f: {  	v28 =	vand.u32 $0x3800, v28;
	v29 =	vand.u32 $0x3800, v29;
	v27 =	vand.u32 $0x3800, v27  }
0x130: {  	v32 =	vand.u32 $0x3800, v32;
	v26 =	vand.u32 $0x3800, v26;
	v34 =	vand.u32 $0x3800, v34  }
0x131: {  	v36 =	vand.u32 $0x380, v36;
	v31 =	vand.u32 $0x380, v31;
	s23 =	simm.s32 $0x0;
	v25 =	vand.u32 $0x3800, v25;
	[tilespmem:v35+s15+$0x0] =	vst.idx.msk $0xffff, v33  }
0x132: {  	v30 =	vand.u32 $0x380, v30;
	v33 =	vand.u32 $0x380, v37;
	v35 =	vand.u32 $0x380, v38  }
.Ltmp8:
0x133: {  	v28 =	vor.u32 v28, v36;
	v36 =	vand.u32 $0x380, v39;
	v27 =	vor.u32 v27, v31;
	(pc) =	sbr.rel @p1 .LBB2_27-.Ltmp8, $4  }
0x134: {  	v29 =	vor.u32 v29, v30;
	v26 =	vor.u32 v26, v33;
	v32 =	vor.u32 v32, v35  }
0x135: {  	v31 =	vor.u32 v43, v27;
	v25 =	vor.u32 s25, v25;
	v33 =	vor.u32 v34, v36  }
0x136: {  	v30 =	vor.u32 v43, v28;
	v29 =	vor.u32 v43, v29;
	v28 =	vor.u32 v43, v26  }
0x137: {  	v25 =	vor.u32 v10, v25;
	v27 =	vor.u32 v43, v32;
	v26 =	vor.u32 v43, v33  }
0x138: {  	s24 =	simm.s32 $0x0  }
0x139: {  	v18 =	vor.u32 v18, v24;
	v32 =	vor.u32 v21, v24;
	v33 =	vor.u32 v20, v24;
	s25 =	sand.u32 $0x8, s24  }
0x13a: {  	v34 =	vor.u32 v19, v24;
	v35 =	vor.u32 v23, v24;
	v36 =	vor.u32 v22, v24;
	s22 =	sor.u32 $0x1, s25  }
0x13b: {  	v37 =	vor.u32 v17, v24;
	v19 =	vadd.s32 s25, v0;
	s26 =	sor.u32 $0x2, s25;
	s28 =	sor.u32 $0x7, s25;
	s31 =	sor.u32 $0x3, s25;
	v38 =	vadd.s32 s22, v0  }
0x13c: {  	s29 =	sor.u32 $0x4, s25;
	v39 =	vadd.s32 s26, v0;
	v17 =	vadd.s32 s28, v0;
	v40 =	vadd.s32 s31, v0  }
0x13d: {  	v24 =	vld.idx.msk [tilespmem:v31+s14+$0x0], $0xffff;
	v41 =	vadd.s32 s29, v0;
	s29 =	sor.u32 $0x5, s25;
	s25 =	sor.u32 $0x6, s25;
	v48 =	vand.u32 $0xF, v19;
	v20 =	vand.u32 $0xF, v17  }
0x13e: {  	v28 =	vld.idx.msk [tilespmem:v28+s14+$0x0], $0xffff;
	v42 =	vadd.s32 s29, v0;
	v43 =	vadd.s32 s25, v0;
	v22 =	vshll.u32 v17, $0x7  }
0x13f: {  	v27 =	vld.idx.msk [tilespmem:v27+s14+$0x0], $0xffff;
	v17 =	vor.u32 $0x400, v3;
	v23 =	vand.u32 $0xF, v39;
	v31 =	vand.u32 $0xF, v40  }
0x140: {  	s30 =	simm.s32 $0x0;
	s22 =	sand.u32 $0x30, s23;
	v46 =	vand.u32 $0xF, v41;
	v57 =	vshll.u32 v38, $0x7;
	v59 =	vshll.u32 v40, $0x7  }
0x141: {  	s25 =	sand.u32 $0x1, s30;
	v60 =	vshll.u32 v41, $0x7;
	v44 =	vor.u32 s22, v20;
	v20 =	vand.u32 $0xF, v38  }
0x142: {  	v22 =	vand.u32 $0x380, v22;
	v45 =	vor.u32 s25, v17;
	v19 =	vand.u32 $0xF, v42;
	[tilespmem:v18+s15+$0x0] =	vst.idx.msk $0xffff, v24  }
0x143: {  	v26 =	vld.idx.msk [tilespmem:v26+s14+$0x0], $0xffff;
	v49 =	vand.u32 $0xF, v43;
	v24 =	vor.u32 s22, v48;
	v18 =	vor.u32 $0x2000, v2;
	[tilespmem:v34+s15+$0x0] =	vst.idx.msk $0xffff, v28  }
0x144: {  	[tilespmem:v35+s15+$0x0] =	vst.idx.msk $0xffff, v27;
	v27 =	vshll.u32 v39, $0x7;
	v61 =	vshll.u32 v43, $0x7;
	v34 =	vand.u32 $0x380, v57  }
0x145: {  	v35 =	vand.u32 $0x380, v59;
	v39 =	vand.u32 $0x380, v60;
	v21 =	vshll.u32 v44, $0x8  }
0x146: {  	v29 =	vld.idx.msk [tilespmem:v29+s14+$0x0], $0xffff;
	s31 =	sshll.u32 s25, $0x6;
	v50 =	vor.u32 s22, v20;
	v19 =	vor.u32 s22, v19;
	v20 =	vor.u32 s22, v49  }
0x147: {  	v54 =	vld.idx.msk [tilespmem:v25+s14+$0x0], $0xffff;
	v25 =	vor.u32 s31, v18;
	v28 =	vshll.u32 v24, $0x8;
	v27 =	vand.u32 $0x380, v27  }
0x148: {  	v30 =	vld.idx.msk [tilespmem:v30+s14+$0x0], $0xffff;
	[tilespmem:v36+s15+$0x0] =	vst.idx.msk $0xffff, v26;
	v36 =	vand.u32 $0x380, v61;
	v21 =	vand.u32 $0x3800, v21;
	v56 =	vshll.u32 v19, $0x8  }
0x149: {  	v44 =	vor.u32 v44, v25;
	v58 =	vshll.u32 v20, $0x8;
	v21 =	vor.u32 v21, v22  }
0x14a: {  	v28 =	vand.u32 $0x3800, v28;
	v22 =	vor.u32 s22, v23;
	v47 =	vor.u32 v45, v21  }
0x14b: {  	[tilespmem:v33+s15+$0x0] =	vst.idx.msk $0xffff, v29;
	v23 =	vor.u32 s22, v46;
	v33 =	vand.u32 $0x3800, v56;
	v38 =	vand.u32 $0x3800, v58  }
0x14c: {  	v28 =	vor.u32 s25, v28;
	v21 =	vor.u32 s22, v31;
	v31 =	vshll.u32 v50, $0x8  }
0x14d: {  	[tilespmem:v32+s15+$0x0] =	vst.idx.msk $0xffff, v30;
	v30 =	vshll.u32 v22, $0x8;
	v29 =	vshll.u32 v23, $0x8;
	v63 =	vor.u32 v38, v36  }
0x14e: {  	[tilespmem:v37+s15+$0x0] =	vst.idx.msk $0xffff, v54;
	v55 =	vshll.u32 v21, $0x8;
	v26 =	vand.u32 $0x3800, v31;
	v31 =	vshll.u32 v42, $0x7  }
0x14f: {  	v30 =	vand.u32 $0x3800, v30;
	v29 =	vand.u32 $0x3800, v29;
	v32 =	vand.u32 $0x3800, v55;
	v37 =	vld.idx.msk [tilespmem:v47+s14+$0x0], $0xffff  }
0x150: {  	v31 =	vand.u32 $0x380, v31;
	v26 =	vor.u32 v26, v34;
	v27 =	vor.u32 v30, v27  }
0x151: {  	v29 =	vor.u32 v29, v39;
	v30 =	vor.u32 v32, v35;
	v62 =	vor.u32 v33, v31  }
0x152: {  	v33 =	vor.u32 v45, v26;
	v32 =	vor.u32 v45, v27;
	v26 =	vor.u32 v13, v28  }
0x153: {  	v27 =	vor.u32 v50, v25;
	v28 =	vor.u32 v45, v63;
	v31 =	vor.u32 v45, v30  }
0x154: {  	s25 =	simm.s32 $0x0;
	v30 =	vor.u32 v45, v29;
	v29 =	vor.u32 v45, v62;
	[tilespmem:v44+s15+$0x0] =	vst.idx.msk $0xffff, v37  }
.LBB2_29:
0x155: {  	s24 =	sadd.s32 $0x8, s24;
	v22 =	vor.u32 v22, v25;
	v21 =	vor.u32 v21, v25;
	v23 =	vor.u32 v23, v25  }
0x156: {  	v34 =	vor.u32 v24, v25;
	v24 =	vor.u32 v19, v25;
	v25 =	vor.u32 v20, v25;
	s26 =	sand.u32 $0x8, s24;
	p1 =	slt.u32 s24, $0x78  }
0x157: {  	v19 =	vadd.s32 s26, v0;
	s28 =	sor.u32 $0x1, s26;
	s29 =	sor.u32 $0x2, s26;
	s30 =	sor.u32 $0x7, s26;
	v20 =	vld.idx.msk [tilespmem:v33+s14+$0x0], $0xffff  }
0x158: {  	s25 =	sadd.s32 $0x4, s25;
	v33 =	vadd.s32 s28, v0;
	v35 =	vadd.s32 s29, v0;
	s28 =	sor.u32 $0x3, s26;
	s29 =	sor.u32 $0x4, s26;
	v36 =	vadd.s32 s30, v0;
	v32 =	vld.idx.msk [tilespmem:v32+s14+$0x0], $0xffff  }
0x159: {  	s30 =	sand.u32 $0x30, s25;
	v37 =	vadd.s32 s28, v0;
	v38 =	vadd.s32 s29, v0;
	s28 =	sor.u32 $0x5, s26;
	s26 =	sor.u32 $0x6, s26;
	v39 =	vand.u32 $0xF, v36;
	v31 =	vld.idx.msk [tilespmem:v31+s14+$0x0], $0xffff  }
0x15a: {  	v40 =	vadd.s32 s28, v0;
	v41 =	vadd.s32 s26, v0;
	v39 =	vor.u32 s30, v39;
	v30 =	vld.idx.msk [tilespmem:v30+s14+$0x0], $0xffff  }
0x15b: {  	v42 =	vand.u32 $0xF, v33;
	v36 =	vshll.u32 v36, $0x7;
	s26 =	sshrl.u32 s24, $0x4;
	v43 =	vshll.u32 v39, $0x8;
	v29 =	vld.idx.msk [tilespmem:v29+s14+$0x0], $0xffff  }
0x15c: {  	v36 =	vand.u32 $0x380, v36;
	s26 =	sand.u32 $0x1, s26;
	v43 =	vand.u32 $0x3800, v43;
	v28 =	vld.idx.msk [tilespmem:v28+s14+$0x0], $0xffff  }
0x15d: {  	v45 =	vand.u32 $0xF, v35;
	v44 =	vor.u32 s26, v17;
	v36 =	vor.u32 v43, v36;
	v26 =	vld.idx.msk [tilespmem:v26+s14+$0x0], $0xffff;
	[tilespmem:v27+s15+$0x0] =	vst.idx.msk $0xffff, v20  }
0x15e: {  	v20 =	vand.u32 $0xF, v37;
	v27 =	vand.u32 $0xF, v38;
	v36 =	vor.u32 v44, v36;
	[tilespmem:v22+s15+$0x0] =	vst.idx.msk $0xffff, v32  }
0x15f: {  	v43 =	vand.u32 $0xF, v41;
	v32 =	vand.u32 $0xF, v19;
	v19 =	vand.u32 $0xF, v40;
	[tilespmem:v21+s15+$0x0] =	vst.idx.msk $0xffff, v31  }
0x160: {  	v42 =	vor.u32 s30, v42;
	v22 =	vor.u32 s30, v45;
	v21 =	vor.u32 s30, v20;
	[tilespmem:v23+s15+$0x0] =	vst.idx.msk $0xffff, v30  }
0x161: {  	v19 =	vor.u32 s30, v19;
	v20 =	vor.u32 s30, v43;
	v23 =	vor.u32 s30, v27;
	[tilespmem:v24+s15+$0x0] =	vst.idx.msk $0xffff, v29  }
0x162: {  	s28 =	sshll.u32 s26, $0x6;
	v27 =	vshll.u32 v42, $0x8;
	v24 =	vor.u32 s30, v32;
	[tilespmem:v25+s15+$0x0] =	vst.idx.msk $0xffff, v28  }
0x163: {  	v29 =	vshll.u32 v21, $0x8;
	v25 =	vor.u32 s28, v18;
	v28 =	vshll.u32 v22, $0x8;
	v30 =	vld.idx.msk [tilespmem:v36+s14+$0x0], $0xffff;
	[tilespmem:v34+s15+$0x0] =	vst.idx.msk $0xffff, v26  }
0x164: {  	v31 =	vshll.u32 v19, $0x8;
	v26 =	vshll.u32 v23, $0x8;
	v32 =	vor.u32 v39, v25  }
0x165: {  	v33 =	vshll.u32 v33, $0x7;
	v34 =	vshll.u32 v24, $0x8;
	v36 =	vshll.u32 v20, $0x8  }
0x166: {  	v35 =	vshll.u32 v35, $0x7;
	v37 =	vshll.u32 v37, $0x7;
	v38 =	vshll.u32 v38, $0x7  }
0x167: {  	v27 =	vand.u32 $0x3800, v27;
	v39 =	vshll.u32 v40, $0x7;
	v40 =	vshll.u32 v41, $0x7  }
0x168: {  	v29 =	vand.u32 $0x3800, v29;
	v28 =	vand.u32 $0x3800, v28;
	v26 =	vand.u32 $0x3800, v26  }
0x169: {  	v31 =	vand.u32 $0x3800, v31;
	v34 =	vand.u32 $0x3800, v34;
	v36 =	vand.u32 $0x3800, v36;
	[tilespmem:v32+s15+$0x0] =	vst.idx.msk $0xffff, v30  }
0x16a: {  	v30 =	vand.u32 $0x380, v33;
	v32 =	vand.u32 $0x380, v35;
	v33 =	vand.u32 $0x380, v37  }
0x16b: {  	v35 =	vand.u32 $0x380, v38;
	v37 =	vand.u32 $0x380, v39;
	v38 =	vand.u32 $0x380, v40  }
.Ltmp9:
0x16c: {  	v27 =	vor.u32 v27, v30;
	v28 =	vor.u32 v28, v32;
	v29 =	vor.u32 v29, v33;
	(pc) =	sbr.rel @p1 .LBB2_29-.Ltmp9, $4  }
0x16d: {  	v26 =	vor.u32 v26, v35;
	v35 =	vor.u32 v31, v37;
	v36 =	vor.u32 v36, v38  }
0x16e: {  	v34 =	vor.u32 s26, v34;
	v33 =	vor.u32 v44, v27;
	v32 =	vor.u32 v44, v28  }
0x16f: {  	v31 =	vor.u32 v44, v29;
	v30 =	vor.u32 v44, v26;
	v29 =	vor.u32 v44, v35  }
0x170: {  	v26 =	vor.u32 v13, v34;
	v27 =	vor.u32 v42, v25;
	v28 =	vor.u32 v44, v36  }
0x171: {  	v34 =	vor.u32 v22, v25;
	s24 =	simm.s32 $0x0  }
0x172: {  	v35 =	vor.u32 v21, v25;
	v36 =	vor.u32 v23, v25;
	v37 =	vor.u32 v24, v25;
	s25 =	sand.u32 $0x8, s24  }
0x173: {  	v38 =	vor.u32 v19, v25;
	v39 =	vor.u32 v20, v25;
	v18 =	vadd.s32 s25, v0;
	s26 =	sor.u32 $0x1, s25;
	s28 =	sor.u32 $0x2, s25;
	s29 =	sor.u32 $0x7, s25  }
0x174: {  	s30 =	sor.u32 $0x3, s25;
	s31 =	sor.u32 $0x4, s25;
	v40 =	vadd.s32 s26, v0;
	v41 =	vadd.s32 s28, v0;
	v17 =	vadd.s32 s29, v0  }
0x175: {  	v24 =	vld.idx.msk [tilespmem:v33+s14+$0x0], $0xffff;
	v42 =	vadd.s32 s30, v0;
	v43 =	vadd.s32 s31, v0;
	s29 =	sor.u32 $0x5, s25;
	s25 =	sor.u32 $0x6, s25;
	v18 =	vand.u32 $0xF, v18  }
0x176: {  	v29 =	vld.idx.msk [tilespmem:v29+s14+$0x0], $0xffff;
	v19 =	vand.u32 $0xF, v17;
	v44 =	vadd.s32 s29, v0;
	v45 =	vadd.s32 s25, v0  }
0x177: {  	v28 =	vld.idx.msk [tilespmem:v28+s14+$0x0], $0xffff;
	v21 =	vshll.u32 v17, $0x7;
	v17 =	vor.u32 $0x420, v3;
	v22 =	vand.u32 $0xF, v41  }
0x178: {  	v30 =	vld.idx.msk [tilespmem:v30+s14+$0x0], $0xffff;
	s30 =	simm.s32 $0x0;
	v23 =	vand.u32 $0xF, v43;
	v51 =	vshll.u32 v40, $0x7;
	v53 =	vshll.u32 v42, $0x7  }
0x179: {  	s25 =	sand.u32 $0x1, s30;
	v54 =	vshll.u32 v43, $0x7;
	v46 =	vor.u32 s22, v19;
	v19 =	vand.u32 $0xF, v40  }
0x17a: {  	v25 =	vld.idx.msk [tilespmem:v32+s14+$0x0], $0xffff;
	v21 =	vand.u32 $0x380, v21;
	v47 =	vor.u32 s25, v17;
	v62 =	vand.u32 $0xF, v45;
	[tilespmem:v27+s15+$0x0] =	vst.idx.msk $0xffff, v24  }
0x17b: {  	v31 =	vld.idx.msk [tilespmem:v31+s14+$0x0], $0xffff;
	v22 =	vor.u32 s22, v22;
	v23 =	vor.u32 s22, v23;
	v24 =	vor.u32 s22, v18;
	[tilespmem:v38+s15+$0x0] =	vst.idx.msk $0xffff, v29  }
0x17c: {  	v18 =	vor.u32 $0x2800, v2;
	v29 =	vshll.u32 v41, $0x7;
	[tilespmem:v39+s15+$0x0] =	vst.idx.msk $0xffff, v28;
	v28 =	vshll.u32 v44, $0x7  }
0x17d: {  	[tilespmem:v36+s15+$0x0] =	vst.idx.msk $0xffff, v30;
	v55 =	vshll.u32 v45, $0x7;
	v36 =	vand.u32 $0x380, v51;
	v59 =	vand.u32 $0x380, v53  }
0x17e: {  	v26 =	vld.idx.msk [tilespmem:v26+s14+$0x0], $0xffff;
	s31 =	sshll.u32 s25, $0x6;
	v60 =	vand.u32 $0x380, v54;
	v20 =	vshll.u32 v46, $0x8;
	v48 =	vor.u32 s22, v19  }
0x17f: {  	[tilespmem:v34+s15+$0x0] =	vst.idx.msk $0xffff, v25;
	v25 =	vor.u32 s31, v18;
	v63 =	vshll.u32 v22, $0x8;
	v20 =	vand.u32 $0x3800, v20  }
0x180: {  	[tilespmem:v35+s15+$0x0] =	vst.idx.msk $0xffff, v31;
	v31 =	vshll.u32 v23, $0x8;
	v30 =	vshll.u32 v24, $0x8;
	v20 =	vor.u32 v20, v21  }
0x181: {  	v29 =	vand.u32 $0x380, v29;
	v28 =	vand.u32 $0x380, v28;
	v61 =	vor.u32 v47, v20  }
0x182: {  	v39 =	vand.u32 $0x380, v55;
	v27 =	vshll.u32 v48, $0x8;
	v46 =	vor.u32 v46, v25  }
0x183: {  	[tilespmem:v37+s15+$0x0] =	vst.idx.msk $0xffff, v26;
	v26 =	vand.u32 $0x3800, v63;
	v31 =	vand.u32 $0x3800, v31;
	v30 =	vand.u32 $0x3800, v30  }
0x184: {  	v21 =	vand.u32 $0xF, v42;
	v27 =	vand.u32 $0x3800, v27;
	v26 =	vor.u32 v26, v29  }
0x185: {  	v20 =	vand.u32 $0xF, v44;
	v21 =	vor.u32 s22, v21;
	v27 =	vor.u32 v27, v36  }
0x186: {  	v19 =	vor.u32 s22, v20;
	v20 =	vor.u32 s22, v62;
	v49 =	vshll.u32 v21, $0x8;
	v32 =	vld.idx.msk [tilespmem:v61+s14+$0x0], $0xffff  }
0x187: {  	v33 =	vor.u32 v47, v27;
	v27 =	vor.u32 v48, v25;
	v50 =	vshll.u32 v19, $0x8  }
0x188: {  	v52 =	vshll.u32 v20, $0x8;
	v56 =	vand.u32 $0x3800, v49;
	v57 =	vand.u32 $0x3800, v50  }
0x189: {  	v58 =	vand.u32 $0x3800, v52;
	v29 =	vor.u32 v56, v59;
	v28 =	vor.u32 v57, v28  }
0x18a: {  	v62 =	vor.u32 v58, v39;
	v61 =	vor.u32 v31, v60;
	v31 =	vor.u32 v47, v29  }
0x18b: {  	v63 =	vor.u32 s25, v30;
	v29 =	vor.u32 v47, v28;
	[tilespmem:v46+s15+$0x0] =	vst.idx.msk $0xffff, v32;
	v32 =	vor.u32 v47, v26  }
0x18c: {  	v28 =	vor.u32 v47, v62;
	v30 =	vor.u32 v47, v61;
	v26 =	vor.u32 v14, v63  }
.LBB2_31:
0x18d: {  	s24 =	sadd.s32 $0x8, s24;
	v22 =	vor.u32 v22, v25;
	v21 =	vor.u32 v21, v25;
	v23 =	vor.u32 v23, v25  }
0x18e: {  	v34 =	vor.u32 v24, v25;
	v24 =	vor.u32 v19, v25;
	v25 =	vor.u32 v20, v25;
	s22 =	sand.u32 $0x8, s24;
	p1 =	slt.u32 s24, $0x78  }
0x18f: {  	v19 =	vadd.s32 s22, v0;
	s25 =	sor.u32 $0x1, s22;
	s26 =	sor.u32 $0x2, s22;
	s28 =	sor.u32 $0x7, s22;
	v20 =	vld.idx.msk [tilespmem:v33+s14+$0x0], $0xffff  }
0x190: {  	s23 =	sadd.s32 $0x4, s23;
	v33 =	vadd.s32 s25, v0;
	v35 =	vadd.s32 s26, v0;
	s25 =	sor.u32 $0x3, s22;
	s26 =	sor.u32 $0x4, s22;
	v36 =	vadd.s32 s28, v0;
	v32 =	vld.idx.msk [tilespmem:v32+s14+$0x0], $0xffff  }
0x191: {  	s28 =	sand.u32 $0x30, s23;
	v37 =	vadd.s32 s25, v0;
	v38 =	vadd.s32 s26, v0;
	s25 =	sor.u32 $0x5, s22;
	s22 =	sor.u32 $0x6, s22;
	v39 =	vand.u32 $0xF, v36;
	v31 =	vld.idx.msk [tilespmem:v31+s14+$0x0], $0xffff  }
0x192: {  	v40 =	vadd.s32 s25, v0;
	v41 =	vadd.s32 s22, v0;
	v39 =	vor.u32 s28, v39;
	v30 =	vld.idx.msk [tilespmem:v30+s14+$0x0], $0xffff  }
0x193: {  	v42 =	vand.u32 $0xF, v33;
	v36 =	vshll.u32 v36, $0x7;
	s22 =	sshrl.u32 s24, $0x4;
	v43 =	vshll.u32 v39, $0x8;
	v29 =	vld.idx.msk [tilespmem:v29+s14+$0x0], $0xffff  }
0x194: {  	v36 =	vand.u32 $0x380, v36;
	s25 =	sand.u32 $0x1, s22;
	v43 =	vand.u32 $0x3800, v43;
	v28 =	vld.idx.msk [tilespmem:v28+s14+$0x0], $0xffff  }
0x195: {  	v45 =	vand.u32 $0xF, v35;
	v44 =	vor.u32 s25, v17;
	v36 =	vor.u32 v43, v36;
	v26 =	vld.idx.msk [tilespmem:v26+s14+$0x0], $0xffff;
	[tilespmem:v27+s15+$0x0] =	vst.idx.msk $0xffff, v20  }
0x196: {  	v20 =	vand.u32 $0xF, v37;
	v27 =	vand.u32 $0xF, v38;
	v36 =	vor.u32 v44, v36;
	[tilespmem:v22+s15+$0x0] =	vst.idx.msk $0xffff, v32  }
0x197: {  	v43 =	vand.u32 $0xF, v41;
	v32 =	vand.u32 $0xF, v19;
	v19 =	vand.u32 $0xF, v40;
	[tilespmem:v21+s15+$0x0] =	vst.idx.msk $0xffff, v31  }
0x198: {  	v42 =	vor.u32 s28, v42;
	v22 =	vor.u32 s28, v45;
	v21 =	vor.u32 s28, v20;
	[tilespmem:v23+s15+$0x0] =	vst.idx.msk $0xffff, v30  }
0x199: {  	v19 =	vor.u32 s28, v19;
	v20 =	vor.u32 s28, v43;
	v23 =	vor.u32 s28, v27;
	[tilespmem:v24+s15+$0x0] =	vst.idx.msk $0xffff, v29  }
0x19a: {  	s22 =	sshll.u32 s25, $0x6;
	v27 =	vshll.u32 v42, $0x8;
	v24 =	vor.u32 s28, v32;
	[tilespmem:v25+s15+$0x0] =	vst.idx.msk $0xffff, v28  }
0x19b: {  	v29 =	vshll.u32 v21, $0x8;
	v25 =	vor.u32 s22, v18;
	v28 =	vshll.u32 v22, $0x8;
	v30 =	vld.idx.msk [tilespmem:v36+s14+$0x0], $0xffff;
	[tilespmem:v34+s15+$0x0] =	vst.idx.msk $0xffff, v26  }
0x19c: {  	v31 =	vshll.u32 v19, $0x8;
	v26 =	vshll.u32 v23, $0x8;
	v32 =	vor.u32 v39, v25  }
0x19d: {  	v33 =	vshll.u32 v33, $0x7;
	v34 =	vshll.u32 v24, $0x8;
	v36 =	vshll.u32 v20, $0x8  }
0x19e: {  	v35 =	vshll.u32 v35, $0x7;
	v37 =	vshll.u32 v37, $0x7;
	v38 =	vshll.u32 v38, $0x7  }
0x19f: {  	v27 =	vand.u32 $0x3800, v27;
	v39 =	vshll.u32 v40, $0x7;
	v40 =	vshll.u32 v41, $0x7  }
0x1a0: {  	v29 =	vand.u32 $0x3800, v29;
	v28 =	vand.u32 $0x3800, v28;
	v26 =	vand.u32 $0x3800, v26  }
0x1a1: {  	v31 =	vand.u32 $0x3800, v31;
	s22 =	simm.s32 $0x0;
	v34 =	vand.u32 $0x3800, v34;
	v36 =	vand.u32 $0x3800, v36;
	[tilespmem:v32+s15+$0x0] =	vst.idx.msk $0xffff, v30  }
0x1a2: {  	v30 =	vand.u32 $0x380, v33;
	v32 =	vand.u32 $0x380, v35;
	v33 =	vand.u32 $0x380, v37  }
0x1a3: {  	v35 =	vand.u32 $0x380, v38;
	v37 =	vand.u32 $0x380, v39;
	v38 =	vand.u32 $0x380, v40  }
.Ltmp10:
0x1a4: {  	v27 =	vor.u32 v27, v30;
	v28 =	vor.u32 v28, v32;
	v29 =	vor.u32 v29, v33;
	(pc) =	sbr.rel @p1 .LBB2_31-.Ltmp10, $4  }
0x1a5: {  	v26 =	vor.u32 v26, v35;
	v35 =	vor.u32 v31, v37;
	v36 =	vor.u32 v36, v38  }
0x1a6: {  	v34 =	vor.u32 s25, v34;
	v33 =	vor.u32 v44, v27;
	v32 =	vor.u32 v44, v28  }
0x1a7: {  	v31 =	vor.u32 v44, v29;
	v30 =	vor.u32 v44, v26;
	v29 =	vor.u32 v44, v35  }
0x1a8: {  	v26 =	vor.u32 v14, v34;
	v27 =	vor.u32 v42, v25;
	v28 =	vor.u32 v44, v36  }
0x1a9: {  	v34 =	vor.u32 v22, v25;
	s24 =	simm.s32 $0x0  }
0x1aa: {  	v35 =	vor.u32 v21, v25;
	v36 =	vor.u32 v23, v25;
	v37 =	vor.u32 v24, v25;
	s25 =	sand.u32 $0x8, s24  }
0x1ab: {  	v38 =	vor.u32 v19, v25;
	v39 =	vor.u32 v20, v25;
	v18 =	vadd.s32 s25, v0;
	s23 =	sor.u32 $0x1, s25;
	s26 =	sor.u32 $0x2, s25;
	s28 =	sor.u32 $0x7, s25  }
0x1ac: {  	s31 =	sor.u32 $0x3, s25;
	s29 =	sor.u32 $0x4, s25;
	v40 =	vadd.s32 s23, v0;
	v41 =	vadd.s32 s26, v0;
	v17 =	vadd.s32 s28, v0  }
0x1ad: {  	v24 =	vld.idx.msk [tilespmem:v33+s14+$0x0], $0xffff;
	v42 =	vadd.s32 s31, v0;
	v43 =	vadd.s32 s29, v0;
	s29 =	sor.u32 $0x5, s25;
	s25 =	sor.u32 $0x6, s25;
	v18 =	vand.u32 $0xF, v18  }
0x1ae: {  	v29 =	vld.idx.msk [tilespmem:v29+s14+$0x0], $0xffff;
	v19 =	vand.u32 $0xF, v17;
	v44 =	vadd.s32 s29, v0;
	v45 =	vadd.s32 s25, v0  }
0x1af: {  	v28 =	vld.idx.msk [tilespmem:v28+s14+$0x0], $0xffff;
	v21 =	vshll.u32 v17, $0x7;
	v17 =	vor.u32 $0x440, v3;
	v22 =	vand.u32 $0xF, v41  }
0x1b0: {  	s30 =	simm.s32 $0x0;
	v30 =	vld.idx.msk [tilespmem:v30+s14+$0x0], $0xffff;
	s23 =	sand.u32 $0x30, s22;
	v23 =	vand.u32 $0xF, v43;
	v51 =	vshll.u32 v40, $0x7;
	v53 =	vshll.u32 v42, $0x7  }
0x1b1: {  	s25 =	sand.u32 $0x1, s30;
	v54 =	vshll.u32 v43, $0x7;
	v46 =	vor.u32 s23, v19;
	v19 =	vand.u32 $0xF, v40  }
0x1b2: {  	v25 =	vld.idx.msk [tilespmem:v32+s14+$0x0], $0xffff;
	v21 =	vand.u32 $0x380, v21;
	v47 =	vor.u32 s25, v17;
	v62 =	vand.u32 $0xF, v45;
	[tilespmem:v27+s15+$0x0] =	vst.idx.msk $0xffff, v24  }
0x1b3: {  	v31 =	vld.idx.msk [tilespmem:v31+s14+$0x0], $0xffff;
	v22 =	vor.u32 s23, v22;
	v23 =	vor.u32 s23, v23;
	v24 =	vor.u32 s23, v18;
	[tilespmem:v38+s15+$0x0] =	vst.idx.msk $0xffff, v29  }
0x1b4: {  	v18 =	vor.u32 $0x3000, v2;
	v29 =	vshll.u32 v41, $0x7;
	[tilespmem:v39+s15+$0x0] =	vst.idx.msk $0xffff, v28;
	v28 =	vshll.u32 v44, $0x7  }
0x1b5: {  	[tilespmem:v36+s15+$0x0] =	vst.idx.msk $0xffff, v30;
	v55 =	vshll.u32 v45, $0x7;
	v36 =	vand.u32 $0x380, v51;
	v59 =	vand.u32 $0x380, v53  }
0x1b6: {  	v26 =	vld.idx.msk [tilespmem:v26+s14+$0x0], $0xffff;
	s31 =	sshll.u32 s25, $0x6;
	v60 =	vand.u32 $0x380, v54;
	v20 =	vshll.u32 v46, $0x8;
	v48 =	vor.u32 s23, v19  }
0x1b7: {  	[tilespmem:v34+s15+$0x0] =	vst.idx.msk $0xffff, v25;
	v25 =	vor.u32 s31, v18;
	v63 =	vshll.u32 v22, $0x8;
	v20 =	vand.u32 $0x3800, v20  }
0x1b8: {  	[tilespmem:v35+s15+$0x0] =	vst.idx.msk $0xffff, v31;
	v31 =	vshll.u32 v23, $0x8;
	v30 =	vshll.u32 v24, $0x8;
	v20 =	vor.u32 v20, v21  }
0x1b9: {  	v29 =	vand.u32 $0x380, v29;
	v28 =	vand.u32 $0x380, v28;
	v61 =	vor.u32 v47, v20  }
0x1ba: {  	v39 =	vand.u32 $0x380, v55;
	v27 =	vshll.u32 v48, $0x8;
	v46 =	vor.u32 v46, v25  }
0x1bb: {  	[tilespmem:v37+s15+$0x0] =	vst.idx.msk $0xffff, v26;
	v26 =	vand.u32 $0x3800, v63;
	v31 =	vand.u32 $0x3800, v31;
	v30 =	vand.u32 $0x3800, v30  }
0x1bc: {  	v21 =	vand.u32 $0xF, v42;
	v27 =	vand.u32 $0x3800, v27;
	v26 =	vor.u32 v26, v29  }
0x1bd: {  	v20 =	vand.u32 $0xF, v44;
	v21 =	vor.u32 s23, v21;
	v27 =	vor.u32 v27, v36  }
0x1be: {  	v19 =	vor.u32 s23, v20;
	v20 =	vor.u32 s23, v62;
	v49 =	vshll.u32 v21, $0x8;
	v32 =	vld.idx.msk [tilespmem:v61+s14+$0x0], $0xffff  }
0x1bf: {  	v33 =	vor.u32 v47, v27;
	v27 =	vor.u32 v48, v25;
	v50 =	vshll.u32 v19, $0x8  }
0x1c0: {  	v52 =	vshll.u32 v20, $0x8;
	v56 =	vand.u32 $0x3800, v49;
	v57 =	vand.u32 $0x3800, v50  }
0x1c1: {  	v58 =	vand.u32 $0x3800, v52;
	v29 =	vor.u32 v56, v59;
	v28 =	vor.u32 v57, v28  }
0x1c2: {  	v62 =	vor.u32 v58, v39;
	v61 =	vor.u32 v31, v60;
	v31 =	vor.u32 v47, v29  }
0x1c3: {  	v63 =	vor.u32 s25, v30;
	v29 =	vor.u32 v47, v28;
	[tilespmem:v46+s15+$0x0] =	vst.idx.msk $0xffff, v32;
	v32 =	vor.u32 v47, v26  }
0x1c4: {  	s25 =	simm.s32 $0x0;
	v28 =	vor.u32 v47, v62;
	v30 =	vor.u32 v47, v61;
	v26 =	vor.u32 v15, v63  }
.LBB2_33:
0x1c5: {  	s24 =	sadd.s32 $0x8, s24;
	v22 =	vor.u32 v22, v25;
	v21 =	vor.u32 v21, v25;
	v23 =	vor.u32 v23, v25  }
0x1c6: {  	v34 =	vor.u32 v24, v25;
	v24 =	vor.u32 v19, v25;
	v25 =	vor.u32 v20, v25;
	s26 =	sand.u32 $0x8, s24;
	p1 =	slt.u32 s24, $0x78  }
0x1c7: {  	v19 =	vadd.s32 s26, v0;
	s28 =	sor.u32 $0x1, s26;
	s29 =	sor.u32 $0x2, s26;
	s30 =	sor.u32 $0x7, s26;
	v20 =	vld.idx.msk [tilespmem:v33+s14+$0x0], $0xffff  }
0x1c8: {  	s25 =	sadd.s32 $0x4, s25;
	v33 =	vadd.s32 s28, v0;
	v35 =	vadd.s32 s29, v0;
	s28 =	sor.u32 $0x3, s26;
	s29 =	sor.u32 $0x4, s26;
	v36 =	vadd.s32 s30, v0;
	v32 =	vld.idx.msk [tilespmem:v32+s14+$0x0], $0xffff  }
0x1c9: {  	s30 =	sand.u32 $0x30, s25;
	v37 =	vadd.s32 s28, v0;
	v38 =	vadd.s32 s29, v0;
	s28 =	sor.u32 $0x5, s26;
	s26 =	sor.u32 $0x6, s26;
	v39 =	vand.u32 $0xF, v36;
	v31 =	vld.idx.msk [tilespmem:v31+s14+$0x0], $0xffff  }
0x1ca: {  	v40 =	vadd.s32 s28, v0;
	v41 =	vadd.s32 s26, v0;
	v39 =	vor.u32 s30, v39;
	v30 =	vld.idx.msk [tilespmem:v30+s14+$0x0], $0xffff  }
0x1cb: {  	v42 =	vand.u32 $0xF, v33;
	v36 =	vshll.u32 v36, $0x7;
	s26 =	sshrl.u32 s24, $0x4;
	v43 =	vshll.u32 v39, $0x8;
	v29 =	vld.idx.msk [tilespmem:v29+s14+$0x0], $0xffff  }
0x1cc: {  	v36 =	vand.u32 $0x380, v36;
	s26 =	sand.u32 $0x1, s26;
	v43 =	vand.u32 $0x3800, v43;
	v28 =	vld.idx.msk [tilespmem:v28+s14+$0x0], $0xffff  }
0x1cd: {  	v45 =	vand.u32 $0xF, v35;
	v44 =	vor.u32 s26, v17;
	v36 =	vor.u32 v43, v36;
	v26 =	vld.idx.msk [tilespmem:v26+s14+$0x0], $0xffff;
	[tilespmem:v27+s15+$0x0] =	vst.idx.msk $0xffff, v20  }
0x1ce: {  	v20 =	vand.u32 $0xF, v37;
	v27 =	vand.u32 $0xF, v38;
	v36 =	vor.u32 v44, v36;
	[tilespmem:v22+s15+$0x0] =	vst.idx.msk $0xffff, v32  }
0x1cf: {  	v43 =	vand.u32 $0xF, v41;
	v32 =	vand.u32 $0xF, v19;
	v19 =	vand.u32 $0xF, v40;
	[tilespmem:v21+s15+$0x0] =	vst.idx.msk $0xffff, v31  }
0x1d0: {  	v42 =	vor.u32 s30, v42;
	v22 =	vor.u32 s30, v45;
	v21 =	vor.u32 s30, v20;
	[tilespmem:v23+s15+$0x0] =	vst.idx.msk $0xffff, v30  }
0x1d1: {  	v19 =	vor.u32 s30, v19;
	v20 =	vor.u32 s30, v43;
	v23 =	vor.u32 s30, v27;
	[tilespmem:v24+s15+$0x0] =	vst.idx.msk $0xffff, v29  }
0x1d2: {  	s28 =	sshll.u32 s26, $0x6;
	v27 =	vshll.u32 v42, $0x8;
	v24 =	vor.u32 s30, v32;
	[tilespmem:v25+s15+$0x0] =	vst.idx.msk $0xffff, v28  }
0x1d3: {  	v29 =	vshll.u32 v21, $0x8;
	v25 =	vor.u32 s28, v18;
	v28 =	vshll.u32 v22, $0x8;
	v30 =	vld.idx.msk [tilespmem:v36+s14+$0x0], $0xffff;
	[tilespmem:v34+s15+$0x0] =	vst.idx.msk $0xffff, v26  }
0x1d4: {  	v31 =	vshll.u32 v19, $0x8;
	v26 =	vshll.u32 v23, $0x8;
	v32 =	vor.u32 v39, v25  }
0x1d5: {  	v33 =	vshll.u32 v33, $0x7;
	v34 =	vshll.u32 v24, $0x8;
	v36 =	vshll.u32 v20, $0x8  }
0x1d6: {  	v35 =	vshll.u32 v35, $0x7;
	v37 =	vshll.u32 v37, $0x7;
	v38 =	vshll.u32 v38, $0x7  }
0x1d7: {  	v27 =	vand.u32 $0x3800, v27;
	v39 =	vshll.u32 v40, $0x7;
	v40 =	vshll.u32 v41, $0x7  }
0x1d8: {  	v29 =	vand.u32 $0x3800, v29;
	v28 =	vand.u32 $0x3800, v28;
	v26 =	vand.u32 $0x3800, v26  }
0x1d9: {  	v31 =	vand.u32 $0x3800, v31;
	v34 =	vand.u32 $0x3800, v34;
	v36 =	vand.u32 $0x3800, v36;
	[tilespmem:v32+s15+$0x0] =	vst.idx.msk $0xffff, v30  }
0x1da: {  	v30 =	vand.u32 $0x380, v33;
	v32 =	vand.u32 $0x380, v35;
	v33 =	vand.u32 $0x380, v37  }
0x1db: {  	v35 =	vand.u32 $0x380, v38;
	v37 =	vand.u32 $0x380, v39;
	v38 =	vand.u32 $0x380, v40  }
.Ltmp11:
0x1dc: {  	v27 =	vor.u32 v27, v30;
	v28 =	vor.u32 v28, v32;
	v29 =	vor.u32 v29, v33;
	(pc) =	sbr.rel @p1 .LBB2_33-.Ltmp11, $4  }
0x1dd: {  	v26 =	vor.u32 v26, v35;
	v35 =	vor.u32 v31, v37;
	v36 =	vor.u32 v36, v38  }
0x1de: {  	v34 =	vor.u32 s26, v34;
	v33 =	vor.u32 v44, v27;
	v32 =	vor.u32 v44, v28  }
0x1df: {  	v31 =	vor.u32 v44, v29;
	v30 =	vor.u32 v44, v26;
	v29 =	vor.u32 v44, v35  }
0x1e0: {  	v26 =	vor.u32 v15, v34;
	v27 =	vor.u32 v42, v25;
	v28 =	vor.u32 v44, v36  }
0x1e1: {  	v34 =	vor.u32 v22, v25;
	s24 =	simm.s32 $0x0  }
0x1e2: {  	v35 =	vor.u32 v21, v25;
	v36 =	vor.u32 v23, v25;
	v37 =	vor.u32 v24, v25;
	s25 =	sand.u32 $0x8, s24  }
0x1e3: {  	v38 =	vor.u32 v19, v25;
	v39 =	vor.u32 v20, v25;
	v18 =	vadd.s32 s25, v0;
	s26 =	sor.u32 $0x1, s25;
	s28 =	sor.u32 $0x2, s25;
	s29 =	sor.u32 $0x7, s25  }
0x1e4: {  	s30 =	sor.u32 $0x3, s25;
	s31 =	sor.u32 $0x4, s25;
	v40 =	vadd.s32 s26, v0;
	v41 =	vadd.s32 s28, v0;
	v17 =	vadd.s32 s29, v0  }
0x1e5: {  	v23 =	vld.idx.msk [tilespmem:v33+s14+$0x0], $0xffff;
	v42 =	vadd.s32 s30, v0;
	v43 =	vadd.s32 s31, v0;
	s29 =	sor.u32 $0x5, s25;
	s25 =	sor.u32 $0x6, s25;
	v18 =	vand.u32 $0xF, v18  }
0x1e6: {  	v29 =	vld.idx.msk [tilespmem:v29+s14+$0x0], $0xffff;
	v19 =	vand.u32 $0xF, v17;
	v44 =	vadd.s32 s29, v0;
	v45 =	vadd.s32 s25, v0  }
0x1e7: {  	v28 =	vld.idx.msk [tilespmem:v28+s14+$0x0], $0xffff;
	v21 =	vshll.u32 v17, $0x7;
	v17 =	vor.u32 $0x460, v3;
	v22 =	vand.u32 $0xF, v41  }
0x1e8: {  	v30 =	vld.idx.msk [tilespmem:v30+s14+$0x0], $0xffff;
	s30 =	simm.s32 $0x0;
	v24 =	vand.u32 $0xF, v43;
	v51 =	vshll.u32 v40, $0x7;
	v53 =	vshll.u32 v42, $0x7  }
0x1e9: {  	s25 =	sand.u32 $0x1, s30;
	v54 =	vshll.u32 v43, $0x7;
	v46 =	vor.u32 s23, v19;
	v19 =	vand.u32 $0xF, v40  }
0x1ea: {  	v25 =	vld.idx.msk [tilespmem:v32+s14+$0x0], $0xffff;
	v21 =	vand.u32 $0x380, v21;
	v47 =	vor.u32 s25, v17;
	v62 =	vand.u32 $0xF, v45;
	[tilespmem:v27+s15+$0x0] =	vst.idx.msk $0xffff, v23  }
0x1eb: {  	v31 =	vld.idx.msk [tilespmem:v31+s14+$0x0], $0xffff;
	v22 =	vor.u32 s23, v22;
	v24 =	vor.u32 s23, v24;
	v23 =	vor.u32 s23, v18;
	[tilespmem:v38+s15+$0x0] =	vst.idx.msk $0xffff, v29  }
0x1ec: {  	v18 =	vor.u32 $0x3800, v2;
	v29 =	vshll.u32 v41, $0x7;
	[tilespmem:v39+s15+$0x0] =	vst.idx.msk $0xffff, v28;
	v28 =	vshll.u32 v44, $0x7  }
0x1ed: {  	[tilespmem:v36+s15+$0x0] =	vst.idx.msk $0xffff, v30;
	v55 =	vshll.u32 v45, $0x7;
	v36 =	vand.u32 $0x380, v51;
	v59 =	vand.u32 $0x380, v53  }
0x1ee: {  	v26 =	vld.idx.msk [tilespmem:v26+s14+$0x0], $0xffff;
	s31 =	sshll.u32 s25, $0x6;
	v60 =	vand.u32 $0x380, v54;
	v20 =	vshll.u32 v46, $0x8;
	v48 =	vor.u32 s23, v19  }
0x1ef: {  	[tilespmem:v34+s15+$0x0] =	vst.idx.msk $0xffff, v25;
	v19 =	vor.u32 s23, v62;
	v25 =	vor.u32 s31, v18;
	v20 =	vand.u32 $0x3800, v20  }
0x1f0: {  	[tilespmem:v35+s15+$0x0] =	vst.idx.msk $0xffff, v31;
	v63 =	vshll.u32 v22, $0x8;
	v31 =	vshll.u32 v24, $0x8;
	v20 =	vor.u32 v20, v21  }
0x1f1: {  	v30 =	vshll.u32 v23, $0x8;
	v29 =	vand.u32 $0x380, v29;
	v61 =	vor.u32 v47, v20  }
0x1f2: {  	v28 =	vand.u32 $0x380, v28;
	v39 =	vand.u32 $0x380, v55;
	v27 =	vshll.u32 v48, $0x8  }
0x1f3: {  	[tilespmem:v37+s15+$0x0] =	vst.idx.msk $0xffff, v26;
	v46 =	vor.u32 v46, v25;
	v52 =	vshll.u32 v19, $0x8;
	v26 =	vand.u32 $0x3800, v63  }
0x1f4: {  	v31 =	vand.u32 $0x3800, v31;
	v30 =	vand.u32 $0x3800, v30;
	v21 =	vand.u32 $0xF, v42  }
0x1f5: {  	v27 =	vand.u32 $0x3800, v27;
	v58 =	vand.u32 $0x3800, v52;
	v26 =	vor.u32 v26, v29  }
0x1f6: {  	v20 =	vand.u32 $0xF, v44;
	v21 =	vor.u32 s23, v21;
	v27 =	vor.u32 v27, v36;
	v32 =	vld.idx.msk [tilespmem:v61+s14+$0x0], $0xffff  }
0x1f7: {  	v62 =	vor.u32 v58, v39;
	v20 =	vor.u32 s23, v20;
	v49 =	vshll.u32 v21, $0x8  }
0x1f8: {  	v33 =	vor.u32 v47, v27;
	v50 =	vshll.u32 v20, $0x8;
	v56 =	vand.u32 $0x3800, v49  }
0x1f9: {  	v27 =	vor.u32 v48, v25;
	v57 =	vand.u32 $0x3800, v50;
	v29 =	vor.u32 v56, v59  }
0x1fa: {  	v28 =	vor.u32 v57, v28;
	v61 =	vor.u32 v31, v60;
	v31 =	vor.u32 v47, v29  }
0x1fb: {  	v63 =	vor.u32 s25, v30;
	v28 =	vor.u32 v47, v28;
	[tilespmem:v46+s15+$0x0] =	vst.idx.msk $0xffff, v32;
	v32 =	vor.u32 v47, v26  }
0x1fc: {  	v29 =	vor.u32 v47, v62;
	v30 =	vor.u32 v47, v61;
	v26 =	vor.u32 v16, v63  }
.LBB2_35:
0x1fd: {  	s24 =	sadd.s32 $0x8, s24;
	v22 =	vor.u32 v22, v25;
	v21 =	vor.u32 v21, v25;
	v24 =	vor.u32 v24, v25  }
0x1fe: {  	v34 =	vor.u32 v23, v25;
	v23 =	vor.u32 v20, v25;
	v25 =	vor.u32 v19, v25;
	s23 =	sand.u32 $0x8, s24;
	p1 =	slt.u32 s24, $0x78  }
0x1ff: {  	v19 =	vadd.s32 s23, v0;
	s25 =	sor.u32 $0x1, s23;
	s26 =	sor.u32 $0x2, s23;
	s28 =	sor.u32 $0x7, s23;
	v20 =	vld.idx.msk [tilespmem:v33+s14+$0x0], $0xffff  }
0x200: {  	s22 =	sadd.s32 $0x4, s22;
	v33 =	vadd.s32 s25, v0;
	v35 =	vadd.s32 s26, v0;
	s25 =	sor.u32 $0x3, s23;
	s26 =	sor.u32 $0x4, s23;
	v36 =	vadd.s32 s28, v0;
	v32 =	vld.idx.msk [tilespmem:v32+s14+$0x0], $0xffff  }
0x201: {  	s28 =	sand.u32 $0x30, s22;
	v37 =	vadd.s32 s25, v0;
	v38 =	vadd.s32 s26, v0;
	s25 =	sor.u32 $0x5, s23;
	s23 =	sor.u32 $0x6, s23;
	v39 =	vand.u32 $0xF, v36;
	v31 =	vld.idx.msk [tilespmem:v31+s14+$0x0], $0xffff  }
0x202: {  	v40 =	vadd.s32 s25, v0;
	v41 =	vadd.s32 s23, v0;
	v39 =	vor.u32 s28, v39;
	v30 =	vld.idx.msk [tilespmem:v30+s14+$0x0], $0xffff  }
0x203: {  	v42 =	vand.u32 $0xF, v33;
	v36 =	vshll.u32 v36, $0x7;
	s23 =	sshrl.u32 s24, $0x4;
	v43 =	vshll.u32 v39, $0x8;
	v28 =	vld.idx.msk [tilespmem:v28+s14+$0x0], $0xffff  }
0x204: {  	v36 =	vand.u32 $0x380, v36;
	s23 =	sand.u32 $0x1, s23;
	v43 =	vand.u32 $0x3800, v43;
	v29 =	vld.idx.msk [tilespmem:v29+s14+$0x0], $0xffff  }
0x205: {  	v45 =	vand.u32 $0xF, v35;
	v44 =	vor.u32 s23, v17;
	v36 =	vor.u32 v43, v36;
	v26 =	vld.idx.msk [tilespmem:v26+s14+$0x0], $0xffff;
	[tilespmem:v27+s15+$0x0] =	vst.idx.msk $0xffff, v20  }
0x206: {  	v20 =	vand.u32 $0xF, v37;
	v27 =	vand.u32 $0xF, v38;
	v36 =	vor.u32 v44, v36;
	[tilespmem:v22+s15+$0x0] =	vst.idx.msk $0xffff, v32  }
0x207: {  	v43 =	vand.u32 $0xF, v41;
	v32 =	vand.u32 $0xF, v19;
	v19 =	vand.u32 $0xF, v40;
	[tilespmem:v21+s15+$0x0] =	vst.idx.msk $0xffff, v31  }
0x208: {  	v42 =	vor.u32 s28, v42;
	v22 =	vor.u32 s28, v45;
	v21 =	vor.u32 s28, v20;
	[tilespmem:v24+s15+$0x0] =	vst.idx.msk $0xffff, v30  }
0x209: {  	v20 =	vor.u32 s28, v19;
	v19 =	vor.u32 s28, v43;
	v24 =	vor.u32 s28, v27;
	[tilespmem:v23+s15+$0x0] =	vst.idx.msk $0xffff, v28  }
0x20a: {  	s25 =	sshll.u32 s23, $0x6;
	v27 =	vshll.u32 v42, $0x8;
	v23 =	vor.u32 s28, v32;
	[tilespmem:v25+s15+$0x0] =	vst.idx.msk $0xffff, v29  }
0x20b: {  	v28 =	vshll.u32 v22, $0x8;
	v25 =	vor.u32 s25, v18;
	v29 =	vshll.u32 v21, $0x8;
	v30 =	vld.idx.msk [tilespmem:v36+s14+$0x0], $0xffff;
	[tilespmem:v34+s15+$0x0] =	vst.idx.msk $0xffff, v26  }
0x20c: {  	v31 =	vshll.u32 v20, $0x8;
	v26 =	vshll.u32 v24, $0x8;
	v32 =	vor.u32 v39, v25  }
0x20d: {  	v33 =	vshll.u32 v33, $0x7;
	v34 =	vshll.u32 v23, $0x8;
	v36 =	vshll.u32 v19, $0x8  }
0x20e: {  	v35 =	vshll.u32 v35, $0x7;
	v37 =	vshll.u32 v37, $0x7;
	v38 =	vshll.u32 v38, $0x7  }
0x20f: {  	v27 =	vand.u32 $0x3800, v27;
	v39 =	vshll.u32 v40, $0x7;
	v40 =	vshll.u32 v41, $0x7  }
0x210: {  	v28 =	vand.u32 $0x3800, v28;
	v29 =	vand.u32 $0x3800, v29;
	v26 =	vand.u32 $0x3800, v26  }
0x211: {  	v31 =	vand.u32 $0x3800, v31;
	v34 =	vand.u32 $0x3800, v34;
	v36 =	vand.u32 $0x3800, v36;
	[tilespmem:v32+s15+$0x0] =	vst.idx.msk $0xffff, v30  }
0x212: {  	v30 =	vand.u32 $0x380, v33;
	v32 =	vand.u32 $0x380, v35;
	v33 =	vand.u32 $0x380, v37  }
0x213: {  	v35 =	vand.u32 $0x380, v38;
	v37 =	vand.u32 $0x380, v39;
	v38 =	vand.u32 $0x380, v40  }
.Ltmp12:
0x214: {  	v27 =	vor.u32 v27, v30;
	v28 =	vor.u32 v28, v32;
	v29 =	vor.u32 v29, v33;
	(pc) =	sbr.rel @p1 .LBB2_35-.Ltmp12, $4  }
0x215: {  	v26 =	vor.u32 v26, v35;
	v35 =	vor.u32 v31, v37;
	v36 =	vor.u32 v36, v38  }
0x216: {  	v34 =	vor.u32 s23, v34;
	v33 =	vor.u32 v44, v27;
	v32 =	vor.u32 v44, v28  }
0x217: {  	v31 =	vor.u32 v44, v29;
	v30 =	vor.u32 v44, v26;
	v28 =	vor.u32 v44, v35  }
0x218: {  	v26 =	vor.u32 v16, v34;
	v27 =	vor.u32 v42, v25;
	v29 =	vor.u32 v44, v36  }
0x219: {  	_ =	sdelay $0x3  }
0x21a: {  	v17 =	vld.idx.msk [tilespmem:v33+s14+$0x0], $0xffff  }
0x21b: {  	v18 =	vor.u32 v22, v25;
	v62 =	vld.idx.msk [tilespmem:v32+s14+$0x0], $0xffff  }
0x21c: {  	v21 =	vor.u32 v21, v25;
	v31 =	vld.idx.msk [tilespmem:v31+s14+$0x0], $0xffff  }
0x21d: {  	v24 =	vor.u32 v24, v25;
	v30 =	vld.idx.msk [tilespmem:v30+s14+$0x0], $0xffff  }
0x21e: {  	v20 =	vor.u32 v20, v25;
	v28 =	vld.idx.msk [tilespmem:v28+s14+$0x0], $0xffff  }
0x21f: {  	v19 =	vor.u32 v19, v25;
	v29 =	vld.idx.msk [tilespmem:v29+s14+$0x0], $0xffff;
	[tilespmem:v27+s15+$0x0] =	vst.idx.msk $0xffff, v17  }
0x220: {  	v63 =	vld.idx.msk [tilespmem:v26+s14+$0x0], $0xffff;
	v17 =	vor.u32 v23, v25;
	[tilespmem:v18+s15+$0x0] =	vst.idx.msk $0xffff, v62  }
0x221: {  	s22 =	sadd.s32 s5, s21;
	[tilespmem:v21+s15+$0x0] =	vst.idx.msk $0xffff, v31  }
.Ltmp13:
0x222: {  	s22 =	sshll.u32 s22, $0x8;
	[tilespmem:v24+s15+$0x0] =	vst.idx.msk $0xffff, v30;
	(pc) =	sbr.rel .LBB2_37-.Ltmp13, $4  }
0x223: {  	s22 =	smin.u32 s22, $0xF4100;
	[tilespmem:v20+s15+$0x0] =	vst.idx.msk $0xffff, v28  }
0x224: {  	s22 =	sshll.u32 s22, $0x3;
	[tilespmem:v19+s15+$0x0] =	vst.idx.msk $0xffff, v29  }
0x225: {  	s22 =	sadd.s32 s6, s22;
	[tilespmem:v17+s15+$0x0] =	vst.idx.msk $0xffff, v63  }
0x226: {  	[hbm4b:s22+s4] =	stream.linear.scatter [tilespmem:s15], [sflag:$0x4], $0x4000, $0x38;
	[tilespmem:$0x11000] =	vst v63  }
.LBB2_3:
0x227: {  	s22 =	simm.s32 @!p1 $0x3;
	s24 =	simm.s32 $0x0  }
0x228: {  	p2 =	seq.s32 @!p1 s21, $0x7A;
	_ =	swait.ge @!p1 [sflag:s22], $0x4000;
	s25 =	sand.u32 $0x8, s24  }
0x229: {  	p2 =	por p1, !p2;
	[sflag:s22] =	ssyncset.done @!p1 $0x0;
	s23 =	sor.u32 $0x1, s25  }
0x22a: {  	v17 =	vadd.s32 s25, v0;
	s26 =	sor.u32 $0x2, s25;
	s28 =	sor.u32 $0x7, s25;
	s31 =	sor.u32 $0x3, s25  }
0x22b: {  	s29 =	sor.u32 $0x4, s25;
	[sflag:s22] =	ssyncadd.s32 @!p1 $0xFFFFC000;
	s22 =	sadd.s32 @p2 s21, s9;
	v25 =	vadd.s32 s23, v0;
	v26 =	vadd.s32 s26, v0;
	v18 =	vadd.s32 s28, v0  }
0x22c: {  	v27 =	vadd.s32 s31, v0;
	v28 =	vadd.s32 s29, v0;
	s29 =	sor.u32 $0x5, s25;
	s25 =	sor.u32 $0x6, s25;
	v17 =	vand.u32 $0xF, v17;
	s22 =	sshll.u32 @p2 s22, $0x8  }
0x22d: {  	s30 =	simm.s32 $0x0;
	v19 =	vand.u32 $0xF, v18;
	v29 =	vadd.s32 s29, v0;
	v30 =	vadd.s32 s25, v0;
	s22 =	smin.u32 @p2 s22, $0xF4100  }
0x22e: {  	v18 =	vshll.u32 v18, $0x7;
	s25 =	sand.u32 $0x1, s30;
	v21 =	vand.u32 $0xF, v26;
	v23 =	vand.u32 $0xF, v27;
	s22 =	sadd.s32 @p2 s0, s22  }
0x22f: {  	v24 =	vand.u32 $0xF, v28;
	v26 =	vshll.u32 v26, $0x7;
	v27 =	vshll.u32 v27, $0x7;
	[tilespmem:s14], [sflag:$0x2] =	stream.strided.gather @p2 [hbm4b:s22+s11], $0x4000, s12, s11, $0x38;
	[tilespmem:$0x11000] =	vst v63  }
0x230: {  	v28 =	vshll.u32 v28, $0x7;
	v18 =	vand.u32 $0x380, v18;
	v32 =	vor.u32 s25, v3;
	s22 =	simm.s32 $0x0  }
0x231: {  	v33 =	vand.u32 $0xF, v29;
	v35 =	vand.u32 $0xF, v30;
	v29 =	vshll.u32 v29, $0x7;
	s23 =	sand.u32 $0x30, s22  }
0x232: {  	v30 =	vshll.u32 v30, $0x7;
	v26 =	vand.u32 $0x380, v26;
	v31 =	vor.u32 s23, v19  }
0x233: {  	v27 =	vand.u32 $0x380, v27;
	v28 =	vand.u32 $0x380, v28;
	v20 =	vshll.u32 v31, $0x8  }
0x234: {  	v29 =	vand.u32 $0x380, v29;
	v30 =	vand.u32 $0x380, v30;
	v20 =	vand.u32 $0x3800, v20  }
0x235: {  	v19 =	vand.u32 $0xF, v25;
	v22 =	vor.u32 s23, v21;
	v18 =	vor.u32 v20, v18  }
0x236: {  	v17 =	vor.u32 s23, v17;
	v21 =	vor.u32 s23, v35;
	v34 =	vor.u32 v32, v18  }
0x237: {  	v25 =	vshll.u32 v25, $0x7;
	v60 =	vshll.u32 v22, $0x8;
	v39 =	vshll.u32 v17, $0x8  }
0x238: {  	_ =	swait.ge [sflag:s18], $0x4000;
	v40 =	vshll.u32 v21, $0x8;
	v25 =	vand.u32 $0x380, v25;
	v35 =	vand.u32 $0x3800, v60  }
0x239: {  	s31 =	sshll.u32 s25, $0x6;
	[sflag:s18] =	ssyncset.done $0x0;
	v40 =	vand.u32 $0x3800, v40;
	v39 =	vand.u32 $0x3800, v39;
	v20 =	vor.u32 s23, v23  }
0x23a: {  	[sflag:s18] =	ssyncadd.s32 $0xFFFFC000;
	v18 =	vor.u32 s23, v19;
	v19 =	vor.u32 s23, v24;
	v24 =	vor.u32 s31, v2  }
0x23b: {  	v23 =	vor.u32 s23, v33;
	v26 =	vor.u32 v35, v26;
	v31 =	vor.u32 v31, v24;
	v34 =	vld.idx.msk [tilespmem:v34+s22+$0x0], $0xffff  }
0x23c: {  	v62 =	vor.u32 s25, v39;
	v63 =	vor.u32 v40, v30;
	v36 =	vshll.u32 v20, $0x8  }
0x23d: {  	v38 =	vshll.u32 v23, $0x8;
	v30 =	vor.u32 v32, v26;
	v59 =	vshll.u32 v18, $0x8  }
0x23e: {  	v26 =	vor.u32 v32, v63;
	v37 =	vshll.u32 v19, $0x8;
	v33 =	vand.u32 $0x3800, v59  }
0x23f: {  	v36 =	vand.u32 $0x3800, v36;
	v38 =	vand.u32 $0x3800, v38;
	v25 =	vor.u32 v33, v25  }
0x240: {  	v37 =	vand.u32 $0x3800, v37;
	v27 =	vor.u32 v36, v27;
	[tilespmem:v31+s19+$0x0] =	vst.idx.msk $0xffff, v34;
	v31 =	vor.u32 v32, v25  }
0x241: {  	v61 =	vor.u32 v38, v29;
	v28 =	vor.u32 v37, v28;
	v29 =	vor.u32 v32, v27  }
0x242: {  	s25 =	simm.s32 $0x0;
	v27 =	vor.u32 v32, v61;
	v28 =	vor.u32 v32, v28;
	v25 =	vor.u32 v1, v62  }
.LBB2_4:
0x243: {  	s24 =	sadd.s32 $0x8, s24;
	v18 =	vor.u32 v18, v24;
	v22 =	vor.u32 v22, v24;
	v20 =	vor.u32 v20, v24  }
0x244: {  	v32 =	vor.u32 v19, v24;
	v33 =	vor.u32 v23, v24;
	v34 =	vor.u32 v21, v24;
	s26 =	sand.u32 $0x8, s24;
	p1 =	slt.u32 s24, $0x78  }
0x245: {  	v35 =	vor.u32 v17, v24;
	v19 =	vadd.s32 s26, v0;
	s28 =	sor.u32 $0x1, s26;
	s29 =	sor.u32 $0x2, s26;
	s30 =	sor.u32 $0x7, s26;
	v17 =	vld.idx.msk [tilespmem:v31+s22+$0x0], $0xffff  }
0x246: {  	s25 =	sadd.s32 $0x4, s25;
	v31 =	vadd.s32 s28, v0;
	v36 =	vadd.s32 s29, v0;
	s28 =	sor.u32 $0x3, s26;
	s29 =	sor.u32 $0x4, s26;
	v21 =	vadd.s32 s30, v0;
	v23 =	vld.idx.msk [tilespmem:v30+s22+$0x0], $0xffff  }
0x247: {  	s30 =	sand.u32 $0x30, s25;
	v30 =	vadd.s32 s28, v0;
	v37 =	vadd.s32 s29, v0;
	s28 =	sor.u32 $0x5, s26;
	s26 =	sor.u32 $0x6, s26;
	v24 =	vand.u32 $0xF, v21;
	v29 =	vld.idx.msk [tilespmem:v29+s22+$0x0], $0xffff  }
0x248: {  	v38 =	vadd.s32 s28, v0;
	v39 =	vadd.s32 s26, v0;
	v40 =	vor.u32 s30, v24;
	v24 =	vld.idx.msk [tilespmem:v28+s22+$0x0], $0xffff  }
0x249: {  	v21 =	vshll.u32 v21, $0x7;
	s26 =	sshrl.u32 s24, $0x4;
	v28 =	vand.u32 $0xF, v31;
	v41 =	vshll.u32 v40, $0x8;
	v27 =	vld.idx.msk [tilespmem:v27+s22+$0x0], $0xffff  }
0x24a: {  	v42 =	vand.u32 $0xF, v36;
	v21 =	vand.u32 $0x380, v21;
	s26 =	sand.u32 $0x1, s26;
	v41 =	vand.u32 $0x3800, v41;
	v26 =	vld.idx.msk [tilespmem:v26+s22+$0x0], $0xffff  }
0x24b: {  	v44 =	vand.u32 $0xF, v30;
	v43 =	vor.u32 s26, v3;
	v21 =	vor.u32 v41, v21;
	v25 =	vld.idx.msk [tilespmem:v25+s22+$0x0], $0xffff;
	[tilespmem:v18+s19+$0x0] =	vst.idx.msk $0xffff, v17  }
0x24c: {  	v17 =	vand.u32 $0xF, v37;
	v41 =	vand.u32 $0xF, v38;
	v45 =	vor.u32 v43, v21;
	[tilespmem:v22+s19+$0x0] =	vst.idx.msk $0xffff, v23  }
0x24d: {  	v18 =	vor.u32 s30, v28;
	v28 =	vand.u32 $0xF, v39;
	v21 =	vand.u32 $0xF, v19;
	[tilespmem:v20+s19+$0x0] =	vst.idx.msk $0xffff, v29  }
0x24e: {  	v22 =	vor.u32 s30, v42;
	v19 =	vor.u32 s30, v17;
	v20 =	vor.u32 s30, v44;
	[tilespmem:v32+s19+$0x0] =	vst.idx.msk $0xffff, v24  }
0x24f: {  	v23 =	vor.u32 s30, v41;
	v17 =	vor.u32 s30, v21;
	v21 =	vor.u32 s30, v28;
	[tilespmem:v33+s19+$0x0] =	vst.idx.msk $0xffff, v27  }
0x250: {  	s28 =	sshll.u32 s26, $0x6;
	v28 =	vshll.u32 v22, $0x8;
	v29 =	vshll.u32 v20, $0x8;
	v27 =	vshll.u32 v18, $0x8;
	[tilespmem:v34+s19+$0x0] =	vst.idx.msk $0xffff, v26  }
0x251: {  	v24 =	vor.u32 s28, v2;
	v32 =	vshll.u32 v23, $0x8;
	v26 =	vshll.u32 v19, $0x8;
	v33 =	vld.idx.msk [tilespmem:v45+s22+$0x0], $0xffff;
	[tilespmem:v35+s19+$0x0] =	vst.idx.msk $0xffff, v25  }
0x252: {  	v34 =	vshll.u32 v21, $0x8;
	v25 =	vshll.u32 v17, $0x8;
	v35 =	vor.u32 v40, v24  }
0x253: {  	v36 =	vshll.u32 v36, $0x7;
	v31 =	vshll.u32 v31, $0x7;
	v30 =	vshll.u32 v30, $0x7  }
0x254: {  	v37 =	vshll.u32 v37, $0x7;
	v38 =	vshll.u32 v38, $0x7;
	v39 =	vshll.u32 v39, $0x7  }
0x255: {  	v28 =	vand.u32 $0x3800, v28;
	v29 =	vand.u32 $0x3800, v29;
	v27 =	vand.u32 $0x3800, v27  }
0x256: {  	v32 =	vand.u32 $0x3800, v32;
	v26 =	vand.u32 $0x3800, v26;
	v34 =	vand.u32 $0x3800, v34  }
0x257: {  	v36 =	vand.u32 $0x380, v36;
	v31 =	vand.u32 $0x380, v31;
	v25 =	vand.u32 $0x3800, v25;
	[tilespmem:v35+s19+$0x0] =	vst.idx.msk $0xffff, v33  }
0x258: {  	v30 =	vand.u32 $0x380, v30;
	v33 =	vand.u32 $0x380, v37;
	v35 =	vand.u32 $0x380, v38  }
.Ltmp14:
0x259: {  	v28 =	vor.u32 v28, v36;
	v36 =	vand.u32 $0x380, v39;
	v27 =	vor.u32 v27, v31;
	(pc) =	sbr.rel @p1 .LBB2_4-.Ltmp14, $4  }
0x25a: {  	v29 =	vor.u32 v29, v30;
	v26 =	vor.u32 v26, v33;
	v32 =	vor.u32 v32, v35  }
0x25b: {  	v31 =	vor.u32 v43, v27;
	v25 =	vor.u32 s26, v25;
	v33 =	vor.u32 v34, v36  }
0x25c: {  	v30 =	vor.u32 v43, v28;
	v29 =	vor.u32 v43, v29;
	v28 =	vor.u32 v43, v26  }
0x25d: {  	v25 =	vor.u32 v1, v25;
	v27 =	vor.u32 v43, v32;
	v26 =	vor.u32 v43, v33  }
0x25e: {  	s24 =	simm.s32 $0x0  }
0x25f: {  	v32 =	vor.u32 v18, v24;
	v33 =	vor.u32 v22, v24;
	v34 =	vor.u32 v20, v24;
	s25 =	sand.u32 $0x8, s24  }
0x260: {  	v35 =	vor.u32 v19, v24;
	v36 =	vor.u32 v23, v24;
	v37 =	vor.u32 v21, v24;
	s26 =	sor.u32 $0x1, s25  }
0x261: {  	v38 =	vor.u32 v17, v24;
	v17 =	vadd.s32 s25, v0;
	s28 =	sor.u32 $0x2, s25;
	s29 =	sor.u32 $0x7, s25;
	s30 =	sor.u32 $0x3, s25;
	v39 =	vadd.s32 s26, v0  }
0x262: {  	v24 =	vld.idx.msk [tilespmem:v30+s22+$0x0], $0xffff;
	s31 =	sor.u32 $0x4, s25;
	v40 =	vadd.s32 s28, v0;
	v18 =	vadd.s32 s29, v0;
	v41 =	vadd.s32 s30, v0  }
0x263: {  	v28 =	vld.idx.msk [tilespmem:v28+s22+$0x0], $0xffff;
	v42 =	vadd.s32 s31, v0;
	s29 =	sor.u32 $0x5, s25;
	s25 =	sor.u32 $0x6, s25;
	v17 =	vand.u32 $0xF, v17;
	v19 =	vand.u32 $0xF, v18  }
0x264: {  	v27 =	vld.idx.msk [tilespmem:v27+s22+$0x0], $0xffff;
	v43 =	vadd.s32 s29, v0;
	v44 =	vadd.s32 s25, v0;
	v18 =	vshll.u32 v18, $0x7  }
0x265: {  	v26 =	vld.idx.msk [tilespmem:v26+s22+$0x0], $0xffff;
	v21 =	vand.u32 $0xF, v40;
	v23 =	vand.u32 $0xF, v41;
	v30 =	vand.u32 $0xF, v42  }
0x266: {  	v22 =	vld.idx.msk [tilespmem:v31+s22+$0x0], $0xffff;
	s30 =	simm.s32 $0x0;
	v17 =	vor.u32 s23, v17;
	v56 =	vshll.u32 v40, $0x7;
	v57 =	vshll.u32 v41, $0x7  }
0x267: {  	s25 =	sand.u32 $0x1, s30;
	v45 =	vor.u32 s23, v19;
	v19 =	vand.u32 $0xF, v39;
	v18 =	vand.u32 $0x380, v18  }
0x268: {  	v46 =	vor.u32 s25, v6;
	v31 =	vand.u32 $0xF, v43;
	v48 =	vand.u32 $0xF, v44;
	[tilespmem:v35+s19+$0x0] =	vst.idx.msk $0xffff, v28  }
0x269: {  	v21 =	vor.u32 s23, v21;
	v28 =	vshll.u32 v17, $0x8;
	[tilespmem:v36+s19+$0x0] =	vst.idx.msk $0xffff, v27;
	v27 =	vshll.u32 v39, $0x7  }
0x26a: {  	[tilespmem:v37+s19+$0x0] =	vst.idx.msk $0xffff, v26;
	v26 =	vshll.u32 v42, $0x7;
	v58 =	vshll.u32 v43, $0x7;
	v59 =	vshll.u32 v44, $0x7  }
0x26b: {  	[tilespmem:v32+s19+$0x0] =	vst.idx.msk $0xffff, v22;
	s31 =	sshll.u32 s25, $0x6;
	v36 =	vand.u32 $0x380, v56;
	v61 =	vand.u32 $0x380, v57;
	v20 =	vshll.u32 v45, $0x8  }
0x26c: {  	v29 =	vld.idx.msk [tilespmem:v29+s22+$0x0], $0xffff;
	[tilespmem:v33+s19+$0x0] =	vst.idx.msk $0xffff, v24;
	v22 =	vor.u32 s23, v48;
	v24 =	vor.u32 s31, v5;
	v28 =	vand.u32 $0x3800, v28  }
0x26d: {  	v27 =	vand.u32 $0x380, v27;
	v26 =	vand.u32 $0x380, v26;
	v20 =	vand.u32 $0x3800, v20  }
0x26e: {  	v25 =	vld.idx.msk [tilespmem:v25+s22+$0x0], $0xffff;
	v37 =	vand.u32 $0x380, v58;
	v54 =	vshll.u32 v22, $0x8;
	v18 =	vor.u32 v20, v18  }
0x26f: {  	v55 =	vor.u32 v45, v24;
	v63 =	vor.u32 s25, v28;
	v47 =	vor.u32 v46, v18  }
0x270: {  	v20 =	vor.u32 s23, v23;
	v23 =	vor.u32 s23, v31;
	v31 =	vshll.u32 v21, $0x8  }
0x271: {  	[tilespmem:v34+s19+$0x0] =	vst.idx.msk $0xffff, v29;
	v34 =	vand.u32 $0x3800, v54;
	v18 =	vor.u32 s23, v19;
	v19 =	vor.u32 s23, v30  }
0x272: {  	v52 =	vshll.u32 v20, $0x8;
	v53 =	vshll.u32 v23, $0x8;
	v30 =	vshll.u32 v18, $0x8  }
0x273: {  	[tilespmem:v38+s19+$0x0] =	vst.idx.msk $0xffff, v25;
	s23 =	simm.s32 $0x0;
	v29 =	vshll.u32 v19, $0x8;
	v33 =	vand.u32 $0x3800, v53;
	v25 =	vand.u32 $0x3800, v30  }
0x274: {  	v30 =	vand.u32 $0x3800, v31;
	v31 =	vand.u32 $0x3800, v52;
	v29 =	vand.u32 $0x3800, v29;
	v60 =	vld.idx.msk [tilespmem:v47+s23+$0x0], $0xffff  }
0x275: {  	v33 =	vor.u32 v33, v37;
	v25 =	vor.u32 v25, v27;
	v27 =	vor.u32 v30, v36  }
0x276: {  	v30 =	vand.u32 $0x380, v59;
	v62 =	vor.u32 v31, v61;
	v26 =	vor.u32 v29, v26  }
0x277: {  	v31 =	vor.u32 v46, v25;
	v34 =	vor.u32 v34, v30;
	v30 =	vor.u32 v46, v27  }
0x278: {  	v29 =	vor.u32 v46, v62;
	v28 =	vor.u32 v46, v26;
	v25 =	vor.u32 v4, v63  }
0x279: {  	v27 =	vor.u32 v46, v33;
	v26 =	vor.u32 v46, v34;
	[tilespmem:v55+s19+$0x0] =	vst.idx.msk $0xffff, v60  }
.LBB2_6:
0x27a: {  	s24 =	sadd.s32 $0x8, s24;
	v18 =	vor.u32 v18, v24;
	v21 =	vor.u32 v21, v24;
	v20 =	vor.u32 v20, v24  }
0x27b: {  	v32 =	vor.u32 v19, v24;
	v33 =	vor.u32 v23, v24;
	v34 =	vor.u32 v22, v24;
	s25 =	sand.u32 $0x8, s24;
	p1 =	slt.u32 s24, $0x78  }
0x27c: {  	v35 =	vor.u32 v17, v24;
	v19 =	vadd.s32 s25, v0;
	s26 =	sor.u32 $0x1, s25;
	s28 =	sor.u32 $0x2, s25;
	s29 =	sor.u32 $0x7, s25;
	v17 =	vld.idx.msk [tilespmem:v31+s23+$0x0], $0xffff  }
0x27d: {  	s22 =	sadd.s32 $0x4, s22;
	v31 =	vadd.s32 s26, v0;
	v36 =	vadd.s32 s28, v0;
	s26 =	sor.u32 $0x3, s25;
	s28 =	sor.u32 $0x4, s25;
	v22 =	vadd.s32 s29, v0;
	v23 =	vld.idx.msk [tilespmem:v30+s23+$0x0], $0xffff  }
0x27e: {  	s29 =	sand.u32 $0x30, s22;
	v30 =	vadd.s32 s26, v0;
	v37 =	vadd.s32 s28, v0;
	s26 =	sor.u32 $0x5, s25;
	s25 =	sor.u32 $0x6, s25;
	v24 =	vand.u32 $0xF, v22;
	v29 =	vld.idx.msk [tilespmem:v29+s23+$0x0], $0xffff  }
0x27f: {  	v38 =	vadd.s32 s26, v0;
	v39 =	vadd.s32 s25, v0;
	v40 =	vor.u32 s29, v24;
	v24 =	vld.idx.msk [tilespmem:v28+s23+$0x0], $0xffff  }
0x280: {  	v22 =	vshll.u32 v22, $0x7;
	s25 =	sshrl.u32 s24, $0x4;
	v28 =	vand.u32 $0xF, v31;
	v41 =	vshll.u32 v40, $0x8;
	v27 =	vld.idx.msk [tilespmem:v27+s23+$0x0], $0xffff  }
0x281: {  	v42 =	vand.u32 $0xF, v36;
	v22 =	vand.u32 $0x380, v22;
	s25 =	sand.u32 $0x1, s25;
	v41 =	vand.u32 $0x3800, v41;
	v26 =	vld.idx.msk [tilespmem:v26+s23+$0x0], $0xffff  }
0x282: {  	v44 =	vand.u32 $0xF, v30;
	v43 =	vor.u32 s25, v6;
	v22 =	vor.u32 v41, v22;
	v25 =	vld.idx.msk [tilespmem:v25+s23+$0x0], $0xffff;
	[tilespmem:v18+s19+$0x0] =	vst.idx.msk $0xffff, v17  }
0x283: {  	v17 =	vand.u32 $0xF, v37;
	v41 =	vand.u32 $0xF, v38;
	v45 =	vor.u32 v43, v22;
	[tilespmem:v21+s19+$0x0] =	vst.idx.msk $0xffff, v23  }
0x284: {  	v18 =	vor.u32 s29, v28;
	v28 =	vand.u32 $0xF, v39;
	v22 =	vand.u32 $0xF, v19;
	[tilespmem:v20+s19+$0x0] =	vst.idx.msk $0xffff, v29  }
0x285: {  	v21 =	vor.u32 s29, v42;
	v19 =	vor.u32 s29, v17;
	v20 =	vor.u32 s29, v44;
	[tilespmem:v32+s19+$0x0] =	vst.idx.msk $0xffff, v24  }
0x286: {  	v23 =	vor.u32 s29, v41;
	v17 =	vor.u32 s29, v22;
	v22 =	vor.u32 s29, v28;
	[tilespmem:v33+s19+$0x0] =	vst.idx.msk $0xffff, v27  }
0x287: {  	s26 =	sshll.u32 s25, $0x6;
	v28 =	vshll.u32 v21, $0x8;
	v29 =	vshll.u32 v20, $0x8;
	v27 =	vshll.u32 v18, $0x8;
	[tilespmem:v34+s19+$0x0] =	vst.idx.msk $0xffff, v26  }
0x288: {  	v24 =	vor.u32 s26, v5;
	v32 =	vshll.u32 v23, $0x8;
	v26 =	vshll.u32 v19, $0x8;
	v33 =	vld.idx.msk [tilespmem:v45+s23+$0x0], $0xffff;
	[tilespmem:v35+s19+$0x0] =	vst.idx.msk $0xffff, v25  }
0x289: {  	v34 =	vshll.u32 v22, $0x8;
	v25 =	vshll.u32 v17, $0x8;
	v35 =	vor.u32 v40, v24  }
0x28a: {  	v36 =	vshll.u32 v36, $0x7;
	v31 =	vshll.u32 v31, $0x7;
	v30 =	vshll.u32 v30, $0x7  }
0x28b: {  	v37 =	vshll.u32 v37, $0x7;
	v38 =	vshll.u32 v38, $0x7;
	v39 =	vshll.u32 v39, $0x7  }
0x28c: {  	v28 =	vand.u32 $0x3800, v28;
	v29 =	vand.u32 $0x3800, v29;
	v27 =	vand.u32 $0x3800, v27  }
0x28d: {  	v32 =	vand.u32 $0x3800, v32;
	v26 =	vand.u32 $0x3800, v26;
	v34 =	vand.u32 $0x3800, v34  }
0x28e: {  	v36 =	vand.u32 $0x380, v36;
	v31 =	vand.u32 $0x380, v31;
	v25 =	vand.u32 $0x3800, v25;
	[tilespmem:v35+s19+$0x0] =	vst.idx.msk $0xffff, v33  }
0x28f: {  	v30 =	vand.u32 $0x380, v30;
	v33 =	vand.u32 $0x380, v37;
	v35 =	vand.u32 $0x380, v38  }
.Ltmp15:
0x290: {  	v28 =	vor.u32 v28, v36;
	v36 =	vand.u32 $0x380, v39;
	v27 =	vor.u32 v27, v31;
	(pc) =	sbr.rel @p1 .LBB2_6-.Ltmp15, $4  }
0x291: {  	v29 =	vor.u32 v29, v30;
	v26 =	vor.u32 v26, v33;
	v32 =	vor.u32 v32, v35  }
0x292: {  	v31 =	vor.u32 v43, v27;
	v25 =	vor.u32 s25, v25;
	v33 =	vor.u32 v34, v36  }
0x293: {  	v30 =	vor.u32 v43, v28;
	v29 =	vor.u32 v43, v29;
	v28 =	vor.u32 v43, v26  }
0x294: {  	v25 =	vor.u32 v4, v25;
	v27 =	vor.u32 v43, v32;
	v26 =	vor.u32 v43, v33  }
0x295: {  	s24 =	simm.s32 $0x0  }
0x296: {  	v32 =	vor.u32 v18, v24;
	v33 =	vor.u32 v21, v24;
	v34 =	vor.u32 v20, v24;
	s25 =	sand.u32 $0x8, s24  }
0x297: {  	v35 =	vor.u32 v19, v24;
	v36 =	vor.u32 v23, v24;
	v37 =	vor.u32 v22, v24;
	s22 =	sor.u32 $0x1, s25  }
0x298: {  	v38 =	vor.u32 v17, v24;
	v17 =	vadd.s32 s25, v0;
	s26 =	sor.u32 $0x2, s25;
	s28 =	sor.u32 $0x7, s25;
	s31 =	sor.u32 $0x3, s25;
	v39 =	vadd.s32 s22, v0  }
0x299: {  	v24 =	vld.idx.msk [tilespmem:v30+s23+$0x0], $0xffff;
	s29 =	sor.u32 $0x4, s25;
	v40 =	vadd.s32 s26, v0;
	v18 =	vadd.s32 s28, v0;
	v41 =	vadd.s32 s31, v0  }
0x29a: {  	v28 =	vld.idx.msk [tilespmem:v28+s23+$0x0], $0xffff;
	v42 =	vadd.s32 s29, v0;
	s29 =	sor.u32 $0x5, s25;
	s25 =	sor.u32 $0x6, s25;
	v17 =	vand.u32 $0xF, v17;
	v19 =	vand.u32 $0xF, v18  }
0x29b: {  	v27 =	vld.idx.msk [tilespmem:v27+s23+$0x0], $0xffff;
	v43 =	vadd.s32 s29, v0;
	v44 =	vadd.s32 s25, v0;
	v18 =	vshll.u32 v18, $0x7  }
0x29c: {  	v26 =	vld.idx.msk [tilespmem:v26+s23+$0x0], $0xffff;
	s22 =	sand.u32 $0x30, s23;
	v21 =	vand.u32 $0xF, v40;
	v23 =	vand.u32 $0xF, v41;
	v30 =	vand.u32 $0xF, v42  }
0x29d: {  	s30 =	simm.s32 $0x0;
	v22 =	vld.idx.msk [tilespmem:v31+s23+$0x0], $0xffff;
	v17 =	vor.u32 s22, v17;
	v56 =	vshll.u32 v40, $0x7;
	v57 =	vshll.u32 v41, $0x7  }
0x29e: {  	s25 =	sand.u32 $0x1, s30;
	v45 =	vor.u32 s22, v19;
	v19 =	vand.u32 $0xF, v39;
	v18 =	vand.u32 $0x380, v18  }
0x29f: {  	v46 =	vor.u32 s25, v9;
	v31 =	vand.u32 $0xF, v43;
	v48 =	vand.u32 $0xF, v44;
	[tilespmem:v35+s19+$0x0] =	vst.idx.msk $0xffff, v28  }
0x2a0: {  	v21 =	vor.u32 s22, v21;
	v28 =	vshll.u32 v17, $0x8;
	[tilespmem:v36+s19+$0x0] =	vst.idx.msk $0xffff, v27;
	v27 =	vshll.u32 v39, $0x7  }
0x2a1: {  	[tilespmem:v37+s19+$0x0] =	vst.idx.msk $0xffff, v26;
	v26 =	vshll.u32 v42, $0x7;
	v58 =	vshll.u32 v43, $0x7;
	v59 =	vshll.u32 v44, $0x7  }
0x2a2: {  	[tilespmem:v32+s19+$0x0] =	vst.idx.msk $0xffff, v22;
	s31 =	sshll.u32 s25, $0x6;
	v36 =	vand.u32 $0x380, v56;
	v61 =	vand.u32 $0x380, v57;
	v20 =	vshll.u32 v45, $0x8  }
0x2a3: {  	v29 =	vld.idx.msk [tilespmem:v29+s23+$0x0], $0xffff;
	[tilespmem:v33+s19+$0x0] =	vst.idx.msk $0xffff, v24;
	v22 =	vor.u32 s22, v48;
	v24 =	vor.u32 s31, v8;
	v28 =	vand.u32 $0x3800, v28  }
0x2a4: {  	v27 =	vand.u32 $0x380, v27;
	v26 =	vand.u32 $0x380, v26;
	v20 =	vand.u32 $0x3800, v20  }
0x2a5: {  	v25 =	vld.idx.msk [tilespmem:v25+s23+$0x0], $0xffff;
	v37 =	vand.u32 $0x380, v58;
	v54 =	vshll.u32 v22, $0x8;
	v18 =	vor.u32 v20, v18  }
0x2a6: {  	v55 =	vor.u32 v45, v24;
	v63 =	vor.u32 s25, v28;
	v47 =	vor.u32 v46, v18  }
0x2a7: {  	v20 =	vor.u32 s22, v23;
	v23 =	vor.u32 s22, v31;
	v31 =	vshll.u32 v21, $0x8  }
0x2a8: {  	[tilespmem:v34+s19+$0x0] =	vst.idx.msk $0xffff, v29;
	v34 =	vand.u32 $0x3800, v54;
	v18 =	vor.u32 s22, v19;
	v19 =	vor.u32 s22, v30  }
0x2a9: {  	v52 =	vshll.u32 v20, $0x8;
	v53 =	vshll.u32 v23, $0x8;
	v30 =	vshll.u32 v18, $0x8  }
0x2aa: {  	[tilespmem:v38+s19+$0x0] =	vst.idx.msk $0xffff, v25;
	v29 =	vshll.u32 v19, $0x8;
	v33 =	vand.u32 $0x3800, v53;
	v25 =	vand.u32 $0x3800, v30  }
0x2ab: {  	v30 =	vand.u32 $0x3800, v31;
	v31 =	vand.u32 $0x3800, v52;
	v29 =	vand.u32 $0x3800, v29;
	v60 =	vld.idx.msk [tilespmem:v47+s23+$0x0], $0xffff  }
0x2ac: {  	v33 =	vor.u32 v33, v37;
	v25 =	vor.u32 v25, v27;
	v27 =	vor.u32 v30, v36  }
0x2ad: {  	v30 =	vand.u32 $0x380, v59;
	v62 =	vor.u32 v31, v61;
	v26 =	vor.u32 v29, v26  }
0x2ae: {  	v31 =	vor.u32 v46, v25;
	v34 =	vor.u32 v34, v30;
	v30 =	vor.u32 v46, v27  }
0x2af: {  	v29 =	vor.u32 v46, v62;
	v28 =	vor.u32 v46, v26;
	v25 =	vor.u32 v7, v63  }
0x2b0: {  	s25 =	smov.u32 s23;
	v27 =	vor.u32 v46, v33;
	v26 =	vor.u32 v46, v34;
	[tilespmem:v55+s19+$0x0] =	vst.idx.msk $0xffff, v60  }
.LBB2_8:
0x2b1: {  	s24 =	sadd.s32 $0x8, s24;
	v18 =	vor.u32 v18, v24;
	v21 =	vor.u32 v21, v24;
	v20 =	vor.u32 v20, v24  }
0x2b2: {  	v32 =	vor.u32 v19, v24;
	v33 =	vor.u32 v23, v24;
	v34 =	vor.u32 v22, v24;
	s26 =	sand.u32 $0x8, s24;
	p1 =	slt.u32 s24, $0x78  }
0x2b3: {  	v35 =	vor.u32 v17, v24;
	v19 =	vadd.s32 s26, v0;
	s28 =	sor.u32 $0x1, s26;
	s29 =	sor.u32 $0x2, s26;
	s30 =	sor.u32 $0x7, s26;
	v17 =	vld.idx.msk [tilespmem:v31+s23+$0x0], $0xffff  }
0x2b4: {  	s25 =	sadd.s32 $0x4, s25;
	v31 =	vadd.s32 s28, v0;
	v36 =	vadd.s32 s29, v0;
	s28 =	sor.u32 $0x3, s26;
	s29 =	sor.u32 $0x4, s26;
	v22 =	vadd.s32 s30, v0;
	v23 =	vld.idx.msk [tilespmem:v30+s23+$0x0], $0xffff  }
0x2b5: {  	s30 =	sand.u32 $0x30, s25;
	v30 =	vadd.s32 s28, v0;
	v37 =	vadd.s32 s29, v0;
	s28 =	sor.u32 $0x5, s26;
	s26 =	sor.u32 $0x6, s26;
	v24 =	vand.u32 $0xF, v22;
	v29 =	vld.idx.msk [tilespmem:v29+s23+$0x0], $0xffff  }
0x2b6: {  	v38 =	vadd.s32 s28, v0;
	v39 =	vadd.s32 s26, v0;
	v40 =	vor.u32 s30, v24;
	v24 =	vld.idx.msk [tilespmem:v28+s23+$0x0], $0xffff  }
0x2b7: {  	v22 =	vshll.u32 v22, $0x7;
	s26 =	sshrl.u32 s24, $0x4;
	v28 =	vand.u32 $0xF, v31;
	v41 =	vshll.u32 v40, $0x8;
	v27 =	vld.idx.msk [tilespmem:v27+s23+$0x0], $0xffff  }
0x2b8: {  	v42 =	vand.u32 $0xF, v36;
	v22 =	vand.u32 $0x380, v22;
	s26 =	sand.u32 $0x1, s26;
	v41 =	vand.u32 $0x3800, v41;
	v26 =	vld.idx.msk [tilespmem:v26+s23+$0x0], $0xffff  }
0x2b9: {  	v44 =	vand.u32 $0xF, v30;
	v43 =	vor.u32 s26, v9;
	v22 =	vor.u32 v41, v22;
	v25 =	vld.idx.msk [tilespmem:v25+s23+$0x0], $0xffff;
	[tilespmem:v18+s19+$0x0] =	vst.idx.msk $0xffff, v17  }
0x2ba: {  	v17 =	vand.u32 $0xF, v37;
	v41 =	vand.u32 $0xF, v38;
	v45 =	vor.u32 v43, v22;
	[tilespmem:v21+s19+$0x0] =	vst.idx.msk $0xffff, v23  }
0x2bb: {  	v18 =	vor.u32 s30, v28;
	v28 =	vand.u32 $0xF, v39;
	v22 =	vand.u32 $0xF, v19;
	[tilespmem:v20+s19+$0x0] =	vst.idx.msk $0xffff, v29  }
0x2bc: {  	v21 =	vor.u32 s30, v42;
	v19 =	vor.u32 s30, v17;
	v20 =	vor.u32 s30, v44;
	[tilespmem:v32+s19+$0x0] =	vst.idx.msk $0xffff, v24  }
0x2bd: {  	v23 =	vor.u32 s30, v41;
	v17 =	vor.u32 s30, v22;
	v22 =	vor.u32 s30, v28;
	[tilespmem:v33+s19+$0x0] =	vst.idx.msk $0xffff, v27  }
0x2be: {  	s28 =	sshll.u32 s26, $0x6;
	v28 =	vshll.u32 v21, $0x8;
	v29 =	vshll.u32 v20, $0x8;
	v27 =	vshll.u32 v18, $0x8;
	[tilespmem:v34+s19+$0x0] =	vst.idx.msk $0xffff, v26  }
0x2bf: {  	v24 =	vor.u32 s28, v8;
	v32 =	vshll.u32 v23, $0x8;
	v26 =	vshll.u32 v19, $0x8;
	v33 =	vld.idx.msk [tilespmem:v45+s23+$0x0], $0xffff;
	[tilespmem:v35+s19+$0x0] =	vst.idx.msk $0xffff, v25  }
0x2c0: {  	v34 =	vshll.u32 v22, $0x8;
	v25 =	vshll.u32 v17, $0x8;
	v35 =	vor.u32 v40, v24  }
0x2c1: {  	v36 =	vshll.u32 v36, $0x7;
	v31 =	vshll.u32 v31, $0x7;
	v30 =	vshll.u32 v30, $0x7  }
0x2c2: {  	v37 =	vshll.u32 v37, $0x7;
	v38 =	vshll.u32 v38, $0x7;
	v39 =	vshll.u32 v39, $0x7  }
0x2c3: {  	v28 =	vand.u32 $0x3800, v28;
	v29 =	vand.u32 $0x3800, v29;
	v27 =	vand.u32 $0x3800, v27  }
0x2c4: {  	v32 =	vand.u32 $0x3800, v32;
	v26 =	vand.u32 $0x3800, v26;
	v34 =	vand.u32 $0x3800, v34  }
0x2c5: {  	v36 =	vand.u32 $0x380, v36;
	v31 =	vand.u32 $0x380, v31;
	v25 =	vand.u32 $0x3800, v25;
	[tilespmem:v35+s19+$0x0] =	vst.idx.msk $0xffff, v33  }
0x2c6: {  	v30 =	vand.u32 $0x380, v30;
	v33 =	vand.u32 $0x380, v37;
	v35 =	vand.u32 $0x380, v38  }
.Ltmp16:
0x2c7: {  	v28 =	vor.u32 v28, v36;
	v36 =	vand.u32 $0x380, v39;
	v27 =	vor.u32 v27, v31;
	(pc) =	sbr.rel @p1 .LBB2_8-.Ltmp16, $4  }
0x2c8: {  	v29 =	vor.u32 v29, v30;
	v26 =	vor.u32 v26, v33;
	v32 =	vor.u32 v32, v35  }
0x2c9: {  	v31 =	vor.u32 v43, v27;
	v25 =	vor.u32 s26, v25;
	v33 =	vor.u32 v34, v36  }
0x2ca: {  	v30 =	vor.u32 v43, v28;
	v29 =	vor.u32 v43, v29;
	v28 =	vor.u32 v43, v26  }
0x2cb: {  	v25 =	vor.u32 v7, v25;
	v27 =	vor.u32 v43, v32;
	v26 =	vor.u32 v43, v33  }
0x2cc: {  	s24 =	simm.s32 $0x0  }
0x2cd: {  	v32 =	vor.u32 v18, v24;
	v33 =	vor.u32 v21, v24;
	v34 =	vor.u32 v20, v24;
	s25 =	sand.u32 $0x8, s24  }
0x2ce: {  	v35 =	vor.u32 v19, v24;
	v36 =	vor.u32 v23, v24;
	v37 =	vor.u32 v22, v24;
	s26 =	sor.u32 $0x1, s25  }
0x2cf: {  	v38 =	vor.u32 v17, v24;
	v17 =	vadd.s32 s25, v0;
	s28 =	sor.u32 $0x2, s25;
	s29 =	sor.u32 $0x7, s25;
	s30 =	sor.u32 $0x3, s25;
	v39 =	vadd.s32 s26, v0  }
0x2d0: {  	v24 =	vld.idx.msk [tilespmem:v30+s23+$0x0], $0xffff;
	s31 =	sor.u32 $0x4, s25;
	v40 =	vadd.s32 s28, v0;
	v18 =	vadd.s32 s29, v0;
	v41 =	vadd.s32 s30, v0  }
0x2d1: {  	v28 =	vld.idx.msk [tilespmem:v28+s23+$0x0], $0xffff;
	v42 =	vadd.s32 s31, v0;
	s29 =	sor.u32 $0x5, s25;
	s25 =	sor.u32 $0x6, s25;
	v17 =	vand.u32 $0xF, v17;
	v19 =	vand.u32 $0xF, v18  }
0x2d2: {  	v27 =	vld.idx.msk [tilespmem:v27+s23+$0x0], $0xffff;
	v43 =	vadd.s32 s29, v0;
	v44 =	vadd.s32 s25, v0;
	v18 =	vshll.u32 v18, $0x7  }
0x2d3: {  	v26 =	vld.idx.msk [tilespmem:v26+s23+$0x0], $0xffff;
	v21 =	vand.u32 $0xF, v40;
	v23 =	vand.u32 $0xF, v41;
	v30 =	vand.u32 $0xF, v42  }
0x2d4: {  	v22 =	vld.idx.msk [tilespmem:v31+s23+$0x0], $0xffff;
	s30 =	simm.s32 $0x0;
	v17 =	vor.u32 s22, v17;
	v56 =	vshll.u32 v40, $0x7;
	v57 =	vshll.u32 v41, $0x7  }
0x2d5: {  	s25 =	sand.u32 $0x1, s30;
	v45 =	vor.u32 s22, v19;
	v19 =	vand.u32 $0xF, v39;
	v18 =	vand.u32 $0x380, v18  }
0x2d6: {  	v46 =	vor.u32 s25, v12;
	v31 =	vand.u32 $0xF, v43;
	v48 =	vand.u32 $0xF, v44;
	[tilespmem:v35+s19+$0x0] =	vst.idx.msk $0xffff, v28  }
0x2d7: {  	v21 =	vor.u32 s22, v21;
	v28 =	vshll.u32 v17, $0x8;
	[tilespmem:v36+s19+$0x0] =	vst.idx.msk $0xffff, v27;
	v27 =	vshll.u32 v39, $0x7  }
0x2d8: {  	[tilespmem:v37+s19+$0x0] =	vst.idx.msk $0xffff, v26;
	v26 =	vshll.u32 v42, $0x7;
	v58 =	vshll.u32 v43, $0x7;
	v59 =	vshll.u32 v44, $0x7  }
0x2d9: {  	[tilespmem:v32+s19+$0x0] =	vst.idx.msk $0xffff, v22;
	s31 =	sshll.u32 s25, $0x6;
	v36 =	vand.u32 $0x380, v56;
	v61 =	vand.u32 $0x380, v57;
	v20 =	vshll.u32 v45, $0x8  }
0x2da: {  	v29 =	vld.idx.msk [tilespmem:v29+s23+$0x0], $0xffff;
	[tilespmem:v33+s19+$0x0] =	vst.idx.msk $0xffff, v24;
	v22 =	vor.u32 s22, v48;
	v24 =	vor.u32 s31, v11;
	v28 =	vand.u32 $0x3800, v28  }
0x2db: {  	v27 =	vand.u32 $0x380, v27;
	v26 =	vand.u32 $0x380, v26;
	v20 =	vand.u32 $0x3800, v20  }
0x2dc: {  	v25 =	vld.idx.msk [tilespmem:v25+s23+$0x0], $0xffff;
	v37 =	vand.u32 $0x380, v58;
	v54 =	vshll.u32 v22, $0x8;
	v18 =	vor.u32 v20, v18  }
0x2dd: {  	v55 =	vor.u32 v45, v24;
	v63 =	vor.u32 s25, v28;
	v47 =	vor.u32 v46, v18  }
0x2de: {  	v20 =	vor.u32 s22, v23;
	v23 =	vor.u32 s22, v31;
	v31 =	vshll.u32 v21, $0x8  }
0x2df: {  	[tilespmem:v34+s19+$0x0] =	vst.idx.msk $0xffff, v29;
	v34 =	vand.u32 $0x3800, v54;
	v18 =	vor.u32 s22, v19;
	v19 =	vor.u32 s22, v30  }
0x2e0: {  	v52 =	vshll.u32 v20, $0x8;
	v53 =	vshll.u32 v23, $0x8;
	v30 =	vshll.u32 v18, $0x8  }
0x2e1: {  	[tilespmem:v38+s19+$0x0] =	vst.idx.msk $0xffff, v25;
	s22 =	simm.s32 $0x0;
	v29 =	vshll.u32 v19, $0x8;
	v33 =	vand.u32 $0x3800, v53;
	v25 =	vand.u32 $0x3800, v30  }
0x2e2: {  	v30 =	vand.u32 $0x3800, v31;
	v31 =	vand.u32 $0x3800, v52;
	v29 =	vand.u32 $0x3800, v29;
	v60 =	vld.idx.msk [tilespmem:v47+s22+$0x0], $0xffff  }
0x2e3: {  	v33 =	vor.u32 v33, v37;
	v25 =	vor.u32 v25, v27;
	v27 =	vor.u32 v30, v36  }
0x2e4: {  	v30 =	vand.u32 $0x380, v59;
	v62 =	vor.u32 v31, v61;
	v26 =	vor.u32 v29, v26  }
0x2e5: {  	v31 =	vor.u32 v46, v25;
	v34 =	vor.u32 v34, v30;
	v30 =	vor.u32 v46, v27  }
0x2e6: {  	v29 =	vor.u32 v46, v62;
	v28 =	vor.u32 v46, v26;
	v25 =	vor.u32 v10, v63  }
0x2e7: {  	v27 =	vor.u32 v46, v33;
	v26 =	vor.u32 v46, v34;
	[tilespmem:v55+s19+$0x0] =	vst.idx.msk $0xffff, v60  }
.LBB2_10:
0x2e8: {  	s24 =	sadd.s32 $0x8, s24;
	v18 =	vor.u32 v18, v24;
	v21 =	vor.u32 v21, v24;
	v20 =	vor.u32 v20, v24  }
0x2e9: {  	v32 =	vor.u32 v19, v24;
	v33 =	vor.u32 v23, v24;
	v34 =	vor.u32 v22, v24;
	s25 =	sand.u32 $0x8, s24;
	p1 =	slt.u32 s24, $0x78  }
0x2ea: {  	v35 =	vor.u32 v17, v24;
	v19 =	vadd.s32 s25, v0;
	s26 =	sor.u32 $0x1, s25;
	s28 =	sor.u32 $0x2, s25;
	s29 =	sor.u32 $0x7, s25;
	v17 =	vld.idx.msk [tilespmem:v31+s22+$0x0], $0xffff  }
0x2eb: {  	s23 =	sadd.s32 $0x4, s23;
	v31 =	vadd.s32 s26, v0;
	v36 =	vadd.s32 s28, v0;
	s26 =	sor.u32 $0x3, s25;
	s28 =	sor.u32 $0x4, s25;
	v22 =	vadd.s32 s29, v0;
	v23 =	vld.idx.msk [tilespmem:v30+s22+$0x0], $0xffff  }
0x2ec: {  	s29 =	sand.u32 $0x30, s23;
	v30 =	vadd.s32 s26, v0;
	v37 =	vadd.s32 s28, v0;
	s26 =	sor.u32 $0x5, s25;
	s25 =	sor.u32 $0x6, s25;
	v24 =	vand.u32 $0xF, v22;
	v29 =	vld.idx.msk [tilespmem:v29+s22+$0x0], $0xffff  }
0x2ed: {  	v38 =	vadd.s32 s26, v0;
	v39 =	vadd.s32 s25, v0;
	v40 =	vor.u32 s29, v24;
	v24 =	vld.idx.msk [tilespmem:v28+s22+$0x0], $0xffff  }
0x2ee: {  	v22 =	vshll.u32 v22, $0x7;
	s25 =	sshrl.u32 s24, $0x4;
	v28 =	vand.u32 $0xF, v31;
	v41 =	vshll.u32 v40, $0x8;
	v27 =	vld.idx.msk [tilespmem:v27+s22+$0x0], $0xffff  }
0x2ef: {  	v42 =	vand.u32 $0xF, v36;
	v22 =	vand.u32 $0x380, v22;
	s25 =	sand.u32 $0x1, s25;
	v41 =	vand.u32 $0x3800, v41;
	v26 =	vld.idx.msk [tilespmem:v26+s22+$0x0], $0xffff  }
0x2f0: {  	v44 =	vand.u32 $0xF, v30;
	v43 =	vor.u32 s25, v12;
	v22 =	vor.u32 v41, v22;
	v25 =	vld.idx.msk [tilespmem:v25+s22+$0x0], $0xffff;
	[tilespmem:v18+s19+$0x0] =	vst.idx.msk $0xffff, v17  }
0x2f1: {  	v17 =	vand.u32 $0xF, v37;
	v41 =	vand.u32 $0xF, v38;
	v45 =	vor.u32 v43, v22;
	[tilespmem:v21+s19+$0x0] =	vst.idx.msk $0xffff, v23  }
0x2f2: {  	v18 =	vor.u32 s29, v28;
	v28 =	vand.u32 $0xF, v39;
	v22 =	vand.u32 $0xF, v19;
	[tilespmem:v20+s19+$0x0] =	vst.idx.msk $0xffff, v29  }
0x2f3: {  	v21 =	vor.u32 s29, v42;
	v19 =	vor.u32 s29, v17;
	v20 =	vor.u32 s29, v44;
	[tilespmem:v32+s19+$0x0] =	vst.idx.msk $0xffff, v24  }
0x2f4: {  	v23 =	vor.u32 s29, v41;
	v17 =	vor.u32 s29, v22;
	v22 =	vor.u32 s29, v28;
	[tilespmem:v33+s19+$0x0] =	vst.idx.msk $0xffff, v27  }
0x2f5: {  	s26 =	sshll.u32 s25, $0x6;
	v28 =	vshll.u32 v21, $0x8;
	v29 =	vshll.u32 v20, $0x8;
	v27 =	vshll.u32 v18, $0x8;
	[tilespmem:v34+s19+$0x0] =	vst.idx.msk $0xffff, v26  }
0x2f6: {  	v24 =	vor.u32 s26, v11;
	v32 =	vshll.u32 v23, $0x8;
	v26 =	vshll.u32 v19, $0x8;
	v33 =	vld.idx.msk [tilespmem:v45+s22+$0x0], $0xffff;
	[tilespmem:v35+s19+$0x0] =	vst.idx.msk $0xffff, v25  }
0x2f7: {  	v34 =	vshll.u32 v22, $0x8;
	v25 =	vshll.u32 v17, $0x8;
	v35 =	vor.u32 v40, v24  }
0x2f8: {  	v36 =	vshll.u32 v36, $0x7;
	v31 =	vshll.u32 v31, $0x7;
	v30 =	vshll.u32 v30, $0x7  }
0x2f9: {  	v37 =	vshll.u32 v37, $0x7;
	v38 =	vshll.u32 v38, $0x7;
	v39 =	vshll.u32 v39, $0x7  }
0x2fa: {  	v28 =	vand.u32 $0x3800, v28;
	v29 =	vand.u32 $0x3800, v29;
	v27 =	vand.u32 $0x3800, v27  }
0x2fb: {  	v32 =	vand.u32 $0x3800, v32;
	v26 =	vand.u32 $0x3800, v26;
	v34 =	vand.u32 $0x3800, v34  }
0x2fc: {  	v36 =	vand.u32 $0x380, v36;
	v31 =	vand.u32 $0x380, v31;
	v25 =	vand.u32 $0x3800, v25;
	[tilespmem:v35+s19+$0x0] =	vst.idx.msk $0xffff, v33  }
0x2fd: {  	v30 =	vand.u32 $0x380, v30;
	v33 =	vand.u32 $0x380, v37;
	v35 =	vand.u32 $0x380, v38  }
.Ltmp17:
0x2fe: {  	v28 =	vor.u32 v28, v36;
	v36 =	vand.u32 $0x380, v39;
	v27 =	vor.u32 v27, v31;
	(pc) =	sbr.rel @p1 .LBB2_10-.Ltmp17, $4  }
0x2ff: {  	v29 =	vor.u32 v29, v30;
	v26 =	vor.u32 v26, v33;
	v32 =	vor.u32 v32, v35  }
0x300: {  	v31 =	vor.u32 v43, v27;
	v25 =	vor.u32 s25, v25;
	v33 =	vor.u32 v34, v36  }
0x301: {  	v30 =	vor.u32 v43, v28;
	v29 =	vor.u32 v43, v29;
	v28 =	vor.u32 v43, v26  }
0x302: {  	v25 =	vor.u32 v10, v25;
	v27 =	vor.u32 v43, v32;
	v26 =	vor.u32 v43, v33  }
0x303: {  	s24 =	simm.s32 $0x0  }
0x304: {  	v18 =	vor.u32 v18, v24;
	v32 =	vor.u32 v21, v24;
	v33 =	vor.u32 v20, v24;
	s25 =	sand.u32 $0x8, s24  }
0x305: {  	v34 =	vor.u32 v19, v24;
	v35 =	vor.u32 v23, v24;
	v36 =	vor.u32 v22, v24;
	s23 =	sor.u32 $0x1, s25  }
0x306: {  	v37 =	vor.u32 v17, v24;
	v19 =	vadd.s32 s25, v0;
	s26 =	sor.u32 $0x2, s25;
	s28 =	sor.u32 $0x7, s25;
	s31 =	sor.u32 $0x3, s25;
	v38 =	vadd.s32 s23, v0  }
0x307: {  	s29 =	sor.u32 $0x4, s25;
	v39 =	vadd.s32 s26, v0;
	v17 =	vadd.s32 s28, v0;
	v40 =	vadd.s32 s31, v0  }
0x308: {  	v24 =	vld.idx.msk [tilespmem:v31+s22+$0x0], $0xffff;
	v41 =	vadd.s32 s29, v0;
	s29 =	sor.u32 $0x5, s25;
	s25 =	sor.u32 $0x6, s25;
	v48 =	vand.u32 $0xF, v19;
	v20 =	vand.u32 $0xF, v17  }
0x309: {  	v28 =	vld.idx.msk [tilespmem:v28+s22+$0x0], $0xffff;
	v42 =	vadd.s32 s29, v0;
	v43 =	vadd.s32 s25, v0;
	v22 =	vshll.u32 v17, $0x7  }
0x30a: {  	v27 =	vld.idx.msk [tilespmem:v27+s22+$0x0], $0xffff;
	v17 =	vor.u32 $0x400, v3;
	v23 =	vand.u32 $0xF, v39;
	v31 =	vand.u32 $0xF, v40  }
0x30b: {  	s30 =	simm.s32 $0x0;
	s23 =	sand.u32 $0x30, s22;
	v46 =	vand.u32 $0xF, v41;
	v57 =	vshll.u32 v38, $0x7;
	v59 =	vshll.u32 v40, $0x7  }
0x30c: {  	s25 =	sand.u32 $0x1, s30;
	v60 =	vshll.u32 v41, $0x7;
	v44 =	vor.u32 s23, v20;
	v20 =	vand.u32 $0xF, v38  }
0x30d: {  	v22 =	vand.u32 $0x380, v22;
	v45 =	vor.u32 s25, v17;
	v19 =	vand.u32 $0xF, v42;
	[tilespmem:v18+s19+$0x0] =	vst.idx.msk $0xffff, v24  }
0x30e: {  	v26 =	vld.idx.msk [tilespmem:v26+s22+$0x0], $0xffff;
	v49 =	vand.u32 $0xF, v43;
	v24 =	vor.u32 s23, v48;
	v18 =	vor.u32 $0x2000, v2;
	[tilespmem:v34+s19+$0x0] =	vst.idx.msk $0xffff, v28  }
0x30f: {  	[tilespmem:v35+s19+$0x0] =	vst.idx.msk $0xffff, v27;
	v27 =	vshll.u32 v39, $0x7;
	v61 =	vshll.u32 v43, $0x7;
	v34 =	vand.u32 $0x380, v57  }
0x310: {  	v35 =	vand.u32 $0x380, v59;
	v39 =	vand.u32 $0x380, v60;
	v21 =	vshll.u32 v44, $0x8  }
0x311: {  	v29 =	vld.idx.msk [tilespmem:v29+s22+$0x0], $0xffff;
	s31 =	sshll.u32 s25, $0x6;
	v50 =	vor.u32 s23, v20;
	v19 =	vor.u32 s23, v19;
	v20 =	vor.u32 s23, v49  }
0x312: {  	v54 =	vld.idx.msk [tilespmem:v25+s22+$0x0], $0xffff;
	v25 =	vor.u32 s31, v18;
	v28 =	vshll.u32 v24, $0x8;
	v27 =	vand.u32 $0x380, v27  }
0x313: {  	v30 =	vld.idx.msk [tilespmem:v30+s22+$0x0], $0xffff;
	[tilespmem:v36+s19+$0x0] =	vst.idx.msk $0xffff, v26;
	v36 =	vand.u32 $0x380, v61;
	v21 =	vand.u32 $0x3800, v21;
	v56 =	vshll.u32 v19, $0x8  }
0x314: {  	v44 =	vor.u32 v44, v25;
	v58 =	vshll.u32 v20, $0x8;
	v21 =	vor.u32 v21, v22  }
0x315: {  	v28 =	vand.u32 $0x3800, v28;
	v22 =	vor.u32 s23, v23;
	v47 =	vor.u32 v45, v21  }
0x316: {  	[tilespmem:v33+s19+$0x0] =	vst.idx.msk $0xffff, v29;
	v23 =	vor.u32 s23, v46;
	v33 =	vand.u32 $0x3800, v56;
	v38 =	vand.u32 $0x3800, v58  }
0x317: {  	v28 =	vor.u32 s25, v28;
	v21 =	vor.u32 s23, v31;
	v31 =	vshll.u32 v50, $0x8  }
0x318: {  	[tilespmem:v32+s19+$0x0] =	vst.idx.msk $0xffff, v30;
	v30 =	vshll.u32 v22, $0x8;
	v29 =	vshll.u32 v23, $0x8;
	v63 =	vor.u32 v38, v36  }
0x319: {  	[tilespmem:v37+s19+$0x0] =	vst.idx.msk $0xffff, v54;
	v55 =	vshll.u32 v21, $0x8;
	v26 =	vand.u32 $0x3800, v31;
	v31 =	vshll.u32 v42, $0x7  }
0x31a: {  	v30 =	vand.u32 $0x3800, v30;
	v29 =	vand.u32 $0x3800, v29;
	v32 =	vand.u32 $0x3800, v55;
	v37 =	vld.idx.msk [tilespmem:v47+s22+$0x0], $0xffff  }
0x31b: {  	v31 =	vand.u32 $0x380, v31;
	v26 =	vor.u32 v26, v34;
	v27 =	vor.u32 v30, v27  }
0x31c: {  	v29 =	vor.u32 v29, v39;
	v30 =	vor.u32 v32, v35;
	v62 =	vor.u32 v33, v31  }
0x31d: {  	v33 =	vor.u32 v45, v26;
	v32 =	vor.u32 v45, v27;
	v26 =	vor.u32 v13, v28  }
0x31e: {  	v27 =	vor.u32 v50, v25;
	v28 =	vor.u32 v45, v63;
	v31 =	vor.u32 v45, v30  }
0x31f: {  	s25 =	smov.u32 s22;
	v30 =	vor.u32 v45, v29;
	v29 =	vor.u32 v45, v62;
	[tilespmem:v44+s19+$0x0] =	vst.idx.msk $0xffff, v37  }
.LBB2_12:
0x320: {  	s24 =	sadd.s32 $0x8, s24;
	v22 =	vor.u32 v22, v25;
	v21 =	vor.u32 v21, v25;
	v23 =	vor.u32 v23, v25  }
0x321: {  	v34 =	vor.u32 v24, v25;
	v24 =	vor.u32 v19, v25;
	v25 =	vor.u32 v20, v25;
	s26 =	sand.u32 $0x8, s24;
	p1 =	slt.u32 s24, $0x78  }
0x322: {  	v19 =	vadd.s32 s26, v0;
	s28 =	sor.u32 $0x1, s26;
	s29 =	sor.u32 $0x2, s26;
	s30 =	sor.u32 $0x7, s26;
	v20 =	vld.idx.msk [tilespmem:v33+s22+$0x0], $0xffff  }
0x323: {  	s25 =	sadd.s32 $0x4, s25;
	v33 =	vadd.s32 s28, v0;
	v35 =	vadd.s32 s29, v0;
	s28 =	sor.u32 $0x3, s26;
	s29 =	sor.u32 $0x4, s26;
	v36 =	vadd.s32 s30, v0;
	v32 =	vld.idx.msk [tilespmem:v32+s22+$0x0], $0xffff  }
0x324: {  	s30 =	sand.u32 $0x30, s25;
	v37 =	vadd.s32 s28, v0;
	v38 =	vadd.s32 s29, v0;
	s28 =	sor.u32 $0x5, s26;
	s26 =	sor.u32 $0x6, s26;
	v39 =	vand.u32 $0xF, v36;
	v31 =	vld.idx.msk [tilespmem:v31+s22+$0x0], $0xffff  }
0x325: {  	v40 =	vadd.s32 s28, v0;
	v41 =	vadd.s32 s26, v0;
	v39 =	vor.u32 s30, v39;
	v30 =	vld.idx.msk [tilespmem:v30+s22+$0x0], $0xffff  }
0x326: {  	v42 =	vand.u32 $0xF, v33;
	v36 =	vshll.u32 v36, $0x7;
	s26 =	sshrl.u32 s24, $0x4;
	v43 =	vshll.u32 v39, $0x8;
	v29 =	vld.idx.msk [tilespmem:v29+s22+$0x0], $0xffff  }
0x327: {  	v36 =	vand.u32 $0x380, v36;
	s26 =	sand.u32 $0x1, s26;
	v43 =	vand.u32 $0x3800, v43;
	v28 =	vld.idx.msk [tilespmem:v28+s22+$0x0], $0xffff  }
0x328: {  	v45 =	vand.u32 $0xF, v35;
	v44 =	vor.u32 s26, v17;
	v36 =	vor.u32 v43, v36;
	v26 =	vld.idx.msk [tilespmem:v26+s22+$0x0], $0xffff;
	[tilespmem:v27+s19+$0x0] =	vst.idx.msk $0xffff, v20  }
0x329: {  	v20 =	vand.u32 $0xF, v37;
	v27 =	vand.u32 $0xF, v38;
	v36 =	vor.u32 v44, v36;
	[tilespmem:v22+s19+$0x0] =	vst.idx.msk $0xffff, v32  }
0x32a: {  	v43 =	vand.u32 $0xF, v41;
	v32 =	vand.u32 $0xF, v19;
	v19 =	vand.u32 $0xF, v40;
	[tilespmem:v21+s19+$0x0] =	vst.idx.msk $0xffff, v31  }
0x32b: {  	v42 =	vor.u32 s30, v42;
	v22 =	vor.u32 s30, v45;
	v21 =	vor.u32 s30, v20;
	[tilespmem:v23+s19+$0x0] =	vst.idx.msk $0xffff, v30  }
0x32c: {  	v19 =	vor.u32 s30, v19;
	v20 =	vor.u32 s30, v43;
	v23 =	vor.u32 s30, v27;
	[tilespmem:v24+s19+$0x0] =	vst.idx.msk $0xffff, v29  }
0x32d: {  	s28 =	sshll.u32 s26, $0x6;
	v27 =	vshll.u32 v42, $0x8;
	v24 =	vor.u32 s30, v32;
	[tilespmem:v25+s19+$0x0] =	vst.idx.msk $0xffff, v28  }
0x32e: {  	v29 =	vshll.u32 v21, $0x8;
	v25 =	vor.u32 s28, v18;
	v28 =	vshll.u32 v22, $0x8;
	v30 =	vld.idx.msk [tilespmem:v36+s22+$0x0], $0xffff;
	[tilespmem:v34+s19+$0x0] =	vst.idx.msk $0xffff, v26  }
0x32f: {  	v31 =	vshll.u32 v19, $0x8;
	v26 =	vshll.u32 v23, $0x8;
	v32 =	vor.u32 v39, v25  }
0x330: {  	v33 =	vshll.u32 v33, $0x7;
	v34 =	vshll.u32 v24, $0x8;
	v36 =	vshll.u32 v20, $0x8  }
0x331: {  	v35 =	vshll.u32 v35, $0x7;
	v37 =	vshll.u32 v37, $0x7;
	v38 =	vshll.u32 v38, $0x7  }
0x332: {  	v27 =	vand.u32 $0x3800, v27;
	v39 =	vshll.u32 v40, $0x7;
	v40 =	vshll.u32 v41, $0x7  }
0x333: {  	v29 =	vand.u32 $0x3800, v29;
	v28 =	vand.u32 $0x3800, v28;
	v26 =	vand.u32 $0x3800, v26  }
0x334: {  	v31 =	vand.u32 $0x3800, v31;
	v34 =	vand.u32 $0x3800, v34;
	v36 =	vand.u32 $0x3800, v36;
	[tilespmem:v32+s19+$0x0] =	vst.idx.msk $0xffff, v30  }
0x335: {  	v30 =	vand.u32 $0x380, v33;
	v32 =	vand.u32 $0x380, v35;
	v33 =	vand.u32 $0x380, v37  }
0x336: {  	v35 =	vand.u32 $0x380, v38;
	v37 =	vand.u32 $0x380, v39;
	v38 =	vand.u32 $0x380, v40  }
.Ltmp18:
0x337: {  	v27 =	vor.u32 v27, v30;
	v28 =	vor.u32 v28, v32;
	v29 =	vor.u32 v29, v33;
	(pc) =	sbr.rel @p1 .LBB2_12-.Ltmp18, $4  }
0x338: {  	v26 =	vor.u32 v26, v35;
	v35 =	vor.u32 v31, v37;
	v36 =	vor.u32 v36, v38  }
0x339: {  	v34 =	vor.u32 s26, v34;
	v33 =	vor.u32 v44, v27;
	v32 =	vor.u32 v44, v28  }
0x33a: {  	v31 =	vor.u32 v44, v29;
	v30 =	vor.u32 v44, v26;
	v29 =	vor.u32 v44, v35  }
0x33b: {  	v26 =	vor.u32 v13, v34;
	v27 =	vor.u32 v42, v25;
	v28 =	vor.u32 v44, v36  }
0x33c: {  	v34 =	vor.u32 v22, v25;
	s24 =	simm.s32 $0x0  }
0x33d: {  	v35 =	vor.u32 v21, v25;
	v36 =	vor.u32 v23, v25;
	v37 =	vor.u32 v24, v25;
	s25 =	sand.u32 $0x8, s24  }
0x33e: {  	v38 =	vor.u32 v19, v25;
	v39 =	vor.u32 v20, v25;
	v18 =	vadd.s32 s25, v0;
	s26 =	sor.u32 $0x1, s25;
	s28 =	sor.u32 $0x2, s25;
	s29 =	sor.u32 $0x7, s25  }
0x33f: {  	s30 =	sor.u32 $0x3, s25;
	s31 =	sor.u32 $0x4, s25;
	v40 =	vadd.s32 s26, v0;
	v41 =	vadd.s32 s28, v0;
	v17 =	vadd.s32 s29, v0  }
0x340: {  	v24 =	vld.idx.msk [tilespmem:v33+s22+$0x0], $0xffff;
	v42 =	vadd.s32 s30, v0;
	v43 =	vadd.s32 s31, v0;
	s29 =	sor.u32 $0x5, s25;
	s25 =	sor.u32 $0x6, s25;
	v18 =	vand.u32 $0xF, v18  }
0x341: {  	v29 =	vld.idx.msk [tilespmem:v29+s22+$0x0], $0xffff;
	v19 =	vand.u32 $0xF, v17;
	v44 =	vadd.s32 s29, v0;
	v45 =	vadd.s32 s25, v0  }
0x342: {  	v28 =	vld.idx.msk [tilespmem:v28+s22+$0x0], $0xffff;
	v21 =	vshll.u32 v17, $0x7;
	v17 =	vor.u32 $0x420, v3;
	v22 =	vand.u32 $0xF, v41  }
0x343: {  	v30 =	vld.idx.msk [tilespmem:v30+s22+$0x0], $0xffff;
	s30 =	simm.s32 $0x0;
	v23 =	vand.u32 $0xF, v43;
	v51 =	vshll.u32 v40, $0x7;
	v53 =	vshll.u32 v42, $0x7  }
0x344: {  	s25 =	sand.u32 $0x1, s30;
	v54 =	vshll.u32 v43, $0x7;
	v46 =	vor.u32 s23, v19;
	v19 =	vand.u32 $0xF, v40  }
0x345: {  	v25 =	vld.idx.msk [tilespmem:v32+s22+$0x0], $0xffff;
	v21 =	vand.u32 $0x380, v21;
	v47 =	vor.u32 s25, v17;
	v62 =	vand.u32 $0xF, v45;
	[tilespmem:v27+s19+$0x0] =	vst.idx.msk $0xffff, v24  }
0x346: {  	v31 =	vld.idx.msk [tilespmem:v31+s22+$0x0], $0xffff;
	v22 =	vor.u32 s23, v22;
	v23 =	vor.u32 s23, v23;
	v24 =	vor.u32 s23, v18;
	[tilespmem:v38+s19+$0x0] =	vst.idx.msk $0xffff, v29  }
0x347: {  	v18 =	vor.u32 $0x2800, v2;
	v29 =	vshll.u32 v41, $0x7;
	[tilespmem:v39+s19+$0x0] =	vst.idx.msk $0xffff, v28;
	v28 =	vshll.u32 v44, $0x7  }
0x348: {  	[tilespmem:v36+s19+$0x0] =	vst.idx.msk $0xffff, v30;
	v55 =	vshll.u32 v45, $0x7;
	v36 =	vand.u32 $0x380, v51;
	v59 =	vand.u32 $0x380, v53  }
0x349: {  	v26 =	vld.idx.msk [tilespmem:v26+s22+$0x0], $0xffff;
	s31 =	sshll.u32 s25, $0x6;
	v60 =	vand.u32 $0x380, v54;
	v20 =	vshll.u32 v46, $0x8;
	v48 =	vor.u32 s23, v19  }
0x34a: {  	[tilespmem:v34+s19+$0x0] =	vst.idx.msk $0xffff, v25;
	v25 =	vor.u32 s31, v18;
	v63 =	vshll.u32 v22, $0x8;
	v20 =	vand.u32 $0x3800, v20  }
0x34b: {  	[tilespmem:v35+s19+$0x0] =	vst.idx.msk $0xffff, v31;
	v31 =	vshll.u32 v23, $0x8;
	v30 =	vshll.u32 v24, $0x8;
	v20 =	vor.u32 v20, v21  }
0x34c: {  	v29 =	vand.u32 $0x380, v29;
	v28 =	vand.u32 $0x380, v28;
	v61 =	vor.u32 v47, v20  }
0x34d: {  	v39 =	vand.u32 $0x380, v55;
	v27 =	vshll.u32 v48, $0x8;
	v46 =	vor.u32 v46, v25  }
0x34e: {  	[tilespmem:v37+s19+$0x0] =	vst.idx.msk $0xffff, v26;
	v26 =	vand.u32 $0x3800, v63;
	v31 =	vand.u32 $0x3800, v31;
	v30 =	vand.u32 $0x3800, v30  }
0x34f: {  	v21 =	vand.u32 $0xF, v42;
	v27 =	vand.u32 $0x3800, v27;
	v20 =	vand.u32 $0xF, v44  }
0x350: {  	v21 =	vor.u32 s23, v21;
	v19 =	vor.u32 s23, v20;
	v20 =	vor.u32 s23, v62;
	s23 =	simm.s32 $0x0  }
0x351: {  	v26 =	vor.u32 v26, v29;
	v27 =	vor.u32 v27, v36;
	v49 =	vshll.u32 v21, $0x8;
	v32 =	vld.idx.msk [tilespmem:v61+s23+$0x0], $0xffff  }
0x352: {  	v33 =	vor.u32 v47, v27;
	v27 =	vor.u32 v48, v25;
	v50 =	vshll.u32 v19, $0x8  }
0x353: {  	v52 =	vshll.u32 v20, $0x8;
	v56 =	vand.u32 $0x3800, v49;
	v57 =	vand.u32 $0x3800, v50  }
0x354: {  	v58 =	vand.u32 $0x3800, v52;
	v29 =	vor.u32 v56, v59;
	v28 =	vor.u32 v57, v28  }
0x355: {  	v62 =	vor.u32 v58, v39;
	v61 =	vor.u32 v31, v60;
	v31 =	vor.u32 v47, v29  }
0x356: {  	v63 =	vor.u32 s25, v30;
	v29 =	vor.u32 v47, v28;
	[tilespmem:v46+s19+$0x0] =	vst.idx.msk $0xffff, v32;
	v32 =	vor.u32 v47, v26  }
0x357: {  	v28 =	vor.u32 v47, v62;
	v30 =	vor.u32 v47, v61;
	v26 =	vor.u32 v14, v63  }
.LBB2_14:
0x358: {  	s24 =	sadd.s32 $0x8, s24;
	v22 =	vor.u32 v22, v25;
	v21 =	vor.u32 v21, v25;
	v23 =	vor.u32 v23, v25  }
0x359: {  	v34 =	vor.u32 v24, v25;
	v24 =	vor.u32 v19, v25;
	v25 =	vor.u32 v20, v25;
	s25 =	sand.u32 $0x8, s24;
	p1 =	slt.u32 s24, $0x78  }
0x35a: {  	v19 =	vadd.s32 s25, v0;
	s26 =	sor.u32 $0x1, s25;
	s28 =	sor.u32 $0x2, s25;
	s29 =	sor.u32 $0x7, s25;
	v20 =	vld.idx.msk [tilespmem:v33+s23+$0x0], $0xffff  }
0x35b: {  	s22 =	sadd.s32 $0x4, s22;
	v33 =	vadd.s32 s26, v0;
	v35 =	vadd.s32 s28, v0;
	s26 =	sor.u32 $0x3, s25;
	s28 =	sor.u32 $0x4, s25;
	v36 =	vadd.s32 s29, v0;
	v32 =	vld.idx.msk [tilespmem:v32+s23+$0x0], $0xffff  }
0x35c: {  	s29 =	sand.u32 $0x30, s22;
	v37 =	vadd.s32 s26, v0;
	v38 =	vadd.s32 s28, v0;
	s26 =	sor.u32 $0x5, s25;
	s25 =	sor.u32 $0x6, s25;
	v39 =	vand.u32 $0xF, v36;
	v31 =	vld.idx.msk [tilespmem:v31+s23+$0x0], $0xffff  }
0x35d: {  	v40 =	vadd.s32 s26, v0;
	v41 =	vadd.s32 s25, v0;
	v39 =	vor.u32 s29, v39;
	v30 =	vld.idx.msk [tilespmem:v30+s23+$0x0], $0xffff  }
0x35e: {  	v42 =	vand.u32 $0xF, v33;
	v36 =	vshll.u32 v36, $0x7;
	s25 =	sshrl.u32 s24, $0x4;
	v43 =	vshll.u32 v39, $0x8;
	v29 =	vld.idx.msk [tilespmem:v29+s23+$0x0], $0xffff  }
0x35f: {  	v36 =	vand.u32 $0x380, v36;
	s25 =	sand.u32 $0x1, s25;
	v43 =	vand.u32 $0x3800, v43;
	v28 =	vld.idx.msk [tilespmem:v28+s23+$0x0], $0xffff  }
0x360: {  	v45 =	vand.u32 $0xF, v35;
	v44 =	vor.u32 s25, v17;
	v36 =	vor.u32 v43, v36;
	v26 =	vld.idx.msk [tilespmem:v26+s23+$0x0], $0xffff;
	[tilespmem:v27+s19+$0x0] =	vst.idx.msk $0xffff, v20  }
0x361: {  	v20 =	vand.u32 $0xF, v37;
	v27 =	vand.u32 $0xF, v38;
	v36 =	vor.u32 v44, v36;
	[tilespmem:v22+s19+$0x0] =	vst.idx.msk $0xffff, v32  }
0x362: {  	v43 =	vand.u32 $0xF, v41;
	v32 =	vand.u32 $0xF, v19;
	v19 =	vand.u32 $0xF, v40;
	[tilespmem:v21+s19+$0x0] =	vst.idx.msk $0xffff, v31  }
0x363: {  	v42 =	vor.u32 s29, v42;
	v22 =	vor.u32 s29, v45;
	v21 =	vor.u32 s29, v20;
	[tilespmem:v23+s19+$0x0] =	vst.idx.msk $0xffff, v30  }
0x364: {  	v19 =	vor.u32 s29, v19;
	v20 =	vor.u32 s29, v43;
	v23 =	vor.u32 s29, v27;
	[tilespmem:v24+s19+$0x0] =	vst.idx.msk $0xffff, v29  }
0x365: {  	s26 =	sshll.u32 s25, $0x6;
	v27 =	vshll.u32 v42, $0x8;
	v24 =	vor.u32 s29, v32;
	[tilespmem:v25+s19+$0x0] =	vst.idx.msk $0xffff, v28  }
0x366: {  	v29 =	vshll.u32 v21, $0x8;
	v25 =	vor.u32 s26, v18;
	v28 =	vshll.u32 v22, $0x8;
	v30 =	vld.idx.msk [tilespmem:v36+s23+$0x0], $0xffff;
	[tilespmem:v34+s19+$0x0] =	vst.idx.msk $0xffff, v26  }
0x367: {  	v31 =	vshll.u32 v19, $0x8;
	v26 =	vshll.u32 v23, $0x8;
	v32 =	vor.u32 v39, v25  }
0x368: {  	v33 =	vshll.u32 v33, $0x7;
	v34 =	vshll.u32 v24, $0x8;
	v36 =	vshll.u32 v20, $0x8  }
0x369: {  	v35 =	vshll.u32 v35, $0x7;
	v37 =	vshll.u32 v37, $0x7;
	v38 =	vshll.u32 v38, $0x7  }
0x36a: {  	v27 =	vand.u32 $0x3800, v27;
	v39 =	vshll.u32 v40, $0x7;
	v40 =	vshll.u32 v41, $0x7  }
0x36b: {  	v29 =	vand.u32 $0x3800, v29;
	v28 =	vand.u32 $0x3800, v28;
	v26 =	vand.u32 $0x3800, v26  }
0x36c: {  	v31 =	vand.u32 $0x3800, v31;
	v34 =	vand.u32 $0x3800, v34;
	v36 =	vand.u32 $0x3800, v36;
	[tilespmem:v32+s19+$0x0] =	vst.idx.msk $0xffff, v30  }
0x36d: {  	v30 =	vand.u32 $0x380, v33;
	v32 =	vand.u32 $0x380, v35;
	v33 =	vand.u32 $0x380, v37  }
0x36e: {  	v35 =	vand.u32 $0x380, v38;
	v37 =	vand.u32 $0x380, v39;
	v38 =	vand.u32 $0x380, v40  }
.Ltmp19:
0x36f: {  	v27 =	vor.u32 v27, v30;
	v28 =	vor.u32 v28, v32;
	v29 =	vor.u32 v29, v33;
	(pc) =	sbr.rel @p1 .LBB2_14-.Ltmp19, $4  }
0x370: {  	v26 =	vor.u32 v26, v35;
	v35 =	vor.u32 v31, v37;
	v36 =	vor.u32 v36, v38  }
0x371: {  	v34 =	vor.u32 s25, v34;
	v33 =	vor.u32 v44, v27;
	v32 =	vor.u32 v44, v28  }
0x372: {  	v31 =	vor.u32 v44, v29;
	v30 =	vor.u32 v44, v26;
	v29 =	vor.u32 v44, v35  }
0x373: {  	v26 =	vor.u32 v14, v34;
	v27 =	vor.u32 v42, v25;
	v28 =	vor.u32 v44, v36  }
0x374: {  	v34 =	vor.u32 v22, v25;
	s24 =	simm.s32 $0x0  }
0x375: {  	v35 =	vor.u32 v21, v25;
	v36 =	vor.u32 v23, v25;
	v37 =	vor.u32 v24, v25;
	s25 =	sand.u32 $0x8, s24  }
0x376: {  	v38 =	vor.u32 v19, v25;
	v39 =	vor.u32 v20, v25;
	v18 =	vadd.s32 s25, v0;
	s22 =	sor.u32 $0x1, s25;
	s26 =	sor.u32 $0x2, s25;
	s28 =	sor.u32 $0x7, s25  }
0x377: {  	s31 =	sor.u32 $0x3, s25;
	s29 =	sor.u32 $0x4, s25;
	v40 =	vadd.s32 s22, v0;
	v41 =	vadd.s32 s26, v0;
	v17 =	vadd.s32 s28, v0  }
0x378: {  	v24 =	vld.idx.msk [tilespmem:v33+s23+$0x0], $0xffff;
	v42 =	vadd.s32 s31, v0;
	v43 =	vadd.s32 s29, v0;
	s29 =	sor.u32 $0x5, s25;
	s25 =	sor.u32 $0x6, s25;
	v18 =	vand.u32 $0xF, v18  }
0x379: {  	v29 =	vld.idx.msk [tilespmem:v29+s23+$0x0], $0xffff;
	v19 =	vand.u32 $0xF, v17;
	v44 =	vadd.s32 s29, v0;
	v45 =	vadd.s32 s25, v0  }
0x37a: {  	v28 =	vld.idx.msk [tilespmem:v28+s23+$0x0], $0xffff;
	v21 =	vshll.u32 v17, $0x7;
	v17 =	vor.u32 $0x440, v3;
	v22 =	vand.u32 $0xF, v41  }
0x37b: {  	s30 =	simm.s32 $0x0;
	v30 =	vld.idx.msk [tilespmem:v30+s23+$0x0], $0xffff;
	s22 =	sand.u32 $0x30, s23;
	v23 =	vand.u32 $0xF, v43;
	v51 =	vshll.u32 v40, $0x7;
	v53 =	vshll.u32 v42, $0x7  }
0x37c: {  	s25 =	sand.u32 $0x1, s30;
	v54 =	vshll.u32 v43, $0x7;
	v46 =	vor.u32 s22, v19;
	v19 =	vand.u32 $0xF, v40  }
0x37d: {  	v25 =	vld.idx.msk [tilespmem:v32+s23+$0x0], $0xffff;
	v21 =	vand.u32 $0x380, v21;
	v47 =	vor.u32 s25, v17;
	v62 =	vand.u32 $0xF, v45;
	[tilespmem:v27+s19+$0x0] =	vst.idx.msk $0xffff, v24  }
0x37e: {  	v31 =	vld.idx.msk [tilespmem:v31+s23+$0x0], $0xffff;
	v22 =	vor.u32 s22, v22;
	v23 =	vor.u32 s22, v23;
	v24 =	vor.u32 s22, v18;
	[tilespmem:v38+s19+$0x0] =	vst.idx.msk $0xffff, v29  }
0x37f: {  	v18 =	vor.u32 $0x3000, v2;
	v29 =	vshll.u32 v41, $0x7;
	[tilespmem:v39+s19+$0x0] =	vst.idx.msk $0xffff, v28;
	v28 =	vshll.u32 v44, $0x7  }
0x380: {  	[tilespmem:v36+s19+$0x0] =	vst.idx.msk $0xffff, v30;
	v55 =	vshll.u32 v45, $0x7;
	v36 =	vand.u32 $0x380, v51;
	v59 =	vand.u32 $0x380, v53  }
0x381: {  	v26 =	vld.idx.msk [tilespmem:v26+s23+$0x0], $0xffff;
	s31 =	sshll.u32 s25, $0x6;
	v60 =	vand.u32 $0x380, v54;
	v20 =	vshll.u32 v46, $0x8;
	v48 =	vor.u32 s22, v19  }
0x382: {  	[tilespmem:v34+s19+$0x0] =	vst.idx.msk $0xffff, v25;
	v25 =	vor.u32 s31, v18;
	v63 =	vshll.u32 v22, $0x8;
	v20 =	vand.u32 $0x3800, v20  }
0x383: {  	[tilespmem:v35+s19+$0x0] =	vst.idx.msk $0xffff, v31;
	v31 =	vshll.u32 v23, $0x8;
	v30 =	vshll.u32 v24, $0x8;
	v20 =	vor.u32 v20, v21  }
0x384: {  	v29 =	vand.u32 $0x380, v29;
	v28 =	vand.u32 $0x380, v28;
	v61 =	vor.u32 v47, v20  }
0x385: {  	v39 =	vand.u32 $0x380, v55;
	v27 =	vshll.u32 v48, $0x8;
	v46 =	vor.u32 v46, v25  }
0x386: {  	[tilespmem:v37+s19+$0x0] =	vst.idx.msk $0xffff, v26;
	v26 =	vand.u32 $0x3800, v63;
	v31 =	vand.u32 $0x3800, v31;
	v30 =	vand.u32 $0x3800, v30  }
0x387: {  	v21 =	vand.u32 $0xF, v42;
	v27 =	vand.u32 $0x3800, v27;
	v26 =	vor.u32 v26, v29  }
0x388: {  	v20 =	vand.u32 $0xF, v44;
	v21 =	vor.u32 s22, v21;
	v27 =	vor.u32 v27, v36  }
0x389: {  	v19 =	vor.u32 s22, v20;
	v20 =	vor.u32 s22, v62;
	v49 =	vshll.u32 v21, $0x8;
	v32 =	vld.idx.msk [tilespmem:v61+s23+$0x0], $0xffff  }
0x38a: {  	v33 =	vor.u32 v47, v27;
	v27 =	vor.u32 v48, v25;
	v50 =	vshll.u32 v19, $0x8  }
0x38b: {  	v52 =	vshll.u32 v20, $0x8;
	v56 =	vand.u32 $0x3800, v49;
	v57 =	vand.u32 $0x3800, v50  }
0x38c: {  	v58 =	vand.u32 $0x3800, v52;
	v29 =	vor.u32 v56, v59;
	v28 =	vor.u32 v57, v28  }
0x38d: {  	v62 =	vor.u32 v58, v39;
	v61 =	vor.u32 v31, v60;
	v31 =	vor.u32 v47, v29  }
0x38e: {  	v63 =	vor.u32 s25, v30;
	v29 =	vor.u32 v47, v28;
	[tilespmem:v46+s19+$0x0] =	vst.idx.msk $0xffff, v32;
	v32 =	vor.u32 v47, v26  }
0x38f: {  	s25 =	smov.u32 s23;
	v28 =	vor.u32 v47, v62;
	v30 =	vor.u32 v47, v61;
	v26 =	vor.u32 v15, v63  }
.LBB2_16:
0x390: {  	s24 =	sadd.s32 $0x8, s24;
	v22 =	vor.u32 v22, v25;
	v21 =	vor.u32 v21, v25;
	v23 =	vor.u32 v23, v25  }
0x391: {  	v34 =	vor.u32 v24, v25;
	v24 =	vor.u32 v19, v25;
	v25 =	vor.u32 v20, v25;
	s26 =	sand.u32 $0x8, s24;
	p1 =	slt.u32 s24, $0x78  }
0x392: {  	v19 =	vadd.s32 s26, v0;
	s28 =	sor.u32 $0x1, s26;
	s29 =	sor.u32 $0x2, s26;
	s30 =	sor.u32 $0x7, s26;
	v20 =	vld.idx.msk [tilespmem:v33+s23+$0x0], $0xffff  }
0x393: {  	s25 =	sadd.s32 $0x4, s25;
	v33 =	vadd.s32 s28, v0;
	v35 =	vadd.s32 s29, v0;
	s28 =	sor.u32 $0x3, s26;
	s29 =	sor.u32 $0x4, s26;
	v36 =	vadd.s32 s30, v0;
	v32 =	vld.idx.msk [tilespmem:v32+s23+$0x0], $0xffff  }
0x394: {  	s30 =	sand.u32 $0x30, s25;
	v37 =	vadd.s32 s28, v0;
	v38 =	vadd.s32 s29, v0;
	s28 =	sor.u32 $0x5, s26;
	s26 =	sor.u32 $0x6, s26;
	v39 =	vand.u32 $0xF, v36;
	v31 =	vld.idx.msk [tilespmem:v31+s23+$0x0], $0xffff  }
0x395: {  	v40 =	vadd.s32 s28, v0;
	v41 =	vadd.s32 s26, v0;
	v39 =	vor.u32 s30, v39;
	v30 =	vld.idx.msk [tilespmem:v30+s23+$0x0], $0xffff  }
0x396: {  	v42 =	vand.u32 $0xF, v33;
	v36 =	vshll.u32 v36, $0x7;
	s26 =	sshrl.u32 s24, $0x4;
	v43 =	vshll.u32 v39, $0x8;
	v29 =	vld.idx.msk [tilespmem:v29+s23+$0x0], $0xffff  }
0x397: {  	v36 =	vand.u32 $0x380, v36;
	s26 =	sand.u32 $0x1, s26;
	v43 =	vand.u32 $0x3800, v43;
	v28 =	vld.idx.msk [tilespmem:v28+s23+$0x0], $0xffff  }
0x398: {  	v45 =	vand.u32 $0xF, v35;
	v44 =	vor.u32 s26, v17;
	v36 =	vor.u32 v43, v36;
	v26 =	vld.idx.msk [tilespmem:v26+s23+$0x0], $0xffff;
	[tilespmem:v27+s19+$0x0] =	vst.idx.msk $0xffff, v20  }
0x399: {  	v20 =	vand.u32 $0xF, v37;
	v27 =	vand.u32 $0xF, v38;
	v36 =	vor.u32 v44, v36;
	[tilespmem:v22+s19+$0x0] =	vst.idx.msk $0xffff, v32  }
0x39a: {  	v43 =	vand.u32 $0xF, v41;
	v32 =	vand.u32 $0xF, v19;
	v19 =	vand.u32 $0xF, v40;
	[tilespmem:v21+s19+$0x0] =	vst.idx.msk $0xffff, v31  }
0x39b: {  	v42 =	vor.u32 s30, v42;
	v22 =	vor.u32 s30, v45;
	v21 =	vor.u32 s30, v20;
	[tilespmem:v23+s19+$0x0] =	vst.idx.msk $0xffff, v30  }
0x39c: {  	v19 =	vor.u32 s30, v19;
	v20 =	vor.u32 s30, v43;
	v23 =	vor.u32 s30, v27;
	[tilespmem:v24+s19+$0x0] =	vst.idx.msk $0xffff, v29  }
0x39d: {  	s28 =	sshll.u32 s26, $0x6;
	v27 =	vshll.u32 v42, $0x8;
	v24 =	vor.u32 s30, v32;
	[tilespmem:v25+s19+$0x0] =	vst.idx.msk $0xffff, v28  }
0x39e: {  	v29 =	vshll.u32 v21, $0x8;
	v25 =	vor.u32 s28, v18;
	v28 =	vshll.u32 v22, $0x8;
	v30 =	vld.idx.msk [tilespmem:v36+s23+$0x0], $0xffff;
	[tilespmem:v34+s19+$0x0] =	vst.idx.msk $0xffff, v26  }
0x39f: {  	v31 =	vshll.u32 v19, $0x8;
	v26 =	vshll.u32 v23, $0x8;
	v32 =	vor.u32 v39, v25  }
0x3a0: {  	v33 =	vshll.u32 v33, $0x7;
	v34 =	vshll.u32 v24, $0x8;
	v36 =	vshll.u32 v20, $0x8  }
0x3a1: {  	v35 =	vshll.u32 v35, $0x7;
	v37 =	vshll.u32 v37, $0x7;
	v38 =	vshll.u32 v38, $0x7  }
0x3a2: {  	v27 =	vand.u32 $0x3800, v27;
	v39 =	vshll.u32 v40, $0x7;
	v40 =	vshll.u32 v41, $0x7  }
0x3a3: {  	v29 =	vand.u32 $0x3800, v29;
	v28 =	vand.u32 $0x3800, v28;
	v26 =	vand.u32 $0x3800, v26  }
0x3a4: {  	v31 =	vand.u32 $0x3800, v31;
	v34 =	vand.u32 $0x3800, v34;
	v36 =	vand.u32 $0x3800, v36;
	[tilespmem:v32+s19+$0x0] =	vst.idx.msk $0xffff, v30  }
0x3a5: {  	v30 =	vand.u32 $0x380, v33;
	v32 =	vand.u32 $0x380, v35;
	v33 =	vand.u32 $0x380, v37  }
0x3a6: {  	v35 =	vand.u32 $0x380, v38;
	v37 =	vand.u32 $0x380, v39;
	v38 =	vand.u32 $0x380, v40  }
.Ltmp20:
0x3a7: {  	v27 =	vor.u32 v27, v30;
	v28 =	vor.u32 v28, v32;
	v29 =	vor.u32 v29, v33;
	(pc) =	sbr.rel @p1 .LBB2_16-.Ltmp20, $4  }
0x3a8: {  	v26 =	vor.u32 v26, v35;
	v35 =	vor.u32 v31, v37;
	v36 =	vor.u32 v36, v38  }
0x3a9: {  	v34 =	vor.u32 s26, v34;
	v33 =	vor.u32 v44, v27;
	v32 =	vor.u32 v44, v28  }
0x3aa: {  	v31 =	vor.u32 v44, v29;
	v30 =	vor.u32 v44, v26;
	v29 =	vor.u32 v44, v35  }
0x3ab: {  	v26 =	vor.u32 v15, v34;
	v27 =	vor.u32 v42, v25;
	v28 =	vor.u32 v44, v36  }
0x3ac: {  	v34 =	vor.u32 v22, v25;
	s24 =	simm.s32 $0x0  }
0x3ad: {  	v35 =	vor.u32 v21, v25;
	v36 =	vor.u32 v23, v25;
	v37 =	vor.u32 v24, v25;
	s25 =	sand.u32 $0x8, s24  }
0x3ae: {  	v38 =	vor.u32 v19, v25;
	v39 =	vor.u32 v20, v25;
	v18 =	vadd.s32 s25, v0;
	s26 =	sor.u32 $0x1, s25;
	s28 =	sor.u32 $0x2, s25;
	s29 =	sor.u32 $0x7, s25  }
0x3af: {  	s30 =	sor.u32 $0x3, s25;
	s31 =	sor.u32 $0x4, s25;
	v40 =	vadd.s32 s26, v0;
	v41 =	vadd.s32 s28, v0;
	v17 =	vadd.s32 s29, v0  }
0x3b0: {  	v23 =	vld.idx.msk [tilespmem:v33+s23+$0x0], $0xffff;
	v42 =	vadd.s32 s30, v0;
	v43 =	vadd.s32 s31, v0;
	s29 =	sor.u32 $0x5, s25;
	s25 =	sor.u32 $0x6, s25;
	v18 =	vand.u32 $0xF, v18  }
0x3b1: {  	v29 =	vld.idx.msk [tilespmem:v29+s23+$0x0], $0xffff;
	v19 =	vand.u32 $0xF, v17;
	v44 =	vadd.s32 s29, v0;
	v45 =	vadd.s32 s25, v0  }
0x3b2: {  	v28 =	vld.idx.msk [tilespmem:v28+s23+$0x0], $0xffff;
	v21 =	vshll.u32 v17, $0x7;
	v17 =	vor.u32 $0x460, v3;
	v22 =	vand.u32 $0xF, v41  }
0x3b3: {  	v30 =	vld.idx.msk [tilespmem:v30+s23+$0x0], $0xffff;
	s30 =	simm.s32 $0x0;
	v24 =	vand.u32 $0xF, v43;
	v51 =	vshll.u32 v40, $0x7;
	v53 =	vshll.u32 v42, $0x7  }
0x3b4: {  	s25 =	sand.u32 $0x1, s30;
	v54 =	vshll.u32 v43, $0x7;
	v46 =	vor.u32 s22, v19;
	v19 =	vand.u32 $0xF, v40  }
0x3b5: {  	v25 =	vld.idx.msk [tilespmem:v32+s23+$0x0], $0xffff;
	v21 =	vand.u32 $0x380, v21;
	v47 =	vor.u32 s25, v17;
	v62 =	vand.u32 $0xF, v45;
	[tilespmem:v27+s19+$0x0] =	vst.idx.msk $0xffff, v23  }
0x3b6: {  	v31 =	vld.idx.msk [tilespmem:v31+s23+$0x0], $0xffff;
	v22 =	vor.u32 s22, v22;
	v24 =	vor.u32 s22, v24;
	v23 =	vor.u32 s22, v18;
	[tilespmem:v38+s19+$0x0] =	vst.idx.msk $0xffff, v29  }
0x3b7: {  	v18 =	vor.u32 $0x3800, v2;
	v29 =	vshll.u32 v41, $0x7;
	[tilespmem:v39+s19+$0x0] =	vst.idx.msk $0xffff, v28;
	v28 =	vshll.u32 v44, $0x7  }
0x3b8: {  	[tilespmem:v36+s19+$0x0] =	vst.idx.msk $0xffff, v30;
	v55 =	vshll.u32 v45, $0x7;
	v36 =	vand.u32 $0x380, v51;
	v59 =	vand.u32 $0x380, v53  }
0x3b9: {  	v26 =	vld.idx.msk [tilespmem:v26+s23+$0x0], $0xffff;
	s31 =	sshll.u32 s25, $0x6;
	v60 =	vand.u32 $0x380, v54;
	v20 =	vshll.u32 v46, $0x8;
	v48 =	vor.u32 s22, v19  }
0x3ba: {  	[tilespmem:v34+s19+$0x0] =	vst.idx.msk $0xffff, v25;
	v19 =	vor.u32 s22, v62;
	v25 =	vor.u32 s31, v18;
	v20 =	vand.u32 $0x3800, v20  }
0x3bb: {  	[tilespmem:v35+s19+$0x0] =	vst.idx.msk $0xffff, v31;
	v63 =	vshll.u32 v22, $0x8;
	v31 =	vshll.u32 v24, $0x8;
	v20 =	vor.u32 v20, v21  }
0x3bc: {  	v30 =	vshll.u32 v23, $0x8;
	v29 =	vand.u32 $0x380, v29;
	v61 =	vor.u32 v47, v20  }
0x3bd: {  	v28 =	vand.u32 $0x380, v28;
	v39 =	vand.u32 $0x380, v55;
	v27 =	vshll.u32 v48, $0x8  }
0x3be: {  	[tilespmem:v37+s19+$0x0] =	vst.idx.msk $0xffff, v26;
	v46 =	vor.u32 v46, v25;
	v52 =	vshll.u32 v19, $0x8;
	v26 =	vand.u32 $0x3800, v63  }
0x3bf: {  	v31 =	vand.u32 $0x3800, v31;
	v30 =	vand.u32 $0x3800, v30;
	v21 =	vand.u32 $0xF, v42  }
0x3c0: {  	v27 =	vand.u32 $0x3800, v27;
	v58 =	vand.u32 $0x3800, v52;
	v26 =	vor.u32 v26, v29  }
0x3c1: {  	v20 =	vand.u32 $0xF, v44;
	v21 =	vor.u32 s22, v21;
	v27 =	vor.u32 v27, v36;
	v32 =	vld.idx.msk [tilespmem:v61+s4+$0x0], $0xffff  }
0x3c2: {  	v62 =	vor.u32 v58, v39;
	v20 =	vor.u32 s22, v20;
	v49 =	vshll.u32 v21, $0x8  }
0x3c3: {  	v33 =	vor.u32 v47, v27;
	v50 =	vshll.u32 v20, $0x8;
	v56 =	vand.u32 $0x3800, v49  }
0x3c4: {  	v27 =	vor.u32 v48, v25;
	v57 =	vand.u32 $0x3800, v50;
	v29 =	vor.u32 v56, v59  }
0x3c5: {  	v28 =	vor.u32 v57, v28;
	v61 =	vor.u32 v31, v60;
	v31 =	vor.u32 v47, v29  }
0x3c6: {  	v63 =	vor.u32 s25, v30;
	v28 =	vor.u32 v47, v28;
	[tilespmem:v46+s19+$0x0] =	vst.idx.msk $0xffff, v32;
	v32 =	vor.u32 v47, v26  }
0x3c7: {  	v29 =	vor.u32 v47, v62;
	v30 =	vor.u32 v47, v61;
	v26 =	vor.u32 v16, v63  }
.LBB2_18:
0x3c8: {  	s24 =	sadd.s32 $0x8, s24;
	v22 =	vor.u32 v22, v25;
	v21 =	vor.u32 v21, v25;
	v24 =	vor.u32 v24, v25  }
0x3c9: {  	v34 =	vor.u32 v23, v25;
	v23 =	vor.u32 v20, v25;
	v25 =	vor.u32 v19, v25;
	s22 =	sand.u32 $0x8, s24;
	p1 =	slt.u32 s24, $0x78  }
0x3ca: {  	v19 =	vadd.s32 s22, v0;
	s25 =	sor.u32 $0x1, s22;
	s26 =	sor.u32 $0x2, s22;
	s28 =	sor.u32 $0x7, s22;
	v20 =	vld.idx.msk [tilespmem:v33+s4+$0x0], $0xffff  }
0x3cb: {  	s23 =	sadd.s32 $0x4, s23;
	v33 =	vadd.s32 s25, v0;
	v35 =	vadd.s32 s26, v0;
	s25 =	sor.u32 $0x3, s22;
	s26 =	sor.u32 $0x4, s22;
	v36 =	vadd.s32 s28, v0;
	v32 =	vld.idx.msk [tilespmem:v32+s4+$0x0], $0xffff  }
0x3cc: {  	s28 =	sand.u32 $0x30, s23;
	v37 =	vadd.s32 s25, v0;
	v38 =	vadd.s32 s26, v0;
	s25 =	sor.u32 $0x5, s22;
	s22 =	sor.u32 $0x6, s22;
	v39 =	vand.u32 $0xF, v36;
	v31 =	vld.idx.msk [tilespmem:v31+s4+$0x0], $0xffff  }
0x3cd: {  	v40 =	vadd.s32 s25, v0;
	v41 =	vadd.s32 s22, v0;
	v39 =	vor.u32 s28, v39;
	v30 =	vld.idx.msk [tilespmem:v30+s4+$0x0], $0xffff  }
0x3ce: {  	v42 =	vand.u32 $0xF, v33;
	v36 =	vshll.u32 v36, $0x7;
	s22 =	sshrl.u32 s24, $0x4;
	v43 =	vshll.u32 v39, $0x8;
	v28 =	vld.idx.msk [tilespmem:v28+s4+$0x0], $0xffff  }
0x3cf: {  	v36 =	vand.u32 $0x380, v36;
	s22 =	sand.u32 $0x1, s22;
	v43 =	vand.u32 $0x3800, v43;
	v29 =	vld.idx.msk [tilespmem:v29+s4+$0x0], $0xffff  }
0x3d0: {  	v45 =	vand.u32 $0xF, v35;
	v44 =	vor.u32 s22, v17;
	v36 =	vor.u32 v43, v36;
	v26 =	vld.idx.msk [tilespmem:v26+s4+$0x0], $0xffff;
	[tilespmem:v27+s19+$0x0] =	vst.idx.msk $0xffff, v20  }
0x3d1: {  	v20 =	vand.u32 $0xF, v37;
	v27 =	vand.u32 $0xF, v38;
	v36 =	vor.u32 v44, v36;
	[tilespmem:v22+s19+$0x0] =	vst.idx.msk $0xffff, v32  }
0x3d2: {  	v43 =	vand.u32 $0xF, v41;
	v32 =	vand.u32 $0xF, v19;
	v19 =	vand.u32 $0xF, v40;
	[tilespmem:v21+s19+$0x0] =	vst.idx.msk $0xffff, v31  }
0x3d3: {  	v42 =	vor.u32 s28, v42;
	v22 =	vor.u32 s28, v45;
	v21 =	vor.u32 s28, v20;
	[tilespmem:v24+s19+$0x0] =	vst.idx.msk $0xffff, v30  }
0x3d4: {  	v20 =	vor.u32 s28, v19;
	v19 =	vor.u32 s28, v43;
	v24 =	vor.u32 s28, v27;
	[tilespmem:v23+s19+$0x0] =	vst.idx.msk $0xffff, v28  }
0x3d5: {  	s25 =	sshll.u32 s22, $0x6;
	v27 =	vshll.u32 v42, $0x8;
	v23 =	vor.u32 s28, v32;
	[tilespmem:v25+s19+$0x0] =	vst.idx.msk $0xffff, v29  }
0x3d6: {  	v28 =	vshll.u32 v22, $0x8;
	v25 =	vor.u32 s25, v18;
	v29 =	vshll.u32 v21, $0x8;
	v30 =	vld.idx.msk [tilespmem:v36+s4+$0x0], $0xffff;
	[tilespmem:v34+s19+$0x0] =	vst.idx.msk $0xffff, v26  }
0x3d7: {  	v31 =	vshll.u32 v20, $0x8;
	v26 =	vshll.u32 v24, $0x8;
	v32 =	vor.u32 v39, v25  }
0x3d8: {  	v33 =	vshll.u32 v33, $0x7;
	v34 =	vshll.u32 v23, $0x8;
	v36 =	vshll.u32 v19, $0x8  }
0x3d9: {  	v35 =	vshll.u32 v35, $0x7;
	v37 =	vshll.u32 v37, $0x7;
	v38 =	vshll.u32 v38, $0x7  }
0x3da: {  	v27 =	vand.u32 $0x3800, v27;
	v39 =	vshll.u32 v40, $0x7;
	v40 =	vshll.u32 v41, $0x7  }
0x3db: {  	v28 =	vand.u32 $0x3800, v28;
	v29 =	vand.u32 $0x3800, v29;
	v26 =	vand.u32 $0x3800, v26  }
0x3dc: {  	v31 =	vand.u32 $0x3800, v31;
	v34 =	vand.u32 $0x3800, v34;
	v36 =	vand.u32 $0x3800, v36;
	[tilespmem:v32+s19+$0x0] =	vst.idx.msk $0xffff, v30  }
0x3dd: {  	v30 =	vand.u32 $0x380, v33;
	v32 =	vand.u32 $0x380, v35;
	v33 =	vand.u32 $0x380, v37  }
0x3de: {  	v35 =	vand.u32 $0x380, v38;
	v37 =	vand.u32 $0x380, v39;
	v38 =	vand.u32 $0x380, v40  }
.Ltmp21:
0x3df: {  	v27 =	vor.u32 v27, v30;
	v28 =	vor.u32 v28, v32;
	v29 =	vor.u32 v29, v33;
	(pc) =	sbr.rel @p1 .LBB2_18-.Ltmp21, $4  }
0x3e0: {  	v26 =	vor.u32 v26, v35;
	v35 =	vor.u32 v31, v37;
	v36 =	vor.u32 v36, v38  }
0x3e1: {  	v34 =	vor.u32 s22, v34;
	v33 =	vor.u32 v44, v27;
	v32 =	vor.u32 v44, v28  }
0x3e2: {  	v31 =	vor.u32 v44, v29;
	v30 =	vor.u32 v44, v26;
	v28 =	vor.u32 v44, v35  }
0x3e3: {  	v26 =	vor.u32 v16, v34;
	v27 =	vor.u32 v42, v25;
	v29 =	vor.u32 v44, v36  }
.Ltmp22:
0x3e4: {  	_ = 	snop;
	(pc) =	sbr.rel .LBB2_19-.Ltmp22, $1  }
0x3e5: {  	_ =	sdelay $0x3  }
.LBB2_39:
0x3e6: {  	_ =	sfence.sel $0x180000  }
0x3e7: {  	[bflag:$0x0] =	sbarrier.arrive $0xFFFF  }
0x3e8: {  	p0 =	sne.s32 s2, $0x0;
	_ =	strace $0x90000047  }
0x3e9: {  	s0 =	sadd.s32 @!p0 $0x100000, s3;
	[bflag:$0x2] =	sbarrier.arrive $0xFFFF  }
0x3ea: {  	[sflag:s0] =	ssyncadd.tile.s32 @!p0 $0x1;
	_ =	shalt  }
.Lfunc_end2:
_tile_overlayer_lowered:
.L_overlay_start_2:
0x3eb: {  	(tag) =	ssettag $0x2  }
0x3ec: {  	s0 =	rddreg [dreg:$0x0];
	s2 =	stileid.u32  }
0x3ed: {  	s1 =	rddreg [dreg:$0x1];
	p0 =	sne.s32 s2, $0x0  }
0x3ee: {  	s3 =	rddreg [dreg:$0x2];
	[bflag:$0x3] =	sbarrier.arrive $0xFFFF;
	s2 =	simm.s32 @!p0 $0x1C05  }
0x3ef: {  	[timem:s3], [sflag:s2] =	dma.local @!p0 [hbm:s0], s1  }
0x3f0: {  	s0 =	simm.s32 @!p0 $0x5  }
0x3f1: {  	_ =	swait.ge @!p0 [sflag:s0], s1  }
0x3f2: {  	s1 =	ssub.s32 @!p0 $0x0, s1;
	[sflag:s0] =	ssyncset.done @!p0 $0x0  }
0x3f3: {  	[sflag:s0] =	ssyncadd.s32 @!p0 s1  }
0x3f4: {  	[bflag:$0x3] =	sbarrier.arrive $0xFFFF  }
0x3f5: {  	_ =	shalt  }

// kernel: kernel.7.cloned.1.call-start
scs
__scs_entry_jumppad:
0x0: {  	(pc) =	sbr.rel $0x88, $3  }
0x1: {  	(tag) =	ssettag $0x0;
	lr =	simm.s32 $0x1  }
0x2: {  	[smem:$0x3F9F] =	sst lr;
	_ =	strace $0xD0000000  }
0x3: {  	_ = 	snop  }
0x4: {  	_ = 	snop  }
0x5: {  	_ = 	snop  }
0x6: {  	_ = 	snop  }
0x7: {  	_ = 	snop  }
__scs_overlays_trampoline_lowered:
0x8: {  	[smem:$0x3FAE] =	sst s0  }
0x9: {  	[smem:$0x3FAF] =	sst s1  }
0xa: {  	[smem:$0x3FB0] =	sst s2  }
0xb: {  	[smem:$0x3FB1] =	sst s3  }
0xc: {  	[smem:$0x3FB2] =	sst s4  }
0xd: {  	[smem:$0x3FB3] =	sst s5  }
0xe: {  	[smem:$0x3FB4] =	sst s6  }
0xf: {  	[smem:$0x3FB5] =	sst s7  }
0x10: {  	[smem:$0x3FB6] =	sst s8  }
0x11: {  	[smem:$0x3FB7] =	sst s9;
	s0 =	simm.s32 @!p0 $0x0  }
0x12: {  	s1 =	sld [smem:$0x3F9D];
	s0 =	simm.s32 @p0 $0x1  }
0x13: {  	[smem:$0x3FB8] =	sst s0;
	s0 =	simm.s32 @!p1 $0x0  }
0x14: {  	s2 =	sld [smem:$0x3F9C];
	s0 =	simm.s32 @p1 $0x1  }
0x15: {  	[smem:$0x3FB9] =	sst s0;
	s0 =	simm.s32 @!p2 $0x0  }
0x16: {  	s3 =	sld [smem:$0x3FDB];
	s0 =	simm.s32 @p2 $0x1  }
0x17: {  	s4 =	simm.s32 $0x1BF5;
	[smem:$0x3FBB] =	sst s0  }
0x18: {  	s0 =	sld [smem:$0x3F9E];
	_ =	swait.ge [sflag:s4], $0x0  }
0x19: {  	s7 =	sld [smem:$0x3F9F]  }
0x1a: {  	s8 =	sadd.s32 $0xFFFFE003, lr  }
0x1b: {  	s9 =	sadd.s32 $0xFFFFFEF7, lr;
	s5 =	simm.s32 $0xFFFFFFFF;
	p2 =	slt.u32 s8, $0xFFFFF086  }
0x1c: {  	p1 =	slt.u32 s9, $0xF7A;
	s5 =	simm.s32 @!p2 $0x0  }
0x1d: {  	s5 =	simm.s32 @p1 $0x1;
	p0 =	seq.s32 s7, s2  }
0x1e: {  	s7 =	smul.u32 @!p0 $0xF7A, s2;
	p2 =	seq.s32 @!p0 s5, $0x0  }
0x1f: {  	s9 =	smul.u32 $0xF7A, s1;
	s8 =	simm.s32 @!p0 $0x1BF5;
	p2 =	por !p2, p0  }
0x20: {  	[sflag:s8] =	ssyncset.s32 @!p0 $0xFFFFF086;
	s6 =	sadd.s32 @!p0 s3, s7;
	s7 =	simm.s32 @!p0 $0x108  }
0x21: {  	s3 =	sadd.s32 s3, s9;
	s6 =	sadd.s32 @!p0 $0x88, s6;
	s7 =	simm.s32 @p2 $0x1082  }
0x22: {  	[simem:s7], [sflag:s8] =	dma.local @!p0 [hbm:s6], $0xF7A  }
0x23: {  	s9 =	sor.u32 $0xD0000000, s2;
	s6 =	simm.s32 $0x108;
	_ =	swait.ge @!p0 [sflag:s8], $0x0  }
0x24: {  	s3 =	sadd.s32 $0x88, s3;
	s6 =	simm.s32 @!p1 $0x1082;
	[sflag:s4] =	ssyncset.s32 $0xFFFFF086  }
0x25: {  	[simem:s6], [sflag:s4] =	dma.local [hbm:s3], $0xF7A  }
0x26: {  	[smem:$0x3F9F] =	sst s1;
	(tag) =	ssettag s2;
	_ =	strace s9  }
0x27: {  	s1 =	sld [smem:$0x3FAF]  }
0x28: {  	s2 =	sld [smem:$0x3FB0]  }
0x29: {  	s4 =	sld [smem:$0x3FB2]  }
0x2a: {  	p0 =	seq.s32 s5, $0x0;
	s5 =	sld [smem:$0x3FB3]  }
0x2b: {  	s6 =	sld [smem:$0x3FB4]  }
0x2c: {  	s7 =	sld [smem:$0x3FB5]  }
0x2d: {  	s3 =	simm.s32 $0x108;
	s8 =	sld [smem:$0x3FB6]  }
0x2e: {  	s3 =	simm.s32 @!p0 $0x1082;
	s9 =	sld [smem:$0x3FB7]  }
0x2f: {  	lr =	sadd.s32 s0, s3;
	s0 =	sld [smem:$0x3FAE]  }
0x30: {  	s3 =	sld [smem:$0x3FB1]  }
0x31: {  	[smem:$0x3FBA] =	sst s10  }
0x32: {  	s10 =	sld [smem:$0x3FB8];
	_ =	sdelay $0x3  }
0x33: {  	p0 =	seq.s32 s10, $0x1;
	s10 =	sld [smem:$0x3FBA];
	_ =	sdelay $0x3  }
0x34: {  	[smem:$0x3FBA] =	sst s10  }
0x35: {  	s10 =	sld [smem:$0x3FB9];
	_ =	sdelay $0x3  }
0x36: {  	p1 =	seq.s32 s10, $0x1;
	s10 =	sld [smem:$0x3FBA];
	_ =	sdelay $0x3  }
0x37: {  	[smem:$0x3FBA] =	sst s10  }
0x38: {  	s10 =	sld [smem:$0x3FBB]  }
0x39: {  	_ = 	snop;
	(pc) =	sbr.ind lr, $3  }
0x3a: {  	_ = 	snop  }
0x3b: {  	_ = 	snop  }
0x3c: {  	p2 =	seq.s32 s10, $0x1;
	s10 =	sld [smem:$0x3FBA]  }
0x3d: {  	_ =	shalt  }
0x3e: {  	_ =	shalt  }
0x3f: {  	_ =	shalt  }
0x40: {  	_ =	shalt  }
0x41: {  	_ =	shalt  }
0x42: {  	_ =	shalt  }
0x43: {  	_ =	shalt  }
0x44: {  	_ =	shalt  }
0x45: {  	_ =	shalt  }
0x46: {  	_ =	shalt  }
0x47: {  	_ =	shalt  }
0x48: {  	_ =	shalt  }
0x49: {  	_ =	shalt  }
0x4a: {  	_ =	shalt  }
0x4b: {  	_ =	shalt  }
0x4c: {  	_ =	shalt  }
0x4d: {  	_ =	shalt  }
0x4e: {  	_ =	shalt  }
0x4f: {  	_ =	shalt  }
0x50: {  	_ =	shalt  }
0x51: {  	_ =	shalt  }
0x52: {  	_ =	shalt  }
0x53: {  	_ =	shalt  }
0x54: {  	_ =	shalt  }
0x55: {  	_ =	shalt  }
0x56: {  	_ =	shalt  }
0x57: {  	_ =	shalt  }
0x58: {  	_ =	shalt  }
0x59: {  	_ =	shalt  }
0x5a: {  	_ =	shalt  }
0x5b: {  	_ =	shalt  }
0x5c: {  	_ =	shalt  }
0x5d: {  	_ =	shalt  }
0x5e: {  	_ =	shalt  }
0x5f: {  	_ =	shalt  }
0x60: {  	_ =	shalt  }
0x61: {  	_ =	shalt  }
0x62: {  	_ =	shalt  }
0x63: {  	_ =	shalt  }
0x64: {  	_ =	shalt  }
0x65: {  	_ =	shalt  }
0x66: {  	_ =	shalt  }
0x67: {  	_ =	shalt  }
0x68: {  	_ =	shalt  }
0x69: {  	_ =	shalt  }
0x6a: {  	_ =	shalt  }
0x6b: {  	_ =	shalt  }
0x6c: {  	_ =	shalt  }
0x6d: {  	_ =	shalt  }
0x6e: {  	_ =	shalt  }
0x6f: {  	_ =	shalt  }
0x70: {  	_ =	shalt  }
0x71: {  	_ =	shalt  }
0x72: {  	_ =	shalt  }
0x73: {  	_ =	shalt  }
0x74: {  	_ =	shalt  }
0x75: {  	_ =	shalt  }
0x76: {  	_ =	shalt  }
0x77: {  	_ =	shalt  }
0x78: {  	_ =	shalt  }
0x79: {  	_ =	shalt  }
0x7a: {  	_ =	shalt  }
0x7b: {  	_ =	shalt  }
0x7c: {  	_ =	shalt  }
0x7d: {  	_ =	shalt  }
0x7e: {  	_ =	shalt  }
0x7f: {  	_ =	shalt  }
0x80: {  	_ =	shalt  }
0x81: {  	_ =	shalt  }
0x82: {  	_ =	shalt  }
0x83: {  	_ =	shalt  }
0x84: {  	_ =	shalt  }
0x85: {  	_ =	shalt  }
0x86: {  	_ =	shalt  }
0x87: {  	_ =	shalt  }
.Lfunc_end0:
.L_simem_size_0:
called_computation.1_lowered:
.L_overlay_start_0:
0x88: {  	s2 =	sld [smem:$0x3FD9]  }
0x89: {  	s3 =	sld [smem:$0x3FFE];
	_ =	sdelay $0x1  }
0x8a: {  	s1 =	srdreg.scid  }
0x8b: {  	s0 =	sand.u32 $0x1, s1  }
0x8c: {  	s17 =	sshll.u32 s0, $0xA;
	s2 =	sadd.s32 s3, s2  }
0x8d: {  	s2 =	sadd.s32 s2, s17  }
0x8e: {  	[smem:$0x3FC6] =	sst s2  }
0x8f: {  	_ = 	snop  }
0x90: {  	s2 =	sld [smem:$0x3FC9]  }
0x91: {  	s18 =	sld [smem:$0x3FD0];
	(tm) =	ssettm $0x1  }
0x92: {  	s4 =	sld [smem:$0x3FFB];
	_ =	sdelay $0x3  }
0x93: {  	_ =	strace s4  }
0x94: {  	s4 =	sld [smem:$0x3FFC];
	_ =	sdelay $0x3  }
0x95: {  	_ =	strace s4  }
0x96: {  	s4 =	sld [smem:$0x3FFD];
	_ =	sdelay $0x3  }
0x97: {  	_ =	strace s4  }
0x98: {  	_ =	strace $0x8FFFFFFF  }
0x99: {  	s19 =	sld [smem:$0x3FDB];
	_ =	sdelay $0x1  }
0x9a: {  	s5 =	simm.s32 $_scs_section_size  }
0x9b: {  	s6 =	simm.s32 $_size__tile_overlayer_lowered;
	s7 =	simm.s32 $_tile_overlayer_lowered  }
0x9c: {  	s22 =	simm.s32 $0x1BFF;
	s21 =	sshll.u32 s7, $0x1;
	s4 =	sadd.s32 s5, s19  }
0x9d: {  	s8 =	simm.s32 $0x0;
	s20 =	sshll.u32 s6, $0x1;
	s6 =	sadd.s32 s21, s4  }
0x9e: {  	[timem:s8], [sflag:s22] =	dma.local [hbm:s6], s20  }
0x9f: {  	_ =	swait.ge [sflag:s22], s20  }
0xa0: {  	s5 =	ssub.s32 $0x0, s20;
	[sflag:s22] =	ssyncset.done $0x0  }
0xa1: {  	[sflag:s22] =	ssyncadd.s32 s5;
	_ =	sdelay $0x1  }
0xa2: {  	s23 =	simm.s32 $0x1B8B  }
0xa3: {  	_ =	swait.ge [sflag:s23], $0x1  }
0xa4: {  	[sflag:s23] =	ssyncset.done $0x0  }
0xa5: {  	s25 =	simm.s32 $0x1B8E;
	s24 =	sld [smem:$0x3FFE];
	[sflag:s23] =	ssyncadd.s32 $0xFFFFFFFF  }
0xa6: {  	s26 =	simm.s32 $execute0_lowered;
	[smem:$0x3FD2] =	sst s25  }
0xa7: {  	s6 =	sshll.u32 s26, $0x1;
	_ =	strace $0x80000049;
	[dreg:$0x1] =	wrdreg $0xFFFFFFFF  }
0xa8: {  	s28 =	simm.s32 $_size_execute0_lowered;
	s4 =	sadd.s32 s4, s6;
	[dreg:$0x0] =	wrdreg $0x0  }
0xa9: {  	s6 =	sshll.u32 s28, $0x1;
	[dreg:$0x2] =	wrdreg s4  }
0xaa: {  	[dreg:$0x3] =	wrdreg s6  }
0xab: {  	[dreg:$0x4] =	wrdreg $0xC0  }
0xac: {  	_ =	task [dreg:s8], $0x5FFFF  }
0xad: {  	[dreg:$0x1] =	wrdreg $0xFFFFFFFF  }
0xae: {  	[dreg:$0x0] =	wrdreg $0x60  }
0xaf: {  	[dreg:$0x2] =	wrdreg s2  }
0xb0: {  	[dreg:$0x3] =	wrdreg s24  }
0xb1: {  	[dreg:$0x4] =	wrdreg s18  }
0xb2: {  	[dreg:$0x5] =	wrdreg $0x9  }
0xb3: {  	_ =	task.clear_ibuf [dreg:s8], $0x6FFFF;
	_ =	strace $0x90000049  }
0xb4: {  	s29 =	simm.s32 $0x9;
	_ =	strace $0x8000004B  }
0xb5: {  	_ =	swait.ge [sflag:s29], $0x1  }
0xb6: {  	[sflag:s29] =	ssyncadd.s32 $0xFFFFFFFF  }
0xb7: {  	_ =	strace $0x9000004B  }
0xb8: {  	_ =	sfence  }
0xb9: {  	s30 =	sld [smem:$0x0];
	_ =	sdelay $0x2  }
0xba: {  	s31 =	sshll.u32 s1, $0xD;
	s1 =	sshrl.u32 s1, $0x2  }
0xbb: {  	s3 =	sand.u32 $0x4000, s31;
	s1 =	sadd.s32 s1, s30  }
0xbc: {  	s0 =	sor.u32 s3, s0;
	s1 =	sshll.u32 s1, $0x11  }
0xbd: {  	s0 =	sor.u32 s1, s0  }
0xbe: {  	s0 =	sadd.s32 $0x8F2B, s0  }
0xbf: {  	[sflag:s0] =	ssyncadd.remote.s32 $0x1  }
0xc0: {  	_ =	sfence.sel $0xFFFF  }
0xc1: {  	[dreg:$0x0] =	wrdreg $0xFFFFFFFF;
	(pc) =	sbr.abs _section_cstart, $3  }
0xc2: {  	[dreg:$0x1] =	wrdreg $0xFFFFFFFF  }
0xc3: {  	_ =	task.clear_ibuf [dreg:s8], $0x2FFFF;
	_ =	strace $0x9FFFFFFF  }
0xc4: {  	(tm) =	ssettm $0x7FFFFFFF  }
0xc5: {  	_ =	shalt  }
tec
execute0_lowered:
.L_overlay_start_1:
0x0: {  	(tag) =	ssettag $0x1  }
0x1: {  	s6 =	rddreg [dreg:$0x0]  }
0x2: {  	s5 =	rddreg [dreg:$0x1]  }
0x3: {  	s1 =	rddreg [dreg:$0x2]  }
0x4: {  	s0 =	rddreg [dreg:$0x3]  }
0x5: {  	s3 =	simm.s32 $0x0;
	s4 =	srdreg.scid;
	s2 =	stileid.u32  }
0x6: {  	s10 =	simm.s32 $0x5;
	s11 =	simm.s32 $0x80;
	s12 =	simm.s32 $0xC800  }
0x7: {  	s13 =	simm.s32 $0x2;
	s14 =	simm.s32 $0x10800;
	s15 =	simm.s32 $0x16800  }
0x8: {  	s16 =	simm.s32 $0x3;
	s17 =	simm.s32 $0x4;
	s18 =	simm.s32 $0x1  }
0x9: {  	s19 =	simm.s32 $0x14800;
	s20 =	simm.s32 $0x0;
	[smem:$0x7FF] =	sst s3  }
.Ltmp0:
0xa: {  	v0 =	vlaneseq.u32;
	s4 =	sand.u32 $0x1, s4;
	s8 =	sshll.u32 s2, $0xB;
	(pc) =	sbr.rel .LBB2_1-.Ltmp0, $4  }
0xb: {  	s5 =	sadd.s32 $0x800, s5;
	v1 =	vmul.u32 $0x80, v0;
	s7 =	ssub.s32 $0x2, s4;
	s4 =	sshll.u32 s4, $0xA  }
0xc: {  	v3 =	vor.u32 $0x10, v0;
	v5 =	vor.u32 $0x20, v0;
	_ =	strace $0x8000004A;
	s9 =	sshrl.u32 s7, $0x1;
	s4 =	sor.u32 s4, s8  }
0xd: {  	v7 =	vor.u32 $0x30, v0;
	v9 =	vor.u32 $0x40, v0;
	v2 =	vor.u32 $0x800, v1;
	s7 =	ssub.s32 s7, s9;
	s8 =	sshrl.u32 s4, $0x3;
	s9 =	simm.s32 $0x8000  }
0xe: {  	v4 =	vor.u32 $0x1000, v1;
	v6 =	vor.u32 $0x1800, v1;
	v8 =	vor.u32 $0x2000, v1;
	s6 =	sadd.s32 s6, s8;
	s7 =	smax.u32 s7, $0x1;
	s8 =	simm.s32 $0x400  }
.LBB2_40:
0xf: {  	s20 =	sadd.s32 $0x1, s20  }
0x10: {  	_ =	swait.ge [sflag:s16], $0x2000;
	p0 =	sne.s32 s20, s7  }
.Ltmp1:
0x11: {  	[sflag:s16] =	ssyncset.done $0x0;
	(pc) =	sbr.rel @!p0 .LBB2_41-.Ltmp1, $4  }
0x12: {  	[sflag:s16] =	ssyncadd.s32 $0xFFFFE000  }
0x13: {  	_ =	swait.ge [sflag:s17], $0x2000  }
0x14: {  	[sflag:s17] =	ssyncset.done $0x0  }
0x15: {  	[sflag:s17] =	ssyncadd.s32 $0xFFFFE000  }
.LBB2_1:
0x16: {  	[tilespmem:s3], [sflag:$0x5] =	stream.strided.gather [hbm4b:s6+s8], $0x6400, s9, s8, $0x38;
	[tilespmem:$0x18800] =	vst v63  }
0x17: {  	_ =	swait.ge [sflag:s10], $0x6400  }
0x18: {  	[sflag:s10] =	ssyncset.done $0x0  }
0x19: {  	s21 =	simm.s32 $0x0;
	[sflag:s10] =	ssyncadd.s32 $0xFFFF9C00  }
0x1a: {  	v11 =	vld [tilespmem:s21+$0x0]  }
0x1b: {  	v14 =	vld [tilespmem:s21+$0x10]  }
0x1c: {  	v13 =	vld [tilespmem:s21+$0x20]  }
0x1d: {  	v12 =	vld [tilespmem:s21+$0x30]  }
0x1e: {  	v10 =	vld [tilespmem:s21+$0x40]  }
0x1f: {  	s22 =	simm.s32 $0x200;
	v16 =	vshrl.u32 v11, $0x1;
	v15 =	vshll.u32 v11, $0x6;
	v11 =	vld [tilespmem:s21+$0x50]  }
.LBB2_2:
0x20: {  	p0 =	sne.s32 s22, $0x18E00;
	[tilespmem:s21+$0x0] =	vst v16;
	v15 =	vand.u32 $0x40, v15;
	v16 =	vshrl.u32 v14, $0x1;
	v14 =	vshll.u32 v14, $0x6;
	v17 =	vld [tilespmem:s21+$0x60]  }
0x21: {  	[tilespmem:s21+$0x10] =	vst v16;
	v14 =	vand.u32 $0x40, v14;
	v16 =	vshrl.u32 v13, $0x1;
	v13 =	vshll.u32 v13, $0x6;
	v18 =	vld [tilespmem:s21+$0x70]  }
0x22: {  	[tilespmem:s21+$0x20] =	vst v16;
	v13 =	vand.u32 $0x40, v13;
	v16 =	vshrl.u32 v12, $0x1;
	v12 =	vshll.u32 v12, $0x6  }
0x23: {  	[tilespmem:s21+$0x30] =	vst v16;
	v12 =	vand.u32 $0x40, v12;
	v16 =	vshrl.u32 v10, $0x1;
	v10 =	vshll.u32 v10, $0x6  }
0x24: {  	[tilespmem:s21+$0x40] =	vst v16;
	v10 =	vand.u32 $0x40, v10;
	v16 =	vshrl.u32 v11, $0x1;
	v11 =	vshll.u32 v11, $0x6  }
0x25: {  	[tilespmem:s21+$0x50] =	vst v16;
	v11 =	vand.u32 $0x40, v11;
	v16 =	vshrl.u32 v17, $0x1;
	v17 =	vshll.u32 v17, $0x6  }
0x26: {  	[tilespmem:s21+$0x60] =	vst v16;
	v16 =	vand.u32 $0x40, v17;
	v17 =	vshrl.u32 v18, $0x1;
	v18 =	vshll.u32 v18, $0x6  }
0x27: {  	[tilespmem:s21+$0x70] =	vst v17;
	v17 =	vand.u32 $0x40, v18  }
0x28: {  	[tilespmem:s21+$0x6400] =	vst v15  }
0x29: {  	s23 =	sshra.s32 s22, $0x2;
	[tilespmem:s21+$0x6410] =	vst v14  }
0x2a: {  	v15 =	vld [tilespmem:s23+$0x0];
	[tilespmem:s21+$0x6420] =	vst v13  }
.Ltmp2:
0x2b: {  	v14 =	vld [tilespmem:s23+$0x10];
	[tilespmem:s21+$0x6430] =	vst v12;
	(pc) =	sbr.rel @p0 .LBB2_2-.Ltmp2, $4  }
0x2c: {  	v13 =	vld [tilespmem:s23+$0x20];
	[tilespmem:s21+$0x6440] =	vst v10  }
0x2d: {  	v12 =	vld [tilespmem:s23+$0x30];
	[tilespmem:s21+$0x6450] =	vst v11  }
0x2e: {  	v10 =	vld [tilespmem:s23+$0x40];
	[tilespmem:s21+$0x6460] =	vst v16  }
0x2f: {  	s22 =	sadd.s32 $0x200, s22;
	v16 =	vshrl.u32 v15, $0x1;
	v15 =	vshll.u32 v15, $0x6;
	v11 =	vld [tilespmem:s23+$0x50];
	[tilespmem:s21+$0x6470] =	vst v17;
	s21 =	smov.u32 s23  }
0x30: {  	[tilespmem:s21+$0x0] =	vst v16;
	v52 =	vshrl.u32 v14, $0x1  }
0x31: {  	v15 =	vand.u32 $0x40, v15;
	[tilespmem:s21+$0x10] =	vst v52  }
0x32: {  	v59 =	vshll.u32 v14, $0x6;
	v53 =	vshrl.u32 v13, $0x1;
	[tilespmem:s21+$0x6400] =	vst v15  }
0x33: {  	v14 =	vand.u32 $0x40, v59;
	[tilespmem:s21+$0x20] =	vst v53  }
0x34: {  	v60 =	vshll.u32 v13, $0x6;
	v54 =	vshrl.u32 v12, $0x1;
	[tilespmem:s21+$0x6410] =	vst v14  }
0x35: {  	v17 =	vld [tilespmem:s21+$0x60];
	v13 =	vand.u32 $0x40, v60;
	[tilespmem:s21+$0x30] =	vst v54  }
0x36: {  	v18 =	vld [tilespmem:s21+$0x70];
	v61 =	vshll.u32 v12, $0x6;
	v55 =	vshrl.u32 v10, $0x1;
	[tilespmem:s21+$0x6420] =	vst v13  }
0x37: {  	v12 =	vand.u32 $0x40, v61;
	[tilespmem:s21+$0x40] =	vst v55  }
0x38: {  	v10 =	vshll.u32 v10, $0x6;
	v56 =	vshrl.u32 v11, $0x1;
	[tilespmem:s21+$0x6430] =	vst v12  }
0x39: {  	v10 =	vand.u32 $0x40, v10;
	[tilespmem:s21+$0x50] =	vst v56  }
0x3a: {  	v57 =	vshrl.u32 v17, $0x1;
	[tilespmem:s21+$0x6440] =	vst v10  }
0x3b: {  	v11 =	vshll.u32 v11, $0x6;
	v58 =	vshrl.u32 v18, $0x1;
	[tilespmem:s21+$0x60] =	vst v57  }
.Ltmp3:
0x3c: {  	v11 =	vand.u32 $0x40, v11;
	v62 =	vshll.u32 v17, $0x6;
	[tilespmem:s21+$0x70] =	vst v58;
	(pc) =	sbr.rel .LBB2_4-.Ltmp3, $4  }
0x3d: {  	v63 =	vshll.u32 v18, $0x6;
	v10 =	vand.u32 $0x40, v62;
	[tilespmem:s21+$0x6450] =	vst v11  }
0x3e: {  	v11 =	vand.u32 $0x40, v63;
	[tilespmem:s21+$0x6460] =	vst v10  }
0x3f: {  	[tilespmem:s21+$0x6470] =	vst v11;
	s21 =	simm.s32 $0x0  }
0x40: {  	[tilespmem:s12], [sflag:$0x1] =	stream.indirect.gather [hbm4b:s5+s11], $0x80, s21, s11, $0xb8;
	[tilespmem:$0x18800] =	vst v63  }
.LBB2_21:
0x41: {  	_ =	sdelay $0x3  }
0x42: {  	v10 =	vld.idx.msk [tilespmem:v20+s12+$0x0], $0xffff  }
0x43: {  	v11 =	vor.u32 v12, v25;
	v19 =	vld.idx.msk [tilespmem:v19+s12+$0x0], $0xffff  }
0x44: {  	v62 =	vor.u32 v12, v26;
	v18 =	vld.idx.msk [tilespmem:v18+s12+$0x0], $0xffff  }
0x45: {  	v23 =	vor.u32 v12, v23;
	v16 =	vld.idx.msk [tilespmem:v16+s12+$0x0], $0xffff  }
0x46: {  	v21 =	vor.u32 v12, v21;
	v15 =	vld.idx.msk [tilespmem:v15+s12+$0x0], $0xffff  }
0x47: {  	v24 =	vor.u32 v12, v24;
	v14 =	vld.idx.msk [tilespmem:v14+s12+$0x0], $0xffff;
	[tilespmem:v17+s19+$0x0] =	vst.idx.msk $0xffff, v10  }
0x48: {  	v63 =	vld.idx.msk [tilespmem:v13+s12+$0x0], $0xffff;
	v10 =	vor.u32 v12, v22;
	[tilespmem:v11+s19+$0x0] =	vst.idx.msk $0xffff, v19  }
0x49: {  	[tilespmem:v62+s19+$0x0] =	vst.idx.msk $0xffff, v18  }
0x4a: {  	s22 =	sshll.u32 s21, $0x12;
	[tilespmem:v23+s19+$0x0] =	vst.idx.msk $0xffff, v16  }
0x4b: {  	s22 =	sor.u32 s4, s22;
	[tilespmem:v21+s19+$0x0] =	vst.idx.msk $0xffff, v15  }
0x4c: {  	s22 =	sshrl.u32 s22, $0x3;
	[tilespmem:v24+s19+$0x0] =	vst.idx.msk $0xffff, v14  }
0x4d: {  	s22 =	sadd.s32 s1, s22;
	[tilespmem:v10+s19+$0x0] =	vst.idx.msk $0xffff, v63  }
0x4e: {  	[hbm4b:s22+s8] =	stream.strided.scatter [tilespmem:s19], [sflag:$0x3], $0x2000, s9, s8, $0x38;
	[tilespmem:$0x18800] =	vst v63  }
.LBB2_39:
0x4f: {  	s21 =	sadd.s32 $0x1, s21  }
0x50: {  	p0 =	sne.s32 s21, $0xC8  }
.Ltmp4:
0x51: {  	_ = 	snop;
	(pc) =	sbr.rel @!p0 .LBB2_40-.Ltmp4, $1  }
0x52: {  	_ =	sdelay $0x3  }
.LBB2_4:
0x53: {  	s22 =	sand.u32 $0x1, s21  }
0x54: {  	p1 =	seq.s32 s22, $0x1  }
.Ltmp5:
0x55: {  	_ = 	snop;
	(pc) =	sbr.rel @!p1 .LBB2_5-.Ltmp5, $2  }
0x56: {  	_ =	sdelay $0x2  }
0x57: {  	p0 =	slt.u32 s21, $0x2  }
0x58: {  	s22 =	simm.s32 @!p0 $0x4  }
0x59: {  	_ =	swait.ge @!p0 [sflag:s22], $0x2000  }
0x5a: {  	p1 =	seq.s32 @!p0 s21, $0xC7;
	[sflag:s22] =	ssyncset.done @!p0 $0x0  }
0x5b: {  	p1 =	por p0, !p1;
	[sflag:s22] =	ssyncadd.s32 @!p0 $0xFFFFE000;
	s22 =	simm.s32 @!p0 $0x18E00  }
0x5c: {  	s22 =	sshll.u32 @p1 s21, $0x9  }
0x5d: {  	s23 =	sshrl.u32 @p1 s22, $0x2  }
0x5e: {  	s23 =	sadd.s32 @p1 $0x80, s23  }
0x5f: {  	[tilespmem:s12], [sflag:$0x1] =	stream.indirect.gather @p1 [hbm4b:s5+s11], $0x80, s23, s11, $0xb8;
	[tilespmem:$0x18800] =	vst v63  }
0x60: {  	_ =	swait.ge [sflag:s13], $0x4000  }
0x61: {  	s23 =	simm.s32 $0x0;
	[sflag:s13] =	ssyncset.done $0x0  }
0x62: {  	s22 =	sshrl.u32 s22, $0x2;
	s24 =	sand.u32 $0x8, s23;
	[sflag:s13] =	ssyncadd.s32 $0xFFFFC000  }
0x63: {  	v11 =	vadd.s32 s24, v0;
	s25 =	sor.u32 $0x1, s24;
	s26 =	sor.u32 $0x2, s24;
	s28 =	sor.u32 $0x7, s24;
	v10 =	vld [tilespmem:s22+$0x6400]  }
0x64: {  	s30 =	sor.u32 $0x4, s24;
	s31 =	sor.u32 $0x5, s24;
	v12 =	vadd.s32 s25, v0;
	v13 =	vadd.s32 s26, v0;
	v14 =	vadd.s32 s28, v0  }
0x65: {  	s26 =	sor.u32 $0x3, s24;
	v16 =	vadd.s32 s30, v0;
	s24 =	sor.u32 $0x6, s24;
	v17 =	vadd.s32 s31, v0;
	v11 =	vand.u32 $0xF, v11  }
0x66: {  	s29 =	sand.u32 $0x30, s23;
	v15 =	vadd.s32 s26, v0;
	v14 =	vand.u32 $0xF, v14;
	v18 =	vadd.s32 s24, v0  }
0x67: {  	v12 =	vand.u32 $0xF, v12;
	v13 =	vand.u32 $0xF, v13;
	v14 =	vor.u32 s29, v14  }
0x68: {  	v16 =	vand.u32 $0xF, v16;
	v17 =	vand.u32 $0xF, v17;
	v19 =	vadd.s32 v10, v14  }
0x69: {  	v15 =	vand.u32 $0xF, v15;
	v18 =	vand.u32 $0xF, v18;
	v19 =	vadd.s32 v1, v19  }
0x6a: {  	v20 =	vor.u32 s29, v12;
	v22 =	vor.u32 s29, v13;
	v25 =	vor.u32 s29, v16  }
0x6b: {  	v26 =	vor.u32 s29, v17;
	v17 =	vor.u32 s29, v11;
	v23 =	vor.u32 s29, v15  }
0x6c: {  	v27 =	vor.u32 s29, v18;
	v11 =	vadd.s32 v10, v20;
	v12 =	vadd.s32 v10, v22  }
0x6d: {  	v13 =	vadd.s32 v10, v23;
	v21 =	vadd.s32 v10, v25;
	v14 =	vshll.u32 v14, $0x7  }
0x6e: {  	v24 =	vadd.s32 v10, v27;
	v30 =	vadd.s32 v10, v17;
	v29 =	vor.u32 v0, v14;
	v28 =	vld.idx.msk [tilespmem:v19+s14+$0x0], $0xffff  }
0x6f: {  	v23 =	vshll.u32 v23, $0x7;
	v17 =	vshll.u32 v17, $0x7;
	v18 =	vadd.s32 v1, v11  }
0x70: {  	v16 =	vadd.s32 v1, v12;
	v15 =	vadd.s32 v1, v13;
	v14 =	vadd.s32 v1, v21  }
0x71: {  	v11 =	vadd.s32 v1, v30;
	v21 =	vshll.u32 v20, $0x7;
	v13 =	vadd.s32 v1, v24  }
0x72: {  	v24 =	vshll.u32 v22, $0x7;
	v22 =	vshll.u32 v26, $0x7;
	v19 =	vadd.s32 v10, v26  }
0x73: {  	v20 =	vshll.u32 v27, $0x7;
	v12 =	vadd.s32 v1, v19;
	v19 =	vshll.u32 v25, $0x7;
	[tilespmem:v29+s15+$0x0] =	vst.idx.msk $0xffff, v28  }
.LBB2_23:
0x74: {  	s23 =	sadd.s32 $0x8, s23;
	v18 =	vld.idx.msk [tilespmem:v18+s14+$0x0], $0xffff;
	v21 =	vor.u32 v0, v21;
	v24 =	vor.u32 v0, v24;
	v23 =	vor.u32 v0, v23  }
0x75: {  	v19 =	vor.u32 v0, v19;
	v22 =	vor.u32 v0, v22;
	v20 =	vor.u32 v0, v20;
	s24 =	sand.u32 $0x8, s23;
	p0 =	slt.u32 s23, $0x38;
	v16 =	vld.idx.msk [tilespmem:v16+s14+$0x0], $0xffff  }
0x76: {  	v17 =	vor.u32 v0, v17;
	v25 =	vadd.s32 s24, v0;
	s25 =	sor.u32 $0x1, s24;
	s26 =	sor.u32 $0x2, s24;
	s28 =	sor.u32 $0x7, s24;
	v15 =	vld.idx.msk [tilespmem:v15+s14+$0x0], $0xffff  }
0x77: {  	s29 =	sor.u32 $0x5, s24;
	v26 =	vadd.s32 s25, v0;
	v27 =	vadd.s32 s26, v0;
	s25 =	sor.u32 $0x3, s24;
	s26 =	sor.u32 $0x4, s24;
	v28 =	vadd.s32 s28, v0;
	v14 =	vld.idx.msk [tilespmem:v14+s14+$0x0], $0xffff  }
0x78: {  	s28 =	sand.u32 $0x30, s23;
	s24 =	sor.u32 $0x6, s24;
	v29 =	vadd.s32 s25, v0;
	v30 =	vadd.s32 s26, v0;
	v28 =	vand.u32 $0xF, v28;
	v12 =	vld.idx.msk [tilespmem:v12+s14+$0x0], $0xffff  }
0x79: {  	v31 =	vadd.s32 s29, v0;
	v32 =	vadd.s32 s24, v0;
	v28 =	vor.u32 s28, v28;
	v13 =	vld.idx.msk [tilespmem:v13+s14+$0x0], $0xffff  }
0x7a: {  	v26 =	vand.u32 $0xF, v26;
	v27 =	vand.u32 $0xF, v27;
	v33 =	vadd.s32 v10, v28;
	v34 =	vld.idx.msk [tilespmem:v11+s14+$0x0], $0xffff;
	[tilespmem:v21+s15+$0x0] =	vst.idx.msk $0xffff, v18  }
0x7b: {  	v11 =	vand.u32 $0xF, v29;
	v18 =	vand.u32 $0xF, v30;
	v21 =	vadd.s32 v1, v33;
	[tilespmem:v24+s15+$0x0] =	vst.idx.msk $0xffff, v16  }
0x7c: {  	v16 =	vand.u32 $0xF, v25;
	v24 =	vand.u32 $0xF, v31;
	v25 =	vand.u32 $0xF, v32;
	[tilespmem:v23+s15+$0x0] =	vst.idx.msk $0xffff, v15  }
0x7d: {  	v23 =	vor.u32 s28, v26;
	v26 =	vor.u32 s28, v27;
	v27 =	vor.u32 s28, v11;
	[tilespmem:v19+s15+$0x0] =	vst.idx.msk $0xffff, v14  }
0x7e: {  	v29 =	vor.u32 s28, v24;
	v25 =	vor.u32 s28, v25;
	v19 =	vor.u32 s28, v18;
	[tilespmem:v22+s15+$0x0] =	vst.idx.msk $0xffff, v12  }
0x7f: {  	v11 =	vadd.s32 v10, v23;
	v22 =	vor.u32 s28, v16;
	v12 =	vadd.s32 v10, v26;
	[tilespmem:v20+s15+$0x0] =	vst.idx.msk $0xffff, v13  }
0x80: {  	v15 =	vshll.u32 v28, $0x7;
	v14 =	vadd.s32 v10, v19;
	v13 =	vadd.s32 v10, v27;
	v30 =	vld.idx.msk [tilespmem:v21+s14+$0x0], $0xffff  }
0x81: {  	v24 =	vadd.s32 v10, v25;
	v28 =	vor.u32 v0, v15;
	v20 =	vadd.s32 v10, v29  }
.Ltmp6:
0x82: {  	v18 =	vadd.s32 v1, v11;
	v16 =	vadd.s32 v1, v12;
	v21 =	vadd.s32 v10, v22;
	(pc) =	sbr.rel @p0 .LBB2_23-.Ltmp6, $4  }
0x83: {  	v14 =	vadd.s32 v1, v14;
	v15 =	vadd.s32 v1, v13;
	v12 =	vadd.s32 v1, v20  }
0x84: {  	v13 =	vadd.s32 v1, v24;
	v11 =	vadd.s32 v1, v21;
	v21 =	vshll.u32 v23, $0x7;
	[tilespmem:v17+s15+$0x0] =	vst.idx.msk $0xffff, v34  }
0x85: {  	v19 =	vshll.u32 v19, $0x7;
	v24 =	vshll.u32 v26, $0x7;
	v23 =	vshll.u32 v27, $0x7  }
0x86: {  	v20 =	vshll.u32 v25, $0x7;
	v17 =	vshll.u32 v22, $0x7;
	v22 =	vshll.u32 v29, $0x7;
	[tilespmem:v28+s15+$0x0] =	vst.idx.msk $0xffff, v30  }
0x87: {  	_ =	sdelay $0x3  }
0x88: {  	v10 =	vld.idx.msk [tilespmem:v18+s14+$0x0], $0xffff;
	v18 =	vor.u32 v0, v21  }
0x89: {  	v21 =	vor.u32 v0, v24;
	v16 =	vld.idx.msk [tilespmem:v16+s14+$0x0], $0xffff  }
0x8a: {  	v23 =	vor.u32 v0, v23;
	v15 =	vld.idx.msk [tilespmem:v15+s14+$0x0], $0xffff  }
0x8b: {  	v19 =	vor.u32 v0, v19;
	v14 =	vld.idx.msk [tilespmem:v14+s14+$0x0], $0xffff  }
0x8c: {  	v22 =	vor.u32 v0, v22;
	v12 =	vld.idx.msk [tilespmem:v12+s14+$0x0], $0xffff  }
0x8d: {  	v20 =	vor.u32 v0, v20;
	v13 =	vld.idx.msk [tilespmem:v13+s14+$0x0], $0xffff;
	[tilespmem:v18+s15+$0x0] =	vst.idx.msk $0xffff, v10  }
0x8e: {  	v11 =	vld.idx.msk [tilespmem:v11+s14+$0x0], $0xffff;
	v10 =	vor.u32 v0, v17;
	[tilespmem:v21+s15+$0x0] =	vst.idx.msk $0xffff, v16  }
0x8f: {  	[tilespmem:v23+s15+$0x0] =	vst.idx.msk $0xffff, v15  }
0x90: {  	[tilespmem:v19+s15+$0x0] =	vst.idx.msk $0xffff, v14  }
0x91: {  	s23 =	simm.s32 $0x0;
	[tilespmem:v22+s15+$0x0] =	vst.idx.msk $0xffff, v12  }
0x92: {  	s24 =	sand.u32 $0x8, s23;
	[tilespmem:v20+s15+$0x0] =	vst.idx.msk $0xffff, v13  }
0x93: {  	s25 =	sor.u32 $0x1, s24;
	[tilespmem:v10+s15+$0x0] =	vst.idx.msk $0xffff, v11  }
0x94: {  	s26 =	sor.u32 $0x2, s24;
	s28 =	sor.u32 $0x7, s24;
	s30 =	sor.u32 $0x4, s24;
	v12 =	vadd.s32 s25, v0;
	v10 =	vld [tilespmem:s22+$0x6410]  }
0x95: {  	s31 =	sor.u32 $0x5, s24;
	v13 =	vadd.s32 s26, v0;
	s26 =	sor.u32 $0x3, s24;
	v14 =	vadd.s32 s28, v0;
	v16 =	vadd.s32 s30, v0  }
0x96: {  	v17 =	vadd.s32 s31, v0;
	v15 =	vadd.s32 s26, v0;
	v14 =	vand.u32 $0xF, v14  }
0x97: {  	s29 =	sand.u32 $0x30, s23;
	v12 =	vand.u32 $0xF, v12;
	v13 =	vand.u32 $0xF, v13;
	v16 =	vand.u32 $0xF, v16  }
0x98: {  	v17 =	vand.u32 $0xF, v17;
	v14 =	vor.u32 s29, v14;
	v15 =	vand.u32 $0xF, v15  }
0x99: {  	v20 =	vor.u32 s29, v12;
	v22 =	vor.u32 s29, v13;
	v19 =	vadd.s32 v10, v14  }
0x9a: {  	v25 =	vor.u32 s29, v16;
	v11 =	vadd.s32 s24, v0;
	s24 =	sor.u32 $0x6, s24;
	v19 =	vadd.s32 v2, v19  }
0x9b: {  	v26 =	vor.u32 s29, v17;
	v18 =	vadd.s32 s24, v0;
	v11 =	vand.u32 $0xF, v11  }
0x9c: {  	v23 =	vor.u32 s29, v15;
	v18 =	vand.u32 $0xF, v18;
	v17 =	vor.u32 s29, v11  }
0x9d: {  	v27 =	vor.u32 s29, v18;
	v11 =	vadd.s32 v10, v20;
	v12 =	vadd.s32 v10, v22  }
0x9e: {  	v13 =	vadd.s32 v10, v23;
	v21 =	vadd.s32 v10, v25;
	v14 =	vshll.u32 v14, $0x7  }
0x9f: {  	v24 =	vadd.s32 v10, v27;
	v30 =	vadd.s32 v10, v17;
	v29 =	vor.u32 v3, v14;
	v28 =	vld.idx.msk [tilespmem:v19+s14+$0x0], $0xffff  }
0xa0: {  	v23 =	vshll.u32 v23, $0x7;
	v17 =	vshll.u32 v17, $0x7;
	v18 =	vadd.s32 v2, v11  }
0xa1: {  	v16 =	vadd.s32 v2, v12;
	v15 =	vadd.s32 v2, v13;
	v14 =	vadd.s32 v2, v21  }
0xa2: {  	v11 =	vadd.s32 v2, v30;
	v21 =	vshll.u32 v20, $0x7;
	v13 =	vadd.s32 v2, v24  }
0xa3: {  	v24 =	vshll.u32 v22, $0x7;
	v22 =	vshll.u32 v26, $0x7;
	v19 =	vadd.s32 v10, v26  }
0xa4: {  	v20 =	vshll.u32 v27, $0x7;
	v12 =	vadd.s32 v2, v19;
	v19 =	vshll.u32 v25, $0x7;
	[tilespmem:v29+s15+$0x0] =	vst.idx.msk $0xffff, v28  }
.LBB2_25:
0xa5: {  	s23 =	sadd.s32 $0x8, s23;
	v18 =	vld.idx.msk [tilespmem:v18+s14+$0x0], $0xffff;
	v21 =	vor.u32 v3, v21;
	v24 =	vor.u32 v3, v24;
	v23 =	vor.u32 v3, v23  }
0xa6: {  	v19 =	vor.u32 v3, v19;
	v22 =	vor.u32 v3, v22;
	v20 =	vor.u32 v3, v20;
	s24 =	sand.u32 $0x8, s23;
	p0 =	slt.u32 s23, $0x38;
	v16 =	vld.idx.msk [tilespmem:v16+s14+$0x0], $0xffff  }
0xa7: {  	v17 =	vor.u32 v3, v17;
	v25 =	vadd.s32 s24, v0;
	s25 =	sor.u32 $0x1, s24;
	s26 =	sor.u32 $0x2, s24;
	s28 =	sor.u32 $0x7, s24;
	v15 =	vld.idx.msk [tilespmem:v15+s14+$0x0], $0xffff  }
0xa8: {  	s29 =	sor.u32 $0x5, s24;
	v26 =	vadd.s32 s25, v0;
	v27 =	vadd.s32 s26, v0;
	s25 =	sor.u32 $0x3, s24;
	s26 =	sor.u32 $0x4, s24;
	v28 =	vadd.s32 s28, v0;
	v14 =	vld.idx.msk [tilespmem:v14+s14+$0x0], $0xffff  }
0xa9: {  	s28 =	sand.u32 $0x30, s23;
	s24 =	sor.u32 $0x6, s24;
	v29 =	vadd.s32 s25, v0;
	v30 =	vadd.s32 s26, v0;
	v28 =	vand.u32 $0xF, v28;
	v12 =	vld.idx.msk [tilespmem:v12+s14+$0x0], $0xffff  }
0xaa: {  	v31 =	vadd.s32 s29, v0;
	v32 =	vadd.s32 s24, v0;
	v28 =	vor.u32 s28, v28;
	v13 =	vld.idx.msk [tilespmem:v13+s14+$0x0], $0xffff  }
0xab: {  	v26 =	vand.u32 $0xF, v26;
	v27 =	vand.u32 $0xF, v27;
	v33 =	vadd.s32 v10, v28;
	v34 =	vld.idx.msk [tilespmem:v11+s14+$0x0], $0xffff;
	[tilespmem:v21+s15+$0x0] =	vst.idx.msk $0xffff, v18  }
0xac: {  	v11 =	vand.u32 $0xF, v29;
	v18 =	vand.u32 $0xF, v30;
	v21 =	vadd.s32 v2, v33;
	[tilespmem:v24+s15+$0x0] =	vst.idx.msk $0xffff, v16  }
0xad: {  	v16 =	vand.u32 $0xF, v25;
	v24 =	vand.u32 $0xF, v31;
	v25 =	vand.u32 $0xF, v32;
	[tilespmem:v23+s15+$0x0] =	vst.idx.msk $0xffff, v15  }
0xae: {  	v23 =	vor.u32 s28, v26;
	v26 =	vor.u32 s28, v27;
	v27 =	vor.u32 s28, v11;
	[tilespmem:v19+s15+$0x0] =	vst.idx.msk $0xffff, v14  }
0xaf: {  	v29 =	vor.u32 s28, v24;
	v25 =	vor.u32 s28, v25;
	v19 =	vor.u32 s28, v18;
	[tilespmem:v22+s15+$0x0] =	vst.idx.msk $0xffff, v12  }
0xb0: {  	v11 =	vadd.s32 v10, v23;
	v22 =	vor.u32 s28, v16;
	v12 =	vadd.s32 v10, v26;
	[tilespmem:v20+s15+$0x0] =	vst.idx.msk $0xffff, v13  }
0xb1: {  	v15 =	vshll.u32 v28, $0x7;
	v14 =	vadd.s32 v10, v19;
	v13 =	vadd.s32 v10, v27;
	v30 =	vld.idx.msk [tilespmem:v21+s14+$0x0], $0xffff  }
0xb2: {  	v24 =	vadd.s32 v10, v25;
	v28 =	vor.u32 v3, v15;
	v20 =	vadd.s32 v10, v29  }
.Ltmp7:
0xb3: {  	v18 =	vadd.s32 v2, v11;
	v16 =	vadd.s32 v2, v12;
	v21 =	vadd.s32 v10, v22;
	(pc) =	sbr.rel @p0 .LBB2_25-.Ltmp7, $4  }
0xb4: {  	v14 =	vadd.s32 v2, v14;
	v15 =	vadd.s32 v2, v13;
	v12 =	vadd.s32 v2, v20  }
0xb5: {  	v13 =	vadd.s32 v2, v24;
	v11 =	vadd.s32 v2, v21;
	v21 =	vshll.u32 v23, $0x7;
	[tilespmem:v17+s15+$0x0] =	vst.idx.msk $0xffff, v34  }
0xb6: {  	v19 =	vshll.u32 v19, $0x7;
	v24 =	vshll.u32 v26, $0x7;
	v23 =	vshll.u32 v27, $0x7  }
0xb7: {  	v20 =	vshll.u32 v25, $0x7;
	v17 =	vshll.u32 v22, $0x7;
	v22 =	vshll.u32 v29, $0x7;
	[tilespmem:v28+s15+$0x0] =	vst.idx.msk $0xffff, v30  }
0xb8: {  	_ =	sdelay $0x3  }
0xb9: {  	v10 =	vld.idx.msk [tilespmem:v18+s14+$0x0], $0xffff;
	v18 =	vor.u32 v3, v21  }
0xba: {  	v21 =	vor.u32 v3, v24;
	v16 =	vld.idx.msk [tilespmem:v16+s14+$0x0], $0xffff  }
0xbb: {  	v23 =	vor.u32 v3, v23;
	v15 =	vld.idx.msk [tilespmem:v15+s14+$0x0], $0xffff  }
0xbc: {  	v19 =	vor.u32 v3, v19;
	v14 =	vld.idx.msk [tilespmem:v14+s14+$0x0], $0xffff  }
0xbd: {  	v22 =	vor.u32 v3, v22;
	v12 =	vld.idx.msk [tilespmem:v12+s14+$0x0], $0xffff  }
0xbe: {  	v20 =	vor.u32 v3, v20;
	v13 =	vld.idx.msk [tilespmem:v13+s14+$0x0], $0xffff;
	[tilespmem:v18+s15+$0x0] =	vst.idx.msk $0xffff, v10  }
0xbf: {  	v11 =	vld.idx.msk [tilespmem:v11+s14+$0x0], $0xffff;
	v10 =	vor.u32 v3, v17;
	[tilespmem:v21+s15+$0x0] =	vst.idx.msk $0xffff, v16  }
0xc0: {  	[tilespmem:v23+s15+$0x0] =	vst.idx.msk $0xffff, v15  }
0xc1: {  	[tilespmem:v19+s15+$0x0] =	vst.idx.msk $0xffff, v14  }
0xc2: {  	s23 =	simm.s32 $0x0;
	[tilespmem:v22+s15+$0x0] =	vst.idx.msk $0xffff, v12  }
0xc3: {  	s24 =	sand.u32 $0x8, s23;
	[tilespmem:v20+s15+$0x0] =	vst.idx.msk $0xffff, v13  }
0xc4: {  	s25 =	sor.u32 $0x1, s24;
	[tilespmem:v10+s15+$0x0] =	vst.idx.msk $0xffff, v11  }
0xc5: {  	s26 =	sor.u32 $0x2, s24;
	s28 =	sor.u32 $0x7, s24;
	s30 =	sor.u32 $0x4, s24;
	v12 =	vadd.s32 s25, v0;
	v10 =	vld [tilespmem:s22+$0x6420]  }
0xc6: {  	s31 =	sor.u32 $0x5, s24;
	v13 =	vadd.s32 s26, v0;
	s26 =	sor.u32 $0x3, s24;
	v14 =	vadd.s32 s28, v0;
	v16 =	vadd.s32 s30, v0  }
0xc7: {  	v17 =	vadd.s32 s31, v0;
	v15 =	vadd.s32 s26, v0;
	v14 =	vand.u32 $0xF, v14  }
0xc8: {  	s29 =	sand.u32 $0x30, s23;
	v12 =	vand.u32 $0xF, v12;
	v13 =	vand.u32 $0xF, v13;
	v16 =	vand.u32 $0xF, v16  }
0xc9: {  	v17 =	vand.u32 $0xF, v17;
	v14 =	vor.u32 s29, v14;
	v15 =	vand.u32 $0xF, v15  }
0xca: {  	v20 =	vor.u32 s29, v12;
	v22 =	vor.u32 s29, v13;
	v19 =	vadd.s32 v10, v14  }
0xcb: {  	v25 =	vor.u32 s29, v16;
	v11 =	vadd.s32 s24, v0;
	s24 =	sor.u32 $0x6, s24;
	v19 =	vadd.s32 v4, v19  }
0xcc: {  	v26 =	vor.u32 s29, v17;
	v18 =	vadd.s32 s24, v0;
	v11 =	vand.u32 $0xF, v11  }
0xcd: {  	v23 =	vor.u32 s29, v15;
	v18 =	vand.u32 $0xF, v18;
	v17 =	vor.u32 s29, v11  }
0xce: {  	v27 =	vor.u32 s29, v18;
	v11 =	vadd.s32 v10, v20;
	v12 =	vadd.s32 v10, v22  }
0xcf: {  	v13 =	vadd.s32 v10, v23;
	v21 =	vadd.s32 v10, v25;
	v14 =	vshll.u32 v14, $0x7  }
0xd0: {  	v24 =	vadd.s32 v10, v27;
	v30 =	vadd.s32 v10, v17;
	v29 =	vor.u32 v5, v14;
	v28 =	vld.idx.msk [tilespmem:v19+s14+$0x0], $0xffff  }
0xd1: {  	v23 =	vshll.u32 v23, $0x7;
	v17 =	vshll.u32 v17, $0x7;
	v18 =	vadd.s32 v4, v11  }
0xd2: {  	v16 =	vadd.s32 v4, v12;
	v15 =	vadd.s32 v4, v13;
	v14 =	vadd.s32 v4, v21  }
0xd3: {  	v11 =	vadd.s32 v4, v30;
	v21 =	vshll.u32 v20, $0x7;
	v13 =	vadd.s32 v4, v24  }
0xd4: {  	v24 =	vshll.u32 v22, $0x7;
	v22 =	vshll.u32 v26, $0x7;
	v19 =	vadd.s32 v10, v26  }
0xd5: {  	v20 =	vshll.u32 v27, $0x7;
	v12 =	vadd.s32 v4, v19;
	v19 =	vshll.u32 v25, $0x7;
	[tilespmem:v29+s15+$0x0] =	vst.idx.msk $0xffff, v28  }
.LBB2_27:
0xd6: {  	s23 =	sadd.s32 $0x8, s23;
	v18 =	vld.idx.msk [tilespmem:v18+s14+$0x0], $0xffff;
	v21 =	vor.u32 v5, v21;
	v24 =	vor.u32 v5, v24;
	v23 =	vor.u32 v5, v23  }
0xd7: {  	v19 =	vor.u32 v5, v19;
	v22 =	vor.u32 v5, v22;
	v20 =	vor.u32 v5, v20;
	s24 =	sand.u32 $0x8, s23;
	p0 =	slt.u32 s23, $0x38;
	v16 =	vld.idx.msk [tilespmem:v16+s14+$0x0], $0xffff  }
0xd8: {  	v17 =	vor.u32 v5, v17;
	v25 =	vadd.s32 s24, v0;
	s25 =	sor.u32 $0x1, s24;
	s26 =	sor.u32 $0x2, s24;
	s28 =	sor.u32 $0x7, s24;
	v15 =	vld.idx.msk [tilespmem:v15+s14+$0x0], $0xffff  }
0xd9: {  	s29 =	sor.u32 $0x5, s24;
	v26 =	vadd.s32 s25, v0;
	v27 =	vadd.s32 s26, v0;
	s25 =	sor.u32 $0x3, s24;
	s26 =	sor.u32 $0x4, s24;
	v28 =	vadd.s32 s28, v0;
	v14 =	vld.idx.msk [tilespmem:v14+s14+$0x0], $0xffff  }
0xda: {  	s28 =	sand.u32 $0x30, s23;
	s24 =	sor.u32 $0x6, s24;
	v29 =	vadd.s32 s25, v0;
	v30 =	vadd.s32 s26, v0;
	v28 =	vand.u32 $0xF, v28;
	v12 =	vld.idx.msk [tilespmem:v12+s14+$0x0], $0xffff  }
0xdb: {  	v31 =	vadd.s32 s29, v0;
	v32 =	vadd.s32 s24, v0;
	v28 =	vor.u32 s28, v28;
	v13 =	vld.idx.msk [tilespmem:v13+s14+$0x0], $0xffff  }
0xdc: {  	v26 =	vand.u32 $0xF, v26;
	v27 =	vand.u32 $0xF, v27;
	v33 =	vadd.s32 v10, v28;
	v34 =	vld.idx.msk [tilespmem:v11+s14+$0x0], $0xffff;
	[tilespmem:v21+s15+$0x0] =	vst.idx.msk $0xffff, v18  }
0xdd: {  	v11 =	vand.u32 $0xF, v29;
	v18 =	vand.u32 $0xF, v30;
	v21 =	vadd.s32 v4, v33;
	[tilespmem:v24+s15+$0x0] =	vst.idx.msk $0xffff, v16  }
0xde: {  	v16 =	vand.u32 $0xF, v25;
	v24 =	vand.u32 $0xF, v31;
	v25 =	vand.u32 $0xF, v32;
	[tilespmem:v23+s15+$0x0] =	vst.idx.msk $0xffff, v15  }
0xdf: {  	v23 =	vor.u32 s28, v26;
	v26 =	vor.u32 s28, v27;
	v27 =	vor.u32 s28, v11;
	[tilespmem:v19+s15+$0x0] =	vst.idx.msk $0xffff, v14  }
0xe0: {  	v29 =	vor.u32 s28, v24;
	v25 =	vor.u32 s28, v25;
	v19 =	vor.u32 s28, v18;
	[tilespmem:v22+s15+$0x0] =	vst.idx.msk $0xffff, v12  }
0xe1: {  	v11 =	vadd.s32 v10, v23;
	v22 =	vor.u32 s28, v16;
	v12 =	vadd.s32 v10, v26;
	[tilespmem:v20+s15+$0x0] =	vst.idx.msk $0xffff, v13  }
0xe2: {  	v15 =	vshll.u32 v28, $0x7;
	v14 =	vadd.s32 v10, v19;
	v13 =	vadd.s32 v10, v27;
	v30 =	vld.idx.msk [tilespmem:v21+s14+$0x0], $0xffff  }
0xe3: {  	v24 =	vadd.s32 v10, v25;
	v28 =	vor.u32 v5, v15;
	v20 =	vadd.s32 v10, v29  }
.Ltmp8:
0xe4: {  	v18 =	vadd.s32 v4, v11;
	v16 =	vadd.s32 v4, v12;
	v21 =	vadd.s32 v10, v22;
	(pc) =	sbr.rel @p0 .LBB2_27-.Ltmp8, $4  }
0xe5: {  	v14 =	vadd.s32 v4, v14;
	v15 =	vadd.s32 v4, v13;
	v12 =	vadd.s32 v4, v20  }
0xe6: {  	v13 =	vadd.s32 v4, v24;
	v11 =	vadd.s32 v4, v21;
	v21 =	vshll.u32 v23, $0x7;
	[tilespmem:v17+s15+$0x0] =	vst.idx.msk $0xffff, v34  }
0xe7: {  	v19 =	vshll.u32 v19, $0x7;
	v24 =	vshll.u32 v26, $0x7;
	v23 =	vshll.u32 v27, $0x7  }
0xe8: {  	v20 =	vshll.u32 v25, $0x7;
	v17 =	vshll.u32 v22, $0x7;
	v22 =	vshll.u32 v29, $0x7;
	[tilespmem:v28+s15+$0x0] =	vst.idx.msk $0xffff, v30  }
0xe9: {  	_ =	sdelay $0x3  }
0xea: {  	v10 =	vld.idx.msk [tilespmem:v18+s14+$0x0], $0xffff;
	v18 =	vor.u32 v5, v21  }
0xeb: {  	v21 =	vor.u32 v5, v24;
	v16 =	vld.idx.msk [tilespmem:v16+s14+$0x0], $0xffff  }
0xec: {  	v23 =	vor.u32 v5, v23;
	v15 =	vld.idx.msk [tilespmem:v15+s14+$0x0], $0xffff  }
0xed: {  	v19 =	vor.u32 v5, v19;
	v14 =	vld.idx.msk [tilespmem:v14+s14+$0x0], $0xffff  }
0xee: {  	v22 =	vor.u32 v5, v22;
	v12 =	vld.idx.msk [tilespmem:v12+s14+$0x0], $0xffff  }
0xef: {  	v20 =	vor.u32 v5, v20;
	v13 =	vld.idx.msk [tilespmem:v13+s14+$0x0], $0xffff;
	[tilespmem:v18+s15+$0x0] =	vst.idx.msk $0xffff, v10  }
0xf0: {  	v11 =	vld.idx.msk [tilespmem:v11+s14+$0x0], $0xffff;
	v10 =	vor.u32 v5, v17;
	[tilespmem:v21+s15+$0x0] =	vst.idx.msk $0xffff, v16  }
0xf1: {  	[tilespmem:v23+s15+$0x0] =	vst.idx.msk $0xffff, v15  }
0xf2: {  	[tilespmem:v19+s15+$0x0] =	vst.idx.msk $0xffff, v14  }
0xf3: {  	s23 =	simm.s32 $0x0;
	[tilespmem:v22+s15+$0x0] =	vst.idx.msk $0xffff, v12  }
0xf4: {  	s24 =	sand.u32 $0x8, s23;
	[tilespmem:v20+s15+$0x0] =	vst.idx.msk $0xffff, v13  }
0xf5: {  	s25 =	sor.u32 $0x1, s24;
	[tilespmem:v10+s15+$0x0] =	vst.idx.msk $0xffff, v11  }
0xf6: {  	s26 =	sor.u32 $0x2, s24;
	s28 =	sor.u32 $0x7, s24;
	s30 =	sor.u32 $0x4, s24;
	v12 =	vadd.s32 s25, v0;
	v10 =	vld [tilespmem:s22+$0x6430]  }
0xf7: {  	s31 =	sor.u32 $0x5, s24;
	v13 =	vadd.s32 s26, v0;
	s26 =	sor.u32 $0x3, s24;
	v14 =	vadd.s32 s28, v0;
	v16 =	vadd.s32 s30, v0  }
0xf8: {  	v17 =	vadd.s32 s31, v0;
	v15 =	vadd.s32 s26, v0;
	v14 =	vand.u32 $0xF, v14  }
0xf9: {  	s29 =	sand.u32 $0x30, s23;
	v12 =	vand.u32 $0xF, v12;
	v13 =	vand.u32 $0xF, v13;
	v16 =	vand.u32 $0xF, v16  }
0xfa: {  	v17 =	vand.u32 $0xF, v17;
	v14 =	vor.u32 s29, v14;
	v15 =	vand.u32 $0xF, v15  }
0xfb: {  	v20 =	vor.u32 s29, v12;
	v22 =	vor.u32 s29, v13;
	v19 =	vadd.s32 v10, v14  }
0xfc: {  	v25 =	vor.u32 s29, v16;
	v11 =	vadd.s32 s24, v0;
	s24 =	sor.u32 $0x6, s24;
	v19 =	vadd.s32 v6, v19  }
0xfd: {  	v26 =	vor.u32 s29, v17;
	v18 =	vadd.s32 s24, v0;
	v11 =	vand.u32 $0xF, v11  }
0xfe: {  	v23 =	vor.u32 s29, v15;
	v18 =	vand.u32 $0xF, v18;
	v17 =	vor.u32 s29, v11  }
0xff: {  	v27 =	vor.u32 s29, v18;
	v11 =	vadd.s32 v10, v20;
	v12 =	vadd.s32 v10, v22  }
0x100: {  	v13 =	vadd.s32 v10, v23;
	v21 =	vadd.s32 v10, v25;
	v14 =	vshll.u32 v14, $0x7  }
0x101: {  	v24 =	vadd.s32 v10, v27;
	v30 =	vadd.s32 v10, v17;
	v29 =	vor.u32 v7, v14;
	v28 =	vld.idx.msk [tilespmem:v19+s14+$0x0], $0xffff  }
0x102: {  	v23 =	vshll.u32 v23, $0x7;
	v17 =	vshll.u32 v17, $0x7;
	v18 =	vadd.s32 v6, v11  }
0x103: {  	v16 =	vadd.s32 v6, v12;
	v15 =	vadd.s32 v6, v13;
	v14 =	vadd.s32 v6, v21  }
0x104: {  	v11 =	vadd.s32 v6, v30;
	v21 =	vshll.u32 v20, $0x7;
	v13 =	vadd.s32 v6, v24  }
0x105: {  	v24 =	vshll.u32 v22, $0x7;
	v22 =	vshll.u32 v26, $0x7;
	v19 =	vadd.s32 v10, v26  }
0x106: {  	v20 =	vshll.u32 v27, $0x7;
	v12 =	vadd.s32 v6, v19;
	v19 =	vshll.u32 v25, $0x7;
	[tilespmem:v29+s15+$0x0] =	vst.idx.msk $0xffff, v28  }
.LBB2_29:
0x107: {  	s23 =	sadd.s32 $0x8, s23;
	v18 =	vld.idx.msk [tilespmem:v18+s14+$0x0], $0xffff;
	v21 =	vor.u32 v7, v21;
	v24 =	vor.u32 v7, v24;
	v23 =	vor.u32 v7, v23  }
0x108: {  	v19 =	vor.u32 v7, v19;
	v22 =	vor.u32 v7, v22;
	v20 =	vor.u32 v7, v20;
	s24 =	sand.u32 $0x8, s23;
	p0 =	slt.u32 s23, $0x38;
	v16 =	vld.idx.msk [tilespmem:v16+s14+$0x0], $0xffff  }
0x109: {  	v17 =	vor.u32 v7, v17;
	v25 =	vadd.s32 s24, v0;
	s25 =	sor.u32 $0x1, s24;
	s26 =	sor.u32 $0x2, s24;
	s28 =	sor.u32 $0x7, s24;
	v15 =	vld.idx.msk [tilespmem:v15+s14+$0x0], $0xffff  }
0x10a: {  	s29 =	sor.u32 $0x5, s24;
	v26 =	vadd.s32 s25, v0;
	v27 =	vadd.s32 s26, v0;
	s25 =	sor.u32 $0x3, s24;
	s26 =	sor.u32 $0x4, s24;
	v28 =	vadd.s32 s28, v0;
	v14 =	vld.idx.msk [tilespmem:v14+s14+$0x0], $0xffff  }
0x10b: {  	s28 =	sand.u32 $0x30, s23;
	s24 =	sor.u32 $0x6, s24;
	v29 =	vadd.s32 s25, v0;
	v30 =	vadd.s32 s26, v0;
	v28 =	vand.u32 $0xF, v28;
	v12 =	vld.idx.msk [tilespmem:v12+s14+$0x0], $0xffff  }
0x10c: {  	v31 =	vadd.s32 s29, v0;
	v32 =	vadd.s32 s24, v0;
	v28 =	vor.u32 s28, v28;
	v13 =	vld.idx.msk [tilespmem:v13+s14+$0x0], $0xffff  }
0x10d: {  	v26 =	vand.u32 $0xF, v26;
	v27 =	vand.u32 $0xF, v27;
	v33 =	vadd.s32 v10, v28;
	v34 =	vld.idx.msk [tilespmem:v11+s14+$0x0], $0xffff;
	[tilespmem:v21+s15+$0x0] =	vst.idx.msk $0xffff, v18  }
0x10e: {  	v11 =	vand.u32 $0xF, v29;
	v18 =	vand.u32 $0xF, v30;
	v21 =	vadd.s32 v6, v33;
	[tilespmem:v24+s15+$0x0] =	vst.idx.msk $0xffff, v16  }
0x10f: {  	v16 =	vand.u32 $0xF, v25;
	v24 =	vand.u32 $0xF, v31;
	v25 =	vand.u32 $0xF, v32;
	[tilespmem:v23+s15+$0x0] =	vst.idx.msk $0xffff, v15  }
0x110: {  	v23 =	vor.u32 s28, v26;
	v26 =	vor.u32 s28, v27;
	v27 =	vor.u32 s28, v11;
	[tilespmem:v19+s15+$0x0] =	vst.idx.msk $0xffff, v14  }
0x111: {  	v29 =	vor.u32 s28, v24;
	v25 =	vor.u32 s28, v25;
	v19 =	vor.u32 s28, v18;
	[tilespmem:v22+s15+$0x0] =	vst.idx.msk $0xffff, v12  }
0x112: {  	v11 =	vadd.s32 v10, v23;
	v22 =	vor.u32 s28, v16;
	v12 =	vadd.s32 v10, v26;
	[tilespmem:v20+s15+$0x0] =	vst.idx.msk $0xffff, v13  }
0x113: {  	v15 =	vshll.u32 v28, $0x7;
	v14 =	vadd.s32 v10, v19;
	v13 =	vadd.s32 v10, v27;
	v30 =	vld.idx.msk [tilespmem:v21+s14+$0x0], $0xffff  }
0x114: {  	v24 =	vadd.s32 v10, v25;
	v28 =	vor.u32 v7, v15;
	v20 =	vadd.s32 v10, v29  }
.Ltmp9:
0x115: {  	v18 =	vadd.s32 v6, v11;
	v16 =	vadd.s32 v6, v12;
	v21 =	vadd.s32 v10, v22;
	(pc) =	sbr.rel @p0 .LBB2_29-.Ltmp9, $4  }
0x116: {  	v14 =	vadd.s32 v6, v14;
	v15 =	vadd.s32 v6, v13;
	v12 =	vadd.s32 v6, v20  }
0x117: {  	v13 =	vadd.s32 v6, v24;
	v11 =	vadd.s32 v6, v21;
	v21 =	vshll.u32 v23, $0x7;
	[tilespmem:v17+s15+$0x0] =	vst.idx.msk $0xffff, v34  }
0x118: {  	v19 =	vshll.u32 v19, $0x7;
	v24 =	vshll.u32 v26, $0x7;
	v23 =	vshll.u32 v27, $0x7  }
0x119: {  	v20 =	vshll.u32 v25, $0x7;
	v17 =	vshll.u32 v22, $0x7;
	v22 =	vshll.u32 v29, $0x7;
	[tilespmem:v28+s15+$0x0] =	vst.idx.msk $0xffff, v30  }
0x11a: {  	_ =	sdelay $0x3  }
0x11b: {  	v10 =	vld.idx.msk [tilespmem:v18+s14+$0x0], $0xffff;
	v18 =	vor.u32 v7, v21  }
0x11c: {  	v21 =	vor.u32 v7, v24;
	v16 =	vld.idx.msk [tilespmem:v16+s14+$0x0], $0xffff  }
0x11d: {  	v23 =	vor.u32 v7, v23;
	v15 =	vld.idx.msk [tilespmem:v15+s14+$0x0], $0xffff  }
0x11e: {  	v19 =	vor.u32 v7, v19;
	v14 =	vld.idx.msk [tilespmem:v14+s14+$0x0], $0xffff  }
0x11f: {  	v22 =	vor.u32 v7, v22;
	v12 =	vld.idx.msk [tilespmem:v12+s14+$0x0], $0xffff  }
0x120: {  	v20 =	vor.u32 v7, v20;
	v13 =	vld.idx.msk [tilespmem:v13+s14+$0x0], $0xffff;
	[tilespmem:v18+s15+$0x0] =	vst.idx.msk $0xffff, v10  }
0x121: {  	v11 =	vld.idx.msk [tilespmem:v11+s14+$0x0], $0xffff;
	v10 =	vor.u32 v7, v17;
	[tilespmem:v21+s15+$0x0] =	vst.idx.msk $0xffff, v16  }
0x122: {  	[tilespmem:v23+s15+$0x0] =	vst.idx.msk $0xffff, v15  }
0x123: {  	[tilespmem:v19+s15+$0x0] =	vst.idx.msk $0xffff, v14  }
0x124: {  	s23 =	simm.s32 $0x0;
	[tilespmem:v22+s15+$0x0] =	vst.idx.msk $0xffff, v12  }
0x125: {  	s24 =	sand.u32 $0x8, s23;
	[tilespmem:v20+s15+$0x0] =	vst.idx.msk $0xffff, v13  }
0x126: {  	s25 =	sor.u32 $0x1, s24;
	[tilespmem:v10+s15+$0x0] =	vst.idx.msk $0xffff, v11  }
0x127: {  	s26 =	sor.u32 $0x2, s24;
	s28 =	sor.u32 $0x7, s24;
	s30 =	sor.u32 $0x4, s24;
	v12 =	vadd.s32 s25, v0;
	v10 =	vld [tilespmem:s22+$0x6440]  }
0x128: {  	s31 =	sor.u32 $0x5, s24;
	v13 =	vadd.s32 s26, v0;
	s26 =	sor.u32 $0x3, s24;
	v14 =	vadd.s32 s28, v0;
	v16 =	vadd.s32 s30, v0  }
0x129: {  	v17 =	vadd.s32 s31, v0;
	v15 =	vadd.s32 s26, v0;
	v14 =	vand.u32 $0xF, v14  }
0x12a: {  	s29 =	sand.u32 $0x30, s23;
	v12 =	vand.u32 $0xF, v12;
	v13 =	vand.u32 $0xF, v13;
	v16 =	vand.u32 $0xF, v16  }
0x12b: {  	v17 =	vand.u32 $0xF, v17;
	v14 =	vor.u32 s29, v14;
	v15 =	vand.u32 $0xF, v15  }
0x12c: {  	v20 =	vor.u32 s29, v12;
	v22 =	vor.u32 s29, v13;
	v19 =	vadd.s32 v10, v14  }
0x12d: {  	v25 =	vor.u32 s29, v16;
	v11 =	vadd.s32 s24, v0;
	s24 =	sor.u32 $0x6, s24;
	v19 =	vadd.s32 v8, v19  }
0x12e: {  	v26 =	vor.u32 s29, v17;
	v18 =	vadd.s32 s24, v0;
	v11 =	vand.u32 $0xF, v11  }
0x12f: {  	v23 =	vor.u32 s29, v15;
	v18 =	vand.u32 $0xF, v18;
	v17 =	vor.u32 s29, v11  }
0x130: {  	v27 =	vor.u32 s29, v18;
	v11 =	vadd.s32 v10, v20;
	v12 =	vadd.s32 v10, v22  }
0x131: {  	v13 =	vadd.s32 v10, v23;
	v21 =	vadd.s32 v10, v25;
	v14 =	vshll.u32 v14, $0x7  }
0x132: {  	v24 =	vadd.s32 v10, v27;
	v30 =	vadd.s32 v10, v17;
	v29 =	vor.u32 v9, v14;
	v28 =	vld.idx.msk [tilespmem:v19+s14+$0x0], $0xffff  }
0x133: {  	v23 =	vshll.u32 v23, $0x7;
	v17 =	vshll.u32 v17, $0x7;
	v18 =	vadd.s32 v8, v11  }
0x134: {  	v16 =	vadd.s32 v8, v12;
	v15 =	vadd.s32 v8, v13;
	v14 =	vadd.s32 v8, v21  }
0x135: {  	v11 =	vadd.s32 v8, v30;
	v21 =	vshll.u32 v20, $0x7;
	v13 =	vadd.s32 v8, v24  }
0x136: {  	v24 =	vshll.u32 v22, $0x7;
	v22 =	vshll.u32 v26, $0x7;
	v19 =	vadd.s32 v10, v26  }
0x137: {  	v20 =	vshll.u32 v27, $0x7;
	v12 =	vadd.s32 v8, v19;
	v19 =	vshll.u32 v25, $0x7;
	[tilespmem:v29+s15+$0x0] =	vst.idx.msk $0xffff, v28  }
.LBB2_31:
0x138: {  	s23 =	sadd.s32 $0x8, s23;
	v18 =	vld.idx.msk [tilespmem:v18+s14+$0x0], $0xffff;
	v21 =	vor.u32 v9, v21;
	v24 =	vor.u32 v9, v24;
	v23 =	vor.u32 v9, v23  }
0x139: {  	v19 =	vor.u32 v9, v19;
	v22 =	vor.u32 v9, v22;
	v20 =	vor.u32 v9, v20;
	s24 =	sand.u32 $0x8, s23;
	p0 =	slt.u32 s23, $0x38;
	v16 =	vld.idx.msk [tilespmem:v16+s14+$0x0], $0xffff  }
0x13a: {  	v17 =	vor.u32 v9, v17;
	v25 =	vadd.s32 s24, v0;
	s25 =	sor.u32 $0x1, s24;
	s26 =	sor.u32 $0x2, s24;
	s28 =	sor.u32 $0x7, s24;
	v15 =	vld.idx.msk [tilespmem:v15+s14+$0x0], $0xffff  }
0x13b: {  	s29 =	sor.u32 $0x5, s24;
	v26 =	vadd.s32 s25, v0;
	v27 =	vadd.s32 s26, v0;
	s25 =	sor.u32 $0x3, s24;
	s26 =	sor.u32 $0x4, s24;
	v28 =	vadd.s32 s28, v0;
	v14 =	vld.idx.msk [tilespmem:v14+s14+$0x0], $0xffff  }
0x13c: {  	s28 =	sand.u32 $0x30, s23;
	s24 =	sor.u32 $0x6, s24;
	v29 =	vadd.s32 s25, v0;
	v30 =	vadd.s32 s26, v0;
	v28 =	vand.u32 $0xF, v28;
	v12 =	vld.idx.msk [tilespmem:v12+s14+$0x0], $0xffff  }
0x13d: {  	v31 =	vadd.s32 s29, v0;
	v32 =	vadd.s32 s24, v0;
	v28 =	vor.u32 s28, v28;
	v13 =	vld.idx.msk [tilespmem:v13+s14+$0x0], $0xffff  }
0x13e: {  	v26 =	vand.u32 $0xF, v26;
	v27 =	vand.u32 $0xF, v27;
	v33 =	vadd.s32 v10, v28;
	v34 =	vld.idx.msk [tilespmem:v11+s14+$0x0], $0xffff;
	[tilespmem:v21+s15+$0x0] =	vst.idx.msk $0xffff, v18  }
0x13f: {  	v11 =	vand.u32 $0xF, v29;
	v18 =	vand.u32 $0xF, v30;
	v21 =	vadd.s32 v8, v33;
	[tilespmem:v24+s15+$0x0] =	vst.idx.msk $0xffff, v16  }
0x140: {  	v16 =	vand.u32 $0xF, v25;
	v24 =	vand.u32 $0xF, v31;
	v25 =	vand.u32 $0xF, v32;
	[tilespmem:v23+s15+$0x0] =	vst.idx.msk $0xffff, v15  }
0x141: {  	v23 =	vor.u32 s28, v26;
	v26 =	vor.u32 s28, v27;
	v27 =	vor.u32 s28, v11;
	[tilespmem:v19+s15+$0x0] =	vst.idx.msk $0xffff, v14  }
0x142: {  	v29 =	vor.u32 s28, v24;
	v25 =	vor.u32 s28, v25;
	v19 =	vor.u32 s28, v18;
	[tilespmem:v22+s15+$0x0] =	vst.idx.msk $0xffff, v12  }
0x143: {  	v11 =	vadd.s32 v10, v23;
	v22 =	vor.u32 s28, v16;
	v12 =	vadd.s32 v10, v26;
	[tilespmem:v20+s15+$0x0] =	vst.idx.msk $0xffff, v13  }
0x144: {  	v15 =	vshll.u32 v28, $0x7;
	v14 =	vadd.s32 v10, v19;
	v13 =	vadd.s32 v10, v27;
	v30 =	vld.idx.msk [tilespmem:v21+s14+$0x0], $0xffff  }
0x145: {  	v24 =	vadd.s32 v10, v25;
	v28 =	vor.u32 v9, v15;
	v20 =	vadd.s32 v10, v29  }
.Ltmp10:
0x146: {  	v18 =	vadd.s32 v8, v11;
	v16 =	vadd.s32 v8, v12;
	v21 =	vadd.s32 v10, v22;
	(pc) =	sbr.rel @p0 .LBB2_31-.Ltmp10, $4  }
0x147: {  	v14 =	vadd.s32 v8, v14;
	v15 =	vadd.s32 v8, v13;
	v12 =	vadd.s32 v8, v20  }
0x148: {  	v13 =	vadd.s32 v8, v24;
	v11 =	vadd.s32 v8, v21;
	v21 =	vshll.u32 v23, $0x7;
	[tilespmem:v17+s15+$0x0] =	vst.idx.msk $0xffff, v34  }
0x149: {  	v19 =	vshll.u32 v19, $0x7;
	v24 =	vshll.u32 v26, $0x7;
	v23 =	vshll.u32 v27, $0x7  }
0x14a: {  	v20 =	vshll.u32 v25, $0x7;
	v17 =	vshll.u32 v22, $0x7;
	v22 =	vshll.u32 v29, $0x7;
	[tilespmem:v28+s15+$0x0] =	vst.idx.msk $0xffff, v30  }
0x14b: {  	_ =	sdelay $0x3  }
0x14c: {  	v10 =	vld.idx.msk [tilespmem:v18+s14+$0x0], $0xffff;
	v18 =	vor.u32 v9, v21  }
0x14d: {  	v21 =	vor.u32 v9, v24;
	v16 =	vld.idx.msk [tilespmem:v16+s14+$0x0], $0xffff  }
0x14e: {  	v23 =	vor.u32 v9, v23;
	v15 =	vld.idx.msk [tilespmem:v15+s14+$0x0], $0xffff  }
0x14f: {  	v19 =	vor.u32 v9, v19;
	v14 =	vld.idx.msk [tilespmem:v14+s14+$0x0], $0xffff  }
0x150: {  	v22 =	vor.u32 v9, v22;
	v12 =	vld.idx.msk [tilespmem:v12+s14+$0x0], $0xffff  }
0x151: {  	v20 =	vor.u32 v9, v20;
	v13 =	vld.idx.msk [tilespmem:v13+s14+$0x0], $0xffff;
	[tilespmem:v18+s15+$0x0] =	vst.idx.msk $0xffff, v10  }
0x152: {  	v11 =	vld.idx.msk [tilespmem:v11+s14+$0x0], $0xffff;
	v10 =	vor.u32 v9, v17;
	[tilespmem:v21+s15+$0x0] =	vst.idx.msk $0xffff, v16  }
0x153: {  	[tilespmem:v23+s15+$0x0] =	vst.idx.msk $0xffff, v15  }
0x154: {  	s23 =	simm.s32 $0x0;
	[tilespmem:v19+s15+$0x0] =	vst.idx.msk $0xffff, v14  }
0x155: {  	s24 =	sand.u32 $0x8, s23;
	[tilespmem:v22+s15+$0x0] =	vst.idx.msk $0xffff, v12  }
0x156: {  	s25 =	sor.u32 $0x1, s24;
	[tilespmem:v20+s15+$0x0] =	vst.idx.msk $0xffff, v13  }
0x157: {  	s26 =	sor.u32 $0x2, s24;
	s28 =	sor.u32 $0x7, s24;
	s30 =	sor.u32 $0x4, s24;
	v12 =	vadd.s32 s24, v0;
	[tilespmem:v10+s15+$0x0] =	vst.idx.msk $0xffff, v11  }
0x158: {  	s31 =	sor.u32 $0x5, s24;
	v13 =	vadd.s32 s25, v0;
	v14 =	vadd.s32 s26, v0;
	s26 =	sor.u32 $0x3, s24;
	v16 =	vadd.s32 s30, v0;
	s24 =	sor.u32 $0x6, s24;
	v10 =	vld [tilespmem:s22+$0x6450]  }
0x159: {  	v17 =	vadd.s32 s31, v0;
	v15 =	vadd.s32 s26, v0;
	v18 =	vadd.s32 s24, v0  }
0x15a: {  	v13 =	vand.u32 $0xF, v13;
	v14 =	vand.u32 $0xF, v14;
	v11 =	vadd.s32 s28, v0  }
0x15b: {  	s29 =	sand.u32 $0x30, s23;
	v16 =	vand.u32 $0xF, v16;
	v17 =	vand.u32 $0xF, v17;
	v11 =	vand.u32 $0xF, v11  }
0x15c: {  	v12 =	vand.u32 $0xF, v12;
	v15 =	vand.u32 $0xF, v15;
	v19 =	vor.u32 s29, v11  }
0x15d: {  	v18 =	vand.u32 $0xF, v18;
	v11 =	vor.u32 $0x2800, v1;
	v20 =	vadd.s32 v10, v19  }
0x15e: {  	v21 =	vor.u32 s29, v13;
	v22 =	vor.u32 s29, v14;
	v20 =	vadd.s32 v11, v20  }
0x15f: {  	v24 =	vor.u32 s29, v16;
	v17 =	vor.u32 s29, v17;
	v27 =	vor.u32 s29, v12  }
0x160: {  	v12 =	vor.u32 $0x50, v0;
	v23 =	vor.u32 s29, v15;
	v15 =	vshll.u32 v19, $0x7  }
0x161: {  	v28 =	vor.u32 s29, v18;
	v63 =	vshll.u32 v21, $0x7;
	v29 =	vor.u32 v12, v15  }
0x162: {  	v13 =	vadd.s32 v10, v21;
	v14 =	vadd.s32 v10, v22;
	v16 =	vadd.s32 v10, v23  }
0x163: {  	v25 =	vadd.s32 v10, v24;
	v26 =	vadd.s32 v10, v27;
	v15 =	vadd.s32 v10, v17;
	v30 =	vld.idx.msk [tilespmem:v20+s14+$0x0], $0xffff  }
0x164: {  	v31 =	vadd.s32 v10, v28;
	v21 =	vshll.u32 v17, $0x7;
	v20 =	vadd.s32 v11, v13  }
0x165: {  	v17 =	vor.u32 v12, v63;
	v19 =	vadd.s32 v11, v14;
	v18 =	vadd.s32 v11, v16  }
0x166: {  	v16 =	vadd.s32 v11, v25;
	v15 =	vadd.s32 v11, v15;
	v14 =	vadd.s32 v11, v31  }
0x167: {  	v25 =	vshll.u32 v22, $0x7;
	v22 =	vshll.u32 v27, $0x7;
	v13 =	vadd.s32 v11, v26  }
0x168: {  	v26 =	vshll.u32 v23, $0x7;
	v23 =	vshll.u32 v24, $0x7;
	v24 =	vshll.u32 v28, $0x7;
	[tilespmem:v29+s15+$0x0] =	vst.idx.msk $0xffff, v30  }
.LBB2_33:
0x169: {  	s23 =	sadd.s32 $0x8, s23;
	v20 =	vld.idx.msk [tilespmem:v20+s14+$0x0], $0xffff;
	v25 =	vor.u32 v12, v25;
	v26 =	vor.u32 v12, v26;
	v23 =	vor.u32 v12, v23  }
0x16a: {  	v22 =	vor.u32 v12, v22;
	v21 =	vor.u32 v12, v21;
	v24 =	vor.u32 v12, v24;
	s24 =	sand.u32 $0x8, s23;
	p0 =	slt.u32 s23, $0x38;
	v19 =	vld.idx.msk [tilespmem:v19+s14+$0x0], $0xffff  }
0x16b: {  	v27 =	vadd.s32 s24, v0;
	s25 =	sor.u32 $0x1, s24;
	s26 =	sor.u32 $0x2, s24;
	s28 =	sor.u32 $0x7, s24;
	v18 =	vld.idx.msk [tilespmem:v18+s14+$0x0], $0xffff  }
0x16c: {  	s29 =	sor.u32 $0x5, s24;
	v28 =	vadd.s32 s25, v0;
	v29 =	vadd.s32 s26, v0;
	s25 =	sor.u32 $0x3, s24;
	s26 =	sor.u32 $0x4, s24;
	v30 =	vadd.s32 s28, v0;
	v16 =	vld.idx.msk [tilespmem:v16+s14+$0x0], $0xffff  }
0x16d: {  	s28 =	sand.u32 $0x30, s23;
	s24 =	sor.u32 $0x6, s24;
	v31 =	vadd.s32 s25, v0;
	v32 =	vadd.s32 s26, v0;
	v30 =	vand.u32 $0xF, v30;
	v15 =	vld.idx.msk [tilespmem:v15+s14+$0x0], $0xffff  }
0x16e: {  	v33 =	vadd.s32 s29, v0;
	v34 =	vadd.s32 s24, v0;
	v30 =	vor.u32 s28, v30;
	v14 =	vld.idx.msk [tilespmem:v14+s14+$0x0], $0xffff  }
0x16f: {  	v28 =	vand.u32 $0xF, v28;
	v35 =	vadd.s32 v10, v30;
	v13 =	vld.idx.msk [tilespmem:v13+s14+$0x0], $0xffff;
	[tilespmem:v17+s15+$0x0] =	vst.idx.msk $0xffff, v20  }
0x170: {  	v17 =	vand.u32 $0xF, v29;
	v20 =	vand.u32 $0xF, v31;
	v29 =	vadd.s32 v11, v35;
	[tilespmem:v25+s15+$0x0] =	vst.idx.msk $0xffff, v19  }
0x171: {  	v31 =	vand.u32 $0xF, v34;
	v19 =	vand.u32 $0xF, v32;
	v25 =	vand.u32 $0xF, v33;
	[tilespmem:v26+s15+$0x0] =	vst.idx.msk $0xffff, v18  }
0x172: {  	v17 =	vor.u32 s28, v17;
	v18 =	vand.u32 $0xF, v27;
	v26 =	vor.u32 s28, v28;
	[tilespmem:v23+s15+$0x0] =	vst.idx.msk $0xffff, v16  }
0x173: {  	v27 =	vor.u32 s28, v19;
	v28 =	vor.u32 s28, v25;
	v23 =	vor.u32 s28, v20;
	[tilespmem:v21+s15+$0x0] =	vst.idx.msk $0xffff, v15  }
0x174: {  	v31 =	vor.u32 s28, v31;
	v32 =	vor.u32 s28, v18;
	v15 =	vadd.s32 v10, v26;
	[tilespmem:v24+s15+$0x0] =	vst.idx.msk $0xffff, v14  }
0x175: {  	v16 =	vshll.u32 v30, $0x7;
	v14 =	vadd.s32 v10, v17;
	v24 =	vld.idx.msk [tilespmem:v29+s14+$0x0], $0xffff;
	[tilespmem:v22+s15+$0x0] =	vst.idx.msk $0xffff, v13  }
0x176: {  	v21 =	vadd.s32 v10, v27;
	v13 =	vadd.s32 v10, v23;
	v22 =	vor.u32 v12, v16  }
0x177: {  	v30 =	vadd.s32 v10, v31;
	v25 =	vadd.s32 v10, v32;
	v29 =	vadd.s32 v10, v28  }
.Ltmp11:
0x178: {  	v20 =	vadd.s32 v11, v15;
	v19 =	vadd.s32 v11, v14;
	v18 =	vadd.s32 v11, v13;
	(pc) =	sbr.rel @p0 .LBB2_33-.Ltmp11, $4  }
0x179: {  	v16 =	vadd.s32 v11, v21;
	v14 =	vadd.s32 v11, v30;
	v15 =	vadd.s32 v11, v29  }
0x17a: {  	v13 =	vadd.s32 v11, v25;
	v29 =	vshll.u32 v26, $0x7;
	v25 =	vshll.u32 v17, $0x7  }
0x17b: {  	v21 =	vshll.u32 v28, $0x7;
	v26 =	vshll.u32 v23, $0x7;
	v23 =	vshll.u32 v27, $0x7;
	[tilespmem:v22+s15+$0x0] =	vst.idx.msk $0xffff, v24  }
0x17c: {  	v17 =	vor.u32 v12, v29;
	v22 =	vshll.u32 v32, $0x7;
	v24 =	vshll.u32 v31, $0x7  }
0x17d: {  	_ =	sdelay $0x3  }
0x17e: {  	v10 =	vld.idx.msk [tilespmem:v20+s14+$0x0], $0xffff  }
0x17f: {  	v11 =	vor.u32 v12, v25;
	v19 =	vld.idx.msk [tilespmem:v19+s14+$0x0], $0xffff  }
0x180: {  	v20 =	vor.u32 v12, v26;
	v18 =	vld.idx.msk [tilespmem:v18+s14+$0x0], $0xffff  }
0x181: {  	v23 =	vor.u32 v12, v23;
	v16 =	vld.idx.msk [tilespmem:v16+s14+$0x0], $0xffff  }
0x182: {  	v21 =	vor.u32 v12, v21;
	v15 =	vld.idx.msk [tilespmem:v15+s14+$0x0], $0xffff  }
0x183: {  	v24 =	vor.u32 v12, v24;
	v14 =	vld.idx.msk [tilespmem:v14+s14+$0x0], $0xffff;
	[tilespmem:v17+s15+$0x0] =	vst.idx.msk $0xffff, v10  }
0x184: {  	v10 =	vor.u32 v12, v22;
	v12 =	vld.idx.msk [tilespmem:v13+s14+$0x0], $0xffff;
	[tilespmem:v11+s15+$0x0] =	vst.idx.msk $0xffff, v19  }
0x185: {  	[tilespmem:v20+s15+$0x0] =	vst.idx.msk $0xffff, v18  }
0x186: {  	s23 =	simm.s32 $0x0;
	[tilespmem:v23+s15+$0x0] =	vst.idx.msk $0xffff, v16  }
0x187: {  	s24 =	sand.u32 $0x8, s23;
	[tilespmem:v21+s15+$0x0] =	vst.idx.msk $0xffff, v15  }
0x188: {  	s25 =	sor.u32 $0x1, s24;
	[tilespmem:v24+s15+$0x0] =	vst.idx.msk $0xffff, v14  }
0x189: {  	s26 =	sor.u32 $0x2, s24;
	s28 =	sor.u32 $0x7, s24;
	s30 =	sor.u32 $0x4, s24;
	v13 =	vadd.s32 s25, v0;
	[tilespmem:v10+s15+$0x0] =	vst.idx.msk $0xffff, v12  }
0x18a: {  	s31 =	sor.u32 $0x5, s24;
	v14 =	vadd.s32 s26, v0;
	s26 =	sor.u32 $0x3, s24;
	v11 =	vadd.s32 s28, v0;
	v16 =	vadd.s32 s30, v0;
	v10 =	vld [tilespmem:s22+$0x6460]  }
0x18b: {  	v17 =	vadd.s32 s31, v0;
	v15 =	vadd.s32 s26, v0;
	v11 =	vand.u32 $0xF, v11  }
0x18c: {  	s29 =	sand.u32 $0x30, s23;
	v13 =	vand.u32 $0xF, v13;
	v14 =	vand.u32 $0xF, v14;
	v16 =	vand.u32 $0xF, v16  }
0x18d: {  	v17 =	vand.u32 $0xF, v17;
	v19 =	vor.u32 s29, v11;
	v11 =	vor.u32 $0x3000, v1  }
0x18e: {  	v15 =	vand.u32 $0xF, v15;
	v21 =	vor.u32 s29, v13;
	v22 =	vor.u32 s29, v14  }
0x18f: {  	v24 =	vor.u32 s29, v16;
	v17 =	vor.u32 s29, v17;
	v20 =	vadd.s32 v10, v19  }
0x190: {  	v23 =	vor.u32 s29, v15;
	v12 =	vadd.s32 s24, v0;
	s24 =	sor.u32 $0x6, s24;
	v20 =	vadd.s32 v11, v20  }
0x191: {  	v15 =	vshll.u32 v19, $0x7;
	v18 =	vadd.s32 s24, v0;
	v12 =	vand.u32 $0xF, v12  }
0x192: {  	v18 =	vand.u32 $0xF, v18;
	v27 =	vor.u32 s29, v12;
	v12 =	vor.u32 $0x60, v0  }
0x193: {  	v63 =	vshll.u32 v21, $0x7;
	v28 =	vor.u32 s29, v18;
	v29 =	vor.u32 v12, v15  }
0x194: {  	v13 =	vadd.s32 v10, v21;
	v14 =	vadd.s32 v10, v22;
	v16 =	vadd.s32 v10, v23  }
0x195: {  	v25 =	vadd.s32 v10, v24;
	v26 =	vadd.s32 v10, v27;
	v15 =	vadd.s32 v10, v17;
	v30 =	vld.idx.msk [tilespmem:v20+s14+$0x0], $0xffff  }
0x196: {  	v31 =	vadd.s32 v10, v28;
	v21 =	vshll.u32 v17, $0x7;
	v20 =	vadd.s32 v11, v13  }
0x197: {  	v17 =	vor.u32 v12, v63;
	v19 =	vadd.s32 v11, v14;
	v18 =	vadd.s32 v11, v16  }
0x198: {  	v16 =	vadd.s32 v11, v25;
	v15 =	vadd.s32 v11, v15;
	v14 =	vadd.s32 v11, v31  }
0x199: {  	v25 =	vshll.u32 v22, $0x7;
	v22 =	vshll.u32 v27, $0x7;
	v13 =	vadd.s32 v11, v26  }
0x19a: {  	v26 =	vshll.u32 v23, $0x7;
	v23 =	vshll.u32 v24, $0x7;
	v24 =	vshll.u32 v28, $0x7;
	[tilespmem:v29+s15+$0x0] =	vst.idx.msk $0xffff, v30  }
.LBB2_35:
0x19b: {  	s23 =	sadd.s32 $0x8, s23;
	v20 =	vld.idx.msk [tilespmem:v20+s14+$0x0], $0xffff;
	v25 =	vor.u32 v12, v25;
	v26 =	vor.u32 v12, v26;
	v23 =	vor.u32 v12, v23  }
0x19c: {  	v22 =	vor.u32 v12, v22;
	v21 =	vor.u32 v12, v21;
	v24 =	vor.u32 v12, v24;
	s24 =	sand.u32 $0x8, s23;
	p0 =	slt.u32 s23, $0x38;
	v19 =	vld.idx.msk [tilespmem:v19+s14+$0x0], $0xffff  }
0x19d: {  	v27 =	vadd.s32 s24, v0;
	s25 =	sor.u32 $0x1, s24;
	s26 =	sor.u32 $0x2, s24;
	s28 =	sor.u32 $0x7, s24;
	v18 =	vld.idx.msk [tilespmem:v18+s14+$0x0], $0xffff  }
0x19e: {  	s29 =	sor.u32 $0x5, s24;
	v28 =	vadd.s32 s25, v0;
	v29 =	vadd.s32 s26, v0;
	s25 =	sor.u32 $0x3, s24;
	s26 =	sor.u32 $0x4, s24;
	v30 =	vadd.s32 s28, v0;
	v16 =	vld.idx.msk [tilespmem:v16+s14+$0x0], $0xffff  }
0x19f: {  	s28 =	sand.u32 $0x30, s23;
	s24 =	sor.u32 $0x6, s24;
	v31 =	vadd.s32 s25, v0;
	v32 =	vadd.s32 s26, v0;
	v30 =	vand.u32 $0xF, v30;
	v15 =	vld.idx.msk [tilespmem:v15+s14+$0x0], $0xffff  }
0x1a0: {  	v33 =	vadd.s32 s29, v0;
	v34 =	vadd.s32 s24, v0;
	v30 =	vor.u32 s28, v30;
	v14 =	vld.idx.msk [tilespmem:v14+s14+$0x0], $0xffff  }
0x1a1: {  	v28 =	vand.u32 $0xF, v28;
	v35 =	vadd.s32 v10, v30;
	v13 =	vld.idx.msk [tilespmem:v13+s14+$0x0], $0xffff;
	[tilespmem:v17+s15+$0x0] =	vst.idx.msk $0xffff, v20  }
0x1a2: {  	v17 =	vand.u32 $0xF, v29;
	v20 =	vand.u32 $0xF, v31;
	v29 =	vadd.s32 v11, v35;
	[tilespmem:v25+s15+$0x0] =	vst.idx.msk $0xffff, v19  }
0x1a3: {  	v31 =	vand.u32 $0xF, v34;
	v19 =	vand.u32 $0xF, v32;
	v25 =	vand.u32 $0xF, v33;
	[tilespmem:v26+s15+$0x0] =	vst.idx.msk $0xffff, v18  }
0x1a4: {  	v17 =	vor.u32 s28, v17;
	v18 =	vand.u32 $0xF, v27;
	v26 =	vor.u32 s28, v28;
	[tilespmem:v23+s15+$0x0] =	vst.idx.msk $0xffff, v16  }
0x1a5: {  	v27 =	vor.u32 s28, v19;
	v28 =	vor.u32 s28, v25;
	v23 =	vor.u32 s28, v20;
	[tilespmem:v21+s15+$0x0] =	vst.idx.msk $0xffff, v15  }
0x1a6: {  	v31 =	vor.u32 s28, v31;
	v32 =	vor.u32 s28, v18;
	v15 =	vadd.s32 v10, v26;
	[tilespmem:v24+s15+$0x0] =	vst.idx.msk $0xffff, v14  }
0x1a7: {  	v16 =	vshll.u32 v30, $0x7;
	v14 =	vadd.s32 v10, v17;
	v24 =	vld.idx.msk [tilespmem:v29+s14+$0x0], $0xffff;
	[tilespmem:v22+s15+$0x0] =	vst.idx.msk $0xffff, v13  }
0x1a8: {  	v21 =	vadd.s32 v10, v27;
	v13 =	vadd.s32 v10, v23;
	v22 =	vor.u32 v12, v16  }
0x1a9: {  	v30 =	vadd.s32 v10, v31;
	v25 =	vadd.s32 v10, v32;
	v29 =	vadd.s32 v10, v28  }
.Ltmp12:
0x1aa: {  	v20 =	vadd.s32 v11, v15;
	v19 =	vadd.s32 v11, v14;
	v18 =	vadd.s32 v11, v13;
	(pc) =	sbr.rel @p0 .LBB2_35-.Ltmp12, $4  }
0x1ab: {  	v16 =	vadd.s32 v11, v21;
	v14 =	vadd.s32 v11, v30;
	v15 =	vadd.s32 v11, v29  }
0x1ac: {  	v13 =	vadd.s32 v11, v25;
	v29 =	vshll.u32 v26, $0x7;
	v25 =	vshll.u32 v17, $0x7  }
0x1ad: {  	v21 =	vshll.u32 v28, $0x7;
	v26 =	vshll.u32 v23, $0x7;
	v23 =	vshll.u32 v27, $0x7;
	[tilespmem:v22+s15+$0x0] =	vst.idx.msk $0xffff, v24  }
0x1ae: {  	v17 =	vor.u32 v12, v29;
	v22 =	vshll.u32 v32, $0x7;
	v24 =	vshll.u32 v31, $0x7  }
0x1af: {  	_ =	sdelay $0x3  }
0x1b0: {  	v10 =	vld.idx.msk [tilespmem:v20+s14+$0x0], $0xffff  }
0x1b1: {  	v11 =	vor.u32 v12, v25;
	v19 =	vld.idx.msk [tilespmem:v19+s14+$0x0], $0xffff  }
0x1b2: {  	v20 =	vor.u32 v12, v26;
	v18 =	vld.idx.msk [tilespmem:v18+s14+$0x0], $0xffff  }
0x1b3: {  	v23 =	vor.u32 v12, v23;
	v16 =	vld.idx.msk [tilespmem:v16+s14+$0x0], $0xffff  }
0x1b4: {  	v21 =	vor.u32 v12, v21;
	v15 =	vld.idx.msk [tilespmem:v15+s14+$0x0], $0xffff  }
0x1b5: {  	v24 =	vor.u32 v12, v24;
	v14 =	vld.idx.msk [tilespmem:v14+s14+$0x0], $0xffff;
	[tilespmem:v17+s15+$0x0] =	vst.idx.msk $0xffff, v10  }
0x1b6: {  	v10 =	vor.u32 v12, v22;
	v12 =	vld.idx.msk [tilespmem:v13+s14+$0x0], $0xffff;
	[tilespmem:v11+s15+$0x0] =	vst.idx.msk $0xffff, v19  }
0x1b7: {  	[tilespmem:v20+s15+$0x0] =	vst.idx.msk $0xffff, v18  }
0x1b8: {  	[tilespmem:v23+s15+$0x0] =	vst.idx.msk $0xffff, v16  }
0x1b9: {  	[tilespmem:v21+s15+$0x0] =	vst.idx.msk $0xffff, v15  }
0x1ba: {  	[tilespmem:v24+s15+$0x0] =	vst.idx.msk $0xffff, v14  }
0x1bb: {  	s23 =	simm.s32 $0x0;
	[tilespmem:v10+s15+$0x0] =	vst.idx.msk $0xffff, v12  }
0x1bc: {  	v10 =	vld [tilespmem:s22+$0x6470];
	s22 =	sand.u32 $0x8, s23  }
0x1bd: {  	v12 =	vadd.s32 s22, v0;
	s24 =	sor.u32 $0x1, s22;
	s25 =	sor.u32 $0x2, s22;
	s26 =	sor.u32 $0x7, s22  }
0x1be: {  	s29 =	sor.u32 $0x3, s22;
	s30 =	sor.u32 $0x4, s22;
	s31 =	sor.u32 $0x5, s22;
	v13 =	vadd.s32 s24, v0;
	v14 =	vadd.s32 s25, v0;
	v11 =	vadd.s32 s26, v0  }
0x1bf: {  	s22 =	sor.u32 $0x6, s22;
	v15 =	vadd.s32 s29, v0;
	v16 =	vadd.s32 s30, v0;
	v17 =	vadd.s32 s31, v0  }
0x1c0: {  	v18 =	vadd.s32 s22, v0;
	v12 =	vand.u32 $0xF, v12;
	v11 =	vand.u32 $0xF, v11  }
0x1c1: {  	s28 =	sand.u32 $0x30, s23;
	v13 =	vand.u32 $0xF, v13;
	v14 =	vand.u32 $0xF, v14;
	v15 =	vand.u32 $0xF, v15  }
0x1c2: {  	v16 =	vand.u32 $0xF, v16;
	v17 =	vand.u32 $0xF, v17;
	v19 =	vor.u32 s28, v11  }
0x1c3: {  	v18 =	vand.u32 $0xF, v18;
	v11 =	vor.u32 $0x3800, v1;
	v20 =	vadd.s32 v10, v19  }
0x1c4: {  	v27 =	vor.u32 s28, v12;
	v12 =	vor.u32 $0x70, v0;
	v20 =	vadd.s32 v11, v20  }
0x1c5: {  	v21 =	vor.u32 s28, v13;
	v22 =	vor.u32 s28, v14;
	v23 =	vor.u32 s28, v15  }
0x1c6: {  	v24 =	vor.u32 s28, v16;
	v17 =	vor.u32 s28, v17;
	v28 =	vor.u32 s28, v18  }
0x1c7: {  	v13 =	vadd.s32 v10, v21;
	v14 =	vadd.s32 v10, v22;
	v15 =	vshll.u32 v19, $0x7  }
0x1c8: {  	v16 =	vadd.s32 v10, v23;
	v25 =	vadd.s32 v10, v24;
	v26 =	vadd.s32 v10, v27  }
0x1c9: {  	v31 =	vadd.s32 v10, v28;
	v63 =	vshll.u32 v21, $0x7;
	v29 =	vor.u32 v12, v15;
	v30 =	vld.idx.msk [tilespmem:v20+s14+$0x0], $0xffff  }
0x1ca: {  	v21 =	vshll.u32 v17, $0x7;
	v15 =	vadd.s32 v10, v17;
	v20 =	vadd.s32 v11, v13  }
0x1cb: {  	v19 =	vadd.s32 v11, v14;
	v18 =	vadd.s32 v11, v16;
	v16 =	vadd.s32 v11, v25  }
0x1cc: {  	v14 =	vadd.s32 v11, v31;
	v25 =	vshll.u32 v22, $0x7;
	v22 =	vshll.u32 v27, $0x7  }
0x1cd: {  	v17 =	vor.u32 v12, v63;
	v15 =	vadd.s32 v11, v15;
	v13 =	vadd.s32 v11, v26  }
0x1ce: {  	v26 =	vshll.u32 v23, $0x7;
	v23 =	vshll.u32 v24, $0x7;
	v24 =	vshll.u32 v28, $0x7;
	[tilespmem:v29+s15+$0x0] =	vst.idx.msk $0xffff, v30  }
.LBB2_37:
0x1cf: {  	s23 =	sadd.s32 $0x8, s23;
	v20 =	vld.idx.msk [tilespmem:v20+s14+$0x0], $0xffff;
	v25 =	vor.u32 v12, v25;
	v26 =	vor.u32 v12, v26;
	v23 =	vor.u32 v12, v23  }
0x1d0: {  	v22 =	vor.u32 v12, v22;
	v21 =	vor.u32 v12, v21;
	v24 =	vor.u32 v12, v24;
	s22 =	sand.u32 $0x8, s23;
	p0 =	slt.u32 s23, $0x38;
	v19 =	vld.idx.msk [tilespmem:v19+s14+$0x0], $0xffff  }
0x1d1: {  	v27 =	vadd.s32 s22, v0;
	s24 =	sor.u32 $0x1, s22;
	s25 =	sor.u32 $0x2, s22;
	s26 =	sor.u32 $0x7, s22;
	v18 =	vld.idx.msk [tilespmem:v18+s14+$0x0], $0xffff  }
0x1d2: {  	s28 =	sor.u32 $0x5, s22;
	v28 =	vadd.s32 s24, v0;
	v29 =	vadd.s32 s25, v0;
	s24 =	sor.u32 $0x3, s22;
	s25 =	sor.u32 $0x4, s22;
	v30 =	vadd.s32 s26, v0;
	v16 =	vld.idx.msk [tilespmem:v16+s14+$0x0], $0xffff  }
0x1d3: {  	s26 =	sand.u32 $0x30, s23;
	s22 =	sor.u32 $0x6, s22;
	v31 =	vadd.s32 s24, v0;
	v32 =	vadd.s32 s25, v0;
	v30 =	vand.u32 $0xF, v30;
	v15 =	vld.idx.msk [tilespmem:v15+s14+$0x0], $0xffff  }
0x1d4: {  	v33 =	vadd.s32 s28, v0;
	v34 =	vadd.s32 s22, v0;
	v30 =	vor.u32 s26, v30;
	v14 =	vld.idx.msk [tilespmem:v14+s14+$0x0], $0xffff  }
0x1d5: {  	v28 =	vand.u32 $0xF, v28;
	v35 =	vadd.s32 v10, v30;
	v13 =	vld.idx.msk [tilespmem:v13+s14+$0x0], $0xffff;
	[tilespmem:v17+s15+$0x0] =	vst.idx.msk $0xffff, v20  }
0x1d6: {  	v17 =	vand.u32 $0xF, v29;
	v20 =	vand.u32 $0xF, v31;
	v29 =	vadd.s32 v11, v35;
	[tilespmem:v25+s15+$0x0] =	vst.idx.msk $0xffff, v19  }
0x1d7: {  	v31 =	vand.u32 $0xF, v34;
	v19 =	vand.u32 $0xF, v32;
	v25 =	vand.u32 $0xF, v33;
	[tilespmem:v26+s15+$0x0] =	vst.idx.msk $0xffff, v18  }
0x1d8: {  	v17 =	vor.u32 s26, v17;
	v18 =	vand.u32 $0xF, v27;
	v26 =	vor.u32 s26, v28;
	[tilespmem:v23+s15+$0x0] =	vst.idx.msk $0xffff, v16  }
0x1d9: {  	v27 =	vor.u32 s26, v19;
	v28 =	vor.u32 s26, v25;
	v23 =	vor.u32 s26, v20;
	[tilespmem:v21+s15+$0x0] =	vst.idx.msk $0xffff, v15  }
0x1da: {  	v31 =	vor.u32 s26, v31;
	v32 =	vor.u32 s26, v18;
	v15 =	vadd.s32 v10, v26;
	[tilespmem:v24+s15+$0x0] =	vst.idx.msk $0xffff, v14  }
0x1db: {  	v16 =	vshll.u32 v30, $0x7;
	v14 =	vadd.s32 v10, v17;
	v24 =	vld.idx.msk [tilespmem:v29+s14+$0x0], $0xffff;
	[tilespmem:v22+s15+$0x0] =	vst.idx.msk $0xffff, v13  }
0x1dc: {  	v21 =	vadd.s32 v10, v27;
	v13 =	vadd.s32 v10, v23;
	v22 =	vor.u32 v12, v16  }
0x1dd: {  	v30 =	vadd.s32 v10, v31;
	v25 =	vadd.s32 v10, v32;
	v29 =	vadd.s32 v10, v28  }
.Ltmp13:
0x1de: {  	v20 =	vadd.s32 v11, v15;
	v19 =	vadd.s32 v11, v14;
	v18 =	vadd.s32 v11, v13;
	(pc) =	sbr.rel @p0 .LBB2_37-.Ltmp13, $4  }
0x1df: {  	v16 =	vadd.s32 v11, v21;
	v14 =	vadd.s32 v11, v30;
	v15 =	vadd.s32 v11, v29  }
0x1e0: {  	v13 =	vadd.s32 v11, v25;
	v29 =	vshll.u32 v26, $0x7;
	v25 =	vshll.u32 v17, $0x7  }
0x1e1: {  	v21 =	vshll.u32 v28, $0x7;
	v26 =	vshll.u32 v23, $0x7;
	v23 =	vshll.u32 v27, $0x7;
	[tilespmem:v22+s15+$0x0] =	vst.idx.msk $0xffff, v24  }
0x1e2: {  	v17 =	vor.u32 v12, v29;
	v22 =	vshll.u32 v32, $0x7;
	v24 =	vshll.u32 v31, $0x7  }
0x1e3: {  	_ =	sdelay $0x3  }
0x1e4: {  	v10 =	vld.idx.msk [tilespmem:v20+s14+$0x0], $0xffff  }
0x1e5: {  	v11 =	vor.u32 v12, v25;
	v19 =	vld.idx.msk [tilespmem:v19+s14+$0x0], $0xffff  }
0x1e6: {  	v62 =	vor.u32 v12, v26;
	v18 =	vld.idx.msk [tilespmem:v18+s14+$0x0], $0xffff  }
0x1e7: {  	v23 =	vor.u32 v12, v23;
	v16 =	vld.idx.msk [tilespmem:v16+s14+$0x0], $0xffff  }
0x1e8: {  	v21 =	vor.u32 v12, v21;
	v15 =	vld.idx.msk [tilespmem:v15+s14+$0x0], $0xffff  }
0x1e9: {  	v24 =	vor.u32 v12, v24;
	v14 =	vld.idx.msk [tilespmem:v14+s14+$0x0], $0xffff;
	[tilespmem:v17+s15+$0x0] =	vst.idx.msk $0xffff, v10  }
0x1ea: {  	v63 =	vld.idx.msk [tilespmem:v13+s14+$0x0], $0xffff;
	v10 =	vor.u32 v12, v22;
	[tilespmem:v11+s15+$0x0] =	vst.idx.msk $0xffff, v19  }
0x1eb: {  	[tilespmem:v62+s15+$0x0] =	vst.idx.msk $0xffff, v18  }
.Ltmp14:
0x1ec: {  	s22 =	sshll.u32 s21, $0x12;
	[tilespmem:v23+s15+$0x0] =	vst.idx.msk $0xffff, v16;
	(pc) =	sbr.rel .LBB2_39-.Ltmp14, $4  }
0x1ed: {  	s22 =	sor.u32 s4, s22;
	[tilespmem:v21+s15+$0x0] =	vst.idx.msk $0xffff, v15  }
0x1ee: {  	s22 =	sshrl.u32 s22, $0x3;
	[tilespmem:v24+s15+$0x0] =	vst.idx.msk $0xffff, v14  }
0x1ef: {  	s22 =	sadd.s32 s1, s22;
	[tilespmem:v10+s15+$0x0] =	vst.idx.msk $0xffff, v63  }
0x1f0: {  	[hbm4b:s22+s8] =	stream.strided.scatter [tilespmem:s15], [sflag:$0x4], $0x2000, s9, s8, $0x38;
	[tilespmem:$0x18800] =	vst v63  }
.LBB2_5:
0x1f1: {  	s23 =	simm.s32 @!p0 $0x3  }
0x1f2: {  	s22 =	sshll.u32 s21, $0x7;
	_ =	swait.ge @!p0 [sflag:s23], $0x2000  }
0x1f3: {  	s22 =	sand.u32 $0x3FFFFF80, s22;
	[sflag:s23] =	ssyncset.done @!p0 $0x0  }
0x1f4: {  	s25 =	sadd.s32 $0x80, s22;
	[sflag:s23] =	ssyncadd.s32 @!p0 $0xFFFFE000  }
0x1f5: {  	[tilespmem:s14], [sflag:$0x2] =	stream.indirect.gather [hbm4b:s5+s11], $0x80, s25, s11, $0xb8;
	[tilespmem:$0x18800] =	vst v63  }
0x1f6: {  	_ =	swait.ge [sflag:s18], $0x4000  }
0x1f7: {  	s23 =	simm.s32 $0x0;
	[sflag:s18] =	ssyncset.done $0x0  }
0x1f8: {  	s24 =	sand.u32 $0x8, s23;
	[sflag:s18] =	ssyncadd.s32 $0xFFFFC000  }
0x1f9: {  	v11 =	vadd.s32 s24, v0;
	s25 =	sor.u32 $0x1, s24;
	s26 =	sor.u32 $0x2, s24;
	s28 =	sor.u32 $0x7, s24;
	v10 =	vld [tilespmem:s22+$0x6400]  }
0x1fa: {  	s30 =	sor.u32 $0x4, s24;
	s31 =	sor.u32 $0x5, s24;
	v12 =	vadd.s32 s25, v0;
	v13 =	vadd.s32 s26, v0;
	v14 =	vadd.s32 s28, v0  }
0x1fb: {  	s26 =	sor.u32 $0x3, s24;
	v16 =	vadd.s32 s30, v0;
	s24 =	sor.u32 $0x6, s24;
	v17 =	vadd.s32 s31, v0;
	v11 =	vand.u32 $0xF, v11  }
0x1fc: {  	s29 =	sand.u32 $0x30, s23;
	v15 =	vadd.s32 s26, v0;
	v14 =	vand.u32 $0xF, v14;
	v18 =	vadd.s32 s24, v0  }
0x1fd: {  	v12 =	vand.u32 $0xF, v12;
	v13 =	vand.u32 $0xF, v13;
	v14 =	vor.u32 s29, v14  }
0x1fe: {  	v16 =	vand.u32 $0xF, v16;
	v17 =	vand.u32 $0xF, v17;
	v19 =	vadd.s32 v10, v14  }
0x1ff: {  	v15 =	vand.u32 $0xF, v15;
	v18 =	vand.u32 $0xF, v18;
	v19 =	vadd.s32 v1, v19  }
0x200: {  	v20 =	vor.u32 s29, v12;
	v22 =	vor.u32 s29, v13;
	v25 =	vor.u32 s29, v16  }
0x201: {  	v26 =	vor.u32 s29, v17;
	v17 =	vor.u32 s29, v11;
	v23 =	vor.u32 s29, v15  }
0x202: {  	v27 =	vor.u32 s29, v18;
	v11 =	vadd.s32 v10, v20;
	v12 =	vadd.s32 v10, v22  }
0x203: {  	v13 =	vadd.s32 v10, v23;
	v21 =	vadd.s32 v10, v25;
	v14 =	vshll.u32 v14, $0x7  }
0x204: {  	v24 =	vadd.s32 v10, v27;
	v30 =	vadd.s32 v10, v17;
	v29 =	vor.u32 v0, v14;
	v28 =	vld.idx.msk [tilespmem:v19+s12+$0x0], $0xffff  }
0x205: {  	v23 =	vshll.u32 v23, $0x7;
	v17 =	vshll.u32 v17, $0x7;
	v18 =	vadd.s32 v1, v11  }
0x206: {  	v16 =	vadd.s32 v1, v12;
	v15 =	vadd.s32 v1, v13;
	v14 =	vadd.s32 v1, v21  }
0x207: {  	v11 =	vadd.s32 v1, v30;
	v21 =	vshll.u32 v20, $0x7;
	v13 =	vadd.s32 v1, v24  }
0x208: {  	v24 =	vshll.u32 v22, $0x7;
	v22 =	vshll.u32 v26, $0x7;
	v19 =	vadd.s32 v10, v26  }
0x209: {  	v20 =	vshll.u32 v27, $0x7;
	v12 =	vadd.s32 v1, v19;
	v19 =	vshll.u32 v25, $0x7;
	[tilespmem:v29+s19+$0x0] =	vst.idx.msk $0xffff, v28  }
.LBB2_6:
0x20a: {  	s23 =	sadd.s32 $0x8, s23;
	v18 =	vld.idx.msk [tilespmem:v18+s12+$0x0], $0xffff;
	v21 =	vor.u32 v0, v21;
	v24 =	vor.u32 v0, v24;
	v23 =	vor.u32 v0, v23  }
0x20b: {  	v19 =	vor.u32 v0, v19;
	v22 =	vor.u32 v0, v22;
	v20 =	vor.u32 v0, v20;
	s24 =	sand.u32 $0x8, s23;
	p0 =	slt.u32 s23, $0x38;
	v16 =	vld.idx.msk [tilespmem:v16+s12+$0x0], $0xffff  }
0x20c: {  	v17 =	vor.u32 v0, v17;
	v25 =	vadd.s32 s24, v0;
	s25 =	sor.u32 $0x1, s24;
	s26 =	sor.u32 $0x2, s24;
	s28 =	sor.u32 $0x7, s24;
	v15 =	vld.idx.msk [tilespmem:v15+s12+$0x0], $0xffff  }
0x20d: {  	s29 =	sor.u32 $0x5, s24;
	v26 =	vadd.s32 s25, v0;
	v27 =	vadd.s32 s26, v0;
	s25 =	sor.u32 $0x3, s24;
	s26 =	sor.u32 $0x4, s24;
	v28 =	vadd.s32 s28, v0;
	v14 =	vld.idx.msk [tilespmem:v14+s12+$0x0], $0xffff  }
0x20e: {  	s28 =	sand.u32 $0x30, s23;
	s24 =	sor.u32 $0x6, s24;
	v29 =	vadd.s32 s25, v0;
	v30 =	vadd.s32 s26, v0;
	v28 =	vand.u32 $0xF, v28;
	v12 =	vld.idx.msk [tilespmem:v12+s12+$0x0], $0xffff  }
0x20f: {  	v31 =	vadd.s32 s29, v0;
	v32 =	vadd.s32 s24, v0;
	v28 =	vor.u32 s28, v28;
	v13 =	vld.idx.msk [tilespmem:v13+s12+$0x0], $0xffff  }
0x210: {  	v26 =	vand.u32 $0xF, v26;
	v27 =	vand.u32 $0xF, v27;
	v33 =	vadd.s32 v10, v28;
	v34 =	vld.idx.msk [tilespmem:v11+s12+$0x0], $0xffff;
	[tilespmem:v21+s19+$0x0] =	vst.idx.msk $0xffff, v18  }
0x211: {  	v11 =	vand.u32 $0xF, v29;
	v18 =	vand.u32 $0xF, v30;
	v21 =	vadd.s32 v1, v33;
	[tilespmem:v24+s19+$0x0] =	vst.idx.msk $0xffff, v16  }
0x212: {  	v16 =	vand.u32 $0xF, v25;
	v24 =	vand.u32 $0xF, v31;
	v25 =	vand.u32 $0xF, v32;
	[tilespmem:v23+s19+$0x0] =	vst.idx.msk $0xffff, v15  }
0x213: {  	v23 =	vor.u32 s28, v26;
	v26 =	vor.u32 s28, v27;
	v27 =	vor.u32 s28, v11;
	[tilespmem:v19+s19+$0x0] =	vst.idx.msk $0xffff, v14  }
0x214: {  	v29 =	vor.u32 s28, v24;
	v25 =	vor.u32 s28, v25;
	v19 =	vor.u32 s28, v18;
	[tilespmem:v22+s19+$0x0] =	vst.idx.msk $0xffff, v12  }
0x215: {  	v11 =	vadd.s32 v10, v23;
	v22 =	vor.u32 s28, v16;
	v12 =	vadd.s32 v10, v26;
	[tilespmem:v20+s19+$0x0] =	vst.idx.msk $0xffff, v13  }
0x216: {  	v15 =	vshll.u32 v28, $0x7;
	v14 =	vadd.s32 v10, v19;
	v13 =	vadd.s32 v10, v27;
	v30 =	vld.idx.msk [tilespmem:v21+s12+$0x0], $0xffff  }
0x217: {  	v24 =	vadd.s32 v10, v25;
	v28 =	vor.u32 v0, v15;
	v20 =	vadd.s32 v10, v29  }
.Ltmp15:
0x218: {  	v18 =	vadd.s32 v1, v11;
	v16 =	vadd.s32 v1, v12;
	v21 =	vadd.s32 v10, v22;
	(pc) =	sbr.rel @p0 .LBB2_6-.Ltmp15, $4  }
0x219: {  	v14 =	vadd.s32 v1, v14;
	v15 =	vadd.s32 v1, v13;
	v12 =	vadd.s32 v1, v20  }
0x21a: {  	v13 =	vadd.s32 v1, v24;
	v11 =	vadd.s32 v1, v21;
	v21 =	vshll.u32 v23, $0x7;
	[tilespmem:v17+s19+$0x0] =	vst.idx.msk $0xffff, v34  }
0x21b: {  	v19 =	vshll.u32 v19, $0x7;
	v24 =	vshll.u32 v26, $0x7;
	v23 =	vshll.u32 v27, $0x7  }
0x21c: {  	v20 =	vshll.u32 v25, $0x7;
	v17 =	vshll.u32 v22, $0x7;
	v22 =	vshll.u32 v29, $0x7;
	[tilespmem:v28+s19+$0x0] =	vst.idx.msk $0xffff, v30  }
0x21d: {  	_ =	sdelay $0x3  }
0x21e: {  	v10 =	vld.idx.msk [tilespmem:v18+s12+$0x0], $0xffff;
	v18 =	vor.u32 v0, v21  }
0x21f: {  	v21 =	vor.u32 v0, v24;
	v16 =	vld.idx.msk [tilespmem:v16+s12+$0x0], $0xffff  }
0x220: {  	v23 =	vor.u32 v0, v23;
	v15 =	vld.idx.msk [tilespmem:v15+s12+$0x0], $0xffff  }
0x221: {  	v19 =	vor.u32 v0, v19;
	v14 =	vld.idx.msk [tilespmem:v14+s12+$0x0], $0xffff  }
0x222: {  	v22 =	vor.u32 v0, v22;
	v12 =	vld.idx.msk [tilespmem:v12+s12+$0x0], $0xffff  }
0x223: {  	v20 =	vor.u32 v0, v20;
	v13 =	vld.idx.msk [tilespmem:v13+s12+$0x0], $0xffff;
	[tilespmem:v18+s19+$0x0] =	vst.idx.msk $0xffff, v10  }
0x224: {  	v11 =	vld.idx.msk [tilespmem:v11+s12+$0x0], $0xffff;
	v10 =	vor.u32 v0, v17;
	[tilespmem:v21+s19+$0x0] =	vst.idx.msk $0xffff, v16  }
0x225: {  	[tilespmem:v23+s19+$0x0] =	vst.idx.msk $0xffff, v15  }
0x226: {  	[tilespmem:v19+s19+$0x0] =	vst.idx.msk $0xffff, v14  }
0x227: {  	s23 =	simm.s32 $0x0;
	[tilespmem:v22+s19+$0x0] =	vst.idx.msk $0xffff, v12  }
0x228: {  	s24 =	sand.u32 $0x8, s23;
	[tilespmem:v20+s19+$0x0] =	vst.idx.msk $0xffff, v13  }
0x229: {  	s25 =	sor.u32 $0x1, s24;
	[tilespmem:v10+s19+$0x0] =	vst.idx.msk $0xffff, v11  }
0x22a: {  	s26 =	sor.u32 $0x2, s24;
	s28 =	sor.u32 $0x7, s24;
	s30 =	sor.u32 $0x4, s24;
	v12 =	vadd.s32 s25, v0;
	v10 =	vld [tilespmem:s22+$0x6410]  }
0x22b: {  	s31 =	sor.u32 $0x5, s24;
	v13 =	vadd.s32 s26, v0;
	s26 =	sor.u32 $0x3, s24;
	v14 =	vadd.s32 s28, v0;
	v16 =	vadd.s32 s30, v0  }
0x22c: {  	v17 =	vadd.s32 s31, v0;
	v15 =	vadd.s32 s26, v0;
	v14 =	vand.u32 $0xF, v14  }
0x22d: {  	s29 =	sand.u32 $0x30, s23;
	v12 =	vand.u32 $0xF, v12;
	v13 =	vand.u32 $0xF, v13;
	v16 =	vand.u32 $0xF, v16  }
0x22e: {  	v17 =	vand.u32 $0xF, v17;
	v14 =	vor.u32 s29, v14;
	v15 =	vand.u32 $0xF, v15  }
0x22f: {  	v20 =	vor.u32 s29, v12;
	v22 =	vor.u32 s29, v13;
	v19 =	vadd.s32 v10, v14  }
0x230: {  	v25 =	vor.u32 s29, v16;
	v11 =	vadd.s32 s24, v0;
	s24 =	sor.u32 $0x6, s24;
	v19 =	vadd.s32 v2, v19  }
0x231: {  	v26 =	vor.u32 s29, v17;
	v18 =	vadd.s32 s24, v0;
	v11 =	vand.u32 $0xF, v11  }
0x232: {  	v23 =	vor.u32 s29, v15;
	v18 =	vand.u32 $0xF, v18;
	v17 =	vor.u32 s29, v11  }
0x233: {  	v27 =	vor.u32 s29, v18;
	v11 =	vadd.s32 v10, v20;
	v12 =	vadd.s32 v10, v22  }
0x234: {  	v13 =	vadd.s32 v10, v23;
	v21 =	vadd.s32 v10, v25;
	v14 =	vshll.u32 v14, $0x7  }
0x235: {  	v24 =	vadd.s32 v10, v27;
	v30 =	vadd.s32 v10, v17;
	v29 =	vor.u32 v3, v14;
	v28 =	vld.idx.msk [tilespmem:v19+s12+$0x0], $0xffff  }
0x236: {  	v23 =	vshll.u32 v23, $0x7;
	v17 =	vshll.u32 v17, $0x7;
	v18 =	vadd.s32 v2, v11  }
0x237: {  	v16 =	vadd.s32 v2, v12;
	v15 =	vadd.s32 v2, v13;
	v14 =	vadd.s32 v2, v21  }
0x238: {  	v11 =	vadd.s32 v2, v30;
	v21 =	vshll.u32 v20, $0x7;
	v13 =	vadd.s32 v2, v24  }
0x239: {  	v24 =	vshll.u32 v22, $0x7;
	v22 =	vshll.u32 v26, $0x7;
	v19 =	vadd.s32 v10, v26  }
0x23a: {  	v20 =	vshll.u32 v27, $0x7;
	v12 =	vadd.s32 v2, v19;
	v19 =	vshll.u32 v25, $0x7;
	[tilespmem:v29+s19+$0x0] =	vst.idx.msk $0xffff, v28  }
.LBB2_8:
0x23b: {  	s23 =	sadd.s32 $0x8, s23;
	v18 =	vld.idx.msk [tilespmem:v18+s12+$0x0], $0xffff;
	v21 =	vor.u32 v3, v21;
	v24 =	vor.u32 v3, v24;
	v23 =	vor.u32 v3, v23  }
0x23c: {  	v19 =	vor.u32 v3, v19;
	v22 =	vor.u32 v3, v22;
	v20 =	vor.u32 v3, v20;
	s24 =	sand.u32 $0x8, s23;
	p0 =	slt.u32 s23, $0x38;
	v16 =	vld.idx.msk [tilespmem:v16+s12+$0x0], $0xffff  }
0x23d: {  	v17 =	vor.u32 v3, v17;
	v25 =	vadd.s32 s24, v0;
	s25 =	sor.u32 $0x1, s24;
	s26 =	sor.u32 $0x2, s24;
	s28 =	sor.u32 $0x7, s24;
	v15 =	vld.idx.msk [tilespmem:v15+s12+$0x0], $0xffff  }
0x23e: {  	s29 =	sor.u32 $0x5, s24;
	v26 =	vadd.s32 s25, v0;
	v27 =	vadd.s32 s26, v0;
	s25 =	sor.u32 $0x3, s24;
	s26 =	sor.u32 $0x4, s24;
	v28 =	vadd.s32 s28, v0;
	v14 =	vld.idx.msk [tilespmem:v14+s12+$0x0], $0xffff  }
0x23f: {  	s28 =	sand.u32 $0x30, s23;
	s24 =	sor.u32 $0x6, s24;
	v29 =	vadd.s32 s25, v0;
	v30 =	vadd.s32 s26, v0;
	v28 =	vand.u32 $0xF, v28;
	v12 =	vld.idx.msk [tilespmem:v12+s12+$0x0], $0xffff  }
0x240: {  	v31 =	vadd.s32 s29, v0;
	v32 =	vadd.s32 s24, v0;
	v28 =	vor.u32 s28, v28;
	v13 =	vld.idx.msk [tilespmem:v13+s12+$0x0], $0xffff  }
0x241: {  	v26 =	vand.u32 $0xF, v26;
	v27 =	vand.u32 $0xF, v27;
	v33 =	vadd.s32 v10, v28;
	v34 =	vld.idx.msk [tilespmem:v11+s12+$0x0], $0xffff;
	[tilespmem:v21+s19+$0x0] =	vst.idx.msk $0xffff, v18  }
0x242: {  	v11 =	vand.u32 $0xF, v29;
	v18 =	vand.u32 $0xF, v30;
	v21 =	vadd.s32 v2, v33;
	[tilespmem:v24+s19+$0x0] =	vst.idx.msk $0xffff, v16  }
0x243: {  	v16 =	vand.u32 $0xF, v25;
	v24 =	vand.u32 $0xF, v31;
	v25 =	vand.u32 $0xF, v32;
	[tilespmem:v23+s19+$0x0] =	vst.idx.msk $0xffff, v15  }
0x244: {  	v23 =	vor.u32 s28, v26;
	v26 =	vor.u32 s28, v27;
	v27 =	vor.u32 s28, v11;
	[tilespmem:v19+s19+$0x0] =	vst.idx.msk $0xffff, v14  }
0x245: {  	v29 =	vor.u32 s28, v24;
	v25 =	vor.u32 s28, v25;
	v19 =	vor.u32 s28, v18;
	[tilespmem:v22+s19+$0x0] =	vst.idx.msk $0xffff, v12  }
0x246: {  	v11 =	vadd.s32 v10, v23;
	v22 =	vor.u32 s28, v16;
	v12 =	vadd.s32 v10, v26;
	[tilespmem:v20+s19+$0x0] =	vst.idx.msk $0xffff, v13  }
0x247: {  	v15 =	vshll.u32 v28, $0x7;
	v14 =	vadd.s32 v10, v19;
	v13 =	vadd.s32 v10, v27;
	v30 =	vld.idx.msk [tilespmem:v21+s12+$0x0], $0xffff  }
0x248: {  	v24 =	vadd.s32 v10, v25;
	v28 =	vor.u32 v3, v15;
	v20 =	vadd.s32 v10, v29  }
.Ltmp16:
0x249: {  	v18 =	vadd.s32 v2, v11;
	v16 =	vadd.s32 v2, v12;
	v21 =	vadd.s32 v10, v22;
	(pc) =	sbr.rel @p0 .LBB2_8-.Ltmp16, $4  }
0x24a: {  	v14 =	vadd.s32 v2, v14;
	v15 =	vadd.s32 v2, v13;
	v12 =	vadd.s32 v2, v20  }
0x24b: {  	v13 =	vadd.s32 v2, v24;
	v11 =	vadd.s32 v2, v21;
	v21 =	vshll.u32 v23, $0x7;
	[tilespmem:v17+s19+$0x0] =	vst.idx.msk $0xffff, v34  }
0x24c: {  	v19 =	vshll.u32 v19, $0x7;
	v24 =	vshll.u32 v26, $0x7;
	v23 =	vshll.u32 v27, $0x7  }
0x24d: {  	v20 =	vshll.u32 v25, $0x7;
	v17 =	vshll.u32 v22, $0x7;
	v22 =	vshll.u32 v29, $0x7;
	[tilespmem:v28+s19+$0x0] =	vst.idx.msk $0xffff, v30  }
0x24e: {  	_ =	sdelay $0x3  }
0x24f: {  	v10 =	vld.idx.msk [tilespmem:v18+s12+$0x0], $0xffff;
	v18 =	vor.u32 v3, v21  }
0x250: {  	v21 =	vor.u32 v3, v24;
	v16 =	vld.idx.msk [tilespmem:v16+s12+$0x0], $0xffff  }
0x251: {  	v23 =	vor.u32 v3, v23;
	v15 =	vld.idx.msk [tilespmem:v15+s12+$0x0], $0xffff  }
0x252: {  	v19 =	vor.u32 v3, v19;
	v14 =	vld.idx.msk [tilespmem:v14+s12+$0x0], $0xffff  }
0x253: {  	v22 =	vor.u32 v3, v22;
	v12 =	vld.idx.msk [tilespmem:v12+s12+$0x0], $0xffff  }
0x254: {  	v20 =	vor.u32 v3, v20;
	v13 =	vld.idx.msk [tilespmem:v13+s12+$0x0], $0xffff;
	[tilespmem:v18+s19+$0x0] =	vst.idx.msk $0xffff, v10  }
0x255: {  	v11 =	vld.idx.msk [tilespmem:v11+s12+$0x0], $0xffff;
	v10 =	vor.u32 v3, v17;
	[tilespmem:v21+s19+$0x0] =	vst.idx.msk $0xffff, v16  }
0x256: {  	[tilespmem:v23+s19+$0x0] =	vst.idx.msk $0xffff, v15  }
0x257: {  	[tilespmem:v19+s19+$0x0] =	vst.idx.msk $0xffff, v14  }
0x258: {  	s23 =	simm.s32 $0x0;
	[tilespmem:v22+s19+$0x0] =	vst.idx.msk $0xffff, v12  }
0x259: {  	s24 =	sand.u32 $0x8, s23;
	[tilespmem:v20+s19+$0x0] =	vst.idx.msk $0xffff, v13  }
0x25a: {  	s25 =	sor.u32 $0x1, s24;
	[tilespmem:v10+s19+$0x0] =	vst.idx.msk $0xffff, v11  }
0x25b: {  	s26 =	sor.u32 $0x2, s24;
	s28 =	sor.u32 $0x7, s24;
	s30 =	sor.u32 $0x4, s24;
	v12 =	vadd.s32 s25, v0;
	v10 =	vld [tilespmem:s22+$0x6420]  }
0x25c: {  	s31 =	sor.u32 $0x5, s24;
	v13 =	vadd.s32 s26, v0;
	s26 =	sor.u32 $0x3, s24;
	v14 =	vadd.s32 s28, v0;
	v16 =	vadd.s32 s30, v0  }
0x25d: {  	v17 =	vadd.s32 s31, v0;
	v15 =	vadd.s32 s26, v0;
	v14 =	vand.u32 $0xF, v14  }
0x25e: {  	s29 =	sand.u32 $0x30, s23;
	v12 =	vand.u32 $0xF, v12;
	v13 =	vand.u32 $0xF, v13;
	v16 =	vand.u32 $0xF, v16  }
0x25f: {  	v17 =	vand.u32 $0xF, v17;
	v14 =	vor.u32 s29, v14;
	v15 =	vand.u32 $0xF, v15  }
0x260: {  	v20 =	vor.u32 s29, v12;
	v22 =	vor.u32 s29, v13;
	v19 =	vadd.s32 v10, v14  }
0x261: {  	v25 =	vor.u32 s29, v16;
	v11 =	vadd.s32 s24, v0;
	s24 =	sor.u32 $0x6, s24;
	v19 =	vadd.s32 v4, v19  }
0x262: {  	v26 =	vor.u32 s29, v17;
	v18 =	vadd.s32 s24, v0;
	v11 =	vand.u32 $0xF, v11  }
0x263: {  	v23 =	vor.u32 s29, v15;
	v18 =	vand.u32 $0xF, v18;
	v17 =	vor.u32 s29, v11  }
0x264: {  	v27 =	vor.u32 s29, v18;
	v11 =	vadd.s32 v10, v20;
	v12 =	vadd.s32 v10, v22  }
0x265: {  	v13 =	vadd.s32 v10, v23;
	v21 =	vadd.s32 v10, v25;
	v14 =	vshll.u32 v14, $0x7  }
0x266: {  	v24 =	vadd.s32 v10, v27;
	v30 =	vadd.s32 v10, v17;
	v29 =	vor.u32 v5, v14;
	v28 =	vld.idx.msk [tilespmem:v19+s12+$0x0], $0xffff  }
0x267: {  	v23 =	vshll.u32 v23, $0x7;
	v17 =	vshll.u32 v17, $0x7;
	v18 =	vadd.s32 v4, v11  }
0x268: {  	v16 =	vadd.s32 v4, v12;
	v15 =	vadd.s32 v4, v13;
	v14 =	vadd.s32 v4, v21  }
0x269: {  	v11 =	vadd.s32 v4, v30;
	v21 =	vshll.u32 v20, $0x7;
	v13 =	vadd.s32 v4, v24  }
0x26a: {  	v24 =	vshll.u32 v22, $0x7;
	v22 =	vshll.u32 v26, $0x7;
	v19 =	vadd.s32 v10, v26  }
0x26b: {  	v20 =	vshll.u32 v27, $0x7;
	v12 =	vadd.s32 v4, v19;
	v19 =	vshll.u32 v25, $0x7;
	[tilespmem:v29+s19+$0x0] =	vst.idx.msk $0xffff, v28  }
.LBB2_10:
0x26c: {  	s23 =	sadd.s32 $0x8, s23;
	v18 =	vld.idx.msk [tilespmem:v18+s12+$0x0], $0xffff;
	v21 =	vor.u32 v5, v21;
	v24 =	vor.u32 v5, v24;
	v23 =	vor.u32 v5, v23  }
0x26d: {  	v19 =	vor.u32 v5, v19;
	v22 =	vor.u32 v5, v22;
	v20 =	vor.u32 v5, v20;
	s24 =	sand.u32 $0x8, s23;
	p0 =	slt.u32 s23, $0x38;
	v16 =	vld.idx.msk [tilespmem:v16+s12+$0x0], $0xffff  }
0x26e: {  	v17 =	vor.u32 v5, v17;
	v25 =	vadd.s32 s24, v0;
	s25 =	sor.u32 $0x1, s24;
	s26 =	sor.u32 $0x2, s24;
	s28 =	sor.u32 $0x7, s24;
	v15 =	vld.idx.msk [tilespmem:v15+s12+$0x0], $0xffff  }
0x26f: {  	s29 =	sor.u32 $0x5, s24;
	v26 =	vadd.s32 s25, v0;
	v27 =	vadd.s32 s26, v0;
	s25 =	sor.u32 $0x3, s24;
	s26 =	sor.u32 $0x4, s24;
	v28 =	vadd.s32 s28, v0;
	v14 =	vld.idx.msk [tilespmem:v14+s12+$0x0], $0xffff  }
0x270: {  	s28 =	sand.u32 $0x30, s23;
	s24 =	sor.u32 $0x6, s24;
	v29 =	vadd.s32 s25, v0;
	v30 =	vadd.s32 s26, v0;
	v28 =	vand.u32 $0xF, v28;
	v12 =	vld.idx.msk [tilespmem:v12+s12+$0x0], $0xffff  }
0x271: {  	v31 =	vadd.s32 s29, v0;
	v32 =	vadd.s32 s24, v0;
	v28 =	vor.u32 s28, v28;
	v13 =	vld.idx.msk [tilespmem:v13+s12+$0x0], $0xffff  }
0x272: {  	v26 =	vand.u32 $0xF, v26;
	v27 =	vand.u32 $0xF, v27;
	v33 =	vadd.s32 v10, v28;
	v34 =	vld.idx.msk [tilespmem:v11+s12+$0x0], $0xffff;
	[tilespmem:v21+s19+$0x0] =	vst.idx.msk $0xffff, v18  }
0x273: {  	v11 =	vand.u32 $0xF, v29;
	v18 =	vand.u32 $0xF, v30;
	v21 =	vadd.s32 v4, v33;
	[tilespmem:v24+s19+$0x0] =	vst.idx.msk $0xffff, v16  }
0x274: {  	v16 =	vand.u32 $0xF, v25;
	v24 =	vand.u32 $0xF, v31;
	v25 =	vand.u32 $0xF, v32;
	[tilespmem:v23+s19+$0x0] =	vst.idx.msk $0xffff, v15  }
0x275: {  	v23 =	vor.u32 s28, v26;
	v26 =	vor.u32 s28, v27;
	v27 =	vor.u32 s28, v11;
	[tilespmem:v19+s19+$0x0] =	vst.idx.msk $0xffff, v14  }
0x276: {  	v29 =	vor.u32 s28, v24;
	v25 =	vor.u32 s28, v25;
	v19 =	vor.u32 s28, v18;
	[tilespmem:v22+s19+$0x0] =	vst.idx.msk $0xffff, v12  }
0x277: {  	v11 =	vadd.s32 v10, v23;
	v22 =	vor.u32 s28, v16;
	v12 =	vadd.s32 v10, v26;
	[tilespmem:v20+s19+$0x0] =	vst.idx.msk $0xffff, v13  }
0x278: {  	v15 =	vshll.u32 v28, $0x7;
	v14 =	vadd.s32 v10, v19;
	v13 =	vadd.s32 v10, v27;
	v30 =	vld.idx.msk [tilespmem:v21+s12+$0x0], $0xffff  }
0x279: {  	v24 =	vadd.s32 v10, v25;
	v28 =	vor.u32 v5, v15;
	v20 =	vadd.s32 v10, v29  }
.Ltmp17:
0x27a: {  	v18 =	vadd.s32 v4, v11;
	v16 =	vadd.s32 v4, v12;
	v21 =	vadd.s32 v10, v22;
	(pc) =	sbr.rel @p0 .LBB2_10-.Ltmp17, $4  }
0x27b: {  	v14 =	vadd.s32 v4, v14;
	v15 =	vadd.s32 v4, v13;
	v12 =	vadd.s32 v4, v20  }
0x27c: {  	v13 =	vadd.s32 v4, v24;
	v11 =	vadd.s32 v4, v21;
	v21 =	vshll.u32 v23, $0x7;
	[tilespmem:v17+s19+$0x0] =	vst.idx.msk $0xffff, v34  }
0x27d: {  	v19 =	vshll.u32 v19, $0x7;
	v24 =	vshll.u32 v26, $0x7;
	v23 =	vshll.u32 v27, $0x7  }
0x27e: {  	v20 =	vshll.u32 v25, $0x7;
	v17 =	vshll.u32 v22, $0x7;
	v22 =	vshll.u32 v29, $0x7;
	[tilespmem:v28+s19+$0x0] =	vst.idx.msk $0xffff, v30  }
0x27f: {  	_ =	sdelay $0x3  }
0x280: {  	v10 =	vld.idx.msk [tilespmem:v18+s12+$0x0], $0xffff;
	v18 =	vor.u32 v5, v21  }
0x281: {  	v21 =	vor.u32 v5, v24;
	v16 =	vld.idx.msk [tilespmem:v16+s12+$0x0], $0xffff  }
0x282: {  	v23 =	vor.u32 v5, v23;
	v15 =	vld.idx.msk [tilespmem:v15+s12+$0x0], $0xffff  }
0x283: {  	v19 =	vor.u32 v5, v19;
	v14 =	vld.idx.msk [tilespmem:v14+s12+$0x0], $0xffff  }
0x284: {  	v22 =	vor.u32 v5, v22;
	v12 =	vld.idx.msk [tilespmem:v12+s12+$0x0], $0xffff  }
0x285: {  	v20 =	vor.u32 v5, v20;
	v13 =	vld.idx.msk [tilespmem:v13+s12+$0x0], $0xffff;
	[tilespmem:v18+s19+$0x0] =	vst.idx.msk $0xffff, v10  }
0x286: {  	v11 =	vld.idx.msk [tilespmem:v11+s12+$0x0], $0xffff;
	v10 =	vor.u32 v5, v17;
	[tilespmem:v21+s19+$0x0] =	vst.idx.msk $0xffff, v16  }
0x287: {  	[tilespmem:v23+s19+$0x0] =	vst.idx.msk $0xffff, v15  }
0x288: {  	[tilespmem:v19+s19+$0x0] =	vst.idx.msk $0xffff, v14  }
0x289: {  	s23 =	simm.s32 $0x0;
	[tilespmem:v22+s19+$0x0] =	vst.idx.msk $0xffff, v12  }
0x28a: {  	s24 =	sand.u32 $0x8, s23;
	[tilespmem:v20+s19+$0x0] =	vst.idx.msk $0xffff, v13  }
0x28b: {  	s25 =	sor.u32 $0x1, s24;
	[tilespmem:v10+s19+$0x0] =	vst.idx.msk $0xffff, v11  }
0x28c: {  	s26 =	sor.u32 $0x2, s24;
	s28 =	sor.u32 $0x7, s24;
	s30 =	sor.u32 $0x4, s24;
	v12 =	vadd.s32 s25, v0;
	v10 =	vld [tilespmem:s22+$0x6430]  }
0x28d: {  	s31 =	sor.u32 $0x5, s24;
	v13 =	vadd.s32 s26, v0;
	s26 =	sor.u32 $0x3, s24;
	v14 =	vadd.s32 s28, v0;
	v16 =	vadd.s32 s30, v0  }
0x28e: {  	v17 =	vadd.s32 s31, v0;
	v15 =	vadd.s32 s26, v0;
	v14 =	vand.u32 $0xF, v14  }
0x28f: {  	s29 =	sand.u32 $0x30, s23;
	v12 =	vand.u32 $0xF, v12;
	v13 =	vand.u32 $0xF, v13;
	v16 =	vand.u32 $0xF, v16  }
0x290: {  	v17 =	vand.u32 $0xF, v17;
	v14 =	vor.u32 s29, v14;
	v15 =	vand.u32 $0xF, v15  }
0x291: {  	v20 =	vor.u32 s29, v12;
	v22 =	vor.u32 s29, v13;
	v19 =	vadd.s32 v10, v14  }
0x292: {  	v25 =	vor.u32 s29, v16;
	v11 =	vadd.s32 s24, v0;
	s24 =	sor.u32 $0x6, s24;
	v19 =	vadd.s32 v6, v19  }
0x293: {  	v26 =	vor.u32 s29, v17;
	v18 =	vadd.s32 s24, v0;
	v11 =	vand.u32 $0xF, v11  }
0x294: {  	v23 =	vor.u32 s29, v15;
	v18 =	vand.u32 $0xF, v18;
	v17 =	vor.u32 s29, v11  }
0x295: {  	v27 =	vor.u32 s29, v18;
	v11 =	vadd.s32 v10, v20;
	v12 =	vadd.s32 v10, v22  }
0x296: {  	v13 =	vadd.s32 v10, v23;
	v21 =	vadd.s32 v10, v25;
	v14 =	vshll.u32 v14, $0x7  }
0x297: {  	v24 =	vadd.s32 v10, v27;
	v30 =	vadd.s32 v10, v17;
	v29 =	vor.u32 v7, v14;
	v28 =	vld.idx.msk [tilespmem:v19+s12+$0x0], $0xffff  }
0x298: {  	v23 =	vshll.u32 v23, $0x7;
	v17 =	vshll.u32 v17, $0x7;
	v18 =	vadd.s32 v6, v11  }
0x299: {  	v16 =	vadd.s32 v6, v12;
	v15 =	vadd.s32 v6, v13;
	v14 =	vadd.s32 v6, v21  }
0x29a: {  	v11 =	vadd.s32 v6, v30;
	v21 =	vshll.u32 v20, $0x7;
	v13 =	vadd.s32 v6, v24  }
0x29b: {  	v24 =	vshll.u32 v22, $0x7;
	v22 =	vshll.u32 v26, $0x7;
	v19 =	vadd.s32 v10, v26  }
0x29c: {  	v20 =	vshll.u32 v27, $0x7;
	v12 =	vadd.s32 v6, v19;
	v19 =	vshll.u32 v25, $0x7;
	[tilespmem:v29+s19+$0x0] =	vst.idx.msk $0xffff, v28  }
.LBB2_12:
0x29d: {  	s23 =	sadd.s32 $0x8, s23;
	v18 =	vld.idx.msk [tilespmem:v18+s12+$0x0], $0xffff;
	v21 =	vor.u32 v7, v21;
	v24 =	vor.u32 v7, v24;
	v23 =	vor.u32 v7, v23  }
0x29e: {  	v19 =	vor.u32 v7, v19;
	v22 =	vor.u32 v7, v22;
	v20 =	vor.u32 v7, v20;
	s24 =	sand.u32 $0x8, s23;
	p0 =	slt.u32 s23, $0x38;
	v16 =	vld.idx.msk [tilespmem:v16+s12+$0x0], $0xffff  }
0x29f: {  	v17 =	vor.u32 v7, v17;
	v25 =	vadd.s32 s24, v0;
	s25 =	sor.u32 $0x1, s24;
	s26 =	sor.u32 $0x2, s24;
	s28 =	sor.u32 $0x7, s24;
	v15 =	vld.idx.msk [tilespmem:v15+s12+$0x0], $0xffff  }
0x2a0: {  	s29 =	sor.u32 $0x5, s24;
	v26 =	vadd.s32 s25, v0;
	v27 =	vadd.s32 s26, v0;
	s25 =	sor.u32 $0x3, s24;
	s26 =	sor.u32 $0x4, s24;
	v28 =	vadd.s32 s28, v0;
	v14 =	vld.idx.msk [tilespmem:v14+s12+$0x0], $0xffff  }
0x2a1: {  	s28 =	sand.u32 $0x30, s23;
	s24 =	sor.u32 $0x6, s24;
	v29 =	vadd.s32 s25, v0;
	v30 =	vadd.s32 s26, v0;
	v28 =	vand.u32 $0xF, v28;
	v12 =	vld.idx.msk [tilespmem:v12+s12+$0x0], $0xffff  }
0x2a2: {  	v31 =	vadd.s32 s29, v0;
	v32 =	vadd.s32 s24, v0;
	v28 =	vor.u32 s28, v28;
	v13 =	vld.idx.msk [tilespmem:v13+s12+$0x0], $0xffff  }
0x2a3: {  	v26 =	vand.u32 $0xF, v26;
	v27 =	vand.u32 $0xF, v27;
	v33 =	vadd.s32 v10, v28;
	v34 =	vld.idx.msk [tilespmem:v11+s12+$0x0], $0xffff;
	[tilespmem:v21+s19+$0x0] =	vst.idx.msk $0xffff, v18  }
0x2a4: {  	v11 =	vand.u32 $0xF, v29;
	v18 =	vand.u32 $0xF, v30;
	v21 =	vadd.s32 v6, v33;
	[tilespmem:v24+s19+$0x0] =	vst.idx.msk $0xffff, v16  }
0x2a5: {  	v16 =	vand.u32 $0xF, v25;
	v24 =	vand.u32 $0xF, v31;
	v25 =	vand.u32 $0xF, v32;
	[tilespmem:v23+s19+$0x0] =	vst.idx.msk $0xffff, v15  }
0x2a6: {  	v23 =	vor.u32 s28, v26;
	v26 =	vor.u32 s28, v27;
	v27 =	vor.u32 s28, v11;
	[tilespmem:v19+s19+$0x0] =	vst.idx.msk $0xffff, v14  }
0x2a7: {  	v29 =	vor.u32 s28, v24;
	v25 =	vor.u32 s28, v25;
	v19 =	vor.u32 s28, v18;
	[tilespmem:v22+s19+$0x0] =	vst.idx.msk $0xffff, v12  }
0x2a8: {  	v11 =	vadd.s32 v10, v23;
	v22 =	vor.u32 s28, v16;
	v12 =	vadd.s32 v10, v26;
	[tilespmem:v20+s19+$0x0] =	vst.idx.msk $0xffff, v13  }
0x2a9: {  	v15 =	vshll.u32 v28, $0x7;
	v14 =	vadd.s32 v10, v19;
	v13 =	vadd.s32 v10, v27;
	v30 =	vld.idx.msk [tilespmem:v21+s12+$0x0], $0xffff  }
0x2aa: {  	v24 =	vadd.s32 v10, v25;
	v28 =	vor.u32 v7, v15;
	v20 =	vadd.s32 v10, v29  }
.Ltmp18:
0x2ab: {  	v18 =	vadd.s32 v6, v11;
	v16 =	vadd.s32 v6, v12;
	v21 =	vadd.s32 v10, v22;
	(pc) =	sbr.rel @p0 .LBB2_12-.Ltmp18, $4  }
0x2ac: {  	v14 =	vadd.s32 v6, v14;
	v15 =	vadd.s32 v6, v13;
	v12 =	vadd.s32 v6, v20  }
0x2ad: {  	v13 =	vadd.s32 v6, v24;
	v11 =	vadd.s32 v6, v21;
	v21 =	vshll.u32 v23, $0x7;
	[tilespmem:v17+s19+$0x0] =	vst.idx.msk $0xffff, v34  }
0x2ae: {  	v19 =	vshll.u32 v19, $0x7;
	v24 =	vshll.u32 v26, $0x7;
	v23 =	vshll.u32 v27, $0x7  }
0x2af: {  	v20 =	vshll.u32 v25, $0x7;
	v17 =	vshll.u32 v22, $0x7;
	v22 =	vshll.u32 v29, $0x7;
	[tilespmem:v28+s19+$0x0] =	vst.idx.msk $0xffff, v30  }
0x2b0: {  	_ =	sdelay $0x3  }
0x2b1: {  	v10 =	vld.idx.msk [tilespmem:v18+s12+$0x0], $0xffff;
	v18 =	vor.u32 v7, v21  }
0x2b2: {  	v21 =	vor.u32 v7, v24;
	v16 =	vld.idx.msk [tilespmem:v16+s12+$0x0], $0xffff  }
0x2b3: {  	v23 =	vor.u32 v7, v23;
	v15 =	vld.idx.msk [tilespmem:v15+s12+$0x0], $0xffff  }
0x2b4: {  	v19 =	vor.u32 v7, v19;
	v14 =	vld.idx.msk [tilespmem:v14+s12+$0x0], $0xffff  }
0x2b5: {  	v22 =	vor.u32 v7, v22;
	v12 =	vld.idx.msk [tilespmem:v12+s12+$0x0], $0xffff  }
0x2b6: {  	v20 =	vor.u32 v7, v20;
	v13 =	vld.idx.msk [tilespmem:v13+s12+$0x0], $0xffff;
	[tilespmem:v18+s19+$0x0] =	vst.idx.msk $0xffff, v10  }
0x2b7: {  	v11 =	vld.idx.msk [tilespmem:v11+s12+$0x0], $0xffff;
	v10 =	vor.u32 v7, v17;
	[tilespmem:v21+s19+$0x0] =	vst.idx.msk $0xffff, v16  }
0x2b8: {  	[tilespmem:v23+s19+$0x0] =	vst.idx.msk $0xffff, v15  }
0x2b9: {  	[tilespmem:v19+s19+$0x0] =	vst.idx.msk $0xffff, v14  }
0x2ba: {  	s23 =	simm.s32 $0x0;
	[tilespmem:v22+s19+$0x0] =	vst.idx.msk $0xffff, v12  }
0x2bb: {  	s24 =	sand.u32 $0x8, s23;
	[tilespmem:v20+s19+$0x0] =	vst.idx.msk $0xffff, v13  }
0x2bc: {  	s25 =	sor.u32 $0x1, s24;
	[tilespmem:v10+s19+$0x0] =	vst.idx.msk $0xffff, v11  }
0x2bd: {  	s26 =	sor.u32 $0x2, s24;
	s28 =	sor.u32 $0x7, s24;
	s30 =	sor.u32 $0x4, s24;
	v12 =	vadd.s32 s25, v0;
	v10 =	vld [tilespmem:s22+$0x6440]  }
0x2be: {  	s31 =	sor.u32 $0x5, s24;
	v13 =	vadd.s32 s26, v0;
	s26 =	sor.u32 $0x3, s24;
	v14 =	vadd.s32 s28, v0;
	v16 =	vadd.s32 s30, v0  }
0x2bf: {  	v17 =	vadd.s32 s31, v0;
	v15 =	vadd.s32 s26, v0;
	v14 =	vand.u32 $0xF, v14  }
0x2c0: {  	s29 =	sand.u32 $0x30, s23;
	v12 =	vand.u32 $0xF, v12;
	v13 =	vand.u32 $0xF, v13;
	v16 =	vand.u32 $0xF, v16  }
0x2c1: {  	v17 =	vand.u32 $0xF, v17;
	v14 =	vor.u32 s29, v14;
	v15 =	vand.u32 $0xF, v15  }
0x2c2: {  	v20 =	vor.u32 s29, v12;
	v22 =	vor.u32 s29, v13;
	v19 =	vadd.s32 v10, v14  }
0x2c3: {  	v25 =	vor.u32 s29, v16;
	v11 =	vadd.s32 s24, v0;
	s24 =	sor.u32 $0x6, s24;
	v19 =	vadd.s32 v8, v19  }
0x2c4: {  	v26 =	vor.u32 s29, v17;
	v18 =	vadd.s32 s24, v0;
	v11 =	vand.u32 $0xF, v11  }
0x2c5: {  	v23 =	vor.u32 s29, v15;
	v18 =	vand.u32 $0xF, v18;
	v17 =	vor.u32 s29, v11  }
0x2c6: {  	v27 =	vor.u32 s29, v18;
	v11 =	vadd.s32 v10, v20;
	v12 =	vadd.s32 v10, v22  }
0x2c7: {  	v13 =	vadd.s32 v10, v23;
	v21 =	vadd.s32 v10, v25;
	v14 =	vshll.u32 v14, $0x7  }
0x2c8: {  	v24 =	vadd.s32 v10, v27;
	v30 =	vadd.s32 v10, v17;
	v29 =	vor.u32 v9, v14;
	v28 =	vld.idx.msk [tilespmem:v19+s12+$0x0], $0xffff  }
0x2c9: {  	v23 =	vshll.u32 v23, $0x7;
	v17 =	vshll.u32 v17, $0x7;
	v18 =	vadd.s32 v8, v11  }
0x2ca: {  	v16 =	vadd.s32 v8, v12;
	v15 =	vadd.s32 v8, v13;
	v14 =	vadd.s32 v8, v21  }
0x2cb: {  	v11 =	vadd.s32 v8, v30;
	v21 =	vshll.u32 v20, $0x7;
	v13 =	vadd.s32 v8, v24  }
0x2cc: {  	v24 =	vshll.u32 v22, $0x7;
	v22 =	vshll.u32 v26, $0x7;
	v19 =	vadd.s32 v10, v26  }
0x2cd: {  	v20 =	vshll.u32 v27, $0x7;
	v12 =	vadd.s32 v8, v19;
	v19 =	vshll.u32 v25, $0x7;
	[tilespmem:v29+s19+$0x0] =	vst.idx.msk $0xffff, v28  }
.LBB2_14:
0x2ce: {  	s23 =	sadd.s32 $0x8, s23;
	v18 =	vld.idx.msk [tilespmem:v18+s12+$0x0], $0xffff;
	v21 =	vor.u32 v9, v21;
	v24 =	vor.u32 v9, v24;
	v23 =	vor.u32 v9, v23  }
0x2cf: {  	v19 =	vor.u32 v9, v19;
	v22 =	vor.u32 v9, v22;
	v20 =	vor.u32 v9, v20;
	s24 =	sand.u32 $0x8, s23;
	p0 =	slt.u32 s23, $0x38;
	v16 =	vld.idx.msk [tilespmem:v16+s12+$0x0], $0xffff  }
0x2d0: {  	v17 =	vor.u32 v9, v17;
	v25 =	vadd.s32 s24, v0;
	s25 =	sor.u32 $0x1, s24;
	s26 =	sor.u32 $0x2, s24;
	s28 =	sor.u32 $0x7, s24;
	v15 =	vld.idx.msk [tilespmem:v15+s12+$0x0], $0xffff  }
0x2d1: {  	s29 =	sor.u32 $0x5, s24;
	v26 =	vadd.s32 s25, v0;
	v27 =	vadd.s32 s26, v0;
	s25 =	sor.u32 $0x3, s24;
	s26 =	sor.u32 $0x4, s24;
	v28 =	vadd.s32 s28, v0;
	v14 =	vld.idx.msk [tilespmem:v14+s12+$0x0], $0xffff  }
0x2d2: {  	s28 =	sand.u32 $0x30, s23;
	s24 =	sor.u32 $0x6, s24;
	v29 =	vadd.s32 s25, v0;
	v30 =	vadd.s32 s26, v0;
	v28 =	vand.u32 $0xF, v28;
	v12 =	vld.idx.msk [tilespmem:v12+s12+$0x0], $0xffff  }
0x2d3: {  	v31 =	vadd.s32 s29, v0;
	v32 =	vadd.s32 s24, v0;
	v28 =	vor.u32 s28, v28;
	v13 =	vld.idx.msk [tilespmem:v13+s12+$0x0], $0xffff  }
0x2d4: {  	v26 =	vand.u32 $0xF, v26;
	v27 =	vand.u32 $0xF, v27;
	v33 =	vadd.s32 v10, v28;
	v34 =	vld.idx.msk [tilespmem:v11+s12+$0x0], $0xffff;
	[tilespmem:v21+s19+$0x0] =	vst.idx.msk $0xffff, v18  }
0x2d5: {  	v11 =	vand.u32 $0xF, v29;
	v18 =	vand.u32 $0xF, v30;
	v21 =	vadd.s32 v8, v33;
	[tilespmem:v24+s19+$0x0] =	vst.idx.msk $0xffff, v16  }
0x2d6: {  	v16 =	vand.u32 $0xF, v25;
	v24 =	vand.u32 $0xF, v31;
	v25 =	vand.u32 $0xF, v32;
	[tilespmem:v23+s19+$0x0] =	vst.idx.msk $0xffff, v15  }
0x2d7: {  	v23 =	vor.u32 s28, v26;
	v26 =	vor.u32 s28, v27;
	v27 =	vor.u32 s28, v11;
	[tilespmem:v19+s19+$0x0] =	vst.idx.msk $0xffff, v14  }
0x2d8: {  	v29 =	vor.u32 s28, v24;
	v25 =	vor.u32 s28, v25;
	v19 =	vor.u32 s28, v18;
	[tilespmem:v22+s19+$0x0] =	vst.idx.msk $0xffff, v12  }
0x2d9: {  	v11 =	vadd.s32 v10, v23;
	v22 =	vor.u32 s28, v16;
	v12 =	vadd.s32 v10, v26;
	[tilespmem:v20+s19+$0x0] =	vst.idx.msk $0xffff, v13  }
0x2da: {  	v15 =	vshll.u32 v28, $0x7;
	v14 =	vadd.s32 v10, v19;
	v13 =	vadd.s32 v10, v27;
	v30 =	vld.idx.msk [tilespmem:v21+s12+$0x0], $0xffff  }
0x2db: {  	v24 =	vadd.s32 v10, v25;
	v28 =	vor.u32 v9, v15;
	v20 =	vadd.s32 v10, v29  }
.Ltmp19:
0x2dc: {  	v18 =	vadd.s32 v8, v11;
	v16 =	vadd.s32 v8, v12;
	v21 =	vadd.s32 v10, v22;
	(pc) =	sbr.rel @p0 .LBB2_14-.Ltmp19, $4  }
0x2dd: {  	v14 =	vadd.s32 v8, v14;
	v15 =	vadd.s32 v8, v13;
	v12 =	vadd.s32 v8, v20  }
0x2de: {  	v13 =	vadd.s32 v8, v24;
	v11 =	vadd.s32 v8, v21;
	v21 =	vshll.u32 v23, $0x7;
	[tilespmem:v17+s19+$0x0] =	vst.idx.msk $0xffff, v34  }
0x2df: {  	v19 =	vshll.u32 v19, $0x7;
	v24 =	vshll.u32 v26, $0x7;
	v23 =	vshll.u32 v27, $0x7  }
0x2e0: {  	v20 =	vshll.u32 v25, $0x7;
	v17 =	vshll.u32 v22, $0x7;
	v22 =	vshll.u32 v29, $0x7;
	[tilespmem:v28+s19+$0x0] =	vst.idx.msk $0xffff, v30  }
0x2e1: {  	_ =	sdelay $0x3  }
0x2e2: {  	v10 =	vld.idx.msk [tilespmem:v18+s12+$0x0], $0xffff;
	v18 =	vor.u32 v9, v21  }
0x2e3: {  	v21 =	vor.u32 v9, v24;
	v16 =	vld.idx.msk [tilespmem:v16+s12+$0x0], $0xffff  }
0x2e4: {  	v23 =	vor.u32 v9, v23;
	v15 =	vld.idx.msk [tilespmem:v15+s12+$0x0], $0xffff  }
0x2e5: {  	v19 =	vor.u32 v9, v19;
	v14 =	vld.idx.msk [tilespmem:v14+s12+$0x0], $0xffff  }
0x2e6: {  	v22 =	vor.u32 v9, v22;
	v12 =	vld.idx.msk [tilespmem:v12+s12+$0x0], $0xffff  }
0x2e7: {  	v20 =	vor.u32 v9, v20;
	v13 =	vld.idx.msk [tilespmem:v13+s12+$0x0], $0xffff;
	[tilespmem:v18+s19+$0x0] =	vst.idx.msk $0xffff, v10  }
0x2e8: {  	v11 =	vld.idx.msk [tilespmem:v11+s12+$0x0], $0xffff;
	v10 =	vor.u32 v9, v17;
	[tilespmem:v21+s19+$0x0] =	vst.idx.msk $0xffff, v16  }
0x2e9: {  	[tilespmem:v23+s19+$0x0] =	vst.idx.msk $0xffff, v15  }
0x2ea: {  	s23 =	simm.s32 $0x0;
	[tilespmem:v19+s19+$0x0] =	vst.idx.msk $0xffff, v14  }
0x2eb: {  	s24 =	sand.u32 $0x8, s23;
	[tilespmem:v22+s19+$0x0] =	vst.idx.msk $0xffff, v12  }
0x2ec: {  	s25 =	sor.u32 $0x1, s24;
	[tilespmem:v20+s19+$0x0] =	vst.idx.msk $0xffff, v13  }
0x2ed: {  	s26 =	sor.u32 $0x2, s24;
	s28 =	sor.u32 $0x7, s24;
	s30 =	sor.u32 $0x4, s24;
	v12 =	vadd.s32 s24, v0;
	[tilespmem:v10+s19+$0x0] =	vst.idx.msk $0xffff, v11  }
0x2ee: {  	s31 =	sor.u32 $0x5, s24;
	v13 =	vadd.s32 s25, v0;
	v14 =	vadd.s32 s26, v0;
	s26 =	sor.u32 $0x3, s24;
	v16 =	vadd.s32 s30, v0;
	s24 =	sor.u32 $0x6, s24;
	v10 =	vld [tilespmem:s22+$0x6450]  }
0x2ef: {  	v17 =	vadd.s32 s31, v0;
	v15 =	vadd.s32 s26, v0;
	v18 =	vadd.s32 s24, v0  }
0x2f0: {  	v13 =	vand.u32 $0xF, v13;
	v14 =	vand.u32 $0xF, v14;
	v11 =	vadd.s32 s28, v0  }
0x2f1: {  	s29 =	sand.u32 $0x30, s23;
	v16 =	vand.u32 $0xF, v16;
	v17 =	vand.u32 $0xF, v17;
	v11 =	vand.u32 $0xF, v11  }
0x2f2: {  	v12 =	vand.u32 $0xF, v12;
	v15 =	vand.u32 $0xF, v15;
	v19 =	vor.u32 s29, v11  }
0x2f3: {  	v18 =	vand.u32 $0xF, v18;
	v11 =	vor.u32 $0x2800, v1;
	v20 =	vadd.s32 v10, v19  }
0x2f4: {  	v21 =	vor.u32 s29, v13;
	v22 =	vor.u32 s29, v14;
	v20 =	vadd.s32 v11, v20  }
0x2f5: {  	v24 =	vor.u32 s29, v16;
	v17 =	vor.u32 s29, v17;
	v27 =	vor.u32 s29, v12  }
0x2f6: {  	v12 =	vor.u32 $0x50, v0;
	v23 =	vor.u32 s29, v15;
	v15 =	vshll.u32 v19, $0x7  }
0x2f7: {  	v28 =	vor.u32 s29, v18;
	v63 =	vshll.u32 v21, $0x7;
	v29 =	vor.u32 v12, v15  }
0x2f8: {  	v13 =	vadd.s32 v10, v21;
	v14 =	vadd.s32 v10, v22;
	v16 =	vadd.s32 v10, v23  }
0x2f9: {  	v25 =	vadd.s32 v10, v24;
	v26 =	vadd.s32 v10, v27;
	v15 =	vadd.s32 v10, v17;
	v30 =	vld.idx.msk [tilespmem:v20+s12+$0x0], $0xffff  }
0x2fa: {  	v31 =	vadd.s32 v10, v28;
	v21 =	vshll.u32 v17, $0x7;
	v20 =	vadd.s32 v11, v13  }
0x2fb: {  	v17 =	vor.u32 v12, v63;
	v19 =	vadd.s32 v11, v14;
	v18 =	vadd.s32 v11, v16  }
0x2fc: {  	v16 =	vadd.s32 v11, v25;
	v15 =	vadd.s32 v11, v15;
	v14 =	vadd.s32 v11, v31  }
0x2fd: {  	v25 =	vshll.u32 v22, $0x7;
	v22 =	vshll.u32 v27, $0x7;
	v13 =	vadd.s32 v11, v26  }
0x2fe: {  	v26 =	vshll.u32 v23, $0x7;
	v23 =	vshll.u32 v24, $0x7;
	v24 =	vshll.u32 v28, $0x7;
	[tilespmem:v29+s19+$0x0] =	vst.idx.msk $0xffff, v30  }
.LBB2_16:
0x2ff: {  	s23 =	sadd.s32 $0x8, s23;
	v20 =	vld.idx.msk [tilespmem:v20+s12+$0x0], $0xffff;
	v25 =	vor.u32 v12, v25;
	v26 =	vor.u32 v12, v26;
	v23 =	vor.u32 v12, v23  }
0x300: {  	v22 =	vor.u32 v12, v22;
	v21 =	vor.u32 v12, v21;
	v24 =	vor.u32 v12, v24;
	s24 =	sand.u32 $0x8, s23;
	p0 =	slt.u32 s23, $0x38;
	v19 =	vld.idx.msk [tilespmem:v19+s12+$0x0], $0xffff  }
0x301: {  	v27 =	vadd.s32 s24, v0;
	s25 =	sor.u32 $0x1, s24;
	s26 =	sor.u32 $0x2, s24;
	s28 =	sor.u32 $0x7, s24;
	v18 =	vld.idx.msk [tilespmem:v18+s12+$0x0], $0xffff  }
0x302: {  	s29 =	sor.u32 $0x5, s24;
	v28 =	vadd.s32 s25, v0;
	v29 =	vadd.s32 s26, v0;
	s25 =	sor.u32 $0x3, s24;
	s26 =	sor.u32 $0x4, s24;
	v30 =	vadd.s32 s28, v0;
	v16 =	vld.idx.msk [tilespmem:v16+s12+$0x0], $0xffff  }
0x303: {  	s28 =	sand.u32 $0x30, s23;
	s24 =	sor.u32 $0x6, s24;
	v31 =	vadd.s32 s25, v0;
	v32 =	vadd.s32 s26, v0;
	v30 =	vand.u32 $0xF, v30;
	v15 =	vld.idx.msk [tilespmem:v15+s12+$0x0], $0xffff  }
0x304: {  	v33 =	vadd.s32 s29, v0;
	v34 =	vadd.s32 s24, v0;
	v30 =	vor.u32 s28, v30;
	v14 =	vld.idx.msk [tilespmem:v14+s12+$0x0], $0xffff  }
0x305: {  	v28 =	vand.u32 $0xF, v28;
	v35 =	vadd.s32 v10, v30;
	v13 =	vld.idx.msk [tilespmem:v13+s12+$0x0], $0xffff;
	[tilespmem:v17+s19+$0x0] =	vst.idx.msk $0xffff, v20  }
0x306: {  	v17 =	vand.u32 $0xF, v29;
	v20 =	vand.u32 $0xF, v31;
	v29 =	vadd.s32 v11, v35;
	[tilespmem:v25+s19+$0x0] =	vst.idx.msk $0xffff, v19  }
0x307: {  	v31 =	vand.u32 $0xF, v34;
	v19 =	vand.u32 $0xF, v32;
	v25 =	vand.u32 $0xF, v33;
	[tilespmem:v26+s19+$0x0] =	vst.idx.msk $0xffff, v18  }
0x308: {  	v17 =	vor.u32 s28, v17;
	v18 =	vand.u32 $0xF, v27;
	v26 =	vor.u32 s28, v28;
	[tilespmem:v23+s19+$0x0] =	vst.idx.msk $0xffff, v16  }
0x309: {  	v27 =	vor.u32 s28, v19;
	v28 =	vor.u32 s28, v25;
	v23 =	vor.u32 s28, v20;
	[tilespmem:v21+s19+$0x0] =	vst.idx.msk $0xffff, v15  }
0x30a: {  	v31 =	vor.u32 s28, v31;
	v32 =	vor.u32 s28, v18;
	v15 =	vadd.s32 v10, v26;
	[tilespmem:v24+s19+$0x0] =	vst.idx.msk $0xffff, v14  }
0x30b: {  	v16 =	vshll.u32 v30, $0x7;
	v14 =	vadd.s32 v10, v17;
	v24 =	vld.idx.msk [tilespmem:v29+s12+$0x0], $0xffff;
	[tilespmem:v22+s19+$0x0] =	vst.idx.msk $0xffff, v13  }
0x30c: {  	v21 =	vadd.s32 v10, v27;
	v13 =	vadd.s32 v10, v23;
	v22 =	vor.u32 v12, v16  }
0x30d: {  	v30 =	vadd.s32 v10, v31;
	v25 =	vadd.s32 v10, v32;
	v29 =	vadd.s32 v10, v28  }
.Ltmp20:
0x30e: {  	v20 =	vadd.s32 v11, v15;
	v19 =	vadd.s32 v11, v14;
	v18 =	vadd.s32 v11, v13;
	(pc) =	sbr.rel @p0 .LBB2_16-.Ltmp20, $4  }
0x30f: {  	v16 =	vadd.s32 v11, v21;
	v14 =	vadd.s32 v11, v30;
	v15 =	vadd.s32 v11, v29  }
0x310: {  	v13 =	vadd.s32 v11, v25;
	v29 =	vshll.u32 v26, $0x7;
	v25 =	vshll.u32 v17, $0x7  }
0x311: {  	v21 =	vshll.u32 v28, $0x7;
	v26 =	vshll.u32 v23, $0x7;
	v23 =	vshll.u32 v27, $0x7;
	[tilespmem:v22+s19+$0x0] =	vst.idx.msk $0xffff, v24  }
0x312: {  	v17 =	vor.u32 v12, v29;
	v22 =	vshll.u32 v32, $0x7;
	v24 =	vshll.u32 v31, $0x7  }
0x313: {  	_ =	sdelay $0x3  }
0x314: {  	v10 =	vld.idx.msk [tilespmem:v20+s12+$0x0], $0xffff  }
0x315: {  	v11 =	vor.u32 v12, v25;
	v19 =	vld.idx.msk [tilespmem:v19+s12+$0x0], $0xffff  }
0x316: {  	v20 =	vor.u32 v12, v26;
	v18 =	vld.idx.msk [tilespmem:v18+s12+$0x0], $0xffff  }
0x317: {  	v23 =	vor.u32 v12, v23;
	v16 =	vld.idx.msk [tilespmem:v16+s12+$0x0], $0xffff  }
0x318: {  	v21 =	vor.u32 v12, v21;
	v15 =	vld.idx.msk [tilespmem:v15+s12+$0x0], $0xffff  }
0x319: {  	v24 =	vor.u32 v12, v24;
	v14 =	vld.idx.msk [tilespmem:v14+s12+$0x0], $0xffff;
	[tilespmem:v17+s19+$0x0] =	vst.idx.msk $0xffff, v10  }
0x31a: {  	v10 =	vor.u32 v12, v22;
	v12 =	vld.idx.msk [tilespmem:v13+s12+$0x0], $0xffff;
	[tilespmem:v11+s19+$0x0] =	vst.idx.msk $0xffff, v19  }
0x31b: {  	[tilespmem:v20+s19+$0x0] =	vst.idx.msk $0xffff, v18  }
0x31c: {  	s23 =	simm.s32 $0x0;
	[tilespmem:v23+s19+$0x0] =	vst.idx.msk $0xffff, v16  }
0x31d: {  	s24 =	sand.u32 $0x8, s23;
	[tilespmem:v21+s19+$0x0] =	vst.idx.msk $0xffff, v15  }
0x31e: {  	s25 =	sor.u32 $0x1, s24;
	[tilespmem:v24+s19+$0x0] =	vst.idx.msk $0xffff, v14  }
0x31f: {  	s26 =	sor.u32 $0x2, s24;
	s28 =	sor.u32 $0x7, s24;
	s30 =	sor.u32 $0x4, s24;
	v13 =	vadd.s32 s25, v0;
	[tilespmem:v10+s19+$0x0] =	vst.idx.msk $0xffff, v12  }
0x320: {  	s31 =	sor.u32 $0x5, s24;
	v14 =	vadd.s32 s26, v0;
	s26 =	sor.u32 $0x3, s24;
	v11 =	vadd.s32 s28, v0;
	v16 =	vadd.s32 s30, v0;
	v10 =	vld [tilespmem:s22+$0x6460]  }
0x321: {  	v17 =	vadd.s32 s31, v0;
	v15 =	vadd.s32 s26, v0;
	v11 =	vand.u32 $0xF, v11  }
0x322: {  	s29 =	sand.u32 $0x30, s23;
	v13 =	vand.u32 $0xF, v13;
	v14 =	vand.u32 $0xF, v14;
	v16 =	vand.u32 $0xF, v16  }
0x323: {  	v17 =	vand.u32 $0xF, v17;
	v19 =	vor.u32 s29, v11;
	v11 =	vor.u32 $0x3000, v1  }
0x324: {  	v15 =	vand.u32 $0xF, v15;
	v21 =	vor.u32 s29, v13;
	v22 =	vor.u32 s29, v14  }
0x325: {  	v24 =	vor.u32 s29, v16;
	v17 =	vor.u32 s29, v17;
	v20 =	vadd.s32 v10, v19  }
0x326: {  	v23 =	vor.u32 s29, v15;
	v12 =	vadd.s32 s24, v0;
	s24 =	sor.u32 $0x6, s24;
	v20 =	vadd.s32 v11, v20  }
0x327: {  	v15 =	vshll.u32 v19, $0x7;
	v18 =	vadd.s32 s24, v0;
	v12 =	vand.u32 $0xF, v12  }
0x328: {  	v18 =	vand.u32 $0xF, v18;
	v27 =	vor.u32 s29, v12;
	v12 =	vor.u32 $0x60, v0  }
0x329: {  	v63 =	vshll.u32 v21, $0x7;
	v28 =	vor.u32 s29, v18;
	v29 =	vor.u32 v12, v15  }
0x32a: {  	v13 =	vadd.s32 v10, v21;
	v14 =	vadd.s32 v10, v22;
	v16 =	vadd.s32 v10, v23  }
0x32b: {  	v25 =	vadd.s32 v10, v24;
	v26 =	vadd.s32 v10, v27;
	v15 =	vadd.s32 v10, v17;
	v30 =	vld.idx.msk [tilespmem:v20+s12+$0x0], $0xffff  }
0x32c: {  	v31 =	vadd.s32 v10, v28;
	v21 =	vshll.u32 v17, $0x7;
	v20 =	vadd.s32 v11, v13  }
0x32d: {  	v17 =	vor.u32 v12, v63;
	v19 =	vadd.s32 v11, v14;
	v18 =	vadd.s32 v11, v16  }
0x32e: {  	v16 =	vadd.s32 v11, v25;
	v15 =	vadd.s32 v11, v15;
	v14 =	vadd.s32 v11, v31  }
0x32f: {  	v25 =	vshll.u32 v22, $0x7;
	v22 =	vshll.u32 v27, $0x7;
	v13 =	vadd.s32 v11, v26  }
0x330: {  	v26 =	vshll.u32 v23, $0x7;
	v23 =	vshll.u32 v24, $0x7;
	v24 =	vshll.u32 v28, $0x7;
	[tilespmem:v29+s19+$0x0] =	vst.idx.msk $0xffff, v30  }
.LBB2_18:
0x331: {  	s23 =	sadd.s32 $0x8, s23;
	v20 =	vld.idx.msk [tilespmem:v20+s12+$0x0], $0xffff;
	v25 =	vor.u32 v12, v25;
	v26 =	vor.u32 v12, v26;
	v23 =	vor.u32 v12, v23  }
0x332: {  	v22 =	vor.u32 v12, v22;
	v21 =	vor.u32 v12, v21;
	v24 =	vor.u32 v12, v24;
	s24 =	sand.u32 $0x8, s23;
	p0 =	slt.u32 s23, $0x38;
	v19 =	vld.idx.msk [tilespmem:v19+s12+$0x0], $0xffff  }
0x333: {  	v27 =	vadd.s32 s24, v0;
	s25 =	sor.u32 $0x1, s24;
	s26 =	sor.u32 $0x2, s24;
	s28 =	sor.u32 $0x7, s24;
	v18 =	vld.idx.msk [tilespmem:v18+s12+$0x0], $0xffff  }
0x334: {  	s29 =	sor.u32 $0x5, s24;
	v28 =	vadd.s32 s25, v0;
	v29 =	vadd.s32 s26, v0;
	s25 =	sor.u32 $0x3, s24;
	s26 =	sor.u32 $0x4, s24;
	v30 =	vadd.s32 s28, v0;
	v16 =	vld.idx.msk [tilespmem:v16+s12+$0x0], $0xffff  }
0x335: {  	s28 =	sand.u32 $0x30, s23;
	s24 =	sor.u32 $0x6, s24;
	v31 =	vadd.s32 s25, v0;
	v32 =	vadd.s32 s26, v0;
	v30 =	vand.u32 $0xF, v30;
	v15 =	vld.idx.msk [tilespmem:v15+s12+$0x0], $0xffff  }
0x336: {  	v33 =	vadd.s32 s29, v0;
	v34 =	vadd.s32 s24, v0;
	v30 =	vor.u32 s28, v30;
	v14 =	vld.idx.msk [tilespmem:v14+s12+$0x0], $0xffff  }
0x337: {  	v28 =	vand.u32 $0xF, v28;
	v35 =	vadd.s32 v10, v30;
	v13 =	vld.idx.msk [tilespmem:v13+s12+$0x0], $0xffff;
	[tilespmem:v17+s19+$0x0] =	vst.idx.msk $0xffff, v20  }
0x338: {  	v17 =	vand.u32 $0xF, v29;
	v20 =	vand.u32 $0xF, v31;
	v29 =	vadd.s32 v11, v35;
	[tilespmem:v25+s19+$0x0] =	vst.idx.msk $0xffff, v19  }
0x339: {  	v31 =	vand.u32 $0xF, v34;
	v19 =	vand.u32 $0xF, v32;
	v25 =	vand.u32 $0xF, v33;
	[tilespmem:v26+s19+$0x0] =	vst.idx.msk $0xffff, v18  }
0x33a: {  	v17 =	vor.u32 s28, v17;
	v18 =	vand.u32 $0xF, v27;
	v26 =	vor.u32 s28, v28;
	[tilespmem:v23+s19+$0x0] =	vst.idx.msk $0xffff, v16  }
0x33b: {  	v27 =	vor.u32 s28, v19;
	v28 =	vor.u32 s28, v25;
	v23 =	vor.u32 s28, v20;
	[tilespmem:v21+s19+$0x0] =	vst.idx.msk $0xffff, v15  }
0x33c: {  	v31 =	vor.u32 s28, v31;
	v32 =	vor.u32 s28, v18;
	v15 =	vadd.s32 v10, v26;
	[tilespmem:v24+s19+$0x0] =	vst.idx.msk $0xffff, v14  }
0x33d: {  	v16 =	vshll.u32 v30, $0x7;
	v14 =	vadd.s32 v10, v17;
	v24 =	vld.idx.msk [tilespmem:v29+s12+$0x0], $0xffff;
	[tilespmem:v22+s19+$0x0] =	vst.idx.msk $0xffff, v13  }
0x33e: {  	v21 =	vadd.s32 v10, v27;
	v13 =	vadd.s32 v10, v23;
	v22 =	vor.u32 v12, v16  }
0x33f: {  	v30 =	vadd.s32 v10, v31;
	v25 =	vadd.s32 v10, v32;
	v29 =	vadd.s32 v10, v28  }
.Ltmp21:
0x340: {  	v20 =	vadd.s32 v11, v15;
	v19 =	vadd.s32 v11, v14;
	v18 =	vadd.s32 v11, v13;
	(pc) =	sbr.rel @p0 .LBB2_18-.Ltmp21, $4  }
0x341: {  	v16 =	vadd.s32 v11, v21;
	v14 =	vadd.s32 v11, v30;
	v15 =	vadd.s32 v11, v29  }
0x342: {  	v13 =	vadd.s32 v11, v25;
	v29 =	vshll.u32 v26, $0x7;
	v25 =	vshll.u32 v17, $0x7  }
0x343: {  	v21 =	vshll.u32 v28, $0x7;
	v26 =	vshll.u32 v23, $0x7;
	v23 =	vshll.u32 v27, $0x7;
	[tilespmem:v22+s19+$0x0] =	vst.idx.msk $0xffff, v24  }
0x344: {  	v17 =	vor.u32 v12, v29;
	v22 =	vshll.u32 v32, $0x7;
	v24 =	vshll.u32 v31, $0x7  }
0x345: {  	_ =	sdelay $0x3  }
0x346: {  	v10 =	vld.idx.msk [tilespmem:v20+s12+$0x0], $0xffff  }
0x347: {  	v11 =	vor.u32 v12, v25;
	v19 =	vld.idx.msk [tilespmem:v19+s12+$0x0], $0xffff  }
0x348: {  	v20 =	vor.u32 v12, v26;
	v18 =	vld.idx.msk [tilespmem:v18+s12+$0x0], $0xffff  }
0x349: {  	v23 =	vor.u32 v12, v23;
	v16 =	vld.idx.msk [tilespmem:v16+s12+$0x0], $0xffff  }
0x34a: {  	v21 =	vor.u32 v12, v21;
	v15 =	vld.idx.msk [tilespmem:v15+s12+$0x0], $0xffff  }
0x34b: {  	v24 =	vor.u32 v12, v24;
	v14 =	vld.idx.msk [tilespmem:v14+s12+$0x0], $0xffff;
	[tilespmem:v17+s19+$0x0] =	vst.idx.msk $0xffff, v10  }
0x34c: {  	v10 =	vor.u32 v12, v22;
	v12 =	vld.idx.msk [tilespmem:v13+s12+$0x0], $0xffff;
	[tilespmem:v11+s19+$0x0] =	vst.idx.msk $0xffff, v19  }
0x34d: {  	[tilespmem:v20+s19+$0x0] =	vst.idx.msk $0xffff, v18  }
0x34e: {  	[tilespmem:v23+s19+$0x0] =	vst.idx.msk $0xffff, v16  }
0x34f: {  	[tilespmem:v21+s19+$0x0] =	vst.idx.msk $0xffff, v15  }
0x350: {  	[tilespmem:v24+s19+$0x0] =	vst.idx.msk $0xffff, v14  }
0x351: {  	s23 =	simm.s32 $0x0;
	[tilespmem:v10+s19+$0x0] =	vst.idx.msk $0xffff, v12  }
0x352: {  	v10 =	vld [tilespmem:s22+$0x6470];
	s22 =	sand.u32 $0x8, s23  }
0x353: {  	v12 =	vadd.s32 s22, v0;
	s24 =	sor.u32 $0x1, s22;
	s25 =	sor.u32 $0x2, s22;
	s26 =	sor.u32 $0x7, s22  }
0x354: {  	s29 =	sor.u32 $0x3, s22;
	s30 =	sor.u32 $0x4, s22;
	s31 =	sor.u32 $0x5, s22;
	v13 =	vadd.s32 s24, v0;
	v14 =	vadd.s32 s25, v0;
	v11 =	vadd.s32 s26, v0  }
0x355: {  	s22 =	sor.u32 $0x6, s22;
	v15 =	vadd.s32 s29, v0;
	v16 =	vadd.s32 s30, v0;
	v17 =	vadd.s32 s31, v0  }
0x356: {  	v18 =	vadd.s32 s22, v0;
	v12 =	vand.u32 $0xF, v12;
	v11 =	vand.u32 $0xF, v11  }
0x357: {  	s28 =	sand.u32 $0x30, s23;
	v13 =	vand.u32 $0xF, v13;
	v14 =	vand.u32 $0xF, v14;
	v15 =	vand.u32 $0xF, v15  }
0x358: {  	v16 =	vand.u32 $0xF, v16;
	v17 =	vand.u32 $0xF, v17;
	v19 =	vor.u32 s28, v11  }
0x359: {  	v18 =	vand.u32 $0xF, v18;
	v11 =	vor.u32 $0x3800, v1;
	v20 =	vadd.s32 v10, v19  }
0x35a: {  	v27 =	vor.u32 s28, v12;
	v12 =	vor.u32 $0x70, v0;
	v20 =	vadd.s32 v11, v20  }
0x35b: {  	v21 =	vor.u32 s28, v13;
	v22 =	vor.u32 s28, v14;
	v23 =	vor.u32 s28, v15  }
0x35c: {  	v24 =	vor.u32 s28, v16;
	v17 =	vor.u32 s28, v17;
	v28 =	vor.u32 s28, v18  }
0x35d: {  	v13 =	vadd.s32 v10, v21;
	v14 =	vadd.s32 v10, v22;
	v15 =	vshll.u32 v19, $0x7  }
0x35e: {  	v16 =	vadd.s32 v10, v23;
	v25 =	vadd.s32 v10, v24;
	v26 =	vadd.s32 v10, v27  }
0x35f: {  	v31 =	vadd.s32 v10, v28;
	v63 =	vshll.u32 v21, $0x7;
	v29 =	vor.u32 v12, v15;
	v30 =	vld.idx.msk [tilespmem:v20+s12+$0x0], $0xffff  }
0x360: {  	v21 =	vshll.u32 v17, $0x7;
	v15 =	vadd.s32 v10, v17;
	v20 =	vadd.s32 v11, v13  }
0x361: {  	v19 =	vadd.s32 v11, v14;
	v18 =	vadd.s32 v11, v16;
	v16 =	vadd.s32 v11, v25  }
0x362: {  	v14 =	vadd.s32 v11, v31;
	v25 =	vshll.u32 v22, $0x7;
	v22 =	vshll.u32 v27, $0x7  }
0x363: {  	v17 =	vor.u32 v12, v63;
	v15 =	vadd.s32 v11, v15;
	v13 =	vadd.s32 v11, v26  }
0x364: {  	v26 =	vshll.u32 v23, $0x7;
	v23 =	vshll.u32 v24, $0x7;
	v24 =	vshll.u32 v28, $0x7;
	[tilespmem:v29+s19+$0x0] =	vst.idx.msk $0xffff, v30  }
.LBB2_20:
0x365: {  	s23 =	sadd.s32 $0x8, s23;
	v20 =	vld.idx.msk [tilespmem:v20+s12+$0x0], $0xffff;
	v25 =	vor.u32 v12, v25;
	v26 =	vor.u32 v12, v26;
	v23 =	vor.u32 v12, v23  }
0x366: {  	v22 =	vor.u32 v12, v22;
	v21 =	vor.u32 v12, v21;
	v24 =	vor.u32 v12, v24;
	s22 =	sand.u32 $0x8, s23;
	p0 =	slt.u32 s23, $0x38;
	v19 =	vld.idx.msk [tilespmem:v19+s12+$0x0], $0xffff  }
0x367: {  	v27 =	vadd.s32 s22, v0;
	s24 =	sor.u32 $0x1, s22;
	s25 =	sor.u32 $0x2, s22;
	s26 =	sor.u32 $0x7, s22;
	v18 =	vld.idx.msk [tilespmem:v18+s12+$0x0], $0xffff  }
0x368: {  	s28 =	sor.u32 $0x5, s22;
	v28 =	vadd.s32 s24, v0;
	v29 =	vadd.s32 s25, v0;
	s24 =	sor.u32 $0x3, s22;
	s25 =	sor.u32 $0x4, s22;
	v30 =	vadd.s32 s26, v0;
	v16 =	vld.idx.msk [tilespmem:v16+s12+$0x0], $0xffff  }
0x369: {  	s26 =	sand.u32 $0x30, s23;
	s22 =	sor.u32 $0x6, s22;
	v31 =	vadd.s32 s24, v0;
	v32 =	vadd.s32 s25, v0;
	v30 =	vand.u32 $0xF, v30;
	v15 =	vld.idx.msk [tilespmem:v15+s12+$0x0], $0xffff  }
0x36a: {  	v33 =	vadd.s32 s28, v0;
	v34 =	vadd.s32 s22, v0;
	v30 =	vor.u32 s26, v30;
	v14 =	vld.idx.msk [tilespmem:v14+s12+$0x0], $0xffff  }
0x36b: {  	v28 =	vand.u32 $0xF, v28;
	v35 =	vadd.s32 v10, v30;
	v13 =	vld.idx.msk [tilespmem:v13+s12+$0x0], $0xffff;
	[tilespmem:v17+s19+$0x0] =	vst.idx.msk $0xffff, v20  }
0x36c: {  	v17 =	vand.u32 $0xF, v29;
	v20 =	vand.u32 $0xF, v31;
	v29 =	vadd.s32 v11, v35;
	[tilespmem:v25+s19+$0x0] =	vst.idx.msk $0xffff, v19  }
0x36d: {  	v31 =	vand.u32 $0xF, v34;
	v19 =	vand.u32 $0xF, v32;
	v25 =	vand.u32 $0xF, v33;
	[tilespmem:v26+s19+$0x0] =	vst.idx.msk $0xffff, v18  }
0x36e: {  	v17 =	vor.u32 s26, v17;
	v18 =	vand.u32 $0xF, v27;
	v26 =	vor.u32 s26, v28;
	[tilespmem:v23+s19+$0x0] =	vst.idx.msk $0xffff, v16  }
0x36f: {  	v27 =	vor.u32 s26, v19;
	v28 =	vor.u32 s26, v25;
	v23 =	vor.u32 s26, v20;
	[tilespmem:v21+s19+$0x0] =	vst.idx.msk $0xffff, v15  }
0x370: {  	v31 =	vor.u32 s26, v31;
	v32 =	vor.u32 s26, v18;
	v15 =	vadd.s32 v10, v26;
	[tilespmem:v24+s19+$0x0] =	vst.idx.msk $0xffff, v14  }
0x371: {  	v16 =	vshll.u32 v30, $0x7;
	v14 =	vadd.s32 v10, v17;
	v24 =	vld.idx.msk [tilespmem:v29+s12+$0x0], $0xffff;
	[tilespmem:v22+s19+$0x0] =	vst.idx.msk $0xffff, v13  }
0x372: {  	v21 =	vadd.s32 v10, v27;
	v13 =	vadd.s32 v10, v23;
	v22 =	vor.u32 v12, v16  }
0x373: {  	v30 =	vadd.s32 v10, v31;
	v25 =	vadd.s32 v10, v32;
	v29 =	vadd.s32 v10, v28  }
.Ltmp22:
0x374: {  	v20 =	vadd.s32 v11, v15;
	v19 =	vadd.s32 v11, v14;
	v18 =	vadd.s32 v11, v13;
	(pc) =	sbr.rel @p0 .LBB2_20-.Ltmp22, $4  }
0x375: {  	v16 =	vadd.s32 v11, v21;
	v14 =	vadd.s32 v11, v30;
	v15 =	vadd.s32 v11, v29  }
0x376: {  	v13 =	vadd.s32 v11, v25;
	v29 =	vshll.u32 v26, $0x7;
	v25 =	vshll.u32 v17, $0x7  }
0x377: {  	v21 =	vshll.u32 v28, $0x7;
	v26 =	vshll.u32 v23, $0x7;
	v23 =	vshll.u32 v27, $0x7;
	[tilespmem:v22+s19+$0x0] =	vst.idx.msk $0xffff, v24  }
0x378: {  	v17 =	vor.u32 v12, v29;
	v22 =	vshll.u32 v32, $0x7;
	v24 =	vshll.u32 v31, $0x7  }
.Ltmp23:
0x379: {  	_ = 	snop;
	(pc) =	sbr.rel .LBB2_21-.Ltmp23, $1  }
0x37a: {  	_ =	sdelay $0x3  }
.LBB2_41:
0x37b: {  	_ =	sfence.sel $0x180000  }
0x37c: {  	[bflag:$0x0] =	sbarrier.arrive $0xFFFF  }
0x37d: {  	p0 =	sne.s32 s2, $0x0;
	_ =	strace $0x9000004A  }
0x37e: {  	s0 =	sadd.s32 @!p0 $0x100000, s0;
	[bflag:$0x2] =	sbarrier.arrive $0xFFFF  }
0x37f: {  	[sflag:s0] =	ssyncadd.tile.s32 @!p0 $0x1;
	_ =	shalt  }
.Lfunc_end2:
_tile_overlayer_lowered:
.L_overlay_start_2:
0x380: {  	(tag) =	ssettag $0x2  }
0x381: {  	s0 =	rddreg [dreg:$0x0];
	s2 =	stileid.u32  }
0x382: {  	s1 =	rddreg [dreg:$0x1];
	p0 =	sne.s32 s2, $0x0  }
0x383: {  	s3 =	rddreg [dreg:$0x2];
	[bflag:$0x3] =	sbarrier.arrive $0xFFFF;
	s2 =	simm.s32 @!p0 $0x1C05  }
0x384: {  	[timem:s3], [sflag:s2] =	dma.local @!p0 [hbm:s0], s1  }
0x385: {  	s0 =	simm.s32 @!p0 $0x5  }
0x386: {  	_ =	swait.ge @!p0 [sflag:s0], s1  }
0x387: {  	s1 =	ssub.s32 @!p0 $0x0, s1;
	[sflag:s0] =	ssyncset.done @!p0 $0x0  }
0x388: {  	[sflag:s0] =	ssyncadd.s32 @!p0 s1  }
0x389: {  	[bflag:$0x3] =	sbarrier.arrive $0xFFFF  }
0x38a: {  	_ =	shalt  }

</sc_bundles>
